<compile_context>
chip_gen: v7x
topology: tpu7x:2x2x1
jax: 0.10.2.dev20260603
libtpu: 0.0.44.dev20260713+nightly
codegen_flags: <defaults>
</compile_context>

<pallas_src>
import functools

import jax
import jax.numpy as jnp
from jax import lax
from jax.experimental import pallas as pl
from jax.experimental.pallas import tpu as pltpu
from jax.experimental.pallas import tpu_sc as plsc

NX = 100000
NY = 100000
DX = 32
DY = 32
HIDDEN = 100
HIDDEN_PAD = 128
Q = 1024
AUG = DY + 8
BKL = 8192
NFULL = NY // BKL
TAIL = NY - NFULL * BKL
GRID = NFULL + 1


RING = 8


def _sc_gather(indexes, xt):
    info = plsc.get_sparse_core_info()
    nc, ns = info.num_cores, info.num_subcores
    nw = nc * ns
    b_per_w = Q // nw
    mesh = plsc.VectorSubcoreMesh(core_axis_name="c", subcore_axis_name="s")

    @functools.partial(
        pl.kernel,
        out_type=jax.ShapeDtypeStruct((Q, DX), jnp.float32),
        mesh=mesh,
        scratch_types=[
            pltpu.VMEM((b_per_w,), jnp.int32),
            pltpu.VMEM((RING, DX, 128), jnp.float32),
            pltpu.VMEM((b_per_w, DX), jnp.float32),
            pltpu.SemaphoreType.DMA,
        ],
        compiler_params=pltpu.CompilerParams(use_tc_tiling_on_sc=True,
                                             needs_layout_passes=False),
    )
    def gather_kernel(idx_hbm, xt_hbm, out_hbm, idx_v, ring_v, cols_v, sem):
        wid = lax.axis_index("s") * nc + lax.axis_index("c")
        base = wid * b_per_w
        pltpu.sync_copy(idx_hbm.at[pl.ds(base, b_per_w)], idx_v)
        r0, r1 = lax.iota(jnp.int32, 16), lax.iota(jnp.int32, 16) + 16

        def scal(j):
            chunk = idx_v[pl.ds((j // 16) * 16, 16)]
            msk = lax.iota(jnp.int32, 16) == (j % 16)
            return jnp.sum(jnp.where(msk, chunk, 0))

        def fire(j):
            tc = scal(j) // 128
            off = pl.multiple_of(tc * 128, 128)
            return pltpu.async_copy(
                xt_hbm.at[:, pl.ds(off, 128)], ring_v.at[j % RING], sem)

        handles = [fire(j) for j in range(RING)]
        for j in range(b_per_w):
            handles[j % RING].wait()
            lane = scal(j) % 128
            l16 = jnp.broadcast_to(lane, (16,)).astype(jnp.int32)
            cols_v[j, 0:16] = plsc.load_gather(ring_v.at[j % RING], [r0, l16])
            cols_v[j, 16:32] = plsc.load_gather(ring_v.at[j % RING], [r1, l16])
            if j + RING < b_per_w:
                handles[j % RING] = fire(j + RING)
        pltpu.sync_copy(cols_v, out_hbm.at[pl.ds(base, b_per_w)])

    return gather_kernel(indexes, xt)


def _tc_body(gxt_ref, w1t_ref, b1c_ref, w2t_ref, b2c_ref, idx_ref, yt_ref,
             out_ref, qt_s, ya_s, rowi_s, val_s, ind_s):
    k = pl.program_id(0)

    @pl.when(k == 0)
    def _init():
        h = jnp.dot(w1t_ref[:, :], gxt_ref[:, :],
                    preferred_element_type=jnp.float32) + b1c_ref[:, :]
        h = jnp.maximum(h, 0.0)
        qt_s[0:DY, :] = jnp.dot(w2t_ref[:, :], h,
                                preferred_element_type=jnp.float32) + b2c_ref[:, :]
        rows = lax.broadcasted_iota(jnp.int32, (8, Q), 0)
        qt_s[DY:AUG, :] = jnp.where(rows == 0, 1.0, 0.0)
        rowi_s[:, :] = lax.broadcasted_iota(
            jnp.int32, (1, BKL), 1).astype(jnp.float32)
        val_s[:, :] = jnp.full((1, Q), jnp.inf, dtype=jnp.float32)
        ind_s[:, :] = jnp.zeros((1, Q), dtype=jnp.int32)

    ytb = yt_ref[:, :]
    ya_s[0:DY, :] = ytb * -2.0
    tn = jnp.sum(ytb * ytb, axis=0, keepdims=True)
    ya_s[DY:AUG, :] = jnp.broadcast_to(tn, (8, BKL))
    m = lax.dot_general(ya_s[:, :], qt_s[:, :],
                        (((0,), (0,)), ((), ())),
                        preferred_element_type=jnp.float32)

    def upd(mm):
        bmin = jnp.min(mm, axis=0, keepdims=True)
        maskf = jnp.where(m == bmin, 1.0, 0.0)
        bidx_f = jnp.dot(rowi_s[:, :], maskf,
                         preferred_element_type=jnp.float32)
        better = bmin < val_s[:, :]
        val_s[:, :] = jnp.where(better, bmin, val_s[:, :])
        gidx = bidx_f.astype(jnp.int32) + k * BKL
        ind_s[:, :] = jnp.where(better, gidx, ind_s[:, :])

    @pl.when(k < NFULL)
    def _full():
        upd(m)

    @pl.when(k == NFULL)
    def _tail():
        upd(m[0:TAIL, :])

    @pl.when(k == pl.num_programs(0) - 1)
    def _finish():
        mism = (ind_s[:, :] != idx_ref[:, :]).astype(jnp.float32)
        out_ref[0, 0] = jnp.sum(mism) / Q


def _tc_loss(gxt, w1t, b1c, w2t, b2c, idxrow, yt, interpret=False):
    return pl.pallas_call(
        _tc_body,
        grid=(GRID,),
        in_specs=[
            pl.BlockSpec((DX, Q), lambda k: (0, 0)),
            pl.BlockSpec((HIDDEN_PAD, DX), lambda k: (0, 0)),
            pl.BlockSpec((HIDDEN_PAD, 1), lambda k: (0, 0)),
            pl.BlockSpec((DY, HIDDEN_PAD), lambda k: (0, 0)),
            pl.BlockSpec((DY, 1), lambda k: (0, 0)),
            pl.BlockSpec((1, Q), lambda k: (0, 0)),
            pl.BlockSpec((DY, BKL), lambda k: (0, k)),
        ],
        out_specs=pl.BlockSpec(memory_space=pltpu.SMEM),
        out_shape=jax.ShapeDtypeStruct((1, 1), jnp.float32),
        scratch_shapes=[
            pltpu.VMEM((AUG, Q), jnp.float32),
            pltpu.VMEM((AUG, BKL), jnp.float32),
            pltpu.VMEM((1, BKL), jnp.float32),
            pltpu.VMEM((1, Q), jnp.float32),
            pltpu.VMEM((1, Q), jnp.int32),
        ],
        compiler_params=pltpu.CompilerParams(
            dimension_semantics=("arbitrary",),
            vmem_limit_bytes=128 * 1024 * 1024,
        ),
        interpret=interpret,
    )(gxt, w1t, b1c, w2t, b2c, idxrow, yt)


def kernel(x_weight, y_weight, W1, b1, W2, b2, indexes):
    gx = _sc_gather(indexes, x_weight.T)
    gxt = gx.T
    yt = y_weight.T
    w1t = jnp.zeros((HIDDEN_PAD, DX), jnp.float32).at[:HIDDEN, :].set(W1.T)
    b1c = jnp.zeros((HIDDEN_PAD, 1), jnp.float32).at[:HIDDEN, 0].set(b1)
    w2t = jnp.zeros((DY, HIDDEN_PAD), jnp.float32).at[:, :HIDDEN].set(W2.T)
    b2c = b2.reshape(DY, 1)
    idxrow = indexes.reshape(1, Q)
    out = _tc_loss(gxt, w1t, b1c, w2t, b2c, idxrow, yt)
    return out[0, 0]

# --- scband reference (transcript-rebuilt; emitter-appended) ---
"""Pipeline reference for scband-aligned-glove-layer-55387898249622 (READ-ONLY COPY).

The authoritative reference and input builder live on the scoring server;
editing this copy changes nothing except your own understanding.
"""

import jax, jax.numpy as jnp
import numpy as np

NX = 100000
NY = 100000
DX = 32
DY = 32
HIDDEN = 100
Q = 1024


def setup_inputs(seed: int = 0) -> dict:
    key = jax.random.key(seed)
    ks = jax.random.split(key, 7)
    x_weight = jax.random.normal(ks[0], (NX, DX), dtype=jnp.float32)
    y_weight = jax.random.normal(ks[1], (NY, DY), dtype=jnp.float32)
    W1 = jax.random.normal(ks[2], (DX, HIDDEN), dtype=jnp.float32) * (1.0 / np.sqrt(DX))
    b1 = jax.random.normal(ks[3], (HIDDEN,), dtype=jnp.float32) * 0.01
    W2 = jax.random.normal(ks[4], (HIDDEN, DY), dtype=jnp.float32) * (1.0 / np.sqrt(HIDDEN))
    b2 = jax.random.normal(ks[5], (DY,), dtype=jnp.float32) * 0.01
    indexes = jax.random.randint(ks[6], (Q,), 0, NX, dtype=jnp.int64 if jax.config.jax_enable_x64 else jnp.int32).astype(jnp.int32)
    return {"x_weight": x_weight, "y_weight": y_weight, "W1": W1, "b1": b1, "W2": W2, "b2": b2, "indexes": indexes}


def _mlp(x, W1, b1, W2, b2):
    # MLP(x_embedding_dim, HIDDEN, output_size=y_embedding_dim)
    h = jnp.maximum(x @ W1 + b1, 0.0)
    return h @ W2 + b2


def _mapping_misclassified_1nn(mapped, target, indexes):
    # torch.cdist(mapped[indexes], target) -> top-1 smallest -> mismatch fraction
    q = jnp.take(mapped, indexes, axis=0)                      # gather [Q, d]
    qn = jnp.sum(q * q, axis=1, keepdims=True)                 # [Q, 1]
    tn = jnp.sum(target * target, axis=1)                      # [K]
    d2 = qn + tn[None, :] - 2.0 * (q @ target.T)               # [Q, K]
    dist = jnp.sqrt(jnp.maximum(d2, 0.0))
    neg_vals, nn_inds = jax.lax.top_k(-dist, 1)                # smallest distance
    values = -neg_vals[:, 0]
    nn_inds = nn_inds[:, 0]
    mismatch = nn_inds != indexes
    # torch: included = values[mismatch]; count = included/included; loss = count.sum()/len
    safe = jnp.where(mismatch, values, 1.0)
    count = jnp.where(mismatch, safe / safe, 0.0)
    return jnp.sum(count) / indexes.shape[0]


def reference(x_weight, y_weight, W1, b1, W2, b2, indexes):
    # fx maps the entire x embedding table into y-space, then 1-NN retrieval
    # against the y embedding table for the present indices (alignment loss).
    x_mapped = _mlp(x_weight, W1, b1, W2, b2)
    fx_mismatch = _mapping_misclassified_1nn(x_mapped, y_weight, indexes)
    return fx_mismatch

if __name__ == "__main__":
    import jax
    _d = setup_inputs()
    print(jax.jit(kernel)(*tuple(_d.values())))

</pallas_src>

<mosaic_0001>
#map = affine_map<(d0, d1) -> (0)>
#map1 = affine_map<(d0, d1) -> (0, 0)>
module attributes {stable_mosaic.version = 14 : i64} {
  func.func @gather_kernel(%arg0: i32, %arg1: i32, %arg2: memref<1024xi32, #tpu.memory_space<hbm>>, %arg3: memref<32x100000xf32, #tpu.memory_space<hbm>>, %arg4: memref<1024x32xf32, #tpu.memory_space<hbm>>, %arg5: memref<32xi32, #tpu.memory_space<vmem>>, %arg6: memref<8x32x128xf32, #tpu.memory_space<vmem>>, %arg7: memref<32x32xf32, #tpu.memory_space<vmem>>, %arg8: memref<!tpu.dma_semaphore, #tpu.memory_space<semaphore_mem>>) attributes {dimension_semantics = [#tpu.dimension_semantics<core_parallel>, #tpu.dimension_semantics<subcore_parallel>], iteration_bounds = array<i64: 2, 16>, scalar_prefetch = 0 : i64, scratch_operands = 4 : i64, tpu.core_type = #tpu.core_type<sc_vector_subcore>, window_params = [{transform_indices = #map}, {transform_indices = #map1}, {transform_indices = #map1}]} {
    %mul3A = arith.constant 2 : i32
    %mul3A_0 = arith.muli %arg1, %mul3A : i32
    %add3A = arith.addi %mul3A_0, %arg0 : i32
    %mul3A_1 = arith.constant 32 : i32
    %mul3A_2 = arith.muli %add3A, %mul3A_1 : i32
    "tpu.region"() ({
      %run_scoped3A = tpu.sem_alloc : memref<!tpu.dma_semaphore, #tpu.memory_space<semaphore_mem>>
      %dma_start3A_3701 = tpu.memref_slice %arg2[%mul3A_2] : memref<1024xi32, #tpu.memory_space<hbm>> -> memref<32xi32, #tpu.memory_space<hbm>>
      %dma_start3A_3702 = tpu.memref_slice %arg2[%mul3A_2] : memref<1024xi32, #tpu.memory_space<hbm>> -> memref<32xi32, #tpu.memory_space<hbm>>
      tpu.enqueue_dma source(%dma_start3A_3702 : memref<32xi32, #tpu.memory_space<hbm>>) target(%arg5 : memref<32xi32, #tpu.memory_space<vmem>>) target_semaphore(%run_scoped3A : memref<!tpu.dma_semaphore, #tpu.memory_space<semaphore_mem>>)
      %dma_wait3A_3703 = tpu.memref_slice %arg2[%mul3A_2] : memref<1024xi32, #tpu.memory_space<hbm>> -> memref<32xi32, #tpu.memory_space<hbm>>
      %dma_wait3A_3704 = tpu.memref_slice %arg2[%mul3A_2] : memref<1024xi32, #tpu.memory_space<hbm>> -> memref<32xi32, #tpu.memory_space<hbm>>
      tpu.wait_dma2 semaphore(%run_scoped3A : memref<!tpu.dma_semaphore, #tpu.memory_space<semaphore_mem>>) src(%dma_wait3A_3704 : memref<32xi32, #tpu.memory_space<hbm>>) dst(%arg5 : memref<32xi32, #tpu.memory_space<vmem>>)
      tpu.yield
    }) : () -> ()
    %iota3A = tpu.iota {dimensions = array<i32: 0>} : vector<16xi32>
    %iota3A_3 = tpu.iota {dimensions = array<i32: 0>} : vector<16xi32>
    %add3A_4 = arith.constant 16 : i32
    %add3A_5 = vector.broadcast %add3A_4 : i32 to vector<16xi32>
    %add3A_6 = arith.addi %iota3A_3, %add3A_5 : vector<16xi32>
    %get3A = arith.constant 0 : index
    %get3A_7 = tpu.vector_load %arg5[%get3A] {strides = array<i32>} : memref<32xi32, #tpu.memory_space<vmem>>, vector<16xi32>,
    %iota3A_8 = tpu.iota {dimensions = array<i32: 0>} : vector<16xi32>
    %eq3A = arith.constant 0 : i32
    %eq3A_9 = vector.broadcast %eq3A : i32 to vector<16xi32>
    %eq3A_10 = arith.cmpi eq, %iota3A_8, %eq3A_9 : vector<16xi32>
    %jit3A = arith.constant 0 : i32
    %broadcast_in_dim3A = vector.broadcast %jit3A : i32 to vector<16xi32>
    %select_n3A = arith.select %eq3A_10, %get3A_7, %broadcast_in_dim3A : vector<16xi1>, vector<16xi32>
    %reduce_sum3A = arith.constant true
    %reduce_sum3A_11 = vector.broadcast %reduce_sum3A : i1 to vector<16xi1>
    %reduce_sum3A_12 = tpu.scan <sum>, %select_n3A masked %reduce_sum3A_11 : vector<16xi32>, vector<16xi1> -> vector<16xi32>
    %reduce_sum3A_13 = vector.extract %reduce_sum3A_12[15] : i32 from vector<16xi32>
    %jit3A_14 = arith.constant 128 : i32
    %div3A = arith.divsi %reduce_sum3A_13, %jit3A_14 : i32
    %sign3A = arith.constant 0 : i32
    %sign3A_15 = arith.cmpi sgt, %reduce_sum3A_13, %sign3A : i32
    %sign3A_16 = arith.extui %sign3A_15 : i1 to i32
    %sign3A_17 = arith.constant 0 : i32
    %sign3A_18 = arith.cmpi slt, %reduce_sum3A_13, %sign3A_17 : i32
    %sign3A_19 = arith.extui %sign3A_18 : i1 to i32
    %sign3A_20 = arith.subi %sign3A_16, %sign3A_19 : i32
    %sign3A_21 = arith.constant 0 : i32
    %sign3A_22 = arith.cmpi sgt, %jit3A_14, %sign3A_21 : i32
    %sign3A_23 = arith.extui %sign3A_22 : i1 to i32
    %sign3A_24 = arith.constant 0 : i32
    %sign3A_25 = arith.cmpi slt, %jit3A_14, %sign3A_24 : i32
    %sign3A_26 = arith.extui %sign3A_25 : i1 to i32
    %sign3A_27 = arith.subi %sign3A_23, %sign3A_26 : i32
    %ne3A = arith.cmpi ne, %sign3A_20, %sign3A_27 : i32
    %rem3A = arith.remsi %reduce_sum3A_13, %jit3A_14 : i32
    %ne3A_28 = arith.constant 0 : i32
    %ne3A_29 = arith.cmpi ne, %rem3A, %ne3A_28 : i32
    %and3A = arith.andi %ne3A, %ne3A_29 : i1
    %sub3A = arith.constant 1 : i32
    %sub3A_30 = arith.subi %div3A, %sub3A : i32
    %select_n3A_31 = arith.select %and3A, %sub3A_30, %div3A : i32
    %mul3A_32 = arith.constant 128 : i32
    %mul3A_33 = arith.muli %select_n3A_31, %mul3A_32 : i32
    %multiple_of3A = tpu.assume_multiple %mul3A_33, 128 : i32
    %dma_start3A = arith.constant 0 : i32
    %dma_start3A_34 = arith.constant 0 : i32
    %dma_start3A_35 = arith.constant 0 : i32
    %dma_start3A_36 = tpu.memref_slice %arg6[%dma_start3A, %dma_start3A_34, %dma_start3A_35] : memref<8x32x128xf32, #tpu.memory_space<vmem>> -> memref<1x32x128xf32, #tpu.memory_space<vmem>>
    %dma_start3A_37 = tpu.memref_squeeze %dma_start3A_36 : memref<1x32x128xf32, #tpu.memory_space<vmem>> -> memref<32x128xf32, #tpu.memory_space<vmem>>
    %dma_start3A_38 = arith.constant 0 : i32
    %dma_start3A_39 = tpu.memref_slice %arg3[%dma_start3A_38, %multiple_of3A] : memref<32x100000xf32, #tpu.memory_space<hbm>> -> memref<32x128xf32, #tpu.memory_space<hbm>>
    %dma_start3A_40 = arith.constant 0 : i32
    %dma_start3A_41 = arith.constant 0 : i32
    %dma_start3A_42 = tpu.memref_slice %arg6[%dma_start3A, %dma_start3A_40, %dma_start3A_41] : memref<8x32x128xf32, #tpu.memory_space<vmem>> -> memref<1x32x128xf32, #tpu.memory_space<vmem>>
    %dma_start3A_43 = tpu.memref_squeeze %dma_start3A_42 : memref<1x32x128xf32, #tpu.memory_space<vmem>> -> memref<32x128xf32, #tpu.memory_space<vmem>>
    %dma_start3A_44 = arith.constant 0 : i32
    %dma_start3A_45 = tpu.memref_slice %arg3[%dma_start3A_44, %multiple_of3A] : memref<32x100000xf32, #tpu.memory_space<hbm>> -> memref<32x128xf32, #tpu.memory_space<hbm>>
    tpu.enqueue_dma source(%dma_start3A_45 : memref<32x128xf32, #tpu.memory_space<hbm>>) target(%dma_start3A_43 : memref<32x128xf32, #tpu.memory_space<vmem>>) target_semaphore(%arg8 : memref<!tpu.dma_semaphore, #tpu.memory_space<semaphore_mem>>)
    %get3A_46 = arith.constant 0 : index
    %get3A_47 = tpu.vector_load %arg5[%get3A_46] {strides = array<i32>} : memref<32xi32, #tpu.memory_space<vmem>>, vector<16xi32>,
    %iota3A_48 = tpu.iota {dimensions = array<i32: 0>} : vector<16xi32>
    %eq3A_49 = arith.constant 1 : i32
    %eq3A_50 = vector.broadcast %eq3A_49 : i32 to vector<16xi32>
    %eq3A_51 = arith.cmpi eq, %iota3A_48, %eq3A_50 : vector<16xi32>
    %jit3A_52 = arith.constant 0 : i32
    %broadcast_in_dim3A_53 = vector.broadcast %jit3A_52 : i32 to vector<16xi32>
    %select_n3A_54 = arith.select %eq3A_51, %get3A_47, %broadcast_in_dim3A_53 : vector<16xi1>, vector<16xi32>
    %reduce_sum3A_55 = arith.constant true
    %reduce_sum3A_56 = vector.broadcast %reduce_sum3A_55 : i1 to vector<16xi1>
    %reduce_sum3A_57 = tpu.scan <sum>, %select_n3A_54 masked %reduce_sum3A_56 : vector<16xi32>, vector<16xi1> -> vector<16xi32>
    %reduce_sum3A_58 = vector.extract %reduce_sum3A_57[15] : i32 from vector<16xi32>
    %jit3A_59 = arith.constant 128 : i32
    %div3A_60 = arith.divsi %reduce_sum3A_58, %jit3A_59 : i32
    %sign3A_61 = arith.constant 0 : i32
    %sign3A_62 = arith.cmpi sgt, %reduce_sum3A_58, %sign3A_61 : i32
    %sign3A_63 = arith.extui %sign3A_62 : i1 to i32
    %sign3A_64 = arith.constant 0 : i32
    %sign3A_65 = arith.cmpi slt, %reduce_sum3A_58, %sign3A_64 : i32
    %sign3A_66 = arith.extui %sign3A_65 : i1 to i32
    %sign3A_67 = arith.subi %sign3A_63, %sign3A_66 : i32
    %sign3A_68 = arith.constant 0 : i32
    %sign3A_69 = arith.cmpi sgt, %jit3A_59, %sign3A_68 : i32
    %sign3A_70 = arith.extui %sign3A_69 : i1 to i32
    %sign3A_71 = arith.constant 0 : i32
    %sign3A_72 = arith.cmpi slt, %jit3A_59, %sign3A_71 : i32
    %sign3A_73 = arith.extui %sign3A_72 : i1 to i32
    %sign3A_74 = arith.subi %sign3A_70, %sign3A_73 : i32
    %ne3A_75 = arith.cmpi ne, %sign3A_67, %sign3A_74 : i32
    %rem3A_76 = arith.remsi %reduce_sum3A_58, %jit3A_59 : i32
    %ne3A_77 = arith.constant 0 : i32
    %ne3A_78 = arith.cmpi ne, %rem3A_76, %ne3A_77 : i32
    %and3A_79 = arith.andi %ne3A_75, %ne3A_78 : i1
    %sub3A_80 = arith.constant 1 : i32
    %sub3A_81 = arith.subi %div3A_60, %sub3A_80 : i32
    %select_n3A_82 = arith.select %and3A_79, %sub3A_81, %div3A_60 : i32
    %mul3A_83 = arith.constant 128 : i32
    %mul3A_84 = arith.muli %select_n3A_82, %mul3A_83 : i32
    %multiple_of3A_85 = tpu.assume_multiple %mul3A_84, 128 : i32
    %dma_start3A_86 = arith.constant 1 : i32
    %dma_start3A_87 = arith.constant 0 : i32
    %dma_start3A_88 = arith.constant 0 : i32
    %dma_start3A_89 = tpu.memref_slice %arg6[%dma_start3A_86, %dma_start3A_87, %dma_start3A_88] : memref<8x32x128xf32, #tpu.memory_space<vmem>> -> memref<1x32x128xf32, #tpu.memory_space<vmem>>
    %dma_start3A_90 = tpu.memref_squeeze %dma_start3A_89 : memref<1x32x128xf32, #tpu.memory_space<vmem>> -> memref<32x128xf32, #tpu.memory_space<vmem>>
    %dma_start3A_91 = arith.constant 0 : i32
    %dma_start3A_92 = tpu.memref_slice %arg3[%dma_start3A_91, %multiple_of3A_85] : memref<32x100000xf32, #tpu.memory_space<hbm>> -> memref<32x128xf32, #tpu.memory_space<hbm>>
    %dma_start3A_93 = arith.constant 0 : i32
    %dma_start3A_94 = arith.constant 0 : i32
    %dma_start3A_95 = tpu.memref_slice %arg6[%dma_start3A_86, %dma_start3A_93, %dma_start3A_94] : memref<8x32x128xf32, #tpu.memory_space<vmem>> -> memref<1x32x128xf32, #tpu.memory_space<vmem>>
    %dma_start3A_96 = tpu.memref_squeeze %dma_start3A_95 : memref<1x32x128xf32, #tpu.memory_space<vmem>> -> memref<32x128xf32, #tpu.memory_space<vmem>>
    %dma_start3A_97 = arith.constant 0 : i32
    %dma_start3A_98 = tpu.memref_slice %arg3[%dma_start3A_97, %multiple_of3A_85] : memref<32x100000xf32, #tpu.memory_space<hbm>> -> memref<32x128xf32, #tpu.memory_space<hbm>>
    tpu.enqueue_dma source(%dma_start3A_98 : memref<32x128xf32, #tpu.memory_space<hbm>>) target(%dma_start3A_96 : memref<32x128xf32, #tpu.memory_space<vmem>>) target_semaphore(%arg8 : memref<!tpu.dma_semaphore, #tpu.memory_space<semaphore_mem>>)
    %get3A_99 = arith.constant 0 : index
    %get3A_100 = tpu.vector_load %arg5[%get3A_99] {strides = array<i32>} : memref<32xi32, #tpu.memory_space<vmem>>, vector<16xi32>,
    %iota3A_101 = tpu.iota {dimensions = array<i32: 0>} : vector<16xi32>
    %eq3A_102 = arith.constant 2 : i32
    %eq3A_103 = vector.broadcast %eq3A_102 : i32 to vector<16xi32>
    %eq3A_104 = arith.cmpi eq, %iota3A_101, %eq3A_103 : vector<16xi32>
    %jit3A_105 = arith.constant 0 : i32
    %broadcast_in_dim3A_106 = vector.broadcast %jit3A_105 : i32 to vector<16xi32>
    %select_n3A_107 = arith.select %eq3A_104, %get3A_100, %broadcast_in_dim3A_106 : vector<16xi1>, vector<16xi32>
    %reduce_sum3A_108 = arith.constant true
    %reduce_sum3A_109 = vector.broadcast %reduce_sum3A_108 : i1 to vector<16xi1>
    %reduce_sum3A_110 = tpu.scan <sum>, %select_n3A_107 masked %reduce_sum3A_109 : vector<16xi32>, vector<16xi1> -> vector<16xi32>
    %reduce_sum3A_111 = vector.extract %reduce_sum3A_110[15] : i32 from vector<16xi32>
    %jit3A_112 = arith.constant 128 : i32
    %div3A_113 = arith.divsi %reduce_sum3A_111, %jit3A_112 : i32
    %sign3A_114 = arith.constant 0 : i32
    %sign3A_115 = arith.cmpi sgt, %reduce_sum3A_111, %sign3A_114 : i32
    %sign3A_116 = arith.extui %sign3A_115 : i1 to i32
    %sign3A_117 = arith.constant 0 : i32
    %sign3A_118 = arith.cmpi slt, %reduce_sum3A_111, %sign3A_117 : i32
    %sign3A_119 = arith.extui %sign3A_118 : i1 to i32
    %sign3A_120 = arith.subi %sign3A_116, %sign3A_119 : i32
    %sign3A_121 = arith.constant 0 : i32
    %sign3A_122 = arith.cmpi sgt, %jit3A_112, %sign3A_121 : i32
    %sign3A_123 = arith.extui %sign3A_122 : i1 to i32
    %sign3A_124 = arith.constant 0 : i32
    %sign3A_125 = arith.cmpi slt, %jit3A_112, %sign3A_124 : i32
    %sign3A_126 = arith.extui %sign3A_125 : i1 to i32
    %sign3A_127 = arith.subi %sign3A_123, %sign3A_126 : i32
    %ne3A_128 = arith.cmpi ne, %sign3A_120, %sign3A_127 : i32
    %rem3A_129 = arith.remsi %reduce_sum3A_111, %jit3A_112 : i32
    %ne3A_130 = arith.constant 0 : i32
    %ne3A_131 = arith.cmpi ne, %rem3A_129, %ne3A_130 : i32
    %and3A_132 = arith.andi %ne3A_128, %ne3A_131 : i1
    %sub3A_133 = arith.constant 1 : i32
    %sub3A_134 = arith.subi %div3A_113, %sub3A_133 : i32
    %select_n3A_135 = arith.select %and3A_132, %sub3A_134, %div3A_113 : i32
    %mul3A_136 = arith.constant 128 : i32
    %mul3A_137 = arith.muli %select_n3A_135, %mul3A_136 : i32
    %multiple_of3A_138 = tpu.assume_multiple %mul3A_137, 128 : i32
    %dma_start3A_139 = arith.constant 2 : i32
    %dma_start3A_140 = arith.constant 0 : i32
    %dma_start3A_141 = arith.constant 0 : i32
    %dma_start3A_142 = tpu.memref_slice %arg6[%dma_start3A_139, %dma_start3A_140, %dma_start3A_141] : memref<8x32x128xf32, #tpu.memory_space<vmem>> -> memref<1x32x128xf32, #tpu.memory_space<vmem>>
    %dma_start3A_143 = tpu.memref_squeeze %dma_start3A_142 : memref<1x32x128xf32, #tpu.memory_space<vmem>> -> memref<32x128xf32, #tpu.memory_space<vmem>>
    %dma_start3A_144 = arith.constant 0 : i32
    %dma_start3A_145 = tpu.memref_slice %arg3[%dma_start3A_144, %multiple_of3A_138] : memref<32x100000xf32, #tpu.memory_space<hbm>> -> memref<32x128xf32, #tpu.memory_space<hbm>>
    %dma_start3A_146 = arith.constant 0 : i32
    %dma_start3A_147 = arith.constant 0 : i32
    %dma_start3A_148 = tpu.memref_slice %arg6[%dma_start3A_139, %dma_start3A_146, %dma_start3A_147] : memref<8x32x128xf32, #tpu.memory_space<vmem>> -> memref<1x32x128xf32, #tpu.memory_space<vmem>>
    %dma_start3A_149 = tpu.memref_squeeze %dma_start3A_148 : memref<1x32x128xf32, #tpu.memory_space<vmem>> -> memref<32x128xf32, #tpu.memory_space<vmem>>
    %dma_start3A_150 = arith.constant 0 : i32
    %dma_start3A_151 = tpu.memref_slice %arg3[%dma_start3A_150, %multiple_of3A_138] : memref<32x100000xf32, #tpu.memory_space<hbm>> -> memref<32x128xf32, #tpu.memory_space<hbm>>
    tpu.enqueue_dma source(%dma_start3A_151 : memref<32x128xf32, #tpu.memory_space<hbm>>) target(%dma_start3A_149 : memref<32x128xf32, #tpu.memory_space<vmem>>) target_semaphore(%arg8 : memref<!tpu.dma_semaphore, #tpu.memory_space<semaphore_mem>>)
    %get3A_152 = arith.constant 0 : index
    %get3A_153 = tpu.vector_load %arg5[%get3A_152] {strides = array<i32>} : memref<32xi32, #tpu.memory_space<vmem>>, vector<16xi32>,
    %iota3A_154 = tpu.iota {dimensions = array<i32: 0>} : vector<16xi32>
    %eq3A_155 = arith.constant 3 : i32
    %eq3A_156 = vector.broadcast %eq3A_155 : i32 to vector<16xi32>
    %eq3A_157 = arith.cmpi eq, %iota3A_154, %eq3A_156 : vector<16xi32>
    %jit3A_158 = arith.constant 0 : i32
    %broadcast_in_dim3A_159 = vector.broadcast %jit3A_158 : i32 to vector<16xi32>
    %select_n3A_160 = arith.select %eq3A_157, %get3A_153, %broadcast_in_dim3A_159 : vector<16xi1>, vector<16xi32>
    %reduce_sum3A_161 = arith.constant true
    %reduce_sum3A_162 = vector.broadcast %reduce_sum3A_161 : i1 to vector<16xi1>
    %reduce_sum3A_163 = tpu.scan <sum>, %select_n3A_160 masked %reduce_sum3A_162 : vector<16xi32>, vector<16xi1> -> vector<16xi32>
    %reduce_sum3A_164 = vector.extract %reduce_sum3A_163[15] : i32 from vector<16xi32>
    %jit3A_165 = arith.constant 128 : i32
    %div3A_166 = arith.divsi %reduce_sum3A_164, %jit3A_165 : i32
    %sign3A_167 = arith.constant 0 : i32
    %sign3A_168 = arith.cmpi sgt, %reduce_sum3A_164, %sign3A_167 : i32
    %sign3A_169 = arith.extui %sign3A_168 : i1 to i32
    %sign3A_170 = arith.constant 0 : i32
    %sign3A_171 = arith.cmpi slt, %reduce_sum3A_164, %sign3A_170 : i32
    %sign3A_172 = arith.extui %sign3A_171 : i1 to i32
    %sign3A_173 = arith.subi %sign3A_169, %sign3A_172 : i32
    %sign3A_174 = arith.constant 0 : i32
    %sign3A_175 = arith.cmpi sgt, %jit3A_165, %sign3A_174 : i32
    %sign3A_176 = arith.extui %sign3A_175 : i1 to i32
    %sign3A_177 = arith.constant 0 : i32
    %sign3A_178 = arith.cmpi slt, %jit3A_165, %sign3A_177 : i32
    %sign3A_179 = arith.extui %sign3A_178 : i1 to i32
    %sign3A_180 = arith.subi %sign3A_176, %sign3A_179 : i32
    %ne3A_181 = arith.cmpi ne, %sign3A_173, %sign3A_180 : i32
    %rem3A_182 = arith.remsi %reduce_sum3A_164, %jit3A_165 : i32
    %ne3A_183 = arith.constant 0 : i32
    %ne3A_184 = arith.cmpi ne, %rem3A_182, %ne3A_183 : i32
    %and3A_185 = arith.andi %ne3A_181, %ne3A_184 : i1
    %sub3A_186 = arith.constant 1 : i32
    %sub3A_187 = arith.subi %div3A_166, %sub3A_186 : i32
    %select_n3A_188 = arith.select %and3A_185, %sub3A_187, %div3A_166 : i32
    %mul3A_189 = arith.constant 128 : i32
    %mul3A_190 = arith.muli %select_n3A_188, %mul3A_189 : i32
    %multiple_of3A_191 = tpu.assume_multiple %mul3A_190, 128 : i32
    %dma_start3A_192 = arith.constant 3 : i32
    %dma_start3A_193 = arith.constant 0 : i32
    %dma_start3A_194 = arith.constant 0 : i32
    %dma_start3A_195 = tpu.memref_slice %arg6[%dma_start3A_192, %dma_start3A_193, %dma_start3A_194] : memref<8x32x128xf32, #tpu.memory_space<vmem>> -> memref<1x32x128xf32, #tpu.memory_space<vmem>>
    %dma_start3A_196 = tpu.memref_squeeze %dma_start3A_195 : memref<1x32x128xf32, #tpu.memory_space<vmem>> -> memref<32x128xf32, #tpu.memory_space<vmem>>
    %dma_start3A_197 = arith.constant 0 : i32
    %dma_start3A_198 = tpu.memref_slice %arg3[%dma_start3A_197, %multiple_of3A_191] : memref<32x100000xf32, #tpu.memory_space<hbm>> -> memref<32x128xf32, #tpu.memory_space<hbm>>
    %dma_start3A_199 = arith.constant 0 : i32
    %dma_start3A_200 = arith.constant 0 : i32
    %dma_start3A_201 = tpu.memref_slice %arg6[%dma_start3A_192, %dma_start3A_199, %dma_start3A_200] : memref<8x32x128xf32, #tpu.memory_space<vmem>> -> memref<1x32x128xf32, #tpu.memory_space<vmem>>
    %dma_start3A_202 = tpu.memref_squeeze %dma_start3A_201 : memref<1x32x128xf32, #tpu.memory_space<vmem>> -> memref<32x128xf32, #tpu.memory_space<vmem>>
    %dma_start3A_203 = arith.constant 0 : i32
    %dma_start3A_204 = tpu.memref_slice %arg3[%dma_start3A_203, %multiple_of3A_191] : memref<32x100000xf32, #tpu.memory_space<hbm>> -> memref<32x128xf32, #tpu.memory_space<hbm>>
    tpu.enqueue_dma source(%dma_start3A_204 : memref<32x128xf32, #tpu.memory_space<hbm>>) target(%dma_start3A_202 : memref<32x128xf32, #tpu.memory_space<vmem>>) target_semaphore(%arg8 : memref<!tpu.dma_semaphore, #tpu.memory_space<semaphore_mem>>)
    %get3A_205 = arith.constant 0 : index
    %get3A_206 = tpu.vector_load %arg5[%get3A_205] {strides = array<i32>} : memref<32xi32, #tpu.memory_space<vmem>>, vector<16xi32>,
    %iota3A_207 = tpu.iota {dimensions = array<i32: 0>} : vector<16xi32>
    %eq3A_208 = arith.constant 4 : i32
    %eq3A_209 = vector.broadcast %eq3A_208 : i32 to vector<16xi32>
    %eq3A_210 = arith.cmpi eq, %iota3A_207, %eq3A_209 : vector<16xi32>
    %jit3A_211 = arith.constant 0 : i32
    %broadcast_in_dim3A_212 = vector.broadcast %jit3A_211 : i32 to vector<16xi32>
    %select_n3A_213 = arith.select %eq3A_210, %get3A_206, %broadcast_in_dim3A_212 : vector<16xi1>, vector<16xi32>
    %reduce_sum3A_214 = arith.constant true
    %reduce_sum3A_215 = vector.broadcast %reduce_sum3A_214 : i1 to vector<16xi1>
    %reduce_sum3A_216 = tpu.scan <sum>, %select_n3A_213 masked %reduce_sum3A_215 : vector<16xi32>, vector<16xi1> -> vector<16xi32>
    %reduce_sum3A_217 = vector.extract %reduce_sum3A_216[15] : i32 from vector<16xi32>
    %jit3A_218 = arith.constant 128 : i32
    %div3A_219 = arith.divsi %reduce_sum3A_217, %jit3A_218 : i32
    %sign3A_220 = arith.constant 0 : i32
    %sign3A_221 = arith.cmpi sgt, %reduce_sum3A_217, %sign3A_220 : i32
    %sign3A_222 = arith.extui %sign3A_221 : i1 to i32
    %sign3A_223 = arith.constant 0 : i32
    %sign3A_224 = arith.cmpi slt, %reduce_sum3A_217, %sign3A_223 : i32
    %sign3A_225 = arith.extui %sign3A_224 : i1 to i32
    %sign3A_226 = arith.subi %sign3A_222, %sign3A_225 : i32
    %sign3A_227 = arith.constant 0 : i32
    %sign3A_228 = arith.cmpi sgt, %jit3A_218, %sign3A_227 : i32
    %sign3A_229 = arith.extui %sign3A_228 : i1 to i32
    %sign3A_230 = arith.constant 0 : i32
    %sign3A_231 = arith.cmpi slt, %jit3A_218, %sign3A_230 : i32
    %sign3A_232 = arith.extui %sign3A_231 : i1 to i32
    %sign3A_233 = arith.subi %sign3A_229, %sign3A_232 : i32
    %ne3A_234 = arith.cmpi ne, %sign3A_226, %sign3A_233 : i32
    %rem3A_235 = arith.remsi %reduce_sum3A_217, %jit3A_218 : i32
    %ne3A_236 = arith.constant 0 : i32
    %ne3A_237 = arith.cmpi ne, %rem3A_235, %ne3A_236 : i32
    %and3A_238 = arith.andi %ne3A_234, %ne3A_237 : i1
    %sub3A_239 = arith.constant 1 : i32
    %sub3A_240 = arith.subi %div3A_219, %sub3A_239 : i32
    %select_n3A_241 = arith.select %and3A_238, %sub3A_240, %div3A_219 : i32
    %mul3A_242 = arith.constant 128 : i32
    %mul3A_243 = arith.muli %select_n3A_241, %mul3A_242 : i32
    %multiple_of3A_244 = tpu.assume_multiple %mul3A_243, 128 : i32
    %dma_start3A_245 = arith.constant 4 : i32
    %dma_start3A_246 = arith.constant 0 : i32
    %dma_start3A_247 = arith.constant 0 : i32
    %dma_start3A_248 = tpu.memref_slice %arg6[%dma_start3A_245, %dma_start3A_246, %dma_start3A_247] : memref<8x32x128xf32, #tpu.memory_space<vmem>> -> memref<1x32x128xf32, #tpu.memory_space<vmem>>
    %dma_start3A_249 = tpu.memref_squeeze %dma_start3A_248 : memref<1x32x128xf32, #tpu.memory_space<vmem>> -> memref<32x128xf32, #tpu.memory_space<vmem>>
    %dma_start3A_250 = arith.constant 0 : i32
    %dma_start3A_251 = tpu.memref_slice %arg3[%dma_start3A_250, %multiple_of3A_244] : memref<32x100000xf32, #tpu.memory_space<hbm>> -> memref<32x128xf32, #tpu.memory_space<hbm>>
    %dma_start3A_252 = arith.constant 0 : i32
    %dma_start3A_253 = arith.constant 0 : i32
    %dma_start3A_254 = tpu.memref_slice %arg6[%dma_start3A_245, %dma_start3A_252, %dma_start3A_253] : memref<8x32x128xf32, #tpu.memory_space<vmem>> -> memref<1x32x128xf32, #tpu.memory_space<vmem>>
    %dma_start3A_255 = tpu.memref_squeeze %dma_start3A_254 : memref<1x32x128xf32, #tpu.memory_space<vmem>> -> memref<32x128xf32, #tpu.memory_space<vmem>>
    %dma_start3A_256 = arith.constant 0 : i32
    %dma_start3A_257 = tpu.memref_slice %arg3[%dma_start3A_256, %multiple_of3A_244] : memref<32x100000xf32, #tpu.memory_space<hbm>> -> memref<32x128xf32, #tpu.memory_space<hbm>>
    tpu.enqueue_dma source(%dma_start3A_257 : memref<32x128xf32, #tpu.memory_space<hbm>>) target(%dma_start3A_255 : memref<32x128xf32, #tpu.memory_space<vmem>>) target_semaphore(%arg8 : memref<!tpu.dma_semaphore, #tpu.memory_space<semaphore_mem>>)
    %get3A_258 = arith.constant 0 : index
    %get3A_259 = tpu.vector_load %arg5[%get3A_258] {strides = array<i32>} : memref<32xi32, #tpu.memory_space<vmem>>, vector<16xi32>,
    %iota3A_260 = tpu.iota {dimensions = array<i32: 0>} : vector<16xi32>
    %eq3A_261 = arith.constant 5 : i32
    %eq3A_262 = vector.broadcast %eq3A_261 : i32 to vector<16xi32>
    %eq3A_263 = arith.cmpi eq, %iota3A_260, %eq3A_262 : vector<16xi32>
    %jit3A_264 = arith.constant 0 : i32
    %broadcast_in_dim3A_265 = vector.broadcast %jit3A_264 : i32 to vector<16xi32>
    %select_n3A_266 = arith.select %eq3A_263, %get3A_259, %broadcast_in_dim3A_265 : vector<16xi1>, vector<16xi32>
    %reduce_sum3A_267 = arith.constant true
    %reduce_sum3A_268 = vector.broadcast %reduce_sum3A_267 : i1 to vector<16xi1>
    %reduce_sum3A_269 = tpu.scan <sum>, %select_n3A_266 masked %reduce_sum3A_268 : vector<16xi32>, vector<16xi1> -> vector<16xi32>
    %reduce_sum3A_270 = vector.extract %reduce_sum3A_269[15] : i32 from vector<16xi32>
    %jit3A_271 = arith.constant 128 : i32
    %div3A_272 = arith.divsi %reduce_sum3A_270, %jit3A_271 : i32
    %sign3A_273 = arith.constant 0 : i32
    %sign3A_274 = arith.cmpi sgt, %reduce_sum3A_270, %sign3A_273 : i32
    %sign3A_275 = arith.extui %sign3A_274 : i1 to i32
    %sign3A_276 = arith.constant 0 : i32
    %sign3A_277 = arith.cmpi slt, %reduce_sum3A_270, %sign3A_276 : i32
    %sign3A_278 = arith.extui %sign3A_277 : i1 to i32
    %sign3A_279 = arith.subi %sign3A_275, %sign3A_278 : i32
    %sign3A_280 = arith.constant 0 : i32
    %sign3A_281 = arith.cmpi sgt, %jit3A_271, %sign3A_280 : i32
    %sign3A_282 = arith.extui %sign3A_281 : i1 to i32
    %sign3A_283 = arith.constant 0 : i32
    %sign3A_284 = arith.cmpi slt, %jit3A_271, %sign3A_283 : i32
    %sign3A_285 = arith.extui %sign3A_284 : i1 to i32
    %sign3A_286 = arith.subi %sign3A_282, %sign3A_285 : i32
    %ne3A_287 = arith.cmpi ne, %sign3A_279, %sign3A_286 : i32
    %rem3A_288 = arith.remsi %reduce_sum3A_270, %jit3A_271 : i32
    %ne3A_289 = arith.constant 0 : i32
    %ne3A_290 = arith.cmpi ne, %rem3A_288, %ne3A_289 : i32
    %and3A_291 = arith.andi %ne3A_287, %ne3A_290 : i1
    %sub3A_292 = arith.constant 1 : i32
    %sub3A_293 = arith.subi %div3A_272, %sub3A_292 : i32
    %select_n3A_294 = arith.select %and3A_291, %sub3A_293, %div3A_272 : i32
    %mul3A_295 = arith.constant 128 : i32
    %mul3A_296 = arith.muli %select_n3A_294, %mul3A_295 : i32
    %multiple_of3A_297 = tpu.assume_multiple %mul3A_296, 128 : i32
    %dma_start3A_298 = arith.constant 5 : i32
    %dma_start3A_299 = arith.constant 0 : i32
    %dma_start3A_300 = arith.constant 0 : i32
    %dma_start3A_301 = tpu.memref_slice %arg6[%dma_start3A_298, %dma_start3A_299, %dma_start3A_300] : memref<8x32x128xf32, #tpu.memory_space<vmem>> -> memref<1x32x128xf32, #tpu.memory_space<vmem>>
    %dma_start3A_302 = tpu.memref_squeeze %dma_start3A_301 : memref<1x32x128xf32, #tpu.memory_space<vmem>> -> memref<32x128xf32, #tpu.memory_space<vmem>>
    %dma_start3A_303 = arith.constant 0 : i32
    %dma_start3A_304 = tpu.memref_slice %arg3[%dma_start3A_303, %multiple_of3A_297] : memref<32x100000xf32, #tpu.memory_space<hbm>> -> memref<32x128xf32, #tpu.memory_space<hbm>>
    %dma_start3A_305 = arith.constant 0 : i32
    %dma_start3A_306 = arith.constant 0 : i32
    %dma_start3A_307 = tpu.memref_slice %arg6[%dma_start3A_298, %dma_start3A_305, %dma_start3A_306] : memref<8x32x128xf32, #tpu.memory_space<vmem>> -> memref<1x32x128xf32, #tpu.memory_space<vmem>>
    %dma_start3A_308 = tpu.memref_squeeze %dma_start3A_307 : memref<1x32x128xf32, #tpu.memory_space<vmem>> -> memref<32x128xf32, #tpu.memory_space<vmem>>
    %dma_start3A_309 = arith.constant 0 : i32
    %dma_start3A_310 = tpu.memref_slice %arg3[%dma_start3A_309, %multiple_of3A_297] : memref<32x100000xf32, #tpu.memory_space<hbm>> -> memref<32x128xf32, #tpu.memory_space<hbm>>
    tpu.enqueue_dma source(%dma_start3A_310 : memref<32x128xf32, #tpu.memory_space<hbm>>) target(%dma_start3A_308 : memref<32x128xf32, #tpu.memory_space<vmem>>) target_semaphore(%arg8 : memref<!tpu.dma_semaphore, #tpu.memory_space<semaphore_mem>>)
    %get3A_311 = arith.constant 0 : index
    %get3A_312 = tpu.vector_load %arg5[%get3A_311] {strides = array<i32>} : memref<32xi32, #tpu.memory_space<vmem>>, vector<16xi32>,
    %iota3A_313 = tpu.iota {dimensions = array<i32: 0>} : vector<16xi32>
    %eq3A_314 = arith.constant 6 : i32
    %eq3A_315 = vector.broadcast %eq3A_314 : i32 to vector<16xi32>
    %eq3A_316 = arith.cmpi eq, %iota3A_313, %eq3A_315 : vector<16xi32>
    %jit3A_317 = arith.constant 0 : i32
    %broadcast_in_dim3A_318 = vector.broadcast %jit3A_317 : i32 to vector<16xi32>
    %select_n3A_319 = arith.select %eq3A_316, %get3A_312, %broadcast_in_dim3A_318 : vector<16xi1>, vector<16xi32>
    %reduce_sum3A_320 = arith.constant true
    %reduce_sum3A_321 = vector.broadcast %reduce_sum3A_320 : i1 to vector<16xi1>
    %reduce_sum3A_322 = tpu.scan <sum>, %select_n3A_319 masked %reduce_sum3A_321 : vector<16xi32>, vector<16xi1> -> vector<16xi32>
    %reduce_sum3A_323 = vector.extract %reduce_sum3A_322[15] : i32 from vector<16xi32>
    %jit3A_324 = arith.constant 128 : i32
    %div3A_325 = arith.divsi %reduce_sum3A_323, %jit3A_324 : i32
    %sign3A_326 = arith.constant 0 : i32
    %sign3A_327 = arith.cmpi sgt, %reduce_sum3A_323, %sign3A_326 : i32
    %sign3A_328 = arith.extui %sign3A_327 : i1 to i32
    %sign3A_329 = arith.constant 0 : i32
    %sign3A_330 = arith.cmpi slt, %reduce_sum3A_323, %sign3A_329 : i32
    %sign3A_331 = arith.extui %sign3A_330 : i1 to i32
    %sign3A_332 = arith.subi %sign3A_328, %sign3A_331 : i32
    %sign3A_333 = arith.constant 0 : i32
    %sign3A_334 = arith.cmpi sgt, %jit3A_324, %sign3A_333 : i32
    %sign3A_335 = arith.extui %sign3A_334 : i1 to i32
    %sign3A_336 = arith.constant 0 : i32
    %sign3A_337 = arith.cmpi slt, %jit3A_324, %sign3A_336 : i32
    %sign3A_338 = arith.extui %sign3A_337 : i1 to i32
    %sign3A_339 = arith.subi %sign3A_335, %sign3A_338 : i32
    %ne3A_340 = arith.cmpi ne, %sign3A_332, %sign3A_339 : i32
    %rem3A_341 = arith.remsi %reduce_sum3A_323, %jit3A_324 : i32
    %ne3A_342 = arith.constant 0 : i32
    %ne3A_343 = arith.cmpi ne, %rem3A_341, %ne3A_342 : i32
    %and3A_344 = arith.andi %ne3A_340, %ne3A_343 : i1
    %sub3A_345 = arith.constant 1 : i32
    %sub3A_346 = arith.subi %div3A_325, %sub3A_345 : i32
    %select_n3A_347 = arith.select %and3A_344, %sub3A_346, %div3A_325 : i32
    %mul3A_348 = arith.constant 128 : i32
    %mul3A_349 = arith.muli %select_n3A_347, %mul3A_348 : i32
    %multiple_of3A_350 = tpu.assume_multiple %mul3A_349, 128 : i32
    %dma_start3A_351 = arith.constant 6 : i32
    %dma_start3A_352 = arith.constant 0 : i32
    %dma_start3A_353 = arith.constant 0 : i32
    %dma_start3A_354 = tpu.memref_slice %arg6[%dma_start3A_351, %dma_start3A_352, %dma_start3A_353] : memref<8x32x128xf32, #tpu.memory_space<vmem>> -> memref<1x32x128xf32, #tpu.memory_space<vmem>>
    %dma_start3A_355 = tpu.memref_squeeze %dma_start3A_354 : memref<1x32x128xf32, #tpu.memory_space<vmem>> -> memref<32x128xf32, #tpu.memory_space<vmem>>
    %dma_start3A_356 = arith.constant 0 : i32
    %dma_start3A_357 = tpu.memref_slice %arg3[%dma_start3A_356, %multiple_of3A_350] : memref<32x100000xf32, #tpu.memory_space<hbm>> -> memref<32x128xf32, #tpu.memory_space<hbm>>
    %dma_start3A_358 = arith.constant 0 : i32
    %dma_start3A_359 = arith.constant 0 : i32
    %dma_start3A_360 = tpu.memref_slice %arg6[%dma_start3A_351, %dma_start3A_358, %dma_start3A_359] : memref<8x32x128xf32, #tpu.memory_space<vmem>> -> memref<1x32x128xf32, #tpu.memory_space<vmem>>
    %dma_start3A_361 = tpu.memref_squeeze %dma_start3A_360 : memref<1x32x128xf32, #tpu.memory_space<vmem>> -> memref<32x128xf32, #tpu.memory_space<vmem>>
    %dma_start3A_362 = arith.constant 0 : i32
    %dma_start3A_363 = tpu.memref_slice %arg3[%dma_start3A_362, %multiple_of3A_350] : memref<32x100000xf32, #tpu.memory_space<hbm>> -> memref<32x128xf32, #tpu.memory_space<hbm>>
    tpu.enqueue_dma source(%dma_start3A_363 : memref<32x128xf32, #tpu.memory_space<hbm>>) target(%dma_start3A_361 : memref<32x128xf32, #tpu.memory_space<vmem>>) target_semaphore(%arg8 : memref<!tpu.dma_semaphore, #tpu.memory_space<semaphore_mem>>)
    %get3A_364 = arith.constant 0 : index
    %get3A_365 = tpu.vector_load %arg5[%get3A_364] {strides = array<i32>} : memref<32xi32, #tpu.memory_space<vmem>>, vector<16xi32>,
    %iota3A_366 = tpu.iota {dimensions = array<i32: 0>} : vector<16xi32>
    %eq3A_367 = arith.constant 7 : i32
    %eq3A_368 = vector.broadcast %eq3A_367 : i32 to vector<16xi32>
    %eq3A_369 = arith.cmpi eq, %iota3A_366, %eq3A_368 : vector<16xi32>
    %jit3A_370 = arith.constant 0 : i32
    %broadcast_in_dim3A_371 = vector.broadcast %jit3A_370 : i32 to vector<16xi32>
    %select_n3A_372 = arith.select %eq3A_369, %get3A_365, %broadcast_in_dim3A_371 : vector<16xi1>, vector<16xi32>
    %reduce_sum3A_373 = arith.constant true
    %reduce_sum3A_374 = vector.broadcast %reduce_sum3A_373 : i1 to vector<16xi1>
    %reduce_sum3A_375 = tpu.scan <sum>, %select_n3A_372 masked %reduce_sum3A_374 : vector<16xi32>, vector<16xi1> -> vector<16xi32>
    %reduce_sum3A_376 = vector.extract %reduce_sum3A_375[15] : i32 from vector<16xi32>
    %jit3A_377 = arith.constant 128 : i32
    %div3A_378 = arith.divsi %reduce_sum3A_376, %jit3A_377 : i32
    %sign3A_379 = arith.constant 0 : i32
    %sign3A_380 = arith.cmpi sgt, %reduce_sum3A_376, %sign3A_379 : i32
    %sign3A_381 = arith.extui %sign3A_380 : i1 to i32
    %sign3A_382 = arith.constant 0 : i32
    %sign3A_383 = arith.cmpi slt, %reduce_sum3A_376, %sign3A_382 : i32
    %sign3A_384 = arith.extui %sign3A_383 : i1 to i32
    %sign3A_385 = arith.subi %sign3A_381, %sign3A_384 : i32
    %sign3A_386 = arith.constant 0 : i32
    %sign3A_387 = arith.cmpi sgt, %jit3A_377, %sign3A_386 : i32
    %sign3A_388 = arith.extui %sign3A_387 : i1 to i32
    %sign3A_389 = arith.constant 0 : i32
    %sign3A_390 = arith.cmpi slt, %jit3A_377, %sign3A_389 : i32
    %sign3A_391 = arith.extui %sign3A_390 : i1 to i32
    %sign3A_392 = arith.subi %sign3A_388, %sign3A_391 : i32
    %ne3A_393 = arith.cmpi ne, %sign3A_385, %sign3A_392 : i32
    %rem3A_394 = arith.remsi %reduce_sum3A_376, %jit3A_377 : i32
    %ne3A_395 = arith.constant 0 : i32
    %ne3A_396 = arith.cmpi ne, %rem3A_394, %ne3A_395 : i32
    %and3A_397 = arith.andi %ne3A_393, %ne3A_396 : i1
    %sub3A_398 = arith.constant 1 : i32
    %sub3A_399 = arith.subi %div3A_378, %sub3A_398 : i32
    %select_n3A_400 = arith.select %and3A_397, %sub3A_399, %div3A_378 : i32
    %mul3A_401 = arith.constant 128 : i32
    %mul3A_402 = arith.muli %select_n3A_400, %mul3A_401 : i32
    %multiple_of3A_403 = tpu.assume_multiple %mul3A_402, 128 : i32
    %dma_start3A_404 = arith.constant 7 : i32
    %dma_start3A_405 = arith.constant 0 : i32
    %dma_start3A_406 = arith.constant 0 : i32
    %dma_start3A_407 = tpu.memref_slice %arg6[%dma_start3A_404, %dma_start3A_405, %dma_start3A_406] : memref<8x32x128xf32, #tpu.memory_space<vmem>> -> memref<1x32x128xf32, #tpu.memory_space<vmem>>
    %dma_start3A_408 = tpu.memref_squeeze %dma_start3A_407 : memref<1x32x128xf32, #tpu.memory_space<vmem>> -> memref<32x128xf32, #tpu.memory_space<vmem>>
    %dma_start3A_409 = arith.constant 0 : i32
    %dma_start3A_410 = tpu.memref_slice %arg3[%dma_start3A_409, %multiple_of3A_403] : memref<32x100000xf32, #tpu.memory_space<hbm>> -> memref<32x128xf32, #tpu.memory_space<hbm>>
    %dma_start3A_411 = arith.constant 0 : i32
    %dma_start3A_412 = arith.constant 0 : i32
    %dma_start3A_413 = tpu.memref_slice %arg6[%dma_start3A_404, %dma_start3A_411, %dma_start3A_412] : memref<8x32x128xf32, #tpu.memory_space<vmem>> -> memref<1x32x128xf32, #tpu.memory_space<vmem>>
    %dma_start3A_414 = tpu.memref_squeeze %dma_start3A_413 : memref<1x32x128xf32, #tpu.memory_space<vmem>> -> memref<32x128xf32, #tpu.memory_space<vmem>>
    %dma_start3A_415 = arith.constant 0 : i32
    %dma_start3A_416 = tpu.memref_slice %arg3[%dma_start3A_415, %multiple_of3A_403] : memref<32x100000xf32, #tpu.memory_space<hbm>> -> memref<32x128xf32, #tpu.memory_space<hbm>>
    tpu.enqueue_dma source(%dma_start3A_416 : memref<32x128xf32, #tpu.memory_space<hbm>>) target(%dma_start3A_414 : memref<32x128xf32, #tpu.memory_space<vmem>>) target_semaphore(%arg8 : memref<!tpu.dma_semaphore, #tpu.memory_space<semaphore_mem>>)
    %dma_wait3A = arith.constant 0 : i32
    %dma_wait3A_417 = arith.constant 0 : i32
    %dma_wait3A_418 = arith.constant 0 : i32
    %dma_wait3A_419 = tpu.memref_slice %arg6[%dma_wait3A, %dma_wait3A_417, %dma_wait3A_418] : memref<8x32x128xf32, #tpu.memory_space<vmem>> -> memref<1x32x128xf32, #tpu.memory_space<vmem>>
    %dma_wait3A_420 = tpu.memref_squeeze %dma_wait3A_419 : memref<1x32x128xf32, #tpu.memory_space<vmem>> -> memref<32x128xf32, #tpu.memory_space<vmem>>
    %dma_wait3A_421 = arith.constant 0 : i32
    %dma_wait3A_422 = tpu.memref_slice %arg3[%dma_wait3A_421, %multiple_of3A] : memref<32x100000xf32, #tpu.memory_space<hbm>> -> memref<32x128xf32, #tpu.memory_space<hbm>>
    %dma_wait3A_423 = arith.constant 0 : i32
    %dma_wait3A_424 = arith.constant 0 : i32
    %dma_wait3A_425 = tpu.memref_slice %arg6[%dma_wait3A, %dma_wait3A_423, %dma_wait3A_424] : memref<8x32x128xf32, #tpu.memory_space<vmem>> -> memref<1x32x128xf32, #tpu.memory_space<vmem>>
    %dma_wait3A_426 = tpu.memref_squeeze %dma_wait3A_425 : memref<1x32x128xf32, #tpu.memory_space<vmem>> -> memref<32x128xf32, #tpu.memory_space<vmem>>
    %dma_wait3A_427 = arith.constant 0 : i32
    %dma_wait3A_428 = tpu.memref_slice %arg3[%dma_wait3A_427, %multiple_of3A] : memref<32x100000xf32, #tpu.memory_space<hbm>> -> memref<32x128xf32, #tpu.memory_space<hbm>>
    tpu.wait_dma2 semaphore(%arg8 : memref<!tpu.dma_semaphore, #tpu.memory_space<semaphore_mem>>) src(%dma_wait3A_428 : memref<32x128xf32, #tpu.memory_space<hbm>>) dst(%dma_wait3A_426 : memref<32x128xf32, #tpu.memory_space<vmem>>)
    %get3A_429 = arith.constant 0 : index
    %get3A_430 = tpu.vector_load %arg5[%get3A_429] {strides = array<i32>} : memref<32xi32, #tpu.memory_space<vmem>>, vector<16xi32>,
    %iota3A_431 = tpu.iota {dimensions = array<i32: 0>} : vector<16xi32>
    %eq3A_432 = arith.constant 0 : i32
    %eq3A_433 = vector.broadcast %eq3A_432 : i32 to vector<16xi32>
    %eq3A_434 = arith.cmpi eq, %iota3A_431, %eq3A_433 : vector<16xi32>
    %jit3A_435 = arith.constant 0 : i32
    %broadcast_in_dim3A_436 = vector.broadcast %jit3A_435 : i32 to vector<16xi32>
    %select_n3A_437 = arith.select %eq3A_434, %get3A_430, %broadcast_in_dim3A_436 : vector<16xi1>, vector<16xi32>
    %reduce_sum3A_438 = arith.constant true
    %reduce_sum3A_439 = vector.broadcast %reduce_sum3A_438 : i1 to vector<16xi1>
    %reduce_sum3A_440 = tpu.scan <sum>, %select_n3A_437 masked %reduce_sum3A_439 : vector<16xi32>, vector<16xi1> -> vector<16xi32>
    %reduce_sum3A_441 = vector.extract %reduce_sum3A_440[15] : i32 from vector<16xi32>
    %jit3A_442 = arith.constant 128 : i32
    %eq3A_443 = arith.constant 0 : i32
    %eq3A_444 = arith.cmpi eq, %jit3A_442, %eq3A_443 : i32
    %jit3A_445 = arith.constant 1 : i32
    %select_n3A_446 = arith.select %eq3A_444, %jit3A_445, %jit3A_442 : i32
    %rem3A_447 = arith.remsi %reduce_sum3A_441, %select_n3A_446 : i32
    %ne3A_448 = arith.constant 0 : i32
    %ne3A_449 = arith.cmpi ne, %rem3A_447, %ne3A_448 : i32
    %lt3A = arith.constant 0 : i32
    %lt3A_450 = arith.cmpi slt, %rem3A_447, %lt3A : i32
    %lt3A_451 = arith.constant 0 : i32
    %lt3A_452 = arith.cmpi slt, %select_n3A_446, %lt3A_451 : i32
    %ne3A_453 = arith.xori %lt3A_450, %lt3A_452 : i1
    %and3A_454 = arith.andi %ne3A_453, %ne3A_449 : i1
    %add3A_455 = arith.addi %rem3A_447, %select_n3A_446 : i32
    %select_n3A_456 = arith.select %and3A_454, %add3A_455, %rem3A_447 : i32
    %broadcast_in_dim3A_457 = vector.broadcast %select_n3A_456 : i32 to vector<16xi32>
    %gather3A = arith.constant 0 : i32
    %gather3A_458 = arith.constant 0 : i32
    %gather3A_459 = arith.constant 0 : i32
    %gather3A_460 = tpu.memref_slice %arg6[%gather3A, %gather3A_458, %gather3A_459] : memref<8x32x128xf32, #tpu.memory_space<vmem>> -> memref<1x32x128xf32, #tpu.memory_space<vmem>>
    %gather3A_461 = tpu.memref_squeeze %gather3A_460 : memref<1x32x128xf32, #tpu.memory_space<vmem>> -> memref<32x128xf32, #tpu.memory_space<vmem>>
    %gather3A_462 = tpu.vector_load_idx %gather3A_461[%iota3A, %broadcast_in_dim3A_457] : memref<32x128xf32, #tpu.memory_space<vmem>>[vector<16xi32>, vector<16xi32>], vector<16xf32>,
    %swap3A = arith.constant 0 : i32
    %swap3A_463 = arith.index_cast %swap3A : i32 to index
    %swap3A_464 = arith.constant 0 : index
    %swap3A_465 = tpu.vector_load %arg7[%swap3A_463, %swap3A_464] {strides = array<i32>} : memref<32x32xf32, #tpu.memory_space<vmem>>, vector<16xf32>,
    tpu.vector_store %arg7[%swap3A_463, %swap3A_464], %gather3A_462 {strides = array<i32>} : memref<32x32xf32, #tpu.memory_space<vmem>>, vector<16xf32>,
    %gather3A_466 = arith.constant 0 : i32
    %gather3A_467 = arith.constant 0 : i32
    %gather3A_468 = arith.constant 0 : i32
    %gather3A_469 = tpu.memref_slice %arg6[%gather3A_466, %gather3A_467, %gather3A_468] : memref<8x32x128xf32, #tpu.memory_space<vmem>> -> memref<1x32x128xf32, #tpu.memory_space<vmem>>
    %gather3A_470 = tpu.memref_squeeze %gather3A_469 : memref<1x32x128xf32, #tpu.memory_space<vmem>> -> memref<32x128xf32, #tpu.memory_space<vmem>>
    %gather3A_471 = tpu.vector_load_idx %gather3A_470[%add3A_6, %broadcast_in_dim3A_457] : memref<32x128xf32, #tpu.memory_space<vmem>>[vector<16xi32>, vector<16xi32>], vector<16xf32>,
    %swap3A_472 = arith.constant 0 : i32
    %swap3A_473 = arith.index_cast %swap3A_472 : i32 to index
    %swap3A_474 = arith.constant 16 : index
    %swap3A_475 = tpu.vector_load %arg7[%swap3A_473, %swap3A_474] {strides = array<i32>} : memref<32x32xf32, #tpu.memory_space<vmem>>, vector<16xf32>,
    tpu.vector_store %arg7[%swap3A_473, %swap3A_474], %gather3A_471 {strides = array<i32>} : memref<32x32xf32, #tpu.memory_space<vmem>>, vector<16xf32>,
    %get3A_476 = arith.constant 0 : index
    %get3A_477 = tpu.vector_load %arg5[%get3A_476] {strides = array<i32>} : memref<32xi32, #tpu.memory_space<vmem>>, vector<16xi32>,
    %iota3A_478 = tpu.iota {dimensions = array<i32: 0>} : vector<16xi32>
    %eq3A_479 = arith.constant 8 : i32
    %eq3A_480 = vector.broadcast %eq3A_479 : i32 to vector<16xi32>
    %eq3A_481 = arith.cmpi eq, %iota3A_478, %eq3A_480 : vector<16xi32>
    %jit3A_482 = arith.constant 0 : i32
    %broadcast_in_dim3A_483 = vector.broadcast %jit3A_482 : i32 to vector<16xi32>
    %select_n3A_484 = arith.select %eq3A_481, %get3A_477, %broadcast_in_dim3A_483 : vector<16xi1>, vector<16xi32>
    %reduce_sum3A_485 = arith.constant true
    %reduce_sum3A_486 = vector.broadcast %reduce_sum3A_485 : i1 to vector<16xi1>
    %reduce_sum3A_487 = tpu.scan <sum>, %select_n3A_484 masked %reduce_sum3A_486 : vector<16xi32>, vector<16xi1> -> vector<16xi32>
    %reduce_sum3A_488 = vector.extract %reduce_sum3A_487[15] : i32 from vector<16xi32>
    %jit3A_489 = arith.constant 128 : i32
    %div3A_490 = arith.divsi %reduce_sum3A_488, %jit3A_489 : i32
    %sign3A_491 = arith.constant 0 : i32
    %sign3A_492 = arith.cmpi sgt, %reduce_sum3A_488, %sign3A_491 : i32
    %sign3A_493 = arith.extui %sign3A_492 : i1 to i32
    %sign3A_494 = arith.constant 0 : i32
    %sign3A_495 = arith.cmpi slt, %reduce_sum3A_488, %sign3A_494 : i32
    %sign3A_496 = arith.extui %sign3A_495 : i1 to i32
    %sign3A_497 = arith.subi %sign3A_493, %sign3A_496 : i32
    %sign3A_498 = arith.constant 0 : i32
    %sign3A_499 = arith.cmpi sgt, %jit3A_489, %sign3A_498 : i32
    %sign3A_500 = arith.extui %sign3A_499 : i1 to i32
    %sign3A_501 = arith.constant 0 : i32
    %sign3A_502 = arith.cmpi slt, %jit3A_489, %sign3A_501 : i32
    %sign3A_503 = arith.extui %sign3A_502 : i1 to i32
    %sign3A_504 = arith.subi %sign3A_500, %sign3A_503 : i32
    %ne3A_505 = arith.cmpi ne, %sign3A_497, %sign3A_504 : i32
    %rem3A_506 = arith.remsi %reduce_sum3A_488, %jit3A_489 : i32
    %ne3A_507 = arith.constant 0 : i32
    %ne3A_508 = arith.cmpi ne, %rem3A_506, %ne3A_507 : i32
    %and3A_509 = arith.andi %ne3A_505, %ne3A_508 : i1
    %sub3A_510 = arith.constant 1 : i32
    %sub3A_511 = arith.subi %div3A_490, %sub3A_510 : i32
    %select_n3A_512 = arith.select %and3A_509, %sub3A_511, %div3A_490 : i32
    %mul3A_513 = arith.constant 128 : i32
    %mul3A_514 = arith.muli %select_n3A_512, %mul3A_513 : i32
    %multiple_of3A_515 = tpu.assume_multiple %mul3A_514, 128 : i32
    %dma_start3A_516 = arith.constant 0 : i32
    %dma_start3A_517 = arith.constant 0 : i32
    %dma_start3A_518 = arith.constant 0 : i32
    %dma_start3A_519 = tpu.memref_slice %arg6[%dma_start3A_516, %dma_start3A_517, %dma_start3A_518] : memref<8x32x128xf32, #tpu.memory_space<vmem>> -> memref<1x32x128xf32, #tpu.memory_space<vmem>>
    %dma_start3A_520 = tpu.memref_squeeze %dma_start3A_519 : memref<1x32x128xf32, #tpu.memory_space<vmem>> -> memref<32x128xf32, #tpu.memory_space<vmem>>
    %dma_start3A_521 = arith.constant 0 : i32
    %dma_start3A_522 = tpu.memref_slice %arg3[%dma_start3A_521, %multiple_of3A_515] : memref<32x100000xf32, #tpu.memory_space<hbm>> -> memref<32x128xf32, #tpu.memory_space<hbm>>
    %dma_start3A_523 = arith.constant 0 : i32
    %dma_start3A_524 = arith.constant 0 : i32
    %dma_start3A_525 = tpu.memref_slice %arg6[%dma_start3A_516, %dma_start3A_523, %dma_start3A_524] : memref<8x32x128xf32, #tpu.memory_space<vmem>> -> memref<1x32x128xf32, #tpu.memory_space<vmem>>
    %dma_start3A_526 = tpu.memref_squeeze %dma_start3A_525 : memref<1x32x128xf32, #tpu.memory_space<vmem>> -> memref<32x128xf32, #tpu.memory_space<vmem>>
    %dma_start3A_527 = arith.constant 0 : i32
    %dma_start3A_528 = tpu.memref_slice %arg3[%dma_start3A_527, %multiple_of3A_515] : memref<32x100000xf32, #tpu.memory_space<hbm>> -> memref<32x128xf32, #tpu.memory_space<hbm>>
    tpu.enqueue_dma source(%dma_start3A_528 : memref<32x128xf32, #tpu.memory_space<hbm>>) target(%dma_start3A_526 : memref<32x128xf32, #tpu.memory_space<vmem>>) target_semaphore(%arg8 : memref<!tpu.dma_semaphore, #tpu.memory_space<semaphore_mem>>)
    %dma_wait3A_529 = arith.constant 1 : i32
    %dma_wait3A_530 = arith.constant 0 : i32
    %dma_wait3A_531 = arith.constant 0 : i32
    %dma_wait3A_532 = tpu.memref_slice %arg6[%dma_wait3A_529, %dma_wait3A_530, %dma_wait3A_531] : memref<8x32x128xf32, #tpu.memory_space<vmem>> -> memref<1x32x128xf32, #tpu.memory_space<vmem>>
    %dma_wait3A_533 = tpu.memref_squeeze %dma_wait3A_532 : memref<1x32x128xf32, #tpu.memory_space<vmem>> -> memref<32x128xf32, #tpu.memory_space<vmem>>
    %dma_wait3A_534 = arith.constant 0 : i32
    %dma_wait3A_535 = tpu.memref_slice %arg3[%dma_wait3A_534, %multiple_of3A_85] : memref<32x100000xf32, #tpu.memory_space<hbm>> -> memref<32x128xf32, #tpu.memory_space<hbm>>
    %dma_wait3A_536 = arith.constant 0 : i32
    %dma_wait3A_537 = arith.constant 0 : i32
    %dma_wait3A_538 = tpu.memref_slice %arg6[%dma_wait3A_529, %dma_wait3A_536, %dma_wait3A_537] : memref<8x32x128xf32, #tpu.memory_space<vmem>> -> memref<1x32x128xf32, #tpu.memory_space<vmem>>
    %dma_wait3A_539 = tpu.memref_squeeze %dma_wait3A_538 : memref<1x32x128xf32, #tpu.memory_space<vmem>> -> memref<32x128xf32, #tpu.memory_space<vmem>>
    %dma_wait3A_540 = arith.constant 0 : i32
    %dma_wait3A_541 = tpu.memref_slice %arg3[%dma_wait3A_540, %multiple_of3A_85] : memref<32x100000xf32, #tpu.memory_space<hbm>> -> memref<32x128xf32, #tpu.memory_space<hbm>>
    tpu.wait_dma2 semaphore(%arg8 : memref<!tpu.dma_semaphore, #tpu.memory_space<semaphore_mem>>) src(%dma_wait3A_541 : memref<32x128xf32, #tpu.memory_space<hbm>>) dst(%dma_wait3A_539 : memref<32x128xf32, #tpu.memory_space<vmem>>)
    %get3A_542 = arith.constant 0 : index
    %get3A_543 = tpu.vector_load %arg5[%get3A_542] {strides = array<i32>} : memref<32xi32, #tpu.memory_space<vmem>>, vector<16xi32>,
    %iota3A_544 = tpu.iota {dimensions = array<i32: 0>} : vector<16xi32>
    %eq3A_545 = arith.constant 1 : i32
    %eq3A_546 = vector.broadcast %eq3A_545 : i32 to vector<16xi32>
    %eq3A_547 = arith.cmpi eq, %iota3A_544, %eq3A_546 : vector<16xi32>
    %jit3A_548 = arith.constant 0 : i32
    %broadcast_in_dim3A_549 = vector.broadcast %jit3A_548 : i32 to vector<16xi32>
    %select_n3A_550 = arith.select %eq3A_547, %get3A_543, %broadcast_in_dim3A_549 : vector<16xi1>, vector<16xi32>
    %reduce_sum3A_551 = arith.constant true
    %reduce_sum3A_552 = vector.broadcast %reduce_sum3A_551 : i1 to vector<16xi1>
    %reduce_sum3A_553 = tpu.scan <sum>, %select_n3A_550 masked %reduce_sum3A_552 : vector<16xi32>, vector<16xi1> -> vector<16xi32>
    %reduce_sum3A_554 = vector.extract %reduce_sum3A_553[15] : i32 from vector<16xi32>
    %jit3A_555 = arith.constant 128 : i32
    %eq3A_556 = arith.constant 0 : i32
    %eq3A_557 = arith.cmpi eq, %jit3A_555, %eq3A_556 : i32
    %jit3A_558 = arith.constant 1 : i32
    %select_n3A_559 = arith.select %eq3A_557, %jit3A_558, %jit3A_555 : i32
    %rem3A_560 = arith.remsi %reduce_sum3A_554, %select_n3A_559 : i32
    %ne3A_561 = arith.constant 0 : i32
    %ne3A_562 = arith.cmpi ne, %rem3A_560, %ne3A_561 : i32
    %lt3A_563 = arith.constant 0 : i32
    %lt3A_564 = arith.cmpi slt, %rem3A_560, %lt3A_563 : i32
    %lt3A_565 = arith.constant 0 : i32
    %lt3A_566 = arith.cmpi slt, %select_n3A_559, %lt3A_565 : i32
    %ne3A_567 = arith.xori %lt3A_564, %lt3A_566 : i1
    %and3A_568 = arith.andi %ne3A_567, %ne3A_562 : i1
    %add3A_569 = arith.addi %rem3A_560, %select_n3A_559 : i32
    %select_n3A_570 = arith.select %and3A_568, %add3A_569, %rem3A_560 : i32
    %broadcast_in_dim3A_571 = vector.broadcast %select_n3A_570 : i32 to vector<16xi32>
    %gather3A_572 = arith.constant 1 : i32
    %gather3A_573 = arith.constant 0 : i32
    %gather3A_574 = arith.constant 0 : i32
    %gather3A_575 = tpu.memref_slice %arg6[%gather3A_572, %gather3A_573, %gather3A_574] : memref<8x32x128xf32, #tpu.memory_space<vmem>> -> memref<1x32x128xf32, #tpu.memory_space<vmem>>
    %gather3A_576 = tpu.memref_squeeze %gather3A_575 : memref<1x32x128xf32, #tpu.memory_space<vmem>> -> memref<32x128xf32, #tpu.memory_space<vmem>>
    %gather3A_577 = tpu.vector_load_idx %gather3A_576[%iota3A, %broadcast_in_dim3A_571] : memref<32x128xf32, #tpu.memory_space<vmem>>[vector<16xi32>, vector<16xi32>], vector<16xf32>,
    %swap3A_578 = arith.constant 1 : i32
    %swap3A_579 = arith.index_cast %swap3A_578 : i32 to index
    %swap3A_580 = arith.constant 0 : index
    %swap3A_581 = tpu.vector_load %arg7[%swap3A_579, %swap3A_580] {strides = array<i32>} : memref<32x32xf32, #tpu.memory_space<vmem>>, vector<16xf32>,
    tpu.vector_store %arg7[%swap3A_579, %swap3A_580], %gather3A_577 {strides = array<i32>} : memref<32x32xf32, #tpu.memory_space<vmem>>, vector<16xf32>,
    %gather3A_582 = arith.constant 1 : i32
    %gather3A_583 = arith.constant 0 : i32
    %gather3A_584 = arith.constant 0 : i32
    %gather3A_585 = tpu.memref_slice %arg6[%gather3A_582, %gather3A_583, %gather3A_584] : memref<8x32x128xf32, #tpu.memory_space<vmem>> -> memref<1x32x128xf32, #tpu.memory_space<vmem>>
    %gather3A_586 = tpu.memref_squeeze %gather3A_585 : memref<1x32x128xf32, #tpu.memory_space<vmem>> -> memref<32x128xf32, #tpu.memory_space<vmem>>
    %gather3A_587 = tpu.vector_load_idx %gather3A_586[%add3A_6, %broadcast_in_dim3A_571] : memref<32x128xf32, #tpu.memory_space<vmem>>[vector<16xi32>, vector<16xi32>], vector<16xf32>,
    %swap3A_588 = arith.constant 1 : i32
    %swap3A_589 = arith.index_cast %swap3A_588 : i32 to index
    %swap3A_590 = arith.constant 16 : index
    %swap3A_591 = tpu.vector_load %arg7[%swap3A_589, %swap3A_590] {strides = array<i32>} : memref<32x32xf32, #tpu.memory_space<vmem>>, vector<16xf32>,
    tpu.vector_store %arg7[%swap3A_589, %swap3A_590], %gather3A_587 {strides = array<i32>} : memref<32x32xf32, #tpu.memory_space<vmem>>, vector<16xf32>,
    %get3A_592 = arith.constant 0 : index
    %get3A_593 = tpu.vector_load %arg5[%get3A_592] {strides = array<i32>} : memref<32xi32, #tpu.memory_space<vmem>>, vector<16xi32>,
    %iota3A_594 = tpu.iota {dimensions = array<i32: 0>} : vector<16xi32>
    %eq3A_595 = arith.constant 9 : i32
    %eq3A_596 = vector.broadcast %eq3A_595 : i32 to vector<16xi32>
    %eq3A_597 = arith.cmpi eq, %iota3A_594, %eq3A_596 : vector<16xi32>
    %jit3A_598 = arith.constant 0 : i32
    %broadcast_in_dim3A_599 = vector.broadcast %jit3A_598 : i32 to vector<16xi32>
    %select_n3A_600 = arith.select %eq3A_597, %get3A_593, %broadcast_in_dim3A_599 : vector<16xi1>, vector<16xi32>
    %reduce_sum3A_601 = arith.constant true
    %reduce_sum3A_602 = vector.broadcast %reduce_sum3A_601 : i1 to vector<16xi1>
    %reduce_sum3A_603 = tpu.scan <sum>, %select_n3A_600 masked %reduce_sum3A_602 : vector<16xi32>, vector<16xi1> -> vector<16xi32>
    %reduce_sum3A_604 = vector.extract %reduce_sum3A_603[15] : i32 from vector<16xi32>
    %jit3A_605 = arith.constant 128 : i32
    %div3A_606 = arith.divsi %reduce_sum3A_604, %jit3A_605 : i32
    %sign3A_607 = arith.constant 0 : i32
    %sign3A_608 = arith.cmpi sgt, %reduce_sum3A_604, %sign3A_607 : i32
    %sign3A_609 = arith.extui %sign3A_608 : i1 to i32
    %sign3A_610 = arith.constant 0 : i32
    %sign3A_611 = arith.cmpi slt, %reduce_sum3A_604, %sign3A_610 : i32
    %sign3A_612 = arith.extui %sign3A_611 : i1 to i32
    %sign3A_613 = arith.subi %sign3A_609, %sign3A_612 : i32
    %sign3A_614 = arith.constant 0 : i32
    %sign3A_615 = arith.cmpi sgt, %jit3A_605, %sign3A_614 : i32
    %sign3A_616 = arith.extui %sign3A_615 : i1 to i32
    %sign3A_617 = arith.constant 0 : i32
    %sign3A_618 = arith.cmpi slt, %jit3A_605, %sign3A_617 : i32
    %sign3A_619 = arith.extui %sign3A_618 : i1 to i32
    %sign3A_620 = arith.subi %sign3A_616, %sign3A_619 : i32
    %ne3A_621 = arith.cmpi ne, %sign3A_613, %sign3A_620 : i32
    %rem3A_622 = arith.remsi %reduce_sum3A_604, %jit3A_605 : i32
    %ne3A_623 = arith.constant 0 : i32
    %ne3A_624 = arith.cmpi ne, %rem3A_622, %ne3A_623 : i32
    %and3A_625 = arith.andi %ne3A_621, %ne3A_624 : i1
    %sub3A_626 = arith.constant 1 : i32
    %sub3A_627 = arith.subi %div3A_606, %sub3A_626 : i32
    %select_n3A_628 = arith.select %and3A_625, %sub3A_627, %div3A_606 : i32
    %mul3A_629 = arith.constant 128 : i32
    %mul3A_630 = arith.muli %select_n3A_628, %mul3A_629 : i32
    %multiple_of3A_631 = tpu.assume_multiple %mul3A_630, 128 : i32
    %dma_start3A_632 = arith.constant 1 : i32
    %dma_start3A_633 = arith.constant 0 : i32
    %dma_start3A_634 = arith.constant 0 : i32
    %dma_start3A_635 = tpu.memref_slice %arg6[%dma_start3A_632, %dma_start3A_633, %dma_start3A_634] : memref<8x32x128xf32, #tpu.memory_space<vmem>> -> memref<1x32x128xf32, #tpu.memory_space<vmem>>
    %dma_start3A_636 = tpu.memref_squeeze %dma_start3A_635 : memref<1x32x128xf32, #tpu.memory_space<vmem>> -> memref<32x128xf32, #tpu.memory_space<vmem>>
    %dma_start3A_637 = arith.constant 0 : i32
    %dma_start3A_638 = tpu.memref_slice %arg3[%dma_start3A_637, %multiple_of3A_631] : memref<32x100000xf32, #tpu.memory_space<hbm>> -> memref<32x128xf32, #tpu.memory_space<hbm>>
    %dma_start3A_639 = arith.constant 0 : i32
    %dma_start3A_640 = arith.constant 0 : i32
    %dma_start3A_641 = tpu.memref_slice %arg6[%dma_start3A_632, %dma_start3A_639, %dma_start3A_640] : memref<8x32x128xf32, #tpu.memory_space<vmem>> -> memref<1x32x128xf32, #tpu.memory_space<vmem>>
    %dma_start3A_642 = tpu.memref_squeeze %dma_start3A_641 : memref<1x32x128xf32, #tpu.memory_space<vmem>> -> memref<32x128xf32, #tpu.memory_space<vmem>>
    %dma_start3A_643 = arith.constant 0 : i32
    %dma_start3A_644 = tpu.memref_slice %arg3[%dma_start3A_643, %multiple_of3A_631] : memref<32x100000xf32, #tpu.memory_space<hbm>> -> memref<32x128xf32, #tpu.memory_space<hbm>>
    tpu.enqueue_dma source(%dma_start3A_644 : memref<32x128xf32, #tpu.memory_space<hbm>>) target(%dma_start3A_642 : memref<32x128xf32, #tpu.memory_space<vmem>>) target_semaphore(%arg8 : memref<!tpu.dma_semaphore, #tpu.memory_space<semaphore_mem>>)
    %dma_wait3A_645 = arith.constant 2 : i32
    %dma_wait3A_646 = arith.constant 0 : i32
    %dma_wait3A_647 = arith.constant 0 : i32
    %dma_wait3A_648 = tpu.memref_slice %arg6[%dma_wait3A_645, %dma_wait3A_646, %dma_wait3A_647] : memref<8x32x128xf32, #tpu.memory_space<vmem>> -> memref<1x32x128xf32, #tpu.memory_space<vmem>>
    %dma_wait3A_649 = tpu.memref_squeeze %dma_wait3A_648 : memref<1x32x128xf32, #tpu.memory_space<vmem>> -> memref<32x128xf32, #tpu.memory_space<vmem>>
    %dma_wait3A_650 = arith.constant 0 : i32
    %dma_wait3A_651 = tpu.memref_slice %arg3[%dma_wait3A_650, %multiple_of3A_138] : memref<32x100000xf32, #tpu.memory_space<hbm>> -> memref<32x128xf32, #tpu.memory_space<hbm>>
    %dma_wait3A_652 = arith.constant 0 : i32
    %dma_wait3A_653 = arith.constant 0 : i32
    %dma_wait3A_654 = tpu.memref_slice %arg6[%dma_wait3A_645, %dma_wait3A_652, %dma_wait3A_653] : memref<8x32x128xf32, #tpu.memory_space<vmem>> -> memref<1x32x128xf32, #tpu.memory_space<vmem>>
    %dma_wait3A_655 = tpu.memref_squeeze %dma_wait3A_654 : memref<1x32x128xf32, #tpu.memory_space<vmem>> -> memref<32x128xf32, #tpu.memory_space<vmem>>
    %dma_wait3A_656 = arith.constant 0 : i32
    %dma_wait3A_657 = tpu.memref_slice %arg3[%dma_wait3A_656, %multiple_of3A_138] : memref<32x100000xf32, #tpu.memory_space<hbm>> -> memref<32x128xf32, #tpu.memory_space<hbm>>
    tpu.wait_dma2 semaphore(%arg8 : memref<!tpu.dma_semaphore, #tpu.memory_space<semaphore_mem>>) src(%dma_wait3A_657 : memref<32x128xf32, #tpu.memory_space<hbm>>) dst(%dma_wait3A_655 : memref<32x128xf32, #tpu.memory_space<vmem>>)
    %get3A_658 = arith.constant 0 : index
    %get3A_659 = tpu.vector_load %arg5[%get3A_658] {strides = array<i32>} : memref<32xi32, #tpu.memory_space<vmem>>, vector<16xi32>,
    %iota3A_660 = tpu.iota {dimensions = array<i32: 0>} : vector<16xi32>
    %eq3A_661 = arith.constant 2 : i32
    %eq3A_662 = vector.broadcast %eq3A_661 : i32 to vector<16xi32>
    %eq3A_663 = arith.cmpi eq, %iota3A_660, %eq3A_662 : vector<16xi32>
    %jit3A_664 = arith.constant 0 : i32
    %broadcast_in_dim3A_665 = vector.broadcast %jit3A_664 : i32 to vector<16xi32>
    %select_n3A_666 = arith.select %eq3A_663, %get3A_659, %broadcast_in_dim3A_665 : vector<16xi1>, vector<16xi32>
    %reduce_sum3A_667 = arith.constant true
    %reduce_sum3A_668 = vector.broadcast %reduce_sum3A_667 : i1 to vector<16xi1>
    %reduce_sum3A_669 = tpu.scan <sum>, %select_n3A_666 masked %reduce_sum3A_668 : vector<16xi32>, vector<16xi1> -> vector<16xi32>
    %reduce_sum3A_670 = vector.extract %reduce_sum3A_669[15] : i32 from vector<16xi32>
    %jit3A_671 = arith.constant 128 : i32
    %eq3A_672 = arith.constant 0 : i32
    %eq3A_673 = arith.cmpi eq, %jit3A_671, %eq3A_672 : i32
    %jit3A_674 = arith.constant 1 : i32
    %select_n3A_675 = arith.select %eq3A_673, %jit3A_674, %jit3A_671 : i32
    %rem3A_676 = arith.remsi %reduce_sum3A_670, %select_n3A_675 : i32
    %ne3A_677 = arith.constant 0 : i32
    %ne3A_678 = arith.cmpi ne, %rem3A_676, %ne3A_677 : i32
    %lt3A_679 = arith.constant 0 : i32
    %lt3A_680 = arith.cmpi slt, %rem3A_676, %lt3A_679 : i32
    %lt3A_681 = arith.constant 0 : i32
    %lt3A_682 = arith.cmpi slt, %select_n3A_675, %lt3A_681 : i32
    %ne3A_683 = arith.xori %lt3A_680, %lt3A_682 : i1
    %and3A_684 = arith.andi %ne3A_683, %ne3A_678 : i1
    %add3A_685 = arith.addi %rem3A_676, %select_n3A_675 : i32
    %select_n3A_686 = arith.select %and3A_684, %add3A_685, %rem3A_676 : i32
    %broadcast_in_dim3A_687 = vector.broadcast %select_n3A_686 : i32 to vector<16xi32>
    %gather3A_688 = arith.constant 2 : i32
    %gather3A_689 = arith.constant 0 : i32
    %gather3A_690 = arith.constant 0 : i32
    %gather3A_691 = tpu.memref_slice %arg6[%gather3A_688, %gather3A_689, %gather3A_690] : memref<8x32x128xf32, #tpu.memory_space<vmem>> -> memref<1x32x128xf32, #tpu.memory_space<vmem>>
    %gather3A_692 = tpu.memref_squeeze %gather3A_691 : memref<1x32x128xf32, #tpu.memory_space<vmem>> -> memref<32x128xf32, #tpu.memory_space<vmem>>
    %gather3A_693 = tpu.vector_load_idx %gather3A_692[%iota3A, %broadcast_in_dim3A_687] : memref<32x128xf32, #tpu.memory_space<vmem>>[vector<16xi32>, vector<16xi32>], vector<16xf32>,
    %swap3A_694 = arith.constant 2 : i32
    %swap3A_695 = arith.index_cast %swap3A_694 : i32 to index
    %swap3A_696 = arith.constant 0 : index
    %swap3A_697 = tpu.vector_load %arg7[%swap3A_695, %swap3A_696] {strides = array<i32>} : memref<32x32xf32, #tpu.memory_space<vmem>>, vector<16xf32>,
    tpu.vector_store %arg7[%swap3A_695, %swap3A_696], %gather3A_693 {strides = array<i32>} : memref<32x32xf32, #tpu.memory_space<vmem>>, vector<16xf32>,
    %gather3A_698 = arith.constant 2 : i32
    %gather3A_699 = arith.constant 0 : i32
    %gather3A_700 = arith.constant 0 : i32
    %gather3A_701 = tpu.memref_slice %arg6[%gather3A_698, %gather3A_699, %gather3A_700] : memref<8x32x128xf32, #tpu.memory_space<vmem>> -> memref<1x32x128xf32, #tpu.memory_space<vmem>>
    %gather3A_702 = tpu.memref_squeeze %gather3A_701 : memref<1x32x128xf32, #tpu.memory_space<vmem>> -> memref<32x128xf32, #tpu.memory_space<vmem>>
    %gather3A_703 = tpu.vector_load_idx %gather3A_702[%add3A_6, %broadcast_in_dim3A_687] : memref<32x128xf32, #tpu.memory_space<vmem>>[vector<16xi32>, vector<16xi32>], vector<16xf32>,
    %swap3A_704 = arith.constant 2 : i32
    %swap3A_705 = arith.index_cast %swap3A_704 : i32 to index
    %swap3A_706 = arith.constant 16 : index
    %swap3A_707 = tpu.vector_load %arg7[%swap3A_705, %swap3A_706] {strides = array<i32>} : memref<32x32xf32, #tpu.memory_space<vmem>>, vector<16xf32>,
    tpu.vector_store %arg7[%swap3A_705, %swap3A_706], %gather3A_703 {strides = array<i32>} : memref<32x32xf32, #tpu.memory_space<vmem>>, vector<16xf32>,
    %get3A_708 = arith.constant 0 : index
    %get3A_709 = tpu.vector_load %arg5[%get3A_708] {strides = array<i32>} : memref<32xi32, #tpu.memory_space<vmem>>, vector<16xi32>,
    %iota3A_710 = tpu.iota {dimensions = array<i32: 0>} : vector<16xi32>
    %eq3A_711 = arith.constant 10 : i32
    %eq3A_712 = vector.broadcast %eq3A_711 : i32 to vector<16xi32>
    %eq3A_713 = arith.cmpi eq, %iota3A_710, %eq3A_712 : vector<16xi32>
    %jit3A_714 = arith.constant 0 : i32
    %broadcast_in_dim3A_715 = vector.broadcast %jit3A_714 : i32 to vector<16xi32>
    %select_n3A_716 = arith.select %eq3A_713, %get3A_709, %broadcast_in_dim3A_715 : vector<16xi1>, vector<16xi32>
    %reduce_sum3A_717 = arith.constant true
    %reduce_sum3A_718 = vector.broadcast %reduce_sum3A_717 : i1 to vector<16xi1>
    %reduce_sum3A_719 = tpu.scan <sum>, %select_n3A_716 masked %reduce_sum3A_718 : vector<16xi32>, vector<16xi1> -> vector<16xi32>
    %reduce_sum3A_720 = vector.extract %reduce_sum3A_719[15] : i32 from vector<16xi32>
    %jit3A_721 = arith.constant 128 : i32
    %div3A_722 = arith.divsi %reduce_sum3A_720, %jit3A_721 : i32
    %sign3A_723 = arith.constant 0 : i32
    %sign3A_724 = arith.cmpi sgt, %reduce_sum3A_720, %sign3A_723 : i32
    %sign3A_725 = arith.extui %sign3A_724 : i1 to i32
    %sign3A_726 = arith.constant 0 : i32
    %sign3A_727 = arith.cmpi slt, %reduce_sum3A_720, %sign3A_726 : i32
    %sign3A_728 = arith.extui %sign3A_727 : i1 to i32
    %sign3A_729 = arith.subi %sign3A_725, %sign3A_728 : i32
    %sign3A_730 = arith.constant 0 : i32
    %sign3A_731 = arith.cmpi sgt, %jit3A_721, %sign3A_730 : i32
    %sign3A_732 = arith.extui %sign3A_731 : i1 to i32
    %sign3A_733 = arith.constant 0 : i32
    %sign3A_734 = arith.cmpi slt, %jit3A_721, %sign3A_733 : i32
    %sign3A_735 = arith.extui %sign3A_734 : i1 to i32
    %sign3A_736 = arith.subi %sign3A_732, %sign3A_735 : i32
    %ne3A_737 = arith.cmpi ne, %sign3A_729, %sign3A_736 : i32
    %rem3A_738 = arith.remsi %reduce_sum3A_720, %jit3A_721 : i32
    %ne3A_739 = arith.constant 0 : i32
    %ne3A_740 = arith.cmpi ne, %rem3A_738, %ne3A_739 : i32
    %and3A_741 = arith.andi %ne3A_737, %ne3A_740 : i1
    %sub3A_742 = arith.constant 1 : i32
    %sub3A_743 = arith.subi %div3A_722, %sub3A_742 : i32
    %select_n3A_744 = arith.select %and3A_741, %sub3A_743, %div3A_722 : i32
    %mul3A_745 = arith.constant 128 : i32
    %mul3A_746 = arith.muli %select_n3A_744, %mul3A_745 : i32
    %multiple_of3A_747 = tpu.assume_multiple %mul3A_746, 128 : i32
    %dma_start3A_748 = arith.constant 2 : i32
    %dma_start3A_749 = arith.constant 0 : i32
    %dma_start3A_750 = arith.constant 0 : i32
    %dma_start3A_751 = tpu.memref_slice %arg6[%dma_start3A_748, %dma_start3A_749, %dma_start3A_750] : memref<8x32x128xf32, #tpu.memory_space<vmem>> -> memref<1x32x128xf32, #tpu.memory_space<vmem>>
    %dma_start3A_752 = tpu.memref_squeeze %dma_start3A_751 : memref<1x32x128xf32, #tpu.memory_space<vmem>> -> memref<32x128xf32, #tpu.memory_space<vmem>>
    %dma_start3A_753 = arith.constant 0 : i32
    %dma_start3A_754 = tpu.memref_slice %arg3[%dma_start3A_753, %multiple_of3A_747] : memref<32x100000xf32, #tpu.memory_space<hbm>> -> memref<32x128xf32, #tpu.memory_space<hbm>>
    %dma_start3A_755 = arith.constant 0 : i32
    %dma_start3A_756 = arith.constant 0 : i32
    %dma_start3A_757 = tpu.memref_slice %arg6[%dma_start3A_748, %dma_start3A_755, %dma_start3A_756] : memref<8x32x128xf32, #tpu.memory_space<vmem>> -> memref<1x32x128xf32, #tpu.memory_space<vmem>>
    %dma_start3A_758 = tpu.memref_squeeze %dma_start3A_757 : memref<1x32x128xf32, #tpu.memory_space<vmem>> -> memref<32x128xf32, #tpu.memory_space<vmem>>
    %dma_start3A_759 = arith.constant 0 : i32
    %dma_start3A_760 = tpu.memref_slice %arg3[%dma_start3A_759, %multiple_of3A_747] : memref<32x100000xf32, #tpu.memory_space<hbm>> -> memref<32x128xf32, #tpu.memory_space<hbm>>
    tpu.enqueue_dma source(%dma_start3A_760 : memref<32x128xf32, #tpu.memory_space<hbm>>) target(%dma_start3A_758 : memref<32x128xf32, #tpu.memory_space<vmem>>) target_semaphore(%arg8 : memref<!tpu.dma_semaphore, #tpu.memory_space<semaphore_mem>>)
    %dma_wait3A_761 = arith.constant 3 : i32
    %dma_wait3A_762 = arith.constant 0 : i32
    %dma_wait3A_763 = arith.constant 0 : i32
    %dma_wait3A_764 = tpu.memref_slice %arg6[%dma_wait3A_761, %dma_wait3A_762, %dma_wait3A_763] : memref<8x32x128xf32, #tpu.memory_space<vmem>> -> memref<1x32x128xf32, #tpu.memory_space<vmem>>
    %dma_wait3A_765 = tpu.memref_squeeze %dma_wait3A_764 : memref<1x32x128xf32, #tpu.memory_space<vmem>> -> memref<32x128xf32, #tpu.memory_space<vmem>>
    %dma_wait3A_766 = arith.constant 0 : i32
    %dma_wait3A_767 = tpu.memref_slice %arg3[%dma_wait3A_766, %multiple_of3A_191] : memref<32x100000xf32, #tpu.memory_space<hbm>> -> memref<32x128xf32, #tpu.memory_space<hbm>>
    %dma_wait3A_768 = arith.constant 0 : i32
    %dma_wait3A_769 = arith.constant 0 : i32
    %dma_wait3A_770 = tpu.memref_slice %arg6[%dma_wait3A_761, %dma_wait3A_768, %dma_wait3A_769] : memref<8x32x128xf32, #tpu.memory_space<vmem>> -> memref<1x32x128xf32, #tpu.memory_space<vmem>>
    %dma_wait3A_771 = tpu.memref_squeeze %dma_wait3A_770 : memref<1x32x128xf32, #tpu.memory_space<vmem>> -> memref<32x128xf32, #tpu.memory_space<vmem>>
    %dma_wait3A_772 = arith.constant 0 : i32
    %dma_wait3A_773 = tpu.memref_slice %arg3[%dma_wait3A_772, %multiple_of3A_191] : memref<32x100000xf32, #tpu.memory_space<hbm>> -> memref<32x128xf32, #tpu.memory_space<hbm>>
    tpu.wait_dma2 semaphore(%arg8 : memref<!tpu.dma_semaphore, #tpu.memory_space<semaphore_mem>>) src(%dma_wait3A_773 : memref<32x128xf32, #tpu.memory_space<hbm>>) dst(%dma_wait3A_771 : memref<32x128xf32, #tpu.memory_space<vmem>>)
    %get3A_774 = arith.constant 0 : index
    %get3A_775 = tpu.vector_load %arg5[%get3A_774] {strides = array<i32>} : memref<32xi32, #tpu.memory_space<vmem>>, vector<16xi32>,
    %iota3A_776 = tpu.iota {dimensions = array<i32: 0>} : vector<16xi32>
    %eq3A_777 = arith.constant 3 : i32
    %eq3A_778 = vector.broadcast %eq3A_777 : i32 to vector<16xi32>
    %eq3A_779 = arith.cmpi eq, %iota3A_776, %eq3A_778 : vector<16xi32>
    %jit3A_780 = arith.constant 0 : i32
    %broadcast_in_dim3A_781 = vector.broadcast %jit3A_780 : i32 to vector<16xi32>
    %select_n3A_782 = arith.select %eq3A_779, %get3A_775, %broadcast_in_dim3A_781 : vector<16xi1>, vector<16xi32>
    %reduce_sum3A_783 = arith.constant true
    %reduce_sum3A_784 = vector.broadcast %reduce_sum3A_783 : i1 to vector<16xi1>
    %reduce_sum3A_785 = tpu.scan <sum>, %select_n3A_782 masked %reduce_sum3A_784 : vector<16xi32>, vector<16xi1> -> vector<16xi32>
    %reduce_sum3A_786 = vector.extract %reduce_sum3A_785[15] : i32 from vector<16xi32>
    %jit3A_787 = arith.constant 128 : i32
    %eq3A_788 = arith.constant 0 : i32
    %eq3A_789 = arith.cmpi eq, %jit3A_787, %eq3A_788 : i32
    %jit3A_790 = arith.constant 1 : i32
    %select_n3A_791 = arith.select %eq3A_789, %jit3A_790, %jit3A_787 : i32
    %rem3A_792 = arith.remsi %reduce_sum3A_786, %select_n3A_791 : i32
    %ne3A_793 = arith.constant 0 : i32
    %ne3A_794 = arith.cmpi ne, %rem3A_792, %ne3A_793 : i32
    %lt3A_795 = arith.constant 0 : i32
    %lt3A_796 = arith.cmpi slt, %rem3A_792, %lt3A_795 : i32
    %lt3A_797 = arith.constant 0 : i32
    %lt3A_798 = arith.cmpi slt, %select_n3A_791, %lt3A_797 : i32
    %ne3A_799 = arith.xori %lt3A_796, %lt3A_798 : i1
    %and3A_800 = arith.andi %ne3A_799, %ne3A_794 : i1
    %add3A_801 = arith.addi %rem3A_792, %select_n3A_791 : i32
    %select_n3A_802 = arith.select %and3A_800, %add3A_801, %rem3A_792 : i32
    %broadcast_in_dim3A_803 = vector.broadcast %select_n3A_802 : i32 to vector<16xi32>
    %gather3A_804 = arith.constant 3 : i32
    %gather3A_805 = arith.constant 0 : i32
    %gather3A_806 = arith.constant 0 : i32
    %gather3A_807 = tpu.memref_slice %arg6[%gather3A_804, %gather3A_805, %gather3A_806] : memref<8x32x128xf32, #tpu.memory_space<vmem>> -> memref<1x32x128xf32, #tpu.memory_space<vmem>>
    %gather3A_808 = tpu.memref_squeeze %gather3A_807 : memref<1x32x128xf32, #tpu.memory_space<vmem>> -> memref<32x128xf32, #tpu.memory_space<vmem>>
    %gather3A_809 = tpu.vector_load_idx %gather3A_808[%iota3A, %broadcast_in_dim3A_803] : memref<32x128xf32, #tpu.memory_space<vmem>>[vector<16xi32>, vector<16xi32>], vector<16xf32>,
    %swap3A_810 = arith.constant 3 : i32
    %swap3A_811 = arith.index_cast %swap3A_810 : i32 to index
    %swap3A_812 = arith.constant 0 : index
    %swap3A_813 = tpu.vector_load %arg7[%swap3A_811, %swap3A_812] {strides = array<i32>} : memref<32x32xf32, #tpu.memory_space<vmem>>, vector<16xf32>,
    tpu.vector_store %arg7[%swap3A_811, %swap3A_812], %gather3A_809 {strides = array<i32>} : memref<32x32xf32, #tpu.memory_space<vmem>>, vector<16xf32>,
    %gather3A_814 = arith.constant 3 : i32
    %gather3A_815 = arith.constant 0 : i32
    %gather3A_816 = arith.constant 0 : i32
    %gather3A_817 = tpu.memref_slice %arg6[%gather3A_814, %gather3A_815, %gather3A_816] : memref<8x32x128xf32, #tpu.memory_space<vmem>> -> memref<1x32x128xf32, #tpu.memory_space<vmem>>
    %gather3A_818 = tpu.memref_squeeze %gather3A_817 : memref<1x32x128xf32, #tpu.memory_space<vmem>> -> memref<32x128xf32, #tpu.memory_space<vmem>>
    %gather3A_819 = tpu.vector_load_idx %gather3A_818[%add3A_6, %broadcast_in_dim3A_803] : memref<32x128xf32, #tpu.memory_space<vmem>>[vector<16xi32>, vector<16xi32>], vector<16xf32>,
    %swap3A_820 = arith.constant 3 : i32
    %swap3A_821 = arith.index_cast %swap3A_820 : i32 to index
    %swap3A_822 = arith.constant 16 : index
    %swap3A_823 = tpu.vector_load %arg7[%swap3A_821, %swap3A_822] {strides = array<i32>} : memref<32x32xf32, #tpu.memory_space<vmem>>, vector<16xf32>,
    tpu.vector_store %arg7[%swap3A_821, %swap3A_822], %gather3A_819 {strides = array<i32>} : memref<32x32xf32, #tpu.memory_space<vmem>>, vector<16xf32>,
    %get3A_824 = arith.constant 0 : index
    %get3A_825 = tpu.vector_load %arg5[%get3A_824] {strides = array<i32>} : memref<32xi32, #tpu.memory_space<vmem>>, vector<16xi32>,
    %iota3A_826 = tpu.iota {dimensions = array<i32: 0>} : vector<16xi32>
    %eq3A_827 = arith.constant 11 : i32
    %eq3A_828 = vector.broadcast %eq3A_827 : i32 to vector<16xi32>
    %eq3A_829 = arith.cmpi eq, %iota3A_826, %eq3A_828 : vector<16xi32>
    %jit3A_830 = arith.constant 0 : i32
    %broadcast_in_dim3A_831 = vector.broadcast %jit3A_830 : i32 to vector<16xi32>
    %select_n3A_832 = arith.select %eq3A_829, %get3A_825, %broadcast_in_dim3A_831 : vector<16xi1>, vector<16xi32>
    %reduce_sum3A_833 = arith.constant true
    %reduce_sum3A_834 = vector.broadcast %reduce_sum3A_833 : i1 to vector<16xi1>
    %reduce_sum3A_835 = tpu.scan <sum>, %select_n3A_832 masked %reduce_sum3A_834 : vector<16xi32>, vector<16xi1> -> vector<16xi32>
    %reduce_sum3A_836 = vector.extract %reduce_sum3A_835[15] : i32 from vector<16xi32>
    %jit3A_837 = arith.constant 128 : i32
    %div3A_838 = arith.divsi %reduce_sum3A_836, %jit3A_837 : i32
    %sign3A_839 = arith.constant 0 : i32
    %sign3A_840 = arith.cmpi sgt, %reduce_sum3A_836, %sign3A_839 : i32
    %sign3A_841 = arith.extui %sign3A_840 : i1 to i32
    %sign3A_842 = arith.constant 0 : i32
    %sign3A_843 = arith.cmpi slt, %reduce_sum3A_836, %sign3A_842 : i32
    %sign3A_844 = arith.extui %sign3A_843 : i1 to i32
    %sign3A_845 = arith.subi %sign3A_841, %sign3A_844 : i32
    %sign3A_846 = arith.constant 0 : i32
    %sign3A_847 = arith.cmpi sgt, %jit3A_837, %sign3A_846 : i32
    %sign3A_848 = arith.extui %sign3A_847 : i1 to i32
    %sign3A_849 = arith.constant 0 : i32
    %sign3A_850 = arith.cmpi slt, %jit3A_837, %sign3A_849 : i32
    %sign3A_851 = arith.extui %sign3A_850 : i1 to i32
    %sign3A_852 = arith.subi %sign3A_848, %sign3A_851 : i32
    %ne3A_853 = arith.cmpi ne, %sign3A_845, %sign3A_852 : i32
    %rem3A_854 = arith.remsi %reduce_sum3A_836, %jit3A_837 : i32
    %ne3A_855 = arith.constant 0 : i32
    %ne3A_856 = arith.cmpi ne, %rem3A_854, %ne3A_855 : i32
    %and3A_857 = arith.andi %ne3A_853, %ne3A_856 : i1
    %sub3A_858 = arith.constant 1 : i32
    %sub3A_859 = arith.subi %div3A_838, %sub3A_858 : i32
    %select_n3A_860 = arith.select %and3A_857, %sub3A_859, %div3A_838 : i32
    %mul3A_861 = arith.constant 128 : i32
    %mul3A_862 = arith.muli %select_n3A_860, %mul3A_861 : i32
    %multiple_of3A_863 = tpu.assume_multiple %mul3A_862, 128 : i32
    %dma_start3A_864 = arith.constant 3 : i32
    %dma_start3A_865 = arith.constant 0 : i32
    %dma_start3A_866 = arith.constant 0 : i32
    %dma_start3A_867 = tpu.memref_slice %arg6[%dma_start3A_864, %dma_start3A_865, %dma_start3A_866] : memref<8x32x128xf32, #tpu.memory_space<vmem>> -> memref<1x32x128xf32, #tpu.memory_space<vmem>>
    %dma_start3A_868 = tpu.memref_squeeze %dma_start3A_867 : memref<1x32x128xf32, #tpu.memory_space<vmem>> -> memref<32x128xf32, #tpu.memory_space<vmem>>
    %dma_start3A_869 = arith.constant 0 : i32
    %dma_start3A_870 = tpu.memref_slice %arg3[%dma_start3A_869, %multiple_of3A_863] : memref<32x100000xf32, #tpu.memory_space<hbm>> -> memref<32x128xf32, #tpu.memory_space<hbm>>
    %dma_start3A_871 = arith.constant 0 : i32
    %dma_start3A_872 = arith.constant 0 : i32
    %dma_start3A_873 = tpu.memref_slice %arg6[%dma_start3A_864, %dma_start3A_871, %dma_start3A_872] : memref<8x32x128xf32, #tpu.memory_space<vmem>> -> memref<1x32x128xf32, #tpu.memory_space<vmem>>
    %dma_start3A_874 = tpu.memref_squeeze %dma_start3A_873 : memref<1x32x128xf32, #tpu.memory_space<vmem>> -> memref<32x128xf32, #tpu.memory_space<vmem>>
    %dma_start3A_875 = arith.constant 0 : i32
    %dma_start3A_876 = tpu.memref_slice %arg3[%dma_start3A_875, %multiple_of3A_863] : memref<32x100000xf32, #tpu.memory_space<hbm>> -> memref<32x128xf32, #tpu.memory_space<hbm>>
    tpu.enqueue_dma source(%dma_start3A_876 : memref<32x128xf32, #tpu.memory_space<hbm>>) target(%dma_start3A_874 : memref<32x128xf32, #tpu.memory_space<vmem>>) target_semaphore(%arg8 : memref<!tpu.dma_semaphore, #tpu.memory_space<semaphore_mem>>)
    %dma_wait3A_877 = arith.constant 4 : i32
    %dma_wait3A_878 = arith.constant 0 : i32
    %dma_wait3A_879 = arith.constant 0 : i32
    %dma_wait3A_880 = tpu.memref_slice %arg6[%dma_wait3A_877, %dma_wait3A_878, %dma_wait3A_879] : memref<8x32x128xf32, #tpu.memory_space<vmem>> -> memref<1x32x128xf32, #tpu.memory_space<vmem>>
    %dma_wait3A_881 = tpu.memref_squeeze %dma_wait3A_880 : memref<1x32x128xf32, #tpu.memory_space<vmem>> -> memref<32x128xf32, #tpu.memory_space<vmem>>
    %dma_wait3A_882 = arith.constant 0 : i32
    %dma_wait3A_883 = tpu.memref_slice %arg3[%dma_wait3A_882, %multiple_of3A_244] : memref<32x100000xf32, #tpu.memory_space<hbm>> -> memref<32x128xf32, #tpu.memory_space<hbm>>
    %dma_wait3A_884 = arith.constant 0 : i32
    %dma_wait3A_885 = arith.constant 0 : i32
    %dma_wait3A_886 = tpu.memref_slice %arg6[%dma_wait3A_877, %dma_wait3A_884, %dma_wait3A_885] : memref<8x32x128xf32, #tpu.memory_space<vmem>> -> memref<1x32x128xf32, #tpu.memory_space<vmem>>
    %dma_wait3A_887 = tpu.memref_squeeze %dma_wait3A_886 : memref<1x32x128xf32, #tpu.memory_space<vmem>> -> memref<32x128xf32, #tpu.memory_space<vmem>>
    %dma_wait3A_888 = arith.constant 0 : i32
    %dma_wait3A_889 = tpu.memref_slice %arg3[%dma_wait3A_888, %multiple_of3A_244] : memref<32x100000xf32, #tpu.memory_space<hbm>> -> memref<32x128xf32, #tpu.memory_space<hbm>>
    tpu.wait_dma2 semaphore(%arg8 : memref<!tpu.dma_semaphore, #tpu.memory_space<semaphore_mem>>) src(%dma_wait3A_889 : memref<32x128xf32, #tpu.memory_space<hbm>>) dst(%dma_wait3A_887 : memref<32x128xf32, #tpu.memory_space<vmem>>)
    %get3A_890 = arith.constant 0 : index
    %get3A_891 = tpu.vector_load %arg5[%get3A_890] {strides = array<i32>} : memref<32xi32, #tpu.memory_space<vmem>>, vector<16xi32>,
    %iota3A_892 = tpu.iota {dimensions = array<i32: 0>} : vector<16xi32>
    %eq3A_893 = arith.constant 4 : i32
    %eq3A_894 = vector.broadcast %eq3A_893 : i32 to vector<16xi32>
    %eq3A_895 = arith.cmpi eq, %iota3A_892, %eq3A_894 : vector<16xi32>
    %jit3A_896 = arith.constant 0 : i32
    %broadcast_in_dim3A_897 = vector.broadcast %jit3A_896 : i32 to vector<16xi32>
    %select_n3A_898 = arith.select %eq3A_895, %get3A_891, %broadcast_in_dim3A_897 : vector<16xi1>, vector<16xi32>
    %reduce_sum3A_899 = arith.constant true
    %reduce_sum3A_900 = vector.broadcast %reduce_sum3A_899 : i1 to vector<16xi1>
    %reduce_sum3A_901 = tpu.scan <sum>, %select_n3A_898 masked %reduce_sum3A_900 : vector<16xi32>, vector<16xi1> -> vector<16xi32>
    %reduce_sum3A_902 = vector.extract %reduce_sum3A_901[15] : i32 from vector<16xi32>
    %jit3A_903 = arith.constant 128 : i32
    %eq3A_904 = arith.constant 0 : i32
    %eq3A_905 = arith.cmpi eq, %jit3A_903, %eq3A_904 : i32
    %jit3A_906 = arith.constant 1 : i32
    %select_n3A_907 = arith.select %eq3A_905, %jit3A_906, %jit3A_903 : i32
    %rem3A_908 = arith.remsi %reduce_sum3A_902, %select_n3A_907 : i32
    %ne3A_909 = arith.constant 0 : i32
    %ne3A_910 = arith.cmpi ne, %rem3A_908, %ne3A_909 : i32
    %lt3A_911 = arith.constant 0 : i32
    %lt3A_912 = arith.cmpi slt, %rem3A_908, %lt3A_911 : i32
    %lt3A_913 = arith.constant 0 : i32
    %lt3A_914 = arith.cmpi slt, %select_n3A_907, %lt3A_913 : i32
    %ne3A_915 = arith.xori %lt3A_912, %lt3A_914 : i1
    %and3A_916 = arith.andi %ne3A_915, %ne3A_910 : i1
    %add3A_917 = arith.addi %rem3A_908, %select_n3A_907 : i32
    %select_n3A_918 = arith.select %and3A_916, %add3A_917, %rem3A_908 : i32
    %broadcast_in_dim3A_919 = vector.broadcast %select_n3A_918 : i32 to vector<16xi32>
    %gather3A_920 = arith.constant 4 : i32
    %gather3A_921 = arith.constant 0 : i32
    %gather3A_922 = arith.constant 0 : i32
    %gather3A_923 = tpu.memref_slice %arg6[%gather3A_920, %gather3A_921, %gather3A_922] : memref<8x32x128xf32, #tpu.memory_space<vmem>> -> memref<1x32x128xf32, #tpu.memory_space<vmem>>
    %gather3A_924 = tpu.memref_squeeze %gather3A_923 : memref<1x32x128xf32, #tpu.memory_space<vmem>> -> memref<32x128xf32, #tpu.memory_space<vmem>>
    %gather3A_925 = tpu.vector_load_idx %gather3A_924[%iota3A, %broadcast_in_dim3A_919] : memref<32x128xf32, #tpu.memory_space<vmem>>[vector<16xi32>, vector<16xi32>], vector<16xf32>,
    %swap3A_926 = arith.constant 4 : i32
    %swap3A_927 = arith.index_cast %swap3A_926 : i32 to index
    %swap3A_928 = arith.constant 0 : index
    %swap3A_929 = tpu.vector_load %arg7[%swap3A_927, %swap3A_928] {strides = array<i32>} : memref<32x32xf32, #tpu.memory_space<vmem>>, vector<16xf32>,
    tpu.vector_store %arg7[%swap3A_927, %swap3A_928], %gather3A_925 {strides = array<i32>} : memref<32x32xf32, #tpu.memory_space<vmem>>, vector<16xf32>,
    %gather3A_930 = arith.constant 4 : i32
    %gather3A_931 = arith.constant 0 : i32
    %gather3A_932 = arith.constant 0 : i32
    %gather3A_933 = tpu.memref_slice %arg6[%gather3A_930, %gather3A_931, %gather3A_932] : memref<8x32x128xf32, #tpu.memory_space<vmem>> -> memref<1x32x128xf32, #tpu.memory_space<vmem>>
    %gather3A_934 = tpu.memref_squeeze %gather3A_933 : memref<1x32x128xf32, #tpu.memory_space<vmem>> -> memref<32x128xf32, #tpu.memory_space<vmem>>
    %gather3A_935 = tpu.vector_load_idx %gather3A_934[%add3A_6, %broadcast_in_dim3A_919] : memref<32x128xf32, #tpu.memory_space<vmem>>[vector<16xi32>, vector<16xi32>], vector<16xf32>,
    %swap3A_936 = arith.constant 4 : i32
    %swap3A_937 = arith.index_cast %swap3A_936 : i32 to index
    %swap3A_938 = arith.constant 16 : index
    %swap3A_939 = tpu.vector_load %arg7[%swap3A_937, %swap3A_938] {strides = array<i32>} : memref<32x32xf32, #tpu.memory_space<vmem>>, vector<16xf32>,
    tpu.vector_store %arg7[%swap3A_937, %swap3A_938], %gather3A_935 {strides = array<i32>} : memref<32x32xf32, #tpu.memory_space<vmem>>, vector<16xf32>,
    %get3A_940 = arith.constant 0 : index
    %get3A_941 = tpu.vector_load %arg5[%get3A_940] {strides = array<i32>} : memref<32xi32, #tpu.memory_space<vmem>>, vector<16xi32>,
    %iota3A_942 = tpu.iota {dimensions = array<i32: 0>} : vector<16xi32>
    %eq3A_943 = arith.constant 12 : i32
    %eq3A_944 = vector.broadcast %eq3A_943 : i32 to vector<16xi32>
    %eq3A_945 = arith.cmpi eq, %iota3A_942, %eq3A_944 : vector<16xi32>
    %jit3A_946 = arith.constant 0 : i32
    %broadcast_in_dim3A_947 = vector.broadcast %jit3A_946 : i32 to vector<16xi32>
    %select_n3A_948 = arith.select %eq3A_945, %get3A_941, %broadcast_in_dim3A_947 : vector<16xi1>, vector<16xi32>
    %reduce_sum3A_949 = arith.constant true
    %reduce_sum3A_950 = vector.broadcast %reduce_sum3A_949 : i1 to vector<16xi1>
    %reduce_sum3A_951 = tpu.scan <sum>, %select_n3A_948 masked %reduce_sum3A_950 : vector<16xi32>, vector<16xi1> -> vector<16xi32>
    %reduce_sum3A_952 = vector.extract %reduce_sum3A_951[15] : i32 from vector<16xi32>
    %jit3A_953 = arith.constant 128 : i32
    %div3A_954 = arith.divsi %reduce_sum3A_952, %jit3A_953 : i32
    %sign3A_955 = arith.constant 0 : i32
    %sign3A_956 = arith.cmpi sgt, %reduce_sum3A_952, %sign3A_955 : i32
    %sign3A_957 = arith.extui %sign3A_956 : i1 to i32
    %sign3A_958 = arith.constant 0 : i32
    %sign3A_959 = arith.cmpi slt, %reduce_sum3A_952, %sign3A_958 : i32
    %sign3A_960 = arith.extui %sign3A_959 : i1 to i32
    %sign3A_961 = arith.subi %sign3A_957, %sign3A_960 : i32
    %sign3A_962 = arith.constant 0 : i32
    %sign3A_963 = arith.cmpi sgt, %jit3A_953, %sign3A_962 : i32
    %sign3A_964 = arith.extui %sign3A_963 : i1 to i32
    %sign3A_965 = arith.constant 0 : i32
    %sign3A_966 = arith.cmpi slt, %jit3A_953, %sign3A_965 : i32
    %sign3A_967 = arith.extui %sign3A_966 : i1 to i32
    %sign3A_968 = arith.subi %sign3A_964, %sign3A_967 : i32
    %ne3A_969 = arith.cmpi ne, %sign3A_961, %sign3A_968 : i32
    %rem3A_970 = arith.remsi %reduce_sum3A_952, %jit3A_953 : i32
    %ne3A_971 = arith.constant 0 : i32
    %ne3A_972 = arith.cmpi ne, %rem3A_970, %ne3A_971 : i32
    %and3A_973 = arith.andi %ne3A_969, %ne3A_972 : i1
    %sub3A_974 = arith.constant 1 : i32
    %sub3A_975 = arith.subi %div3A_954, %sub3A_974 : i32
    %select_n3A_976 = arith.select %and3A_973, %sub3A_975, %div3A_954 : i32
    %mul3A_977 = arith.constant 128 : i32
    %mul3A_978 = arith.muli %select_n3A_976, %mul3A_977 : i32
    %multiple_of3A_979 = tpu.assume_multiple %mul3A_978, 128 : i32
    %dma_start3A_980 = arith.constant 4 : i32
    %dma_start3A_981 = arith.constant 0 : i32
    %dma_start3A_982 = arith.constant 0 : i32
    %dma_start3A_983 = tpu.memref_slice %arg6[%dma_start3A_980, %dma_start3A_981, %dma_start3A_982] : memref<8x32x128xf32, #tpu.memory_space<vmem>> -> memref<1x32x128xf32, #tpu.memory_space<vmem>>
    %dma_start3A_984 = tpu.memref_squeeze %dma_start3A_983 : memref<1x32x128xf32, #tpu.memory_space<vmem>> -> memref<32x128xf32, #tpu.memory_space<vmem>>
    %dma_start3A_985 = arith.constant 0 : i32
    %dma_start3A_986 = tpu.memref_slice %arg3[%dma_start3A_985, %multiple_of3A_979] : memref<32x100000xf32, #tpu.memory_space<hbm>> -> memref<32x128xf32, #tpu.memory_space<hbm>>
    %dma_start3A_987 = arith.constant 0 : i32
    %dma_start3A_988 = arith.constant 0 : i32
    %dma_start3A_989 = tpu.memref_slice %arg6[%dma_start3A_980, %dma_start3A_987, %dma_start3A_988] : memref<8x32x128xf32, #tpu.memory_space<vmem>> -> memref<1x32x128xf32, #tpu.memory_space<vmem>>
    %dma_start3A_990 = tpu.memref_squeeze %dma_start3A_989 : memref<1x32x128xf32, #tpu.memory_space<vmem>> -> memref<32x128xf32, #tpu.memory_space<vmem>>
    %dma_start3A_991 = arith.constant 0 : i32
    %dma_start3A_992 = tpu.memref_slice %arg3[%dma_start3A_991, %multiple_of3A_979] : memref<32x100000xf32, #tpu.memory_space<hbm>> -> memref<32x128xf32, #tpu.memory_space<hbm>>
    tpu.enqueue_dma source(%dma_start3A_992 : memref<32x128xf32, #tpu.memory_space<hbm>>) target(%dma_start3A_990 : memref<32x128xf32, #tpu.memory_space<vmem>>) target_semaphore(%arg8 : memref<!tpu.dma_semaphore, #tpu.memory_space<semaphore_mem>>)
    %dma_wait3A_993 = arith.constant 5 : i32
    %dma_wait3A_994 = arith.constant 0 : i32
    %dma_wait3A_995 = arith.constant 0 : i32
    %dma_wait3A_996 = tpu.memref_slice %arg6[%dma_wait3A_993, %dma_wait3A_994, %dma_wait3A_995] : memref<8x32x128xf32, #tpu.memory_space<vmem>> -> memref<1x32x128xf32, #tpu.memory_space<vmem>>
    %dma_wait3A_997 = tpu.memref_squeeze %dma_wait3A_996 : memref<1x32x128xf32, #tpu.memory_space<vmem>> -> memref<32x128xf32, #tpu.memory_space<vmem>>
    %dma_wait3A_998 = arith.constant 0 : i32
    %dma_wait3A_999 = tpu.memref_slice %arg3[%dma_wait3A_998, %multiple_of3A_297] : memref<32x100000xf32, #tpu.memory_space<hbm>> -> memref<32x128xf32, #tpu.memory_space<hbm>>
    %dma_wait3A_1000 = arith.constant 0 : i32
    %dma_wait3A_1001 = arith.constant 0 : i32
    %dma_wait3A_1002 = tpu.memref_slice %arg6[%dma_wait3A_993, %dma_wait3A_1000, %dma_wait3A_1001] : memref<8x32x128xf32, #tpu.memory_space<vmem>> -> memref<1x32x128xf32, #tpu.memory_space<vmem>>
    %dma_wait3A_1003 = tpu.memref_squeeze %dma_wait3A_1002 : memref<1x32x128xf32, #tpu.memory_space<vmem>> -> memref<32x128xf32, #tpu.memory_space<vmem>>
    %dma_wait3A_1004 = arith.constant 0 : i32
    %dma_wait3A_1005 = tpu.memref_slice %arg3[%dma_wait3A_1004, %multiple_of3A_297] : memref<32x100000xf32, #tpu.memory_space<hbm>> -> memref<32x128xf32, #tpu.memory_space<hbm>>
    tpu.wait_dma2 semaphore(%arg8 : memref<!tpu.dma_semaphore, #tpu.memory_space<semaphore_mem>>) src(%dma_wait3A_1005 : memref<32x128xf32, #tpu.memory_space<hbm>>) dst(%dma_wait3A_1003 : memref<32x128xf32, #tpu.memory_space<vmem>>)
    %get3A_1006 = arith.constant 0 : index
    %get3A_1007 = tpu.vector_load %arg5[%get3A_1006] {strides = array<i32>} : memref<32xi32, #tpu.memory_space<vmem>>, vector<16xi32>,
    %iota3A_1008 = tpu.iota {dimensions = array<i32: 0>} : vector<16xi32>
    %eq3A_1009 = arith.constant 5 : i32
    %eq3A_1010 = vector.broadcast %eq3A_1009 : i32 to vector<16xi32>
    %eq3A_1011 = arith.cmpi eq, %iota3A_1008, %eq3A_1010 : vector<16xi32>
    %jit3A_1012 = arith.constant 0 : i32
    %broadcast_in_dim3A_1013 = vector.broadcast %jit3A_1012 : i32 to vector<16xi32>
    %select_n3A_1014 = arith.select %eq3A_1011, %get3A_1007, %broadcast_in_dim3A_1013 : vector<16xi1>, vector<16xi32>
    %reduce_sum3A_1015 = arith.constant true
    %reduce_sum3A_1016 = vector.broadcast %reduce_sum3A_1015 : i1 to vector<16xi1>
    %reduce_sum3A_1017 = tpu.scan <sum>, %select_n3A_1014 masked %reduce_sum3A_1016 : vector<16xi32>, vector<16xi1> -> vector<16xi32>
    %reduce_sum3A_1018 = vector.extract %reduce_sum3A_1017[15] : i32 from vector<16xi32>
    %jit3A_1019 = arith.constant 128 : i32
    %eq3A_1020 = arith.constant 0 : i32
    %eq3A_1021 = arith.cmpi eq, %jit3A_1019, %eq3A_1020 : i32
    %jit3A_1022 = arith.constant 1 : i32
    %select_n3A_1023 = arith.select %eq3A_1021, %jit3A_1022, %jit3A_1019 : i32
    %rem3A_1024 = arith.remsi %reduce_sum3A_1018, %select_n3A_1023 : i32
    %ne3A_1025 = arith.constant 0 : i32
    %ne3A_1026 = arith.cmpi ne, %rem3A_1024, %ne3A_1025 : i32
    %lt3A_1027 = arith.constant 0 : i32
    %lt3A_1028 = arith.cmpi slt, %rem3A_1024, %lt3A_1027 : i32
    %lt3A_1029 = arith.constant 0 : i32
    %lt3A_1030 = arith.cmpi slt, %select_n3A_1023, %lt3A_1029 : i32
    %ne3A_1031 = arith.xori %lt3A_1028, %lt3A_1030 : i1
    %and3A_1032 = arith.andi %ne3A_1031, %ne3A_1026 : i1
    %add3A_1033 = arith.addi %rem3A_1024, %select_n3A_1023 : i32
    %select_n3A_1034 = arith.select %and3A_1032, %add3A_1033, %rem3A_1024 : i32
    %broadcast_in_dim3A_1035 = vector.broadcast %select_n3A_1034 : i32 to vector<16xi32>
    %gather3A_1036 = arith.constant 5 : i32
    %gather3A_1037 = arith.constant 0 : i32
    %gather3A_1038 = arith.constant 0 : i32
    %gather3A_1039 = tpu.memref_slice %arg6[%gather3A_1036, %gather3A_1037, %gather3A_1038] : memref<8x32x128xf32, #tpu.memory_space<vmem>> -> memref<1x32x128xf32, #tpu.memory_space<vmem>>
    %gather3A_1040 = tpu.memref_squeeze %gather3A_1039 : memref<1x32x128xf32, #tpu.memory_space<vmem>> -> memref<32x128xf32, #tpu.memory_space<vmem>>
    %gather3A_1041 = tpu.vector_load_idx %gather3A_1040[%iota3A, %broadcast_in_dim3A_1035] : memref<32x128xf32, #tpu.memory_space<vmem>>[vector<16xi32>, vector<16xi32>], vector<16xf32>,
    %swap3A_1042 = arith.constant 5 : i32
    %swap3A_1043 = arith.index_cast %swap3A_1042 : i32 to index
    %swap3A_1044 = arith.constant 0 : index
    %swap3A_1045 = tpu.vector_load %arg7[%swap3A_1043, %swap3A_1044] {strides = array<i32>} : memref<32x32xf32, #tpu.memory_space<vmem>>, vector<16xf32>,
    tpu.vector_store %arg7[%swap3A_1043, %swap3A_1044], %gather3A_1041 {strides = array<i32>} : memref<32x32xf32, #tpu.memory_space<vmem>>, vector<16xf32>,
    %gather3A_1046 = arith.constant 5 : i32
    %gather3A_1047 = arith.constant 0 : i32
    %gather3A_1048 = arith.constant 0 : i32
    %gather3A_1049 = tpu.memref_slice %arg6[%gather3A_1046, %gather3A_1047, %gather3A_1048] : memref<8x32x128xf32, #tpu.memory_space<vmem>> -> memref<1x32x128xf32, #tpu.memory_space<vmem>>
    %gather3A_1050 = tpu.memref_squeeze %gather3A_1049 : memref<1x32x128xf32, #tpu.memory_space<vmem>> -> memref<32x128xf32, #tpu.memory_space<vmem>>
    %gather3A_1051 = tpu.vector_load_idx %gather3A_1050[%add3A_6, %broadcast_in_dim3A_1035] : memref<32x128xf32, #tpu.memory_space<vmem>>[vector<16xi32>, vector<16xi32>], vector<16xf32>,
    %swap3A_1052 = arith.constant 5 : i32
    %swap3A_1053 = arith.index_cast %swap3A_1052 : i32 to index
    %swap3A_1054 = arith.constant 16 : index
    %swap3A_1055 = tpu.vector_load %arg7[%swap3A_1053, %swap3A_1054] {strides = array<i32>} : memref<32x32xf32, #tpu.memory_space<vmem>>, vector<16xf32>,
    tpu.vector_store %arg7[%swap3A_1053, %swap3A_1054], %gather3A_1051 {strides = array<i32>} : memref<32x32xf32, #tpu.memory_space<vmem>>, vector<16xf32>,
    %get3A_1056 = arith.constant 0 : index
    %get3A_1057 = tpu.vector_load %arg5[%get3A_1056] {strides = array<i32>} : memref<32xi32, #tpu.memory_space<vmem>>, vector<16xi32>,
    %iota3A_1058 = tpu.iota {dimensions = array<i32: 0>} : vector<16xi32>
    %eq3A_1059 = arith.constant 13 : i32
    %eq3A_1060 = vector.broadcast %eq3A_1059 : i32 to vector<16xi32>
    %eq3A_1061 = arith.cmpi eq, %iota3A_1058, %eq3A_1060 : vector<16xi32>
    %jit3A_1062 = arith.constant 0 : i32
    %broadcast_in_dim3A_1063 = vector.broadcast %jit3A_1062 : i32 to vector<16xi32>
    %select_n3A_1064 = arith.select %eq3A_1061, %get3A_1057, %broadcast_in_dim3A_1063 : vector<16xi1>, vector<16xi32>
    %reduce_sum3A_1065 = arith.constant true
    %reduce_sum3A_1066 = vector.broadcast %reduce_sum3A_1065 : i1 to vector<16xi1>
    %reduce_sum3A_1067 = tpu.scan <sum>, %select_n3A_1064 masked %reduce_sum3A_1066 : vector<16xi32>, vector<16xi1> -> vector<16xi32>
    %reduce_sum3A_1068 = vector.extract %reduce_sum3A_1067[15] : i32 from vector<16xi32>
    %jit3A_1069 = arith.constant 128 : i32
    %div3A_1070 = arith.divsi %reduce_sum3A_1068, %jit3A_1069 : i32
    %sign3A_1071 = arith.constant 0 : i32
    %sign3A_1072 = arith.cmpi sgt, %reduce_sum3A_1068, %sign3A_1071 : i32
    %sign3A_1073 = arith.extui %sign3A_1072 : i1 to i32
    %sign3A_1074 = arith.constant 0 : i32
    %sign3A_1075 = arith.cmpi slt, %reduce_sum3A_1068, %sign3A_1074 : i32
    %sign3A_1076 = arith.extui %sign3A_1075 : i1 to i32
    %sign3A_1077 = arith.subi %sign3A_1073, %sign3A_1076 : i32
    %sign3A_1078 = arith.constant 0 : i32
    %sign3A_1079 = arith.cmpi sgt, %jit3A_1069, %sign3A_1078 : i32
    %sign3A_1080 = arith.extui %sign3A_1079 : i1 to i32
    %sign3A_1081 = arith.constant 0 : i32
    %sign3A_1082 = arith.cmpi slt, %jit3A_1069, %sign3A_1081 : i32
    %sign3A_1083 = arith.extui %sign3A_1082 : i1 to i32
    %sign3A_1084 = arith.subi %sign3A_1080, %sign3A_1083 : i32
    %ne3A_1085 = arith.cmpi ne, %sign3A_1077, %sign3A_1084 : i32
    %rem3A_1086 = arith.remsi %reduce_sum3A_1068, %jit3A_1069 : i32
    %ne3A_1087 = arith.constant 0 : i32
    %ne3A_1088 = arith.cmpi ne, %rem3A_1086, %ne3A_1087 : i32
    %and3A_1089 = arith.andi %ne3A_1085, %ne3A_1088 : i1
    %sub3A_1090 = arith.constant 1 : i32
    %sub3A_1091 = arith.subi %div3A_1070, %sub3A_1090 : i32
    %select_n3A_1092 = arith.select %and3A_1089, %sub3A_1091, %div3A_1070 : i32
    %mul3A_1093 = arith.constant 128 : i32
    %mul3A_1094 = arith.muli %select_n3A_1092, %mul3A_1093 : i32
    %multiple_of3A_1095 = tpu.assume_multiple %mul3A_1094, 128 : i32
    %dma_start3A_1096 = arith.constant 5 : i32
    %dma_start3A_1097 = arith.constant 0 : i32
    %dma_start3A_1098 = arith.constant 0 : i32
    %dma_start3A_1099 = tpu.memref_slice %arg6[%dma_start3A_1096, %dma_start3A_1097, %dma_start3A_1098] : memref<8x32x128xf32, #tpu.memory_space<vmem>> -> memref<1x32x128xf32, #tpu.memory_space<vmem>>
    %dma_start3A_1100 = tpu.memref_squeeze %dma_start3A_1099 : memref<1x32x128xf32, #tpu.memory_space<vmem>> -> memref<32x128xf32, #tpu.memory_space<vmem>>
    %dma_start3A_1101 = arith.constant 0 : i32
    %dma_start3A_1102 = tpu.memref_slice %arg3[%dma_start3A_1101, %multiple_of3A_1095] : memref<32x100000xf32, #tpu.memory_space<hbm>> -> memref<32x128xf32, #tpu.memory_space<hbm>>
    %dma_start3A_1103 = arith.constant 0 : i32
    %dma_start3A_1104 = arith.constant 0 : i32
    %dma_start3A_1105 = tpu.memref_slice %arg6[%dma_start3A_1096, %dma_start3A_1103, %dma_start3A_1104] : memref<8x32x128xf32, #tpu.memory_space<vmem>> -> memref<1x32x128xf32, #tpu.memory_space<vmem>>
    %dma_start3A_1106 = tpu.memref_squeeze %dma_start3A_1105 : memref<1x32x128xf32, #tpu.memory_space<vmem>> -> memref<32x128xf32, #tpu.memory_space<vmem>>
    %dma_start3A_1107 = arith.constant 0 : i32
    %dma_start3A_1108 = tpu.memref_slice %arg3[%dma_start3A_1107, %multiple_of3A_1095] : memref<32x100000xf32, #tpu.memory_space<hbm>> -> memref<32x128xf32, #tpu.memory_space<hbm>>
    tpu.enqueue_dma source(%dma_start3A_1108 : memref<32x128xf32, #tpu.memory_space<hbm>>) target(%dma_start3A_1106 : memref<32x128xf32, #tpu.memory_space<vmem>>) target_semaphore(%arg8 : memref<!tpu.dma_semaphore, #tpu.memory_space<semaphore_mem>>)
    %dma_wait3A_1109 = arith.constant 6 : i32
    %dma_wait3A_1110 = arith.constant 0 : i32
    %dma_wait3A_1111 = arith.constant 0 : i32
    %dma_wait3A_1112 = tpu.memref_slice %arg6[%dma_wait3A_1109, %dma_wait3A_1110, %dma_wait3A_1111] : memref<8x32x128xf32, #tpu.memory_space<vmem>> -> memref<1x32x128xf32, #tpu.memory_space<vmem>>
    %dma_wait3A_1113 = tpu.memref_squeeze %dma_wait3A_1112 : memref<1x32x128xf32, #tpu.memory_space<vmem>> -> memref<32x128xf32, #tpu.memory_space<vmem>>
    %dma_wait3A_1114 = arith.constant 0 : i32
    %dma_wait3A_1115 = tpu.memref_slice %arg3[%dma_wait3A_1114, %multiple_of3A_350] : memref<32x100000xf32, #tpu.memory_space<hbm>> -> memref<32x128xf32, #tpu.memory_space<hbm>>
    %dma_wait3A_1116 = arith.constant 0 : i32
    %dma_wait3A_1117 = arith.constant 0 : i32
    %dma_wait3A_1118 = tpu.memref_slice %arg6[%dma_wait3A_1109, %dma_wait3A_1116, %dma_wait3A_1117] : memref<8x32x128xf32, #tpu.memory_space<vmem>> -> memref<1x32x128xf32, #tpu.memory_space<vmem>>
    %dma_wait3A_1119 = tpu.memref_squeeze %dma_wait3A_1118 : memref<1x32x128xf32, #tpu.memory_space<vmem>> -> memref<32x128xf32, #tpu.memory_space<vmem>>
    %dma_wait3A_1120 = arith.constant 0 : i32
    %dma_wait3A_1121 = tpu.memref_slice %arg3[%dma_wait3A_1120, %multiple_of3A_350] : memref<32x100000xf32, #tpu.memory_space<hbm>> -> memref<32x128xf32, #tpu.memory_space<hbm>>
    tpu.wait_dma2 semaphore(%arg8 : memref<!tpu.dma_semaphore, #tpu.memory_space<semaphore_mem>>) src(%dma_wait3A_1121 : memref<32x128xf32, #tpu.memory_space<hbm>>) dst(%dma_wait3A_1119 : memref<32x128xf32, #tpu.memory_space<vmem>>)
    %get3A_1122 = arith.constant 0 : index
    %get3A_1123 = tpu.vector_load %arg5[%get3A_1122] {strides = array<i32>} : memref<32xi32, #tpu.memory_space<vmem>>, vector<16xi32>,
    %iota3A_1124 = tpu.iota {dimensions = array<i32: 0>} : vector<16xi32>
    %eq3A_1125 = arith.constant 6 : i32
    %eq3A_1126 = vector.broadcast %eq3A_1125 : i32 to vector<16xi32>
    %eq3A_1127 = arith.cmpi eq, %iota3A_1124, %eq3A_1126 : vector<16xi32>
    %jit3A_1128 = arith.constant 0 : i32
    %broadcast_in_dim3A_1129 = vector.broadcast %jit3A_1128 : i32 to vector<16xi32>
    %select_n3A_1130 = arith.select %eq3A_1127, %get3A_1123, %broadcast_in_dim3A_1129 : vector<16xi1>, vector<16xi32>
    %reduce_sum3A_1131 = arith.constant true
    %reduce_sum3A_1132 = vector.broadcast %reduce_sum3A_1131 : i1 to vector<16xi1>
    %reduce_sum3A_1133 = tpu.scan <sum>, %select_n3A_1130 masked %reduce_sum3A_1132 : vector<16xi32>, vector<16xi1> -> vector<16xi32>
    %reduce_sum3A_1134 = vector.extract %reduce_sum3A_1133[15] : i32 from vector<16xi32>
    %jit3A_1135 = arith.constant 128 : i32
    %eq3A_1136 = arith.constant 0 : i32
    %eq3A_1137 = arith.cmpi eq, %jit3A_1135, %eq3A_1136 : i32
    %jit3A_1138 = arith.constant 1 : i32
    %select_n3A_1139 = arith.select %eq3A_1137, %jit3A_1138, %jit3A_1135 : i32
    %rem3A_1140 = arith.remsi %reduce_sum3A_1134, %select_n3A_1139 : i32
    %ne3A_1141 = arith.constant 0 : i32
    %ne3A_1142 = arith.cmpi ne, %rem3A_1140, %ne3A_1141 : i32
    %lt3A_1143 = arith.constant 0 : i32
    %lt3A_1144 = arith.cmpi slt, %rem3A_1140, %lt3A_1143 : i32
    %lt3A_1145 = arith.constant 0 : i32
    %lt3A_1146 = arith.cmpi slt, %select_n3A_1139, %lt3A_1145 : i32
    %ne3A_1147 = arith.xori %lt3A_1144, %lt3A_1146 : i1
    %and3A_1148 = arith.andi %ne3A_1147, %ne3A_1142 : i1
    %add3A_1149 = arith.addi %rem3A_1140, %select_n3A_1139 : i32
    %select_n3A_1150 = arith.select %and3A_1148, %add3A_1149, %rem3A_1140 : i32
    %broadcast_in_dim3A_1151 = vector.broadcast %select_n3A_1150 : i32 to vector<16xi32>
    %gather3A_1152 = arith.constant 6 : i32
    %gather3A_1153 = arith.constant 0 : i32
    %gather3A_1154 = arith.constant 0 : i32
    %gather3A_1155 = tpu.memref_slice %arg6[%gather3A_1152, %gather3A_1153, %gather3A_1154] : memref<8x32x128xf32, #tpu.memory_space<vmem>> -> memref<1x32x128xf32, #tpu.memory_space<vmem>>
    %gather3A_1156 = tpu.memref_squeeze %gather3A_1155 : memref<1x32x128xf32, #tpu.memory_space<vmem>> -> memref<32x128xf32, #tpu.memory_space<vmem>>
    %gather3A_1157 = tpu.vector_load_idx %gather3A_1156[%iota3A, %broadcast_in_dim3A_1151] : memref<32x128xf32, #tpu.memory_space<vmem>>[vector<16xi32>, vector<16xi32>], vector<16xf32>,
    %swap3A_1158 = arith.constant 6 : i32
    %swap3A_1159 = arith.index_cast %swap3A_1158 : i32 to index
    %swap3A_1160 = arith.constant 0 : index
    %swap3A_1161 = tpu.vector_load %arg7[%swap3A_1159, %swap3A_1160] {strides = array<i32>} : memref<32x32xf32, #tpu.memory_space<vmem>>, vector<16xf32>,
    tpu.vector_store %arg7[%swap3A_1159, %swap3A_1160], %gather3A_1157 {strides = array<i32>} : memref<32x32xf32, #tpu.memory_space<vmem>>, vector<16xf32>,
    %gather3A_1162 = arith.constant 6 : i32
    %gather3A_1163 = arith.constant 0 : i32
    %gather3A_1164 = arith.constant 0 : i32
    %gather3A_1165 = tpu.memref_slice %arg6[%gather3A_1162, %gather3A_1163, %gather3A_1164] : memref<8x32x128xf32, #tpu.memory_space<vmem>> -> memref<1x32x128xf32, #tpu.memory_space<vmem>>
    %gather3A_1166 = tpu.memref_squeeze %gather3A_1165 : memref<1x32x128xf32, #tpu.memory_space<vmem>> -> memref<32x128xf32, #tpu.memory_space<vmem>>
    %gather3A_1167 = tpu.vector_load_idx %gather3A_1166[%add3A_6, %broadcast_in_dim3A_1151] : memref<32x128xf32, #tpu.memory_space<vmem>>[vector<16xi32>, vector<16xi32>], vector<16xf32>,
    %swap3A_1168 = arith.constant 6 : i32
    %swap3A_1169 = arith.index_cast %swap3A_1168 : i32 to index
    %swap3A_1170 = arith.constant 16 : index
    %swap3A_1171 = tpu.vector_load %arg7[%swap3A_1169, %swap3A_1170] {strides = array<i32>} : memref<32x32xf32, #tpu.memory_space<vmem>>, vector<16xf32>,
    tpu.vector_store %arg7[%swap3A_1169, %swap3A_1170], %gather3A_1167 {strides = array<i32>} : memref<32x32xf32, #tpu.memory_space<vmem>>, vector<16xf32>,
    %get3A_1172 = arith.constant 0 : index
    %get3A_1173 = tpu.vector_load %arg5[%get3A_1172] {strides = array<i32>} : memref<32xi32, #tpu.memory_space<vmem>>, vector<16xi32>,
    %iota3A_1174 = tpu.iota {dimensions = array<i32: 0>} : vector<16xi32>
    %eq3A_1175 = arith.constant 14 : i32
    %eq3A_1176 = vector.broadcast %eq3A_1175 : i32 to vector<16xi32>
    %eq3A_1177 = arith.cmpi eq, %iota3A_1174, %eq3A_1176 : vector<16xi32>
    %jit3A_1178 = arith.constant 0 : i32
    %broadcast_in_dim3A_1179 = vector.broadcast %jit3A_1178 : i32 to vector<16xi32>
    %select_n3A_1180 = arith.select %eq3A_1177, %get3A_1173, %broadcast_in_dim3A_1179 : vector<16xi1>, vector<16xi32>
    %reduce_sum3A_1181 = arith.constant true
    %reduce_sum3A_1182 = vector.broadcast %reduce_sum3A_1181 : i1 to vector<16xi1>
    %reduce_sum3A_1183 = tpu.scan <sum>, %select_n3A_1180 masked %reduce_sum3A_1182 : vector<16xi32>, vector<16xi1> -> vector<16xi32>
    %reduce_sum3A_1184 = vector.extract %reduce_sum3A_1183[15] : i32 from vector<16xi32>
    %jit3A_1185 = arith.constant 128 : i32
    %div3A_1186 = arith.divsi %reduce_sum3A_1184, %jit3A_1185 : i32
    %sign3A_1187 = arith.constant 0 : i32
    %sign3A_1188 = arith.cmpi sgt, %reduce_sum3A_1184, %sign3A_1187 : i32
    %sign3A_1189 = arith.extui %sign3A_1188 : i1 to i32
    %sign3A_1190 = arith.constant 0 : i32
    %sign3A_1191 = arith.cmpi slt, %reduce_sum3A_1184, %sign3A_1190 : i32
    %sign3A_1192 = arith.extui %sign3A_1191 : i1 to i32
    %sign3A_1193 = arith.subi %sign3A_1189, %sign3A_1192 : i32
    %sign3A_1194 = arith.constant 0 : i32
    %sign3A_1195 = arith.cmpi sgt, %jit3A_1185, %sign3A_1194 : i32
    %sign3A_1196 = arith.extui %sign3A_1195 : i1 to i32
    %sign3A_1197 = arith.constant 0 : i32
    %sign3A_1198 = arith.cmpi slt, %jit3A_1185, %sign3A_1197 : i32
    %sign3A_1199 = arith.extui %sign3A_1198 : i1 to i32
    %sign3A_1200 = arith.subi %sign3A_1196, %sign3A_1199 : i32
    %ne3A_1201 = arith.cmpi ne, %sign3A_1193, %sign3A_1200 : i32
    %rem3A_1202 = arith.remsi %reduce_sum3A_1184, %jit3A_1185 : i32
    %ne3A_1203 = arith.constant 0 : i32
    %ne3A_1204 = arith.cmpi ne, %rem3A_1202, %ne3A_1203 : i32
    %and3A_1205 = arith.andi %ne3A_1201, %ne3A_1204 : i1
    %sub3A_1206 = arith.constant 1 : i32
    %sub3A_1207 = arith.subi %div3A_1186, %sub3A_1206 : i32
    %select_n3A_1208 = arith.select %and3A_1205, %sub3A_1207, %div3A_1186 : i32
    %mul3A_1209 = arith.constant 128 : i32
    %mul3A_1210 = arith.muli %select_n3A_1208, %mul3A_1209 : i32
    %multiple_of3A_1211 = tpu.assume_multiple %mul3A_1210, 128 : i32
    %dma_start3A_1212 = arith.constant 6 : i32
    %dma_start3A_1213 = arith.constant 0 : i32
    %dma_start3A_1214 = arith.constant 0 : i32
    %dma_start3A_1215 = tpu.memref_slice %arg6[%dma_start3A_1212, %dma_start3A_1213, %dma_start3A_1214] : memref<8x32x128xf32, #tpu.memory_space<vmem>> -> memref<1x32x128xf32, #tpu.memory_space<vmem>>
    %dma_start3A_1216 = tpu.memref_squeeze %dma_start3A_1215 : memref<1x32x128xf32, #tpu.memory_space<vmem>> -> memref<32x128xf32, #tpu.memory_space<vmem>>
    %dma_start3A_1217 = arith.constant 0 : i32
    %dma_start3A_1218 = tpu.memref_slice %arg3[%dma_start3A_1217, %multiple_of3A_1211] : memref<32x100000xf32, #tpu.memory_space<hbm>> -> memref<32x128xf32, #tpu.memory_space<hbm>>
    %dma_start3A_1219 = arith.constant 0 : i32
    %dma_start3A_1220 = arith.constant 0 : i32
    %dma_start3A_1221 = tpu.memref_slice %arg6[%dma_start3A_1212, %dma_start3A_1219, %dma_start3A_1220] : memref<8x32x128xf32, #tpu.memory_space<vmem>> -> memref<1x32x128xf32, #tpu.memory_space<vmem>>
    %dma_start3A_1222 = tpu.memref_squeeze %dma_start3A_1221 : memref<1x32x128xf32, #tpu.memory_space<vmem>> -> memref<32x128xf32, #tpu.memory_space<vmem>>
    %dma_start3A_1223 = arith.constant 0 : i32
    %dma_start3A_1224 = tpu.memref_slice %arg3[%dma_start3A_1223, %multiple_of3A_1211] : memref<32x100000xf32, #tpu.memory_space<hbm>> -> memref<32x128xf32, #tpu.memory_space<hbm>>
    tpu.enqueue_dma source(%dma_start3A_1224 : memref<32x128xf32, #tpu.memory_space<hbm>>) target(%dma_start3A_1222 : memref<32x128xf32, #tpu.memory_space<vmem>>) target_semaphore(%arg8 : memref<!tpu.dma_semaphore, #tpu.memory_space<semaphore_mem>>)
    %dma_wait3A_1225 = arith.constant 7 : i32
    %dma_wait3A_1226 = arith.constant 0 : i32
    %dma_wait3A_1227 = arith.constant 0 : i32
    %dma_wait3A_1228 = tpu.memref_slice %arg6[%dma_wait3A_1225, %dma_wait3A_1226, %dma_wait3A_1227] : memref<8x32x128xf32, #tpu.memory_space<vmem>> -> memref<1x32x128xf32, #tpu.memory_space<vmem>>
    %dma_wait3A_1229 = tpu.memref_squeeze %dma_wait3A_1228 : memref<1x32x128xf32, #tpu.memory_space<vmem>> -> memref<32x128xf32, #tpu.memory_space<vmem>>
    %dma_wait3A_1230 = arith.constant 0 : i32
    %dma_wait3A_1231 = tpu.memref_slice %arg3[%dma_wait3A_1230, %multiple_of3A_403] : memref<32x100000xf32, #tpu.memory_space<hbm>> -> memref<32x128xf32, #tpu.memory_space<hbm>>
    %dma_wait3A_1232 = arith.constant 0 : i32
    %dma_wait3A_1233 = arith.constant 0 : i32
    %dma_wait3A_1234 = tpu.memref_slice %arg6[%dma_wait3A_1225, %dma_wait3A_1232, %dma_wait3A_1233] : memref<8x32x128xf32, #tpu.memory_space<vmem>> -> memref<1x32x128xf32, #tpu.memory_space<vmem>>
    %dma_wait3A_1235 = tpu.memref_squeeze %dma_wait3A_1234 : memref<1x32x128xf32, #tpu.memory_space<vmem>> -> memref<32x128xf32, #tpu.memory_space<vmem>>
    %dma_wait3A_1236 = arith.constant 0 : i32
    %dma_wait3A_1237 = tpu.memref_slice %arg3[%dma_wait3A_1236, %multiple_of3A_403] : memref<32x100000xf32, #tpu.memory_space<hbm>> -> memref<32x128xf32, #tpu.memory_space<hbm>>
    tpu.wait_dma2 semaphore(%arg8 : memref<!tpu.dma_semaphore, #tpu.memory_space<semaphore_mem>>) src(%dma_wait3A_1237 : memref<32x128xf32, #tpu.memory_space<hbm>>) dst(%dma_wait3A_1235 : memref<32x128xf32, #tpu.memory_space<vmem>>)
    %get3A_1238 = arith.constant 0 : index
    %get3A_1239 = tpu.vector_load %arg5[%get3A_1238] {strides = array<i32>} : memref<32xi32, #tpu.memory_space<vmem>>, vector<16xi32>,
    %iota3A_1240 = tpu.iota {dimensions = array<i32: 0>} : vector<16xi32>
    %eq3A_1241 = arith.constant 7 : i32
    %eq3A_1242 = vector.broadcast %eq3A_1241 : i32 to vector<16xi32>
    %eq3A_1243 = arith.cmpi eq, %iota3A_1240, %eq3A_1242 : vector<16xi32>
    %jit3A_1244 = arith.constant 0 : i32
    %broadcast_in_dim3A_1245 = vector.broadcast %jit3A_1244 : i32 to vector<16xi32>
    %select_n3A_1246 = arith.select %eq3A_1243, %get3A_1239, %broadcast_in_dim3A_1245 : vector<16xi1>, vector<16xi32>
    %reduce_sum3A_1247 = arith.constant true
    %reduce_sum3A_1248 = vector.broadcast %reduce_sum3A_1247 : i1 to vector<16xi1>
    %reduce_sum3A_1249 = tpu.scan <sum>, %select_n3A_1246 masked %reduce_sum3A_1248 : vector<16xi32>, vector<16xi1> -> vector<16xi32>
    %reduce_sum3A_1250 = vector.extract %reduce_sum3A_1249[15] : i32 from vector<16xi32>
    %jit3A_1251 = arith.constant 128 : i32
    %eq3A_1252 = arith.constant 0 : i32
    %eq3A_1253 = arith.cmpi eq, %jit3A_1251, %eq3A_1252 : i32
    %jit3A_1254 = arith.constant 1 : i32
    %select_n3A_1255 = arith.select %eq3A_1253, %jit3A_1254, %jit3A_1251 : i32
    %rem3A_1256 = arith.remsi %reduce_sum3A_1250, %select_n3A_1255 : i32
    %ne3A_1257 = arith.constant 0 : i32
    %ne3A_1258 = arith.cmpi ne, %rem3A_1256, %ne3A_1257 : i32
    %lt3A_1259 = arith.constant 0 : i32
    %lt3A_1260 = arith.cmpi slt, %rem3A_1256, %lt3A_1259 : i32
    %lt3A_1261 = arith.constant 0 : i32
    %lt3A_1262 = arith.cmpi slt, %select_n3A_1255, %lt3A_1261 : i32
    %ne3A_1263 = arith.xori %lt3A_1260, %lt3A_1262 : i1
    %and3A_1264 = arith.andi %ne3A_1263, %ne3A_1258 : i1
    %add3A_1265 = arith.addi %rem3A_1256, %select_n3A_1255 : i32
    %select_n3A_1266 = arith.select %and3A_1264, %add3A_1265, %rem3A_1256 : i32
    %broadcast_in_dim3A_1267 = vector.broadcast %select_n3A_1266 : i32 to vector<16xi32>
    %gather3A_1268 = arith.constant 7 : i32
    %gather3A_1269 = arith.constant 0 : i32
    %gather3A_1270 = arith.constant 0 : i32
    %gather3A_1271 = tpu.memref_slice %arg6[%gather3A_1268, %gather3A_1269, %gather3A_1270] : memref<8x32x128xf32, #tpu.memory_space<vmem>> -> memref<1x32x128xf32, #tpu.memory_space<vmem>>
    %gather3A_1272 = tpu.memref_squeeze %gather3A_1271 : memref<1x32x128xf32, #tpu.memory_space<vmem>> -> memref<32x128xf32, #tpu.memory_space<vmem>>
    %gather3A_1273 = tpu.vector_load_idx %gather3A_1272[%iota3A, %broadcast_in_dim3A_1267] : memref<32x128xf32, #tpu.memory_space<vmem>>[vector<16xi32>, vector<16xi32>], vector<16xf32>,
    %swap3A_1274 = arith.constant 7 : i32
    %swap3A_1275 = arith.index_cast %swap3A_1274 : i32 to index
    %swap3A_1276 = arith.constant 0 : index
    %swap3A_1277 = tpu.vector_load %arg7[%swap3A_1275, %swap3A_1276] {strides = array<i32>} : memref<32x32xf32, #tpu.memory_space<vmem>>, vector<16xf32>,
    tpu.vector_store %arg7[%swap3A_1275, %swap3A_1276], %gather3A_1273 {strides = array<i32>} : memref<32x32xf32, #tpu.memory_space<vmem>>, vector<16xf32>,
    %gather3A_1278 = arith.constant 7 : i32
    %gather3A_1279 = arith.constant 0 : i32
    %gather3A_1280 = arith.constant 0 : i32
    %gather3A_1281 = tpu.memref_slice %arg6[%gather3A_1278, %gather3A_1279, %gather3A_1280] : memref<8x32x128xf32, #tpu.memory_space<vmem>> -> memref<1x32x128xf32, #tpu.memory_space<vmem>>
    %gather3A_1282 = tpu.memref_squeeze %gather3A_1281 : memref<1x32x128xf32, #tpu.memory_space<vmem>> -> memref<32x128xf32, #tpu.memory_space<vmem>>
    %gather3A_1283 = tpu.vector_load_idx %gather3A_1282[%add3A_6, %broadcast_in_dim3A_1267] : memref<32x128xf32, #tpu.memory_space<vmem>>[vector<16xi32>, vector<16xi32>], vector<16xf32>,
    %swap3A_1284 = arith.constant 7 : i32
    %swap3A_1285 = arith.index_cast %swap3A_1284 : i32 to index
    %swap3A_1286 = arith.constant 16 : index
    %swap3A_1287 = tpu.vector_load %arg7[%swap3A_1285, %swap3A_1286] {strides = array<i32>} : memref<32x32xf32, #tpu.memory_space<vmem>>, vector<16xf32>,
    tpu.vector_store %arg7[%swap3A_1285, %swap3A_1286], %gather3A_1283 {strides = array<i32>} : memref<32x32xf32, #tpu.memory_space<vmem>>, vector<16xf32>,
    %get3A_1288 = arith.constant 0 : index
    %get3A_1289 = tpu.vector_load %arg5[%get3A_1288] {strides = array<i32>} : memref<32xi32, #tpu.memory_space<vmem>>, vector<16xi32>,
    %iota3A_1290 = tpu.iota {dimensions = array<i32: 0>} : vector<16xi32>
    %eq3A_1291 = arith.constant 15 : i32
    %eq3A_1292 = vector.broadcast %eq3A_1291 : i32 to vector<16xi32>
    %eq3A_1293 = arith.cmpi eq, %iota3A_1290, %eq3A_1292 : vector<16xi32>
    %jit3A_1294 = arith.constant 0 : i32
    %broadcast_in_dim3A_1295 = vector.broadcast %jit3A_1294 : i32 to vector<16xi32>
    %select_n3A_1296 = arith.select %eq3A_1293, %get3A_1289, %broadcast_in_dim3A_1295 : vector<16xi1>, vector<16xi32>
    %reduce_sum3A_1297 = arith.constant true
    %reduce_sum3A_1298 = vector.broadcast %reduce_sum3A_1297 : i1 to vector<16xi1>
    %reduce_sum3A_1299 = tpu.scan <sum>, %select_n3A_1296 masked %reduce_sum3A_1298 : vector<16xi32>, vector<16xi1> -> vector<16xi32>
    %reduce_sum3A_1300 = vector.extract %reduce_sum3A_1299[15] : i32 from vector<16xi32>
    %jit3A_1301 = arith.constant 128 : i32
    %div3A_1302 = arith.divsi %reduce_sum3A_1300, %jit3A_1301 : i32
    %sign3A_1303 = arith.constant 0 : i32
    %sign3A_1304 = arith.cmpi sgt, %reduce_sum3A_1300, %sign3A_1303 : i32
    %sign3A_1305 = arith.extui %sign3A_1304 : i1 to i32
    %sign3A_1306 = arith.constant 0 : i32
    %sign3A_1307 = arith.cmpi slt, %reduce_sum3A_1300, %sign3A_1306 : i32
    %sign3A_1308 = arith.extui %sign3A_1307 : i1 to i32
    %sign3A_1309 = arith.subi %sign3A_1305, %sign3A_1308 : i32
    %sign3A_1310 = arith.constant 0 : i32
    %sign3A_1311 = arith.cmpi sgt, %jit3A_1301, %sign3A_1310 : i32
    %sign3A_1312 = arith.extui %sign3A_1311 : i1 to i32
    %sign3A_1313 = arith.constant 0 : i32
    %sign3A_1314 = arith.cmpi slt, %jit3A_1301, %sign3A_1313 : i32
    %sign3A_1315 = arith.extui %sign3A_1314 : i1 to i32
    %sign3A_1316 = arith.subi %sign3A_1312, %sign3A_1315 : i32
    %ne3A_1317 = arith.cmpi ne, %sign3A_1309, %sign3A_1316 : i32
    %rem3A_1318 = arith.remsi %reduce_sum3A_1300, %jit3A_1301 : i32
    %ne3A_1319 = arith.constant 0 : i32
    %ne3A_1320 = arith.cmpi ne, %rem3A_1318, %ne3A_1319 : i32
    %and3A_1321 = arith.andi %ne3A_1317, %ne3A_1320 : i1
    %sub3A_1322 = arith.constant 1 : i32
    %sub3A_1323 = arith.subi %div3A_1302, %sub3A_1322 : i32
    %select_n3A_1324 = arith.select %and3A_1321, %sub3A_1323, %div3A_1302 : i32
    %mul3A_1325 = arith.constant 128 : i32
    %mul3A_1326 = arith.muli %select_n3A_1324, %mul3A_1325 : i32
    %multiple_of3A_1327 = tpu.assume_multiple %mul3A_1326, 128 : i32
    %dma_start3A_1328 = arith.constant 7 : i32
    %dma_start3A_1329 = arith.constant 0 : i32
    %dma_start3A_1330 = arith.constant 0 : i32
    %dma_start3A_1331 = tpu.memref_slice %arg6[%dma_start3A_1328, %dma_start3A_1329, %dma_start3A_1330] : memref<8x32x128xf32, #tpu.memory_space<vmem>> -> memref<1x32x128xf32, #tpu.memory_space<vmem>>
    %dma_start3A_1332 = tpu.memref_squeeze %dma_start3A_1331 : memref<1x32x128xf32, #tpu.memory_space<vmem>> -> memref<32x128xf32, #tpu.memory_space<vmem>>
    %dma_start3A_1333 = arith.constant 0 : i32
    %dma_start3A_1334 = tpu.memref_slice %arg3[%dma_start3A_1333, %multiple_of3A_1327] : memref<32x100000xf32, #tpu.memory_space<hbm>> -> memref<32x128xf32, #tpu.memory_space<hbm>>
    %dma_start3A_1335 = arith.constant 0 : i32
    %dma_start3A_1336 = arith.constant 0 : i32
    %dma_start3A_1337 = tpu.memref_slice %arg6[%dma_start3A_1328, %dma_start3A_1335, %dma_start3A_1336] : memref<8x32x128xf32, #tpu.memory_space<vmem>> -> memref<1x32x128xf32, #tpu.memory_space<vmem>>
    %dma_start3A_1338 = tpu.memref_squeeze %dma_start3A_1337 : memref<1x32x128xf32, #tpu.memory_space<vmem>> -> memref<32x128xf32, #tpu.memory_space<vmem>>
    %dma_start3A_1339 = arith.constant 0 : i32
    %dma_start3A_1340 = tpu.memref_slice %arg3[%dma_start3A_1339, %multiple_of3A_1327] : memref<32x100000xf32, #tpu.memory_space<hbm>> -> memref<32x128xf32, #tpu.memory_space<hbm>>
    tpu.enqueue_dma source(%dma_start3A_1340 : memref<32x128xf32, #tpu.memory_space<hbm>>) target(%dma_start3A_1338 : memref<32x128xf32, #tpu.memory_space<vmem>>) target_semaphore(%arg8 : memref<!tpu.dma_semaphore, #tpu.memory_space<semaphore_mem>>)
    %dma_wait3A_1341 = arith.constant 0 : i32
    %dma_wait3A_1342 = arith.constant 0 : i32
    %dma_wait3A_1343 = arith.constant 0 : i32
    %dma_wait3A_1344 = tpu.memref_slice %arg6[%dma_wait3A_1341, %dma_wait3A_1342, %dma_wait3A_1343] : memref<8x32x128xf32, #tpu.memory_space<vmem>> -> memref<1x32x128xf32, #tpu.memory_space<vmem>>
    %dma_wait3A_1345 = tpu.memref_squeeze %dma_wait3A_1344 : memref<1x32x128xf32, #tpu.memory_space<vmem>> -> memref<32x128xf32, #tpu.memory_space<vmem>>
    %dma_wait3A_1346 = arith.constant 0 : i32
    %dma_wait3A_1347 = tpu.memref_slice %arg3[%dma_wait3A_1346, %multiple_of3A_515] : memref<32x100000xf32, #tpu.memory_space<hbm>> -> memref<32x128xf32, #tpu.memory_space<hbm>>
    %dma_wait3A_1348 = arith.constant 0 : i32
    %dma_wait3A_1349 = arith.constant 0 : i32
    %dma_wait3A_1350 = tpu.memref_slice %arg6[%dma_wait3A_1341, %dma_wait3A_1348, %dma_wait3A_1349] : memref<8x32x128xf32, #tpu.memory_space<vmem>> -> memref<1x32x128xf32, #tpu.memory_space<vmem>>
    %dma_wait3A_1351 = tpu.memref_squeeze %dma_wait3A_1350 : memref<1x32x128xf32, #tpu.memory_space<vmem>> -> memref<32x128xf32, #tpu.memory_space<vmem>>
    %dma_wait3A_1352 = arith.constant 0 : i32
    %dma_wait3A_1353 = tpu.memref_slice %arg3[%dma_wait3A_1352, %multiple_of3A_515] : memref<32x100000xf32, #tpu.memory_space<hbm>> -> memref<32x128xf32, #tpu.memory_space<hbm>>
    tpu.wait_dma2 semaphore(%arg8 : memref<!tpu.dma_semaphore, #tpu.memory_space<semaphore_mem>>) src(%dma_wait3A_1353 : memref<32x128xf32, #tpu.memory_space<hbm>>) dst(%dma_wait3A_1351 : memref<32x128xf32, #tpu.memory_space<vmem>>)
    %get3A_1354 = arith.constant 0 : index
    %get3A_1355 = tpu.vector_load %arg5[%get3A_1354] {strides = array<i32>} : memref<32xi32, #tpu.memory_space<vmem>>, vector<16xi32>,
    %iota3A_1356 = tpu.iota {dimensions = array<i32: 0>} : vector<16xi32>
    %eq3A_1357 = arith.constant 8 : i32
    %eq3A_1358 = vector.broadcast %eq3A_1357 : i32 to vector<16xi32>
    %eq3A_1359 = arith.cmpi eq, %iota3A_1356, %eq3A_1358 : vector<16xi32>
    %jit3A_1360 = arith.constant 0 : i32
    %broadcast_in_dim3A_1361 = vector.broadcast %jit3A_1360 : i32 to vector<16xi32>
    %select_n3A_1362 = arith.select %eq3A_1359, %get3A_1355, %broadcast_in_dim3A_1361 : vector<16xi1>, vector<16xi32>
    %reduce_sum3A_1363 = arith.constant true
    %reduce_sum3A_1364 = vector.broadcast %reduce_sum3A_1363 : i1 to vector<16xi1>
    %reduce_sum3A_1365 = tpu.scan <sum>, %select_n3A_1362 masked %reduce_sum3A_1364 : vector<16xi32>, vector<16xi1> -> vector<16xi32>
    %reduce_sum3A_1366 = vector.extract %reduce_sum3A_1365[15] : i32 from vector<16xi32>
    %jit3A_1367 = arith.constant 128 : i32
    %eq3A_1368 = arith.constant 0 : i32
    %eq3A_1369 = arith.cmpi eq, %jit3A_1367, %eq3A_1368 : i32
    %jit3A_1370 = arith.constant 1 : i32
    %select_n3A_1371 = arith.select %eq3A_1369, %jit3A_1370, %jit3A_1367 : i32
    %rem3A_1372 = arith.remsi %reduce_sum3A_1366, %select_n3A_1371 : i32
    %ne3A_1373 = arith.constant 0 : i32
    %ne3A_1374 = arith.cmpi ne, %rem3A_1372, %ne3A_1373 : i32
    %lt3A_1375 = arith.constant 0 : i32
    %lt3A_1376 = arith.cmpi slt, %rem3A_1372, %lt3A_1375 : i32
    %lt3A_1377 = arith.constant 0 : i32
    %lt3A_1378 = arith.cmpi slt, %select_n3A_1371, %lt3A_1377 : i32
    %ne3A_1379 = arith.xori %lt3A_1376, %lt3A_1378 : i1
    %and3A_1380 = arith.andi %ne3A_1379, %ne3A_1374 : i1
    %add3A_1381 = arith.addi %rem3A_1372, %select_n3A_1371 : i32
    %select_n3A_1382 = arith.select %and3A_1380, %add3A_1381, %rem3A_1372 : i32
    %broadcast_in_dim3A_1383 = vector.broadcast %select_n3A_1382 : i32 to vector<16xi32>
    %gather3A_1384 = arith.constant 0 : i32
    %gather3A_1385 = arith.constant 0 : i32
    %gather3A_1386 = arith.constant 0 : i32
    %gather3A_1387 = tpu.memref_slice %arg6[%gather3A_1384, %gather3A_1385, %gather3A_1386] : memref<8x32x128xf32, #tpu.memory_space<vmem>> -> memref<1x32x128xf32, #tpu.memory_space<vmem>>
    %gather3A_1388 = tpu.memref_squeeze %gather3A_1387 : memref<1x32x128xf32, #tpu.memory_space<vmem>> -> memref<32x128xf32, #tpu.memory_space<vmem>>
    %gather3A_1389 = tpu.vector_load_idx %gather3A_1388[%iota3A, %broadcast_in_dim3A_1383] : memref<32x128xf32, #tpu.memory_space<vmem>>[vector<16xi32>, vector<16xi32>], vector<16xf32>,
    %swap3A_1390 = arith.constant 8 : i32
    %swap3A_1391 = arith.index_cast %swap3A_1390 : i32 to index
    %swap3A_1392 = arith.constant 0 : index
    %swap3A_1393 = tpu.vector_load %arg7[%swap3A_1391, %swap3A_1392] {strides = array<i32>} : memref<32x32xf32, #tpu.memory_space<vmem>>, vector<16xf32>,
    tpu.vector_store %arg7[%swap3A_1391, %swap3A_1392], %gather3A_1389 {strides = array<i32>} : memref<32x32xf32, #tpu.memory_space<vmem>>, vector<16xf32>,
    %gather3A_1394 = arith.constant 0 : i32
    %gather3A_1395 = arith.constant 0 : i32
    %gather3A_1396 = arith.constant 0 : i32
    %gather3A_1397 = tpu.memref_slice %arg6[%gather3A_1394, %gather3A_1395, %gather3A_1396] : memref<8x32x128xf32, #tpu.memory_space<vmem>> -> memref<1x32x128xf32, #tpu.memory_space<vmem>>
    %gather3A_1398 = tpu.memref_squeeze %gather3A_1397 : memref<1x32x128xf32, #tpu.memory_space<vmem>> -> memref<32x128xf32, #tpu.memory_space<vmem>>
    %gather3A_1399 = tpu.vector_load_idx %gather3A_1398[%add3A_6, %broadcast_in_dim3A_1383] : memref<32x128xf32, #tpu.memory_space<vmem>>[vector<16xi32>, vector<16xi32>], vector<16xf32>,
    %swap3A_1400 = arith.constant 8 : i32
    %swap3A_1401 = arith.index_cast %swap3A_1400 : i32 to index
    %swap3A_1402 = arith.constant 16 : index
    %swap3A_1403 = tpu.vector_load %arg7[%swap3A_1401, %swap3A_1402] {strides = array<i32>} : memref<32x32xf32, #tpu.memory_space<vmem>>, vector<16xf32>,
    tpu.vector_store %arg7[%swap3A_1401, %swap3A_1402], %gather3A_1399 {strides = array<i32>} : memref<32x32xf32, #tpu.memory_space<vmem>>, vector<16xf32>,
    %get3A_1404 = arith.constant 16 : index
    %get3A_1405 = tpu.vector_load %arg5[%get3A_1404] {strides = array<i32>} : memref<32xi32, #tpu.memory_space<vmem>>, vector<16xi32>,
    %iota3A_1406 = tpu.iota {dimensions = array<i32: 0>} : vector<16xi32>
    %eq3A_1407 = arith.constant 0 : i32
    %eq3A_1408 = vector.broadcast %eq3A_1407 : i32 to vector<16xi32>
    %eq3A_1409 = arith.cmpi eq, %iota3A_1406, %eq3A_1408 : vector<16xi32>
    %jit3A_1410 = arith.constant 0 : i32
    %broadcast_in_dim3A_1411 = vector.broadcast %jit3A_1410 : i32 to vector<16xi32>
    %select_n3A_1412 = arith.select %eq3A_1409, %get3A_1405, %broadcast_in_dim3A_1411 : vector<16xi1>, vector<16xi32>
    %reduce_sum3A_1413 = arith.constant true
    %reduce_sum3A_1414 = vector.broadcast %reduce_sum3A_1413 : i1 to vector<16xi1>
    %reduce_sum3A_1415 = tpu.scan <sum>, %select_n3A_1412 masked %reduce_sum3A_1414 : vector<16xi32>, vector<16xi1> -> vector<16xi32>
    %reduce_sum3A_1416 = vector.extract %reduce_sum3A_1415[15] : i32 from vector<16xi32>
    %jit3A_1417 = arith.constant 128 : i32
    %div3A_1418 = arith.divsi %reduce_sum3A_1416, %jit3A_1417 : i32
    %sign3A_1419 = arith.constant 0 : i32
    %sign3A_1420 = arith.cmpi sgt, %reduce_sum3A_1416, %sign3A_1419 : i32
    %sign3A_1421 = arith.extui %sign3A_1420 : i1 to i32
    %sign3A_1422 = arith.constant 0 : i32
    %sign3A_1423 = arith.cmpi slt, %reduce_sum3A_1416, %sign3A_1422 : i32
    %sign3A_1424 = arith.extui %sign3A_1423 : i1 to i32
    %sign3A_1425 = arith.subi %sign3A_1421, %sign3A_1424 : i32
    %sign3A_1426 = arith.constant 0 : i32
    %sign3A_1427 = arith.cmpi sgt, %jit3A_1417, %sign3A_1426 : i32
    %sign3A_1428 = arith.extui %sign3A_1427 : i1 to i32
    %sign3A_1429 = arith.constant 0 : i32
    %sign3A_1430 = arith.cmpi slt, %jit3A_1417, %sign3A_1429 : i32
    %sign3A_1431 = arith.extui %sign3A_1430 : i1 to i32
    %sign3A_1432 = arith.subi %sign3A_1428, %sign3A_1431 : i32
    %ne3A_1433 = arith.cmpi ne, %sign3A_1425, %sign3A_1432 : i32
    %rem3A_1434 = arith.remsi %reduce_sum3A_1416, %jit3A_1417 : i32
    %ne3A_1435 = arith.constant 0 : i32
    %ne3A_1436 = arith.cmpi ne, %rem3A_1434, %ne3A_1435 : i32
    %and3A_1437 = arith.andi %ne3A_1433, %ne3A_1436 : i1
    %sub3A_1438 = arith.constant 1 : i32
    %sub3A_1439 = arith.subi %div3A_1418, %sub3A_1438 : i32
    %select_n3A_1440 = arith.select %and3A_1437, %sub3A_1439, %div3A_1418 : i32
    %mul3A_1441 = arith.constant 128 : i32
    %mul3A_1442 = arith.muli %select_n3A_1440, %mul3A_1441 : i32
    %multiple_of3A_1443 = tpu.assume_multiple %mul3A_1442, 128 : i32
    %dma_start3A_1444 = arith.constant 0 : i32
    %dma_start3A_1445 = arith.constant 0 : i32
    %dma_start3A_1446 = arith.constant 0 : i32
    %dma_start3A_1447 = tpu.memref_slice %arg6[%dma_start3A_1444, %dma_start3A_1445, %dma_start3A_1446] : memref<8x32x128xf32, #tpu.memory_space<vmem>> -> memref<1x32x128xf32, #tpu.memory_space<vmem>>
    %dma_start3A_1448 = tpu.memref_squeeze %dma_start3A_1447 : memref<1x32x128xf32, #tpu.memory_space<vmem>> -> memref<32x128xf32, #tpu.memory_space<vmem>>
    %dma_start3A_1449 = arith.constant 0 : i32
    %dma_start3A_1450 = tpu.memref_slice %arg3[%dma_start3A_1449, %multiple_of3A_1443] : memref<32x100000xf32, #tpu.memory_space<hbm>> -> memref<32x128xf32, #tpu.memory_space<hbm>>
    %dma_start3A_1451 = arith.constant 0 : i32
    %dma_start3A_1452 = arith.constant 0 : i32
    %dma_start3A_1453 = tpu.memref_slice %arg6[%dma_start3A_1444, %dma_start3A_1451, %dma_start3A_1452] : memref<8x32x128xf32, #tpu.memory_space<vmem>> -> memref<1x32x128xf32, #tpu.memory_space<vmem>>
    %dma_start3A_1454 = tpu.memref_squeeze %dma_start3A_1453 : memref<1x32x128xf32, #tpu.memory_space<vmem>> -> memref<32x128xf32, #tpu.memory_space<vmem>>
    %dma_start3A_1455 = arith.constant 0 : i32
    %dma_start3A_1456 = tpu.memref_slice %arg3[%dma_start3A_1455, %multiple_of3A_1443] : memref<32x100000xf32, #tpu.memory_space<hbm>> -> memref<32x128xf32, #tpu.memory_space<hbm>>
    tpu.enqueue_dma source(%dma_start3A_1456 : memref<32x128xf32, #tpu.memory_space<hbm>>) target(%dma_start3A_1454 : memref<32x128xf32, #tpu.memory_space<vmem>>) target_semaphore(%arg8 : memref<!tpu.dma_semaphore, #tpu.memory_space<semaphore_mem>>)
    %dma_wait3A_1457 = arith.constant 1 : i32
    %dma_wait3A_1458 = arith.constant 0 : i32
    %dma_wait3A_1459 = arith.constant 0 : i32
    %dma_wait3A_1460 = tpu.memref_slice %arg6[%dma_wait3A_1457, %dma_wait3A_1458, %dma_wait3A_1459] : memref<8x32x128xf32, #tpu.memory_space<vmem>> -> memref<1x32x128xf32, #tpu.memory_space<vmem>>
    %dma_wait3A_1461 = tpu.memref_squeeze %dma_wait3A_1460 : memref<1x32x128xf32, #tpu.memory_space<vmem>> -> memref<32x128xf32, #tpu.memory_space<vmem>>
    %dma_wait3A_1462 = arith.constant 0 : i32
    %dma_wait3A_1463 = tpu.memref_slice %arg3[%dma_wait3A_1462, %multiple_of3A_631] : memref<32x100000xf32, #tpu.memory_space<hbm>> -> memref<32x128xf32, #tpu.memory_space<hbm>>
    %dma_wait3A_1464 = arith.constant 0 : i32
    %dma_wait3A_1465 = arith.constant 0 : i32
    %dma_wait3A_1466 = tpu.memref_slice %arg6[%dma_wait3A_1457, %dma_wait3A_1464, %dma_wait3A_1465] : memref<8x32x128xf32, #tpu.memory_space<vmem>> -> memref<1x32x128xf32, #tpu.memory_space<vmem>>
    %dma_wait3A_1467 = tpu.memref_squeeze %dma_wait3A_1466 : memref<1x32x128xf32, #tpu.memory_space<vmem>> -> memref<32x128xf32, #tpu.memory_space<vmem>>
    %dma_wait3A_1468 = arith.constant 0 : i32
    %dma_wait3A_1469 = tpu.memref_slice %arg3[%dma_wait3A_1468, %multiple_of3A_631] : memref<32x100000xf32, #tpu.memory_space<hbm>> -> memref<32x128xf32, #tpu.memory_space<hbm>>
    tpu.wait_dma2 semaphore(%arg8 : memref<!tpu.dma_semaphore, #tpu.memory_space<semaphore_mem>>) src(%dma_wait3A_1469 : memref<32x128xf32, #tpu.memory_space<hbm>>) dst(%dma_wait3A_1467 : memref<32x128xf32, #tpu.memory_space<vmem>>)
    %get3A_1470 = arith.constant 0 : index
    %get3A_1471 = tpu.vector_load %arg5[%get3A_1470] {strides = array<i32>} : memref<32xi32, #tpu.memory_space<vmem>>, vector<16xi32>,
    %iota3A_1472 = tpu.iota {dimensions = array<i32: 0>} : vector<16xi32>
    %eq3A_1473 = arith.constant 9 : i32
    %eq3A_1474 = vector.broadcast %eq3A_1473 : i32 to vector<16xi32>
    %eq3A_1475 = arith.cmpi eq, %iota3A_1472, %eq3A_1474 : vector<16xi32>
    %jit3A_1476 = arith.constant 0 : i32
    %broadcast_in_dim3A_1477 = vector.broadcast %jit3A_1476 : i32 to vector<16xi32>
    %select_n3A_1478 = arith.select %eq3A_1475, %get3A_1471, %broadcast_in_dim3A_1477 : vector<16xi1>, vector<16xi32>
    %reduce_sum3A_1479 = arith.constant true
    %reduce_sum3A_1480 = vector.broadcast %reduce_sum3A_1479 : i1 to vector<16xi1>
    %reduce_sum3A_1481 = tpu.scan <sum>, %select_n3A_1478 masked %reduce_sum3A_1480 : vector<16xi32>, vector<16xi1> -> vector<16xi32>
    %reduce_sum3A_1482 = vector.extract %reduce_sum3A_1481[15] : i32 from vector<16xi32>
    %jit3A_1483 = arith.constant 128 : i32
    %eq3A_1484 = arith.constant 0 : i32
    %eq3A_1485 = arith.cmpi eq, %jit3A_1483, %eq3A_1484 : i32
    %jit3A_1486 = arith.constant 1 : i32
    %select_n3A_1487 = arith.select %eq3A_1485, %jit3A_1486, %jit3A_1483 : i32
    %rem3A_1488 = arith.remsi %reduce_sum3A_1482, %select_n3A_1487 : i32
    %ne3A_1489 = arith.constant 0 : i32
    %ne3A_1490 = arith.cmpi ne, %rem3A_1488, %ne3A_1489 : i32
    %lt3A_1491 = arith.constant 0 : i32
    %lt3A_1492 = arith.cmpi slt, %rem3A_1488, %lt3A_1491 : i32
    %lt3A_1493 = arith.constant 0 : i32
    %lt3A_1494 = arith.cmpi slt, %select_n3A_1487, %lt3A_1493 : i32
    %ne3A_1495 = arith.xori %lt3A_1492, %lt3A_1494 : i1
    %and3A_1496 = arith.andi %ne3A_1495, %ne3A_1490 : i1
    %add3A_1497 = arith.addi %rem3A_1488, %select_n3A_1487 : i32
    %select_n3A_1498 = arith.select %and3A_1496, %add3A_1497, %rem3A_1488 : i32
    %broadcast_in_dim3A_1499 = vector.broadcast %select_n3A_1498 : i32 to vector<16xi32>
    %gather3A_1500 = arith.constant 1 : i32
    %gather3A_1501 = arith.constant 0 : i32
    %gather3A_1502 = arith.constant 0 : i32
    %gather3A_1503 = tpu.memref_slice %arg6[%gather3A_1500, %gather3A_1501, %gather3A_1502] : memref<8x32x128xf32, #tpu.memory_space<vmem>> -> memref<1x32x128xf32, #tpu.memory_space<vmem>>
    %gather3A_1504 = tpu.memref_squeeze %gather3A_1503 : memref<1x32x128xf32, #tpu.memory_space<vmem>> -> memref<32x128xf32, #tpu.memory_space<vmem>>
    %gather3A_1505 = tpu.vector_load_idx %gather3A_1504[%iota3A, %broadcast_in_dim3A_1499] : memref<32x128xf32, #tpu.memory_space<vmem>>[vector<16xi32>, vector<16xi32>], vector<16xf32>,
    %swap3A_1506 = arith.constant 9 : i32
    %swap3A_1507 = arith.index_cast %swap3A_1506 : i32 to index
    %swap3A_1508 = arith.constant 0 : index
    %swap3A_1509 = tpu.vector_load %arg7[%swap3A_1507, %swap3A_1508] {strides = array<i32>} : memref<32x32xf32, #tpu.memory_space<vmem>>, vector<16xf32>,
    tpu.vector_store %arg7[%swap3A_1507, %swap3A_1508], %gather3A_1505 {strides = array<i32>} : memref<32x32xf32, #tpu.memory_space<vmem>>, vector<16xf32>,
    %gather3A_1510 = arith.constant 1 : i32
    %gather3A_1511 = arith.constant 0 : i32
    %gather3A_1512 = arith.constant 0 : i32
    %gather3A_1513 = tpu.memref_slice %arg6[%gather3A_1510, %gather3A_1511, %gather3A_1512] : memref<8x32x128xf32, #tpu.memory_space<vmem>> -> memref<1x32x128xf32, #tpu.memory_space<vmem>>
    %gather3A_1514 = tpu.memref_squeeze %gather3A_1513 : memref<1x32x128xf32, #tpu.memory_space<vmem>> -> memref<32x128xf32, #tpu.memory_space<vmem>>
    %gather3A_1515 = tpu.vector_load_idx %gather3A_1514[%add3A_6, %broadcast_in_dim3A_1499] : memref<32x128xf32, #tpu.memory_space<vmem>>[vector<16xi32>, vector<16xi32>], vector<16xf32>,
    %swap3A_1516 = arith.constant 9 : i32
    %swap3A_1517 = arith.index_cast %swap3A_1516 : i32 to index
    %swap3A_1518 = arith.constant 16 : index
    %swap3A_1519 = tpu.vector_load %arg7[%swap3A_1517, %swap3A_1518] {strides = array<i32>} : memref<32x32xf32, #tpu.memory_space<vmem>>, vector<16xf32>,
    tpu.vector_store %arg7[%swap3A_1517, %swap3A_1518], %gather3A_1515 {strides = array<i32>} : memref<32x32xf32, #tpu.memory_space<vmem>>, vector<16xf32>,
    %get3A_1520 = arith.constant 16 : index
    %get3A_1521 = tpu.vector_load %arg5[%get3A_1520] {strides = array<i32>} : memref<32xi32, #tpu.memory_space<vmem>>, vector<16xi32>,
    %iota3A_1522 = tpu.iota {dimensions = array<i32: 0>} : vector<16xi32>
    %eq3A_1523 = arith.constant 1 : i32
    %eq3A_1524 = vector.broadcast %eq3A_1523 : i32 to vector<16xi32>
    %eq3A_1525 = arith.cmpi eq, %iota3A_1522, %eq3A_1524 : vector<16xi32>
    %jit3A_1526 = arith.constant 0 : i32
    %broadcast_in_dim3A_1527 = vector.broadcast %jit3A_1526 : i32 to vector<16xi32>
    %select_n3A_1528 = arith.select %eq3A_1525, %get3A_1521, %broadcast_in_dim3A_1527 : vector<16xi1>, vector<16xi32>
    %reduce_sum3A_1529 = arith.constant true
    %reduce_sum3A_1530 = vector.broadcast %reduce_sum3A_1529 : i1 to vector<16xi1>
    %reduce_sum3A_1531 = tpu.scan <sum>, %select_n3A_1528 masked %reduce_sum3A_1530 : vector<16xi32>, vector<16xi1> -> vector<16xi32>
    %reduce_sum3A_1532 = vector.extract %reduce_sum3A_1531[15] : i32 from vector<16xi32>
    %jit3A_1533 = arith.constant 128 : i32
    %div3A_1534 = arith.divsi %reduce_sum3A_1532, %jit3A_1533 : i32
    %sign3A_1535 = arith.constant 0 : i32
    %sign3A_1536 = arith.cmpi sgt, %reduce_sum3A_1532, %sign3A_1535 : i32
    %sign3A_1537 = arith.extui %sign3A_1536 : i1 to i32
    %sign3A_1538 = arith.constant 0 : i32
    %sign3A_1539 = arith.cmpi slt, %reduce_sum3A_1532, %sign3A_1538 : i32
    %sign3A_1540 = arith.extui %sign3A_1539 : i1 to i32
    %sign3A_1541 = arith.subi %sign3A_1537, %sign3A_1540 : i32
    %sign3A_1542 = arith.constant 0 : i32
    %sign3A_1543 = arith.cmpi sgt, %jit3A_1533, %sign3A_1542 : i32
    %sign3A_1544 = arith.extui %sign3A_1543 : i1 to i32
    %sign3A_1545 = arith.constant 0 : i32
    %sign3A_1546 = arith.cmpi slt, %jit3A_1533, %sign3A_1545 : i32
    %sign3A_1547 = arith.extui %sign3A_1546 : i1 to i32
    %sign3A_1548 = arith.subi %sign3A_1544, %sign3A_1547 : i32
    %ne3A_1549 = arith.cmpi ne, %sign3A_1541, %sign3A_1548 : i32
    %rem3A_1550 = arith.remsi %reduce_sum3A_1532, %jit3A_1533 : i32
    %ne3A_1551 = arith.constant 0 : i32
    %ne3A_1552 = arith.cmpi ne, %rem3A_1550, %ne3A_1551 : i32
    %and3A_1553 = arith.andi %ne3A_1549, %ne3A_1552 : i1
    %sub3A_1554 = arith.constant 1 : i32
    %sub3A_1555 = arith.subi %div3A_1534, %sub3A_1554 : i32
    %select_n3A_1556 = arith.select %and3A_1553, %sub3A_1555, %div3A_1534 : i32
    %mul3A_1557 = arith.constant 128 : i32
    %mul3A_1558 = arith.muli %select_n3A_1556, %mul3A_1557 : i32
    %multiple_of3A_1559 = tpu.assume_multiple %mul3A_1558, 128 : i32
    %dma_start3A_1560 = arith.constant 1 : i32
    %dma_start3A_1561 = arith.constant 0 : i32
    %dma_start3A_1562 = arith.constant 0 : i32
    %dma_start3A_1563 = tpu.memref_slice %arg6[%dma_start3A_1560, %dma_start3A_1561, %dma_start3A_1562] : memref<8x32x128xf32, #tpu.memory_space<vmem>> -> memref<1x32x128xf32, #tpu.memory_space<vmem>>
    %dma_start3A_1564 = tpu.memref_squeeze %dma_start3A_1563 : memref<1x32x128xf32, #tpu.memory_space<vmem>> -> memref<32x128xf32, #tpu.memory_space<vmem>>
    %dma_start3A_1565 = arith.constant 0 : i32
    %dma_start3A_1566 = tpu.memref_slice %arg3[%dma_start3A_1565, %multiple_of3A_1559] : memref<32x100000xf32, #tpu.memory_space<hbm>> -> memref<32x128xf32, #tpu.memory_space<hbm>>
    %dma_start3A_1567 = arith.constant 0 : i32
    %dma_start3A_1568 = arith.constant 0 : i32
    %dma_start3A_1569 = tpu.memref_slice %arg6[%dma_start3A_1560, %dma_start3A_1567, %dma_start3A_1568] : memref<8x32x128xf32, #tpu.memory_space<vmem>> -> memref<1x32x128xf32, #tpu.memory_space<vmem>>
    %dma_start3A_1570 = tpu.memref_squeeze %dma_start3A_1569 : memref<1x32x128xf32, #tpu.memory_space<vmem>> -> memref<32x128xf32, #tpu.memory_space<vmem>>
    %dma_start3A_1571 = arith.constant 0 : i32
    %dma_start3A_1572 = tpu.memref_slice %arg3[%dma_start3A_1571, %multiple_of3A_1559] : memref<32x100000xf32, #tpu.memory_space<hbm>> -> memref<32x128xf32, #tpu.memory_space<hbm>>
    tpu.enqueue_dma source(%dma_start3A_1572 : memref<32x128xf32, #tpu.memory_space<hbm>>) target(%dma_start3A_1570 : memref<32x128xf32, #tpu.memory_space<vmem>>) target_semaphore(%arg8 : memref<!tpu.dma_semaphore, #tpu.memory_space<semaphore_mem>>)
    %dma_wait3A_1573 = arith.constant 2 : i32
    %dma_wait3A_1574 = arith.constant 0 : i32
    %dma_wait3A_1575 = arith.constant 0 : i32
    %dma_wait3A_1576 = tpu.memref_slice %arg6[%dma_wait3A_1573, %dma_wait3A_1574, %dma_wait3A_1575] : memref<8x32x128xf32, #tpu.memory_space<vmem>> -> memref<1x32x128xf32, #tpu.memory_space<vmem>>
    %dma_wait3A_1577 = tpu.memref_squeeze %dma_wait3A_1576 : memref<1x32x128xf32, #tpu.memory_space<vmem>> -> memref<32x128xf32, #tpu.memory_space<vmem>>
    %dma_wait3A_1578 = arith.constant 0 : i32
    %dma_wait3A_1579 = tpu.memref_slice %arg3[%dma_wait3A_1578, %multiple_of3A_747] : memref<32x100000xf32, #tpu.memory_space<hbm>> -> memref<32x128xf32, #tpu.memory_space<hbm>>
    %dma_wait3A_1580 = arith.constant 0 : i32
    %dma_wait3A_1581 = arith.constant 0 : i32
    %dma_wait3A_1582 = tpu.memref_slice %arg6[%dma_wait3A_1573, %dma_wait3A_1580, %dma_wait3A_1581] : memref<8x32x128xf32, #tpu.memory_space<vmem>> -> memref<1x32x128xf32, #tpu.memory_space<vmem>>
    %dma_wait3A_1583 = tpu.memref_squeeze %dma_wait3A_1582 : memref<1x32x128xf32, #tpu.memory_space<vmem>> -> memref<32x128xf32, #tpu.memory_space<vmem>>
    %dma_wait3A_1584 = arith.constant 0 : i32
    %dma_wait3A_1585 = tpu.memref_slice %arg3[%dma_wait3A_1584, %multiple_of3A_747] : memref<32x100000xf32, #tpu.memory_space<hbm>> -> memref<32x128xf32, #tpu.memory_space<hbm>>
    tpu.wait_dma2 semaphore(%arg8 : memref<!tpu.dma_semaphore, #tpu.memory_space<semaphore_mem>>) src(%dma_wait3A_1585 : memref<32x128xf32, #tpu.memory_space<hbm>>) dst(%dma_wait3A_1583 : memref<32x128xf32, #tpu.memory_space<vmem>>)
    %get3A_1586 = arith.constant 0 : index
    %get3A_1587 = tpu.vector_load %arg5[%get3A_1586] {strides = array<i32>} : memref<32xi32, #tpu.memory_space<vmem>>, vector<16xi32>,
    %iota3A_1588 = tpu.iota {dimensions = array<i32: 0>} : vector<16xi32>
    %eq3A_1589 = arith.constant 10 : i32
    %eq3A_1590 = vector.broadcast %eq3A_1589 : i32 to vector<16xi32>
    %eq3A_1591 = arith.cmpi eq, %iota3A_1588, %eq3A_1590 : vector<16xi32>
    %jit3A_1592 = arith.constant 0 : i32
    %broadcast_in_dim3A_1593 = vector.broadcast %jit3A_1592 : i32 to vector<16xi32>
    %select_n3A_1594 = arith.select %eq3A_1591, %get3A_1587, %broadcast_in_dim3A_1593 : vector<16xi1>, vector<16xi32>
    %reduce_sum3A_1595 = arith.constant true
    %reduce_sum3A_1596 = vector.broadcast %reduce_sum3A_1595 : i1 to vector<16xi1>
    %reduce_sum3A_1597 = tpu.scan <sum>, %select_n3A_1594 masked %reduce_sum3A_1596 : vector<16xi32>, vector<16xi1> -> vector<16xi32>
    %reduce_sum3A_1598 = vector.extract %reduce_sum3A_1597[15] : i32 from vector<16xi32>
    %jit3A_1599 = arith.constant 128 : i32
    %eq3A_1600 = arith.constant 0 : i32
    %eq3A_1601 = arith.cmpi eq, %jit3A_1599, %eq3A_1600 : i32
    %jit3A_1602 = arith.constant 1 : i32
    %select_n3A_1603 = arith.select %eq3A_1601, %jit3A_1602, %jit3A_1599 : i32
    %rem3A_1604 = arith.remsi %reduce_sum3A_1598, %select_n3A_1603 : i32
    %ne3A_1605 = arith.constant 0 : i32
    %ne3A_1606 = arith.cmpi ne, %rem3A_1604, %ne3A_1605 : i32
    %lt3A_1607 = arith.constant 0 : i32
    %lt3A_1608 = arith.cmpi slt, %rem3A_1604, %lt3A_1607 : i32
    %lt3A_1609 = arith.constant 0 : i32
    %lt3A_1610 = arith.cmpi slt, %select_n3A_1603, %lt3A_1609 : i32
    %ne3A_1611 = arith.xori %lt3A_1608, %lt3A_1610 : i1
    %and3A_1612 = arith.andi %ne3A_1611, %ne3A_1606 : i1
    %add3A_1613 = arith.addi %rem3A_1604, %select_n3A_1603 : i32
    %select_n3A_1614 = arith.select %and3A_1612, %add3A_1613, %rem3A_1604 : i32
    %broadcast_in_dim3A_1615 = vector.broadcast %select_n3A_1614 : i32 to vector<16xi32>
    %gather3A_1616 = arith.constant 2 : i32
    %gather3A_1617 = arith.constant 0 : i32
    %gather3A_1618 = arith.constant 0 : i32
    %gather3A_1619 = tpu.memref_slice %arg6[%gather3A_1616, %gather3A_1617, %gather3A_1618] : memref<8x32x128xf32, #tpu.memory_space<vmem>> -> memref<1x32x128xf32, #tpu.memory_space<vmem>>
    %gather3A_1620 = tpu.memref_squeeze %gather3A_1619 : memref<1x32x128xf32, #tpu.memory_space<vmem>> -> memref<32x128xf32, #tpu.memory_space<vmem>>
    %gather3A_1621 = tpu.vector_load_idx %gather3A_1620[%iota3A, %broadcast_in_dim3A_1615] : memref<32x128xf32, #tpu.memory_space<vmem>>[vector<16xi32>, vector<16xi32>], vector<16xf32>,
    %swap3A_1622 = arith.constant 10 : i32
    %swap3A_1623 = arith.index_cast %swap3A_1622 : i32 to index
    %swap3A_1624 = arith.constant 0 : index
    %swap3A_1625 = tpu.vector_load %arg7[%swap3A_1623, %swap3A_1624] {strides = array<i32>} : memref<32x32xf32, #tpu.memory_space<vmem>>, vector<16xf32>,
    tpu.vector_store %arg7[%swap3A_1623, %swap3A_1624], %gather3A_1621 {strides = array<i32>} : memref<32x32xf32, #tpu.memory_space<vmem>>, vector<16xf32>,
    %gather3A_1626 = arith.constant 2 : i32
    %gather3A_1627 = arith.constant 0 : i32
    %gather3A_1628 = arith.constant 0 : i32
    %gather3A_1629 = tpu.memref_slice %arg6[%gather3A_1626, %gather3A_1627, %gather3A_1628] : memref<8x32x128xf32, #tpu.memory_space<vmem>> -> memref<1x32x128xf32, #tpu.memory_space<vmem>>
    %gather3A_1630 = tpu.memref_squeeze %gather3A_1629 : memref<1x32x128xf32, #tpu.memory_space<vmem>> -> memref<32x128xf32, #tpu.memory_space<vmem>>
    %gather3A_1631 = tpu.vector_load_idx %gather3A_1630[%add3A_6, %broadcast_in_dim3A_1615] : memref<32x128xf32, #tpu.memory_space<vmem>>[vector<16xi32>, vector<16xi32>], vector<16xf32>,
    %swap3A_1632 = arith.constant 10 : i32
    %swap3A_1633 = arith.index_cast %swap3A_1632 : i32 to index
    %swap3A_1634 = arith.constant 16 : index
    %swap3A_1635 = tpu.vector_load %arg7[%swap3A_1633, %swap3A_1634] {strides = array<i32>} : memref<32x32xf32, #tpu.memory_space<vmem>>, vector<16xf32>,
    tpu.vector_store %arg7[%swap3A_1633, %swap3A_1634], %gather3A_1631 {strides = array<i32>} : memref<32x32xf32, #tpu.memory_space<vmem>>, vector<16xf32>,
    %get3A_1636 = arith.constant 16 : index
    %get3A_1637 = tpu.vector_load %arg5[%get3A_1636] {strides = array<i32>} : memref<32xi32, #tpu.memory_space<vmem>>, vector<16xi32>,
    %iota3A_1638 = tpu.iota {dimensions = array<i32: 0>} : vector<16xi32>
    %eq3A_1639 = arith.constant 2 : i32
    %eq3A_1640 = vector.broadcast %eq3A_1639 : i32 to vector<16xi32>
    %eq3A_1641 = arith.cmpi eq, %iota3A_1638, %eq3A_1640 : vector<16xi32>
    %jit3A_1642 = arith.constant 0 : i32
    %broadcast_in_dim3A_1643 = vector.broadcast %jit3A_1642 : i32 to vector<16xi32>
    %select_n3A_1644 = arith.select %eq3A_1641, %get3A_1637, %broadcast_in_dim3A_1643 : vector<16xi1>, vector<16xi32>
    %reduce_sum3A_1645 = arith.constant true
    %reduce_sum3A_1646 = vector.broadcast %reduce_sum3A_1645 : i1 to vector<16xi1>
    %reduce_sum3A_1647 = tpu.scan <sum>, %select_n3A_1644 masked %reduce_sum3A_1646 : vector<16xi32>, vector<16xi1> -> vector<16xi32>
    %reduce_sum3A_1648 = vector.extract %reduce_sum3A_1647[15] : i32 from vector<16xi32>
    %jit3A_1649 = arith.constant 128 : i32
    %div3A_1650 = arith.divsi %reduce_sum3A_1648, %jit3A_1649 : i32
    %sign3A_1651 = arith.constant 0 : i32
    %sign3A_1652 = arith.cmpi sgt, %reduce_sum3A_1648, %sign3A_1651 : i32
    %sign3A_1653 = arith.extui %sign3A_1652 : i1 to i32
    %sign3A_1654 = arith.constant 0 : i32
    %sign3A_1655 = arith.cmpi slt, %reduce_sum3A_1648, %sign3A_1654 : i32
    %sign3A_1656 = arith.extui %sign3A_1655 : i1 to i32
    %sign3A_1657 = arith.subi %sign3A_1653, %sign3A_1656 : i32
    %sign3A_1658 = arith.constant 0 : i32
    %sign3A_1659 = arith.cmpi sgt, %jit3A_1649, %sign3A_1658 : i32
    %sign3A_1660 = arith.extui %sign3A_1659 : i1 to i32
    %sign3A_1661 = arith.constant 0 : i32
    %sign3A_1662 = arith.cmpi slt, %jit3A_1649, %sign3A_1661 : i32
    %sign3A_1663 = arith.extui %sign3A_1662 : i1 to i32
    %sign3A_1664 = arith.subi %sign3A_1660, %sign3A_1663 : i32
    %ne3A_1665 = arith.cmpi ne, %sign3A_1657, %sign3A_1664 : i32
    %rem3A_1666 = arith.remsi %reduce_sum3A_1648, %jit3A_1649 : i32
    %ne3A_1667 = arith.constant 0 : i32
    %ne3A_1668 = arith.cmpi ne, %rem3A_1666, %ne3A_1667 : i32
    %and3A_1669 = arith.andi %ne3A_1665, %ne3A_1668 : i1
    %sub3A_1670 = arith.constant 1 : i32
    %sub3A_1671 = arith.subi %div3A_1650, %sub3A_1670 : i32
    %select_n3A_1672 = arith.select %and3A_1669, %sub3A_1671, %div3A_1650 : i32
    %mul3A_1673 = arith.constant 128 : i32
    %mul3A_1674 = arith.muli %select_n3A_1672, %mul3A_1673 : i32
    %multiple_of3A_1675 = tpu.assume_multiple %mul3A_1674, 128 : i32
    %dma_start3A_1676 = arith.constant 2 : i32
    %dma_start3A_1677 = arith.constant 0 : i32
    %dma_start3A_1678 = arith.constant 0 : i32
    %dma_start3A_1679 = tpu.memref_slice %arg6[%dma_start3A_1676, %dma_start3A_1677, %dma_start3A_1678] : memref<8x32x128xf32, #tpu.memory_space<vmem>> -> memref<1x32x128xf32, #tpu.memory_space<vmem>>
    %dma_start3A_1680 = tpu.memref_squeeze %dma_start3A_1679 : memref<1x32x128xf32, #tpu.memory_space<vmem>> -> memref<32x128xf32, #tpu.memory_space<vmem>>
    %dma_start3A_1681 = arith.constant 0 : i32
    %dma_start3A_1682 = tpu.memref_slice %arg3[%dma_start3A_1681, %multiple_of3A_1675] : memref<32x100000xf32, #tpu.memory_space<hbm>> -> memref<32x128xf32, #tpu.memory_space<hbm>>
    %dma_start3A_1683 = arith.constant 0 : i32
    %dma_start3A_1684 = arith.constant 0 : i32
    %dma_start3A_1685 = tpu.memref_slice %arg6[%dma_start3A_1676, %dma_start3A_1683, %dma_start3A_1684] : memref<8x32x128xf32, #tpu.memory_space<vmem>> -> memref<1x32x128xf32, #tpu.memory_space<vmem>>
    %dma_start3A_1686 = tpu.memref_squeeze %dma_start3A_1685 : memref<1x32x128xf32, #tpu.memory_space<vmem>> -> memref<32x128xf32, #tpu.memory_space<vmem>>
    %dma_start3A_1687 = arith.constant 0 : i32
    %dma_start3A_1688 = tpu.memref_slice %arg3[%dma_start3A_1687, %multiple_of3A_1675] : memref<32x100000xf32, #tpu.memory_space<hbm>> -> memref<32x128xf32, #tpu.memory_space<hbm>>
    tpu.enqueue_dma source(%dma_start3A_1688 : memref<32x128xf32, #tpu.memory_space<hbm>>) target(%dma_start3A_1686 : memref<32x128xf32, #tpu.memory_space<vmem>>) target_semaphore(%arg8 : memref<!tpu.dma_semaphore, #tpu.memory_space<semaphore_mem>>)
    %dma_wait3A_1689 = arith.constant 3 : i32
    %dma_wait3A_1690 = arith.constant 0 : i32
    %dma_wait3A_1691 = arith.constant 0 : i32
    %dma_wait3A_1692 = tpu.memref_slice %arg6[%dma_wait3A_1689, %dma_wait3A_1690, %dma_wait3A_1691] : memref<8x32x128xf32, #tpu.memory_space<vmem>> -> memref<1x32x128xf32, #tpu.memory_space<vmem>>
    %dma_wait3A_1693 = tpu.memref_squeeze %dma_wait3A_1692 : memref<1x32x128xf32, #tpu.memory_space<vmem>> -> memref<32x128xf32, #tpu.memory_space<vmem>>
    %dma_wait3A_1694 = arith.constant 0 : i32
    %dma_wait3A_1695 = tpu.memref_slice %arg3[%dma_wait3A_1694, %multiple_of3A_863] : memref<32x100000xf32, #tpu.memory_space<hbm>> -> memref<32x128xf32, #tpu.memory_space<hbm>>
    %dma_wait3A_1696 = arith.constant 0 : i32
    %dma_wait3A_1697 = arith.constant 0 : i32
    %dma_wait3A_1698 = tpu.memref_slice %arg6[%dma_wait3A_1689, %dma_wait3A_1696, %dma_wait3A_1697] : memref<8x32x128xf32, #tpu.memory_space<vmem>> -> memref<1x32x128xf32, #tpu.memory_space<vmem>>
    %dma_wait3A_1699 = tpu.memref_squeeze %dma_wait3A_1698 : memref<1x32x128xf32, #tpu.memory_space<vmem>> -> memref<32x128xf32, #tpu.memory_space<vmem>>
    %dma_wait3A_1700 = arith.constant 0 : i32
    %dma_wait3A_1701 = tpu.memref_slice %arg3[%dma_wait3A_1700, %multiple_of3A_863] : memref<32x100000xf32, #tpu.memory_space<hbm>> -> memref<32x128xf32, #tpu.memory_space<hbm>>
    tpu.wait_dma2 semaphore(%arg8 : memref<!tpu.dma_semaphore, #tpu.memory_space<semaphore_mem>>) src(%dma_wait3A_1701 : memref<32x128xf32, #tpu.memory_space<hbm>>) dst(%dma_wait3A_1699 : memref<32x128xf32, #tpu.memory_space<vmem>>)
    %get3A_1702 = arith.constant 0 : index
    %get3A_1703 = tpu.vector_load %arg5[%get3A_1702] {strides = array<i32>} : memref<32xi32, #tpu.memory_space<vmem>>, vector<16xi32>,
    %iota3A_1704 = tpu.iota {dimensions = array<i32: 0>} : vector<16xi32>
    %eq3A_1705 = arith.constant 11 : i32
    %eq3A_1706 = vector.broadcast %eq3A_1705 : i32 to vector<16xi32>
    %eq3A_1707 = arith.cmpi eq, %iota3A_1704, %eq3A_1706 : vector<16xi32>
    %jit3A_1708 = arith.constant 0 : i32
    %broadcast_in_dim3A_1709 = vector.broadcast %jit3A_1708 : i32 to vector<16xi32>
    %select_n3A_1710 = arith.select %eq3A_1707, %get3A_1703, %broadcast_in_dim3A_1709 : vector<16xi1>, vector<16xi32>
    %reduce_sum3A_1711 = arith.constant true
    %reduce_sum3A_1712 = vector.broadcast %reduce_sum3A_1711 : i1 to vector<16xi1>
    %reduce_sum3A_1713 = tpu.scan <sum>, %select_n3A_1710 masked %reduce_sum3A_1712 : vector<16xi32>, vector<16xi1> -> vector<16xi32>
    %reduce_sum3A_1714 = vector.extract %reduce_sum3A_1713[15] : i32 from vector<16xi32>
    %jit3A_1715 = arith.constant 128 : i32
    %eq3A_1716 = arith.constant 0 : i32
    %eq3A_1717 = arith.cmpi eq, %jit3A_1715, %eq3A_1716 : i32
    %jit3A_1718 = arith.constant 1 : i32
    %select_n3A_1719 = arith.select %eq3A_1717, %jit3A_1718, %jit3A_1715 : i32
    %rem3A_1720 = arith.remsi %reduce_sum3A_1714, %select_n3A_1719 : i32
    %ne3A_1721 = arith.constant 0 : i32
    %ne3A_1722 = arith.cmpi ne, %rem3A_1720, %ne3A_1721 : i32
    %lt3A_1723 = arith.constant 0 : i32
    %lt3A_1724 = arith.cmpi slt, %rem3A_1720, %lt3A_1723 : i32
    %lt3A_1725 = arith.constant 0 : i32
    %lt3A_1726 = arith.cmpi slt, %select_n3A_1719, %lt3A_1725 : i32
    %ne3A_1727 = arith.xori %lt3A_1724, %lt3A_1726 : i1
    %and3A_1728 = arith.andi %ne3A_1727, %ne3A_1722 : i1
    %add3A_1729 = arith.addi %rem3A_1720, %select_n3A_1719 : i32
    %select_n3A_1730 = arith.select %and3A_1728, %add3A_1729, %rem3A_1720 : i32
    %broadcast_in_dim3A_1731 = vector.broadcast %select_n3A_1730 : i32 to vector<16xi32>
    %gather3A_1732 = arith.constant 3 : i32
    %gather3A_1733 = arith.constant 0 : i32
    %gather3A_1734 = arith.constant 0 : i32
    %gather3A_1735 = tpu.memref_slice %arg6[%gather3A_1732, %gather3A_1733, %gather3A_1734] : memref<8x32x128xf32, #tpu.memory_space<vmem>> -> memref<1x32x128xf32, #tpu.memory_space<vmem>>
    %gather3A_1736 = tpu.memref_squeeze %gather3A_1735 : memref<1x32x128xf32, #tpu.memory_space<vmem>> -> memref<32x128xf32, #tpu.memory_space<vmem>>
    %gather3A_1737 = tpu.vector_load_idx %gather3A_1736[%iota3A, %broadcast_in_dim3A_1731] : memref<32x128xf32, #tpu.memory_space<vmem>>[vector<16xi32>, vector<16xi32>], vector<16xf32>,
    %swap3A_1738 = arith.constant 11 : i32
    %swap3A_1739 = arith.index_cast %swap3A_1738 : i32 to index
    %swap3A_1740 = arith.constant 0 : index
    %swap3A_1741 = tpu.vector_load %arg7[%swap3A_1739, %swap3A_1740] {strides = array<i32>} : memref<32x32xf32, #tpu.memory_space<vmem>>, vector<16xf32>,
    tpu.vector_store %arg7[%swap3A_1739, %swap3A_1740], %gather3A_1737 {strides = array<i32>} : memref<32x32xf32, #tpu.memory_space<vmem>>, vector<16xf32>,
    %gather3A_1742 = arith.constant 3 : i32
    %gather3A_1743 = arith.constant 0 : i32
    %gather3A_1744 = arith.constant 0 : i32
    %gather3A_1745 = tpu.memref_slice %arg6[%gather3A_1742, %gather3A_1743, %gather3A_1744] : memref<8x32x128xf32, #tpu.memory_space<vmem>> -> memref<1x32x128xf32, #tpu.memory_space<vmem>>
    %gather3A_1746 = tpu.memref_squeeze %gather3A_1745 : memref<1x32x128xf32, #tpu.memory_space<vmem>> -> memref<32x128xf32, #tpu.memory_space<vmem>>
    %gather3A_1747 = tpu.vector_load_idx %gather3A_1746[%add3A_6, %broadcast_in_dim3A_1731] : memref<32x128xf32, #tpu.memory_space<vmem>>[vector<16xi32>, vector<16xi32>], vector<16xf32>,
    %swap3A_1748 = arith.constant 11 : i32
    %swap3A_1749 = arith.index_cast %swap3A_1748 : i32 to index
    %swap3A_1750 = arith.constant 16 : index
    %swap3A_1751 = tpu.vector_load %arg7[%swap3A_1749, %swap3A_1750] {strides = array<i32>} : memref<32x32xf32, #tpu.memory_space<vmem>>, vector<16xf32>,
    tpu.vector_store %arg7[%swap3A_1749, %swap3A_1750], %gather3A_1747 {strides = array<i32>} : memref<32x32xf32, #tpu.memory_space<vmem>>, vector<16xf32>,
    %get3A_1752 = arith.constant 16 : index
    %get3A_1753 = tpu.vector_load %arg5[%get3A_1752] {strides = array<i32>} : memref<32xi32, #tpu.memory_space<vmem>>, vector<16xi32>,
    %iota3A_1754 = tpu.iota {dimensions = array<i32: 0>} : vector<16xi32>
    %eq3A_1755 = arith.constant 3 : i32
    %eq3A_1756 = vector.broadcast %eq3A_1755 : i32 to vector<16xi32>
    %eq3A_1757 = arith.cmpi eq, %iota3A_1754, %eq3A_1756 : vector<16xi32>
    %jit3A_1758 = arith.constant 0 : i32
    %broadcast_in_dim3A_1759 = vector.broadcast %jit3A_1758 : i32 to vector<16xi32>
    %select_n3A_1760 = arith.select %eq3A_1757, %get3A_1753, %broadcast_in_dim3A_1759 : vector<16xi1>, vector<16xi32>
    %reduce_sum3A_1761 = arith.constant true
    %reduce_sum3A_1762 = vector.broadcast %reduce_sum3A_1761 : i1 to vector<16xi1>
    %reduce_sum3A_1763 = tpu.scan <sum>, %select_n3A_1760 masked %reduce_sum3A_1762 : vector<16xi32>, vector<16xi1> -> vector<16xi32>
    %reduce_sum3A_1764 = vector.extract %reduce_sum3A_1763[15] : i32 from vector<16xi32>
    %jit3A_1765 = arith.constant 128 : i32
    %div3A_1766 = arith.divsi %reduce_sum3A_1764, %jit3A_1765 : i32
    %sign3A_1767 = arith.constant 0 : i32
    %sign3A_1768 = arith.cmpi sgt, %reduce_sum3A_1764, %sign3A_1767 : i32
    %sign3A_1769 = arith.extui %sign3A_1768 : i1 to i32
    %sign3A_1770 = arith.constant 0 : i32
    %sign3A_1771 = arith.cmpi slt, %reduce_sum3A_1764, %sign3A_1770 : i32
    %sign3A_1772 = arith.extui %sign3A_1771 : i1 to i32
    %sign3A_1773 = arith.subi %sign3A_1769, %sign3A_1772 : i32
    %sign3A_1774 = arith.constant 0 : i32
    %sign3A_1775 = arith.cmpi sgt, %jit3A_1765, %sign3A_1774 : i32
    %sign3A_1776 = arith.extui %sign3A_1775 : i1 to i32
    %sign3A_1777 = arith.constant 0 : i32
    %sign3A_1778 = arith.cmpi slt, %jit3A_1765, %sign3A_1777 : i32
    %sign3A_1779 = arith.extui %sign3A_1778 : i1 to i32
    %sign3A_1780 = arith.subi %sign3A_1776, %sign3A_1779 : i32
    %ne3A_1781 = arith.cmpi ne, %sign3A_1773, %sign3A_1780 : i32
    %rem3A_1782 = arith.remsi %reduce_sum3A_1764, %jit3A_1765 : i32
    %ne3A_1783 = arith.constant 0 : i32
    %ne3A_1784 = arith.cmpi ne, %rem3A_1782, %ne3A_1783 : i32
    %and3A_1785 = arith.andi %ne3A_1781, %ne3A_1784 : i1
    %sub3A_1786 = arith.constant 1 : i32
    %sub3A_1787 = arith.subi %div3A_1766, %sub3A_1786 : i32
    %select_n3A_1788 = arith.select %and3A_1785, %sub3A_1787, %div3A_1766 : i32
    %mul3A_1789 = arith.constant 128 : i32
    %mul3A_1790 = arith.muli %select_n3A_1788, %mul3A_1789 : i32
    %multiple_of3A_1791 = tpu.assume_multiple %mul3A_1790, 128 : i32
    %dma_start3A_1792 = arith.constant 3 : i32
    %dma_start3A_1793 = arith.constant 0 : i32
    %dma_start3A_1794 = arith.constant 0 : i32
    %dma_start3A_1795 = tpu.memref_slice %arg6[%dma_start3A_1792, %dma_start3A_1793, %dma_start3A_1794] : memref<8x32x128xf32, #tpu.memory_space<vmem>> -> memref<1x32x128xf32, #tpu.memory_space<vmem>>
    %dma_start3A_1796 = tpu.memref_squeeze %dma_start3A_1795 : memref<1x32x128xf32, #tpu.memory_space<vmem>> -> memref<32x128xf32, #tpu.memory_space<vmem>>
    %dma_start3A_1797 = arith.constant 0 : i32
    %dma_start3A_1798 = tpu.memref_slice %arg3[%dma_start3A_1797, %multiple_of3A_1791] : memref<32x100000xf32, #tpu.memory_space<hbm>> -> memref<32x128xf32, #tpu.memory_space<hbm>>
    %dma_start3A_1799 = arith.constant 0 : i32
    %dma_start3A_1800 = arith.constant 0 : i32
    %dma_start3A_1801 = tpu.memref_slice %arg6[%dma_start3A_1792, %dma_start3A_1799, %dma_start3A_1800] : memref<8x32x128xf32, #tpu.memory_space<vmem>> -> memref<1x32x128xf32, #tpu.memory_space<vmem>>
    %dma_start3A_1802 = tpu.memref_squeeze %dma_start3A_1801 : memref<1x32x128xf32, #tpu.memory_space<vmem>> -> memref<32x128xf32, #tpu.memory_space<vmem>>
    %dma_start3A_1803 = arith.constant 0 : i32
    %dma_start3A_1804 = tpu.memref_slice %arg3[%dma_start3A_1803, %multiple_of3A_1791] : memref<32x100000xf32, #tpu.memory_space<hbm>> -> memref<32x128xf32, #tpu.memory_space<hbm>>
    tpu.enqueue_dma source(%dma_start3A_1804 : memref<32x128xf32, #tpu.memory_space<hbm>>) target(%dma_start3A_1802 : memref<32x128xf32, #tpu.memory_space<vmem>>) target_semaphore(%arg8 : memref<!tpu.dma_semaphore, #tpu.memory_space<semaphore_mem>>)
    %dma_wait3A_1805 = arith.constant 4 : i32
    %dma_wait3A_1806 = arith.constant 0 : i32
    %dma_wait3A_1807 = arith.constant 0 : i32
    %dma_wait3A_1808 = tpu.memref_slice %arg6[%dma_wait3A_1805, %dma_wait3A_1806, %dma_wait3A_1807] : memref<8x32x128xf32, #tpu.memory_space<vmem>> -> memref<1x32x128xf32, #tpu.memory_space<vmem>>
    %dma_wait3A_1809 = tpu.memref_squeeze %dma_wait3A_1808 : memref<1x32x128xf32, #tpu.memory_space<vmem>> -> memref<32x128xf32, #tpu.memory_space<vmem>>
    %dma_wait3A_1810 = arith.constant 0 : i32
    %dma_wait3A_1811 = tpu.memref_slice %arg3[%dma_wait3A_1810, %multiple_of3A_979] : memref<32x100000xf32, #tpu.memory_space<hbm>> -> memref<32x128xf32, #tpu.memory_space<hbm>>
    %dma_wait3A_1812 = arith.constant 0 : i32
    %dma_wait3A_1813 = arith.constant 0 : i32
    %dma_wait3A_1814 = tpu.memref_slice %arg6[%dma_wait3A_1805, %dma_wait3A_1812, %dma_wait3A_1813] : memref<8x32x128xf32, #tpu.memory_space<vmem>> -> memref<1x32x128xf32, #tpu.memory_space<vmem>>
    %dma_wait3A_1815 = tpu.memref_squeeze %dma_wait3A_1814 : memref<1x32x128xf32, #tpu.memory_space<vmem>> -> memref<32x128xf32, #tpu.memory_space<vmem>>
    %dma_wait3A_1816 = arith.constant 0 : i32
    %dma_wait3A_1817 = tpu.memref_slice %arg3[%dma_wait3A_1816, %multiple_of3A_979] : memref<32x100000xf32, #tpu.memory_space<hbm>> -> memref<32x128xf32, #tpu.memory_space<hbm>>
    tpu.wait_dma2 semaphore(%arg8 : memref<!tpu.dma_semaphore, #tpu.memory_space<semaphore_mem>>) src(%dma_wait3A_1817 : memref<32x128xf32, #tpu.memory_space<hbm>>) dst(%dma_wait3A_1815 : memref<32x128xf32, #tpu.memory_space<vmem>>)
    %get3A_1818 = arith.constant 0 : index
    %get3A_1819 = tpu.vector_load %arg5[%get3A_1818] {strides = array<i32>} : memref<32xi32, #tpu.memory_space<vmem>>, vector<16xi32>,
    %iota3A_1820 = tpu.iota {dimensions = array<i32: 0>} : vector<16xi32>
    %eq3A_1821 = arith.constant 12 : i32
    %eq3A_1822 = vector.broadcast %eq3A_1821 : i32 to vector<16xi32>
    %eq3A_1823 = arith.cmpi eq, %iota3A_1820, %eq3A_1822 : vector<16xi32>
    %jit3A_1824 = arith.constant 0 : i32
    %broadcast_in_dim3A_1825 = vector.broadcast %jit3A_1824 : i32 to vector<16xi32>
    %select_n3A_1826 = arith.select %eq3A_1823, %get3A_1819, %broadcast_in_dim3A_1825 : vector<16xi1>, vector<16xi32>
    %reduce_sum3A_1827 = arith.constant true
    %reduce_sum3A_1828 = vector.broadcast %reduce_sum3A_1827 : i1 to vector<16xi1>
    %reduce_sum3A_1829 = tpu.scan <sum>, %select_n3A_1826 masked %reduce_sum3A_1828 : vector<16xi32>, vector<16xi1> -> vector<16xi32>
    %reduce_sum3A_1830 = vector.extract %reduce_sum3A_1829[15] : i32 from vector<16xi32>
    %jit3A_1831 = arith.constant 128 : i32
    %eq3A_1832 = arith.constant 0 : i32
    %eq3A_1833 = arith.cmpi eq, %jit3A_1831, %eq3A_1832 : i32
    %jit3A_1834 = arith.constant 1 : i32
    %select_n3A_1835 = arith.select %eq3A_1833, %jit3A_1834, %jit3A_1831 : i32
    %rem3A_1836 = arith.remsi %reduce_sum3A_1830, %select_n3A_1835 : i32
    %ne3A_1837 = arith.constant 0 : i32
    %ne3A_1838 = arith.cmpi ne, %rem3A_1836, %ne3A_1837 : i32
    %lt3A_1839 = arith.constant 0 : i32
    %lt3A_1840 = arith.cmpi slt, %rem3A_1836, %lt3A_1839 : i32
    %lt3A_1841 = arith.constant 0 : i32
    %lt3A_1842 = arith.cmpi slt, %select_n3A_1835, %lt3A_1841 : i32
    %ne3A_1843 = arith.xori %lt3A_1840, %lt3A_1842 : i1
    %and3A_1844 = arith.andi %ne3A_1843, %ne3A_1838 : i1
    %add3A_1845 = arith.addi %rem3A_1836, %select_n3A_1835 : i32
    %select_n3A_1846 = arith.select %and3A_1844, %add3A_1845, %rem3A_1836 : i32
    %broadcast_in_dim3A_1847 = vector.broadcast %select_n3A_1846 : i32 to vector<16xi32>
    %gather3A_1848 = arith.constant 4 : i32
    %gather3A_1849 = arith.constant 0 : i32
    %gather3A_1850 = arith.constant 0 : i32
    %gather3A_1851 = tpu.memref_slice %arg6[%gather3A_1848, %gather3A_1849, %gather3A_1850] : memref<8x32x128xf32, #tpu.memory_space<vmem>> -> memref<1x32x128xf32, #tpu.memory_space<vmem>>
    %gather3A_1852 = tpu.memref_squeeze %gather3A_1851 : memref<1x32x128xf32, #tpu.memory_space<vmem>> -> memref<32x128xf32, #tpu.memory_space<vmem>>
    %gather3A_1853 = tpu.vector_load_idx %gather3A_1852[%iota3A, %broadcast_in_dim3A_1847] : memref<32x128xf32, #tpu.memory_space<vmem>>[vector<16xi32>, vector<16xi32>], vector<16xf32>,
    %swap3A_1854 = arith.constant 12 : i32
    %swap3A_1855 = arith.index_cast %swap3A_1854 : i32 to index
    %swap3A_1856 = arith.constant 0 : index
    %swap3A_1857 = tpu.vector_load %arg7[%swap3A_1855, %swap3A_1856] {strides = array<i32>} : memref<32x32xf32, #tpu.memory_space<vmem>>, vector<16xf32>,
    tpu.vector_store %arg7[%swap3A_1855, %swap3A_1856], %gather3A_1853 {strides = array<i32>} : memref<32x32xf32, #tpu.memory_space<vmem>>, vector<16xf32>,
    %gather3A_1858 = arith.constant 4 : i32
    %gather3A_1859 = arith.constant 0 : i32
    %gather3A_1860 = arith.constant 0 : i32
    %gather3A_1861 = tpu.memref_slice %arg6[%gather3A_1858, %gather3A_1859, %gather3A_1860] : memref<8x32x128xf32, #tpu.memory_space<vmem>> -> memref<1x32x128xf32, #tpu.memory_space<vmem>>
    %gather3A_1862 = tpu.memref_squeeze %gather3A_1861 : memref<1x32x128xf32, #tpu.memory_space<vmem>> -> memref<32x128xf32, #tpu.memory_space<vmem>>
    %gather3A_1863 = tpu.vector_load_idx %gather3A_1862[%add3A_6, %broadcast_in_dim3A_1847] : memref<32x128xf32, #tpu.memory_space<vmem>>[vector<16xi32>, vector<16xi32>], vector<16xf32>,
    %swap3A_1864 = arith.constant 12 : i32
    %swap3A_1865 = arith.index_cast %swap3A_1864 : i32 to index
    %swap3A_1866 = arith.constant 16 : index
    %swap3A_1867 = tpu.vector_load %arg7[%swap3A_1865, %swap3A_1866] {strides = array<i32>} : memref<32x32xf32, #tpu.memory_space<vmem>>, vector<16xf32>,
    tpu.vector_store %arg7[%swap3A_1865, %swap3A_1866], %gather3A_1863 {strides = array<i32>} : memref<32x32xf32, #tpu.memory_space<vmem>>, vector<16xf32>,
    %get3A_1868 = arith.constant 16 : index
    %get3A_1869 = tpu.vector_load %arg5[%get3A_1868] {strides = array<i32>} : memref<32xi32, #tpu.memory_space<vmem>>, vector<16xi32>,
    %iota3A_1870 = tpu.iota {dimensions = array<i32: 0>} : vector<16xi32>
    %eq3A_1871 = arith.constant 4 : i32
    %eq3A_1872 = vector.broadcast %eq3A_1871 : i32 to vector<16xi32>
    %eq3A_1873 = arith.cmpi eq, %iota3A_1870, %eq3A_1872 : vector<16xi32>
    %jit3A_1874 = arith.constant 0 : i32
    %broadcast_in_dim3A_1875 = vector.broadcast %jit3A_1874 : i32 to vector<16xi32>
    %select_n3A_1876 = arith.select %eq3A_1873, %get3A_1869, %broadcast_in_dim3A_1875 : vector<16xi1>, vector<16xi32>
    %reduce_sum3A_1877 = arith.constant true
    %reduce_sum3A_1878 = vector.broadcast %reduce_sum3A_1877 : i1 to vector<16xi1>
    %reduce_sum3A_1879 = tpu.scan <sum>, %select_n3A_1876 masked %reduce_sum3A_1878 : vector<16xi32>, vector<16xi1> -> vector<16xi32>
    %reduce_sum3A_1880 = vector.extract %reduce_sum3A_1879[15] : i32 from vector<16xi32>
    %jit3A_1881 = arith.constant 128 : i32
    %div3A_1882 = arith.divsi %reduce_sum3A_1880, %jit3A_1881 : i32
    %sign3A_1883 = arith.constant 0 : i32
    %sign3A_1884 = arith.cmpi sgt, %reduce_sum3A_1880, %sign3A_1883 : i32
    %sign3A_1885 = arith.extui %sign3A_1884 : i1 to i32
    %sign3A_1886 = arith.constant 0 : i32
    %sign3A_1887 = arith.cmpi slt, %reduce_sum3A_1880, %sign3A_1886 : i32
    %sign3A_1888 = arith.extui %sign3A_1887 : i1 to i32
    %sign3A_1889 = arith.subi %sign3A_1885, %sign3A_1888 : i32
    %sign3A_1890 = arith.constant 0 : i32
    %sign3A_1891 = arith.cmpi sgt, %jit3A_1881, %sign3A_1890 : i32
    %sign3A_1892 = arith.extui %sign3A_1891 : i1 to i32
    %sign3A_1893 = arith.constant 0 : i32
    %sign3A_1894 = arith.cmpi slt, %jit3A_1881, %sign3A_1893 : i32
    %sign3A_1895 = arith.extui %sign3A_1894 : i1 to i32
    %sign3A_1896 = arith.subi %sign3A_1892, %sign3A_1895 : i32
    %ne3A_1897 = arith.cmpi ne, %sign3A_1889, %sign3A_1896 : i32
    %rem3A_1898 = arith.remsi %reduce_sum3A_1880, %jit3A_1881 : i32
    %ne3A_1899 = arith.constant 0 : i32
    %ne3A_1900 = arith.cmpi ne, %rem3A_1898, %ne3A_1899 : i32
    %and3A_1901 = arith.andi %ne3A_1897, %ne3A_1900 : i1
    %sub3A_1902 = arith.constant 1 : i32
    %sub3A_1903 = arith.subi %div3A_1882, %sub3A_1902 : i32
    %select_n3A_1904 = arith.select %and3A_1901, %sub3A_1903, %div3A_1882 : i32
    %mul3A_1905 = arith.constant 128 : i32
    %mul3A_1906 = arith.muli %select_n3A_1904, %mul3A_1905 : i32
    %multiple_of3A_1907 = tpu.assume_multiple %mul3A_1906, 128 : i32
    %dma_start3A_1908 = arith.constant 4 : i32
    %dma_start3A_1909 = arith.constant 0 : i32
    %dma_start3A_1910 = arith.constant 0 : i32
    %dma_start3A_1911 = tpu.memref_slice %arg6[%dma_start3A_1908, %dma_start3A_1909, %dma_start3A_1910] : memref<8x32x128xf32, #tpu.memory_space<vmem>> -> memref<1x32x128xf32, #tpu.memory_space<vmem>>
    %dma_start3A_1912 = tpu.memref_squeeze %dma_start3A_1911 : memref<1x32x128xf32, #tpu.memory_space<vmem>> -> memref<32x128xf32, #tpu.memory_space<vmem>>
    %dma_start3A_1913 = arith.constant 0 : i32
    %dma_start3A_1914 = tpu.memref_slice %arg3[%dma_start3A_1913, %multiple_of3A_1907] : memref<32x100000xf32, #tpu.memory_space<hbm>> -> memref<32x128xf32, #tpu.memory_space<hbm>>
    %dma_start3A_1915 = arith.constant 0 : i32
    %dma_start3A_1916 = arith.constant 0 : i32
    %dma_start3A_1917 = tpu.memref_slice %arg6[%dma_start3A_1908, %dma_start3A_1915, %dma_start3A_1916] : memref<8x32x128xf32, #tpu.memory_space<vmem>> -> memref<1x32x128xf32, #tpu.memory_space<vmem>>
    %dma_start3A_1918 = tpu.memref_squeeze %dma_start3A_1917 : memref<1x32x128xf32, #tpu.memory_space<vmem>> -> memref<32x128xf32, #tpu.memory_space<vmem>>
    %dma_start3A_1919 = arith.constant 0 : i32
    %dma_start3A_1920 = tpu.memref_slice %arg3[%dma_start3A_1919, %multiple_of3A_1907] : memref<32x100000xf32, #tpu.memory_space<hbm>> -> memref<32x128xf32, #tpu.memory_space<hbm>>
    tpu.enqueue_dma source(%dma_start3A_1920 : memref<32x128xf32, #tpu.memory_space<hbm>>) target(%dma_start3A_1918 : memref<32x128xf32, #tpu.memory_space<vmem>>) target_semaphore(%arg8 : memref<!tpu.dma_semaphore, #tpu.memory_space<semaphore_mem>>)
    %dma_wait3A_1921 = arith.constant 5 : i32
    %dma_wait3A_1922 = arith.constant 0 : i32
    %dma_wait3A_1923 = arith.constant 0 : i32
    %dma_wait3A_1924 = tpu.memref_slice %arg6[%dma_wait3A_1921, %dma_wait3A_1922, %dma_wait3A_1923] : memref<8x32x128xf32, #tpu.memory_space<vmem>> -> memref<1x32x128xf32, #tpu.memory_space<vmem>>
    %dma_wait3A_1925 = tpu.memref_squeeze %dma_wait3A_1924 : memref<1x32x128xf32, #tpu.memory_space<vmem>> -> memref<32x128xf32, #tpu.memory_space<vmem>>
    %dma_wait3A_1926 = arith.constant 0 : i32
    %dma_wait3A_1927 = tpu.memref_slice %arg3[%dma_wait3A_1926, %multiple_of3A_1095] : memref<32x100000xf32, #tpu.memory_space<hbm>> -> memref<32x128xf32, #tpu.memory_space<hbm>>
    %dma_wait3A_1928 = arith.constant 0 : i32
    %dma_wait3A_1929 = arith.constant 0 : i32
    %dma_wait3A_1930 = tpu.memref_slice %arg6[%dma_wait3A_1921, %dma_wait3A_1928, %dma_wait3A_1929] : memref<8x32x128xf32, #tpu.memory_space<vmem>> -> memref<1x32x128xf32, #tpu.memory_space<vmem>>
    %dma_wait3A_1931 = tpu.memref_squeeze %dma_wait3A_1930 : memref<1x32x128xf32, #tpu.memory_space<vmem>> -> memref<32x128xf32, #tpu.memory_space<vmem>>
    %dma_wait3A_1932 = arith.constant 0 : i32
    %dma_wait3A_1933 = tpu.memref_slice %arg3[%dma_wait3A_1932, %multiple_of3A_1095] : memref<32x100000xf32, #tpu.memory_space<hbm>> -> memref<32x128xf32, #tpu.memory_space<hbm>>
    tpu.wait_dma2 semaphore(%arg8 : memref<!tpu.dma_semaphore, #tpu.memory_space<semaphore_mem>>) src(%dma_wait3A_1933 : memref<32x128xf32, #tpu.memory_space<hbm>>) dst(%dma_wait3A_1931 : memref<32x128xf32, #tpu.memory_space<vmem>>)
    %get3A_1934 = arith.constant 0 : index
    %get3A_1935 = tpu.vector_load %arg5[%get3A_1934] {strides = array<i32>} : memref<32xi32, #tpu.memory_space<vmem>>, vector<16xi32>,
    %iota3A_1936 = tpu.iota {dimensions = array<i32: 0>} : vector<16xi32>
    %eq3A_1937 = arith.constant 13 : i32
    %eq3A_1938 = vector.broadcast %eq3A_1937 : i32 to vector<16xi32>
    %eq3A_1939 = arith.cmpi eq, %iota3A_1936, %eq3A_1938 : vector<16xi32>
    %jit3A_1940 = arith.constant 0 : i32
    %broadcast_in_dim3A_1941 = vector.broadcast %jit3A_1940 : i32 to vector<16xi32>
    %select_n3A_1942 = arith.select %eq3A_1939, %get3A_1935, %broadcast_in_dim3A_1941 : vector<16xi1>, vector<16xi32>
    %reduce_sum3A_1943 = arith.constant true
    %reduce_sum3A_1944 = vector.broadcast %reduce_sum3A_1943 : i1 to vector<16xi1>
    %reduce_sum3A_1945 = tpu.scan <sum>, %select_n3A_1942 masked %reduce_sum3A_1944 : vector<16xi32>, vector<16xi1> -> vector<16xi32>
    %reduce_sum3A_1946 = vector.extract %reduce_sum3A_1945[15] : i32 from vector<16xi32>
    %jit3A_1947 = arith.constant 128 : i32
    %eq3A_1948 = arith.constant 0 : i32
    %eq3A_1949 = arith.cmpi eq, %jit3A_1947, %eq3A_1948 : i32
    %jit3A_1950 = arith.constant 1 : i32
    %select_n3A_1951 = arith.select %eq3A_1949, %jit3A_1950, %jit3A_1947 : i32
    %rem3A_1952 = arith.remsi %reduce_sum3A_1946, %select_n3A_1951 : i32
    %ne3A_1953 = arith.constant 0 : i32
    %ne3A_1954 = arith.cmpi ne, %rem3A_1952, %ne3A_1953 : i32
    %lt3A_1955 = arith.constant 0 : i32
    %lt3A_1956 = arith.cmpi slt, %rem3A_1952, %lt3A_1955 : i32
    %lt3A_1957 = arith.constant 0 : i32
    %lt3A_1958 = arith.cmpi slt, %select_n3A_1951, %lt3A_1957 : i32
    %ne3A_1959 = arith.xori %lt3A_1956, %lt3A_1958 : i1
    %and3A_1960 = arith.andi %ne3A_1959, %ne3A_1954 : i1
    %add3A_1961 = arith.addi %rem3A_1952, %select_n3A_1951 : i32
    %select_n3A_1962 = arith.select %and3A_1960, %add3A_1961, %rem3A_1952 : i32
    %broadcast_in_dim3A_1963 = vector.broadcast %select_n3A_1962 : i32 to vector<16xi32>
    %gather3A_1964 = arith.constant 5 : i32
    %gather3A_1965 = arith.constant 0 : i32
    %gather3A_1966 = arith.constant 0 : i32
    %gather3A_1967 = tpu.memref_slice %arg6[%gather3A_1964, %gather3A_1965, %gather3A_1966] : memref<8x32x128xf32, #tpu.memory_space<vmem>> -> memref<1x32x128xf32, #tpu.memory_space<vmem>>
    %gather3A_1968 = tpu.memref_squeeze %gather3A_1967 : memref<1x32x128xf32, #tpu.memory_space<vmem>> -> memref<32x128xf32, #tpu.memory_space<vmem>>
    %gather3A_1969 = tpu.vector_load_idx %gather3A_1968[%iota3A, %broadcast_in_dim3A_1963] : memref<32x128xf32, #tpu.memory_space<vmem>>[vector<16xi32>, vector<16xi32>], vector<16xf32>,
    %swap3A_1970 = arith.constant 13 : i32
    %swap3A_1971 = arith.index_cast %swap3A_1970 : i32 to index
    %swap3A_1972 = arith.constant 0 : index
    %swap3A_1973 = tpu.vector_load %arg7[%swap3A_1971, %swap3A_1972] {strides = array<i32>} : memref<32x32xf32, #tpu.memory_space<vmem>>, vector<16xf32>,
    tpu.vector_store %arg7[%swap3A_1971, %swap3A_1972], %gather3A_1969 {strides = array<i32>} : memref<32x32xf32, #tpu.memory_space<vmem>>, vector<16xf32>,
    %gather3A_1974 = arith.constant 5 : i32
    %gather3A_1975 = arith.constant 0 : i32
    %gather3A_1976 = arith.constant 0 : i32
    %gather3A_1977 = tpu.memref_slice %arg6[%gather3A_1974, %gather3A_1975, %gather3A_1976] : memref<8x32x128xf32, #tpu.memory_space<vmem>> -> memref<1x32x128xf32, #tpu.memory_space<vmem>>
    %gather3A_1978 = tpu.memref_squeeze %gather3A_1977 : memref<1x32x128xf32, #tpu.memory_space<vmem>> -> memref<32x128xf32, #tpu.memory_space<vmem>>
    %gather3A_1979 = tpu.vector_load_idx %gather3A_1978[%add3A_6, %broadcast_in_dim3A_1963] : memref<32x128xf32, #tpu.memory_space<vmem>>[vector<16xi32>, vector<16xi32>], vector<16xf32>,
    %swap3A_1980 = arith.constant 13 : i32
    %swap3A_1981 = arith.index_cast %swap3A_1980 : i32 to index
    %swap3A_1982 = arith.constant 16 : index
    %swap3A_1983 = tpu.vector_load %arg7[%swap3A_1981, %swap3A_1982] {strides = array<i32>} : memref<32x32xf32, #tpu.memory_space<vmem>>, vector<16xf32>,
    tpu.vector_store %arg7[%swap3A_1981, %swap3A_1982], %gather3A_1979 {strides = array<i32>} : memref<32x32xf32, #tpu.memory_space<vmem>>, vector<16xf32>,
    %get3A_1984 = arith.constant 16 : index
    %get3A_1985 = tpu.vector_load %arg5[%get3A_1984] {strides = array<i32>} : memref<32xi32, #tpu.memory_space<vmem>>, vector<16xi32>,
    %iota3A_1986 = tpu.iota {dimensions = array<i32: 0>} : vector<16xi32>
    %eq3A_1987 = arith.constant 5 : i32
    %eq3A_1988 = vector.broadcast %eq3A_1987 : i32 to vector<16xi32>
    %eq3A_1989 = arith.cmpi eq, %iota3A_1986, %eq3A_1988 : vector<16xi32>
    %jit3A_1990 = arith.constant 0 : i32
    %broadcast_in_dim3A_1991 = vector.broadcast %jit3A_1990 : i32 to vector<16xi32>
    %select_n3A_1992 = arith.select %eq3A_1989, %get3A_1985, %broadcast_in_dim3A_1991 : vector<16xi1>, vector<16xi32>
    %reduce_sum3A_1993 = arith.constant true
    %reduce_sum3A_1994 = vector.broadcast %reduce_sum3A_1993 : i1 to vector<16xi1>
    %reduce_sum3A_1995 = tpu.scan <sum>, %select_n3A_1992 masked %reduce_sum3A_1994 : vector<16xi32>, vector<16xi1> -> vector<16xi32>
    %reduce_sum3A_1996 = vector.extract %reduce_sum3A_1995[15] : i32 from vector<16xi32>
    %jit3A_1997 = arith.constant 128 : i32
    %div3A_1998 = arith.divsi %reduce_sum3A_1996, %jit3A_1997 : i32
    %sign3A_1999 = arith.constant 0 : i32
    %sign3A_2000 = arith.cmpi sgt, %reduce_sum3A_1996, %sign3A_1999 : i32
    %sign3A_2001 = arith.extui %sign3A_2000 : i1 to i32
    %sign3A_2002 = arith.constant 0 : i32
    %sign3A_2003 = arith.cmpi slt, %reduce_sum3A_1996, %sign3A_2002 : i32
    %sign3A_2004 = arith.extui %sign3A_2003 : i1 to i32
    %sign3A_2005 = arith.subi %sign3A_2001, %sign3A_2004 : i32
    %sign3A_2006 = arith.constant 0 : i32
    %sign3A_2007 = arith.cmpi sgt, %jit3A_1997, %sign3A_2006 : i32
    %sign3A_2008 = arith.extui %sign3A_2007 : i1 to i32
    %sign3A_2009 = arith.constant 0 : i32
    %sign3A_2010 = arith.cmpi slt, %jit3A_1997, %sign3A_2009 : i32
    %sign3A_2011 = arith.extui %sign3A_2010 : i1 to i32
    %sign3A_2012 = arith.subi %sign3A_2008, %sign3A_2011 : i32
    %ne3A_2013 = arith.cmpi ne, %sign3A_2005, %sign3A_2012 : i32
    %rem3A_2014 = arith.remsi %reduce_sum3A_1996, %jit3A_1997 : i32
    %ne3A_2015 = arith.constant 0 : i32
    %ne3A_2016 = arith.cmpi ne, %rem3A_2014, %ne3A_2015 : i32
    %and3A_2017 = arith.andi %ne3A_2013, %ne3A_2016 : i1
    %sub3A_2018 = arith.constant 1 : i32
    %sub3A_2019 = arith.subi %div3A_1998, %sub3A_2018 : i32
    %select_n3A_2020 = arith.select %and3A_2017, %sub3A_2019, %div3A_1998 : i32
    %mul3A_2021 = arith.constant 128 : i32
    %mul3A_2022 = arith.muli %select_n3A_2020, %mul3A_2021 : i32
    %multiple_of3A_2023 = tpu.assume_multiple %mul3A_2022, 128 : i32
    %dma_start3A_2024 = arith.constant 5 : i32
    %dma_start3A_2025 = arith.constant 0 : i32
    %dma_start3A_2026 = arith.constant 0 : i32
    %dma_start3A_2027 = tpu.memref_slice %arg6[%dma_start3A_2024, %dma_start3A_2025, %dma_start3A_2026] : memref<8x32x128xf32, #tpu.memory_space<vmem>> -> memref<1x32x128xf32, #tpu.memory_space<vmem>>
    %dma_start3A_2028 = tpu.memref_squeeze %dma_start3A_2027 : memref<1x32x128xf32, #tpu.memory_space<vmem>> -> memref<32x128xf32, #tpu.memory_space<vmem>>
    %dma_start3A_2029 = arith.constant 0 : i32
    %dma_start3A_2030 = tpu.memref_slice %arg3[%dma_start3A_2029, %multiple_of3A_2023] : memref<32x100000xf32, #tpu.memory_space<hbm>> -> memref<32x128xf32, #tpu.memory_space<hbm>>
    %dma_start3A_2031 = arith.constant 0 : i32
    %dma_start3A_2032 = arith.constant 0 : i32
    %dma_start3A_2033 = tpu.memref_slice %arg6[%dma_start3A_2024, %dma_start3A_2031, %dma_start3A_2032] : memref<8x32x128xf32, #tpu.memory_space<vmem>> -> memref<1x32x128xf32, #tpu.memory_space<vmem>>
    %dma_start3A_2034 = tpu.memref_squeeze %dma_start3A_2033 : memref<1x32x128xf32, #tpu.memory_space<vmem>> -> memref<32x128xf32, #tpu.memory_space<vmem>>
    %dma_start3A_2035 = arith.constant 0 : i32
    %dma_start3A_2036 = tpu.memref_slice %arg3[%dma_start3A_2035, %multiple_of3A_2023] : memref<32x100000xf32, #tpu.memory_space<hbm>> -> memref<32x128xf32, #tpu.memory_space<hbm>>
    tpu.enqueue_dma source(%dma_start3A_2036 : memref<32x128xf32, #tpu.memory_space<hbm>>) target(%dma_start3A_2034 : memref<32x128xf32, #tpu.memory_space<vmem>>) target_semaphore(%arg8 : memref<!tpu.dma_semaphore, #tpu.memory_space<semaphore_mem>>)
    %dma_wait3A_2037 = arith.constant 6 : i32
    %dma_wait3A_2038 = arith.constant 0 : i32
    %dma_wait3A_2039 = arith.constant 0 : i32
    %dma_wait3A_2040 = tpu.memref_slice %arg6[%dma_wait3A_2037, %dma_wait3A_2038, %dma_wait3A_2039] : memref<8x32x128xf32, #tpu.memory_space<vmem>> -> memref<1x32x128xf32, #tpu.memory_space<vmem>>
    %dma_wait3A_2041 = tpu.memref_squeeze %dma_wait3A_2040 : memref<1x32x128xf32, #tpu.memory_space<vmem>> -> memref<32x128xf32, #tpu.memory_space<vmem>>
    %dma_wait3A_2042 = arith.constant 0 : i32
    %dma_wait3A_2043 = tpu.memref_slice %arg3[%dma_wait3A_2042, %multiple_of3A_1211] : memref<32x100000xf32, #tpu.memory_space<hbm>> -> memref<32x128xf32, #tpu.memory_space<hbm>>
    %dma_wait3A_2044 = arith.constant 0 : i32
    %dma_wait3A_2045 = arith.constant 0 : i32
    %dma_wait3A_2046 = tpu.memref_slice %arg6[%dma_wait3A_2037, %dma_wait3A_2044, %dma_wait3A_2045] : memref<8x32x128xf32, #tpu.memory_space<vmem>> -> memref<1x32x128xf32, #tpu.memory_space<vmem>>
    %dma_wait3A_2047 = tpu.memref_squeeze %dma_wait3A_2046 : memref<1x32x128xf32, #tpu.memory_space<vmem>> -> memref<32x128xf32, #tpu.memory_space<vmem>>
    %dma_wait3A_2048 = arith.constant 0 : i32
    %dma_wait3A_2049 = tpu.memref_slice %arg3[%dma_wait3A_2048, %multiple_of3A_1211] : memref<32x100000xf32, #tpu.memory_space<hbm>> -> memref<32x128xf32, #tpu.memory_space<hbm>>
    tpu.wait_dma2 semaphore(%arg8 : memref<!tpu.dma_semaphore, #tpu.memory_space<semaphore_mem>>) src(%dma_wait3A_2049 : memref<32x128xf32, #tpu.memory_space<hbm>>) dst(%dma_wait3A_2047 : memref<32x128xf32, #tpu.memory_space<vmem>>)
    %get3A_2050 = arith.constant 0 : index
    %get3A_2051 = tpu.vector_load %arg5[%get3A_2050] {strides = array<i32>} : memref<32xi32, #tpu.memory_space<vmem>>, vector<16xi32>,
    %iota3A_2052 = tpu.iota {dimensions = array<i32: 0>} : vector<16xi32>
    %eq3A_2053 = arith.constant 14 : i32
    %eq3A_2054 = vector.broadcast %eq3A_2053 : i32 to vector<16xi32>
    %eq3A_2055 = arith.cmpi eq, %iota3A_2052, %eq3A_2054 : vector<16xi32>
    %jit3A_2056 = arith.constant 0 : i32
    %broadcast_in_dim3A_2057 = vector.broadcast %jit3A_2056 : i32 to vector<16xi32>
    %select_n3A_2058 = arith.select %eq3A_2055, %get3A_2051, %broadcast_in_dim3A_2057 : vector<16xi1>, vector<16xi32>
    %reduce_sum3A_2059 = arith.constant true
    %reduce_sum3A_2060 = vector.broadcast %reduce_sum3A_2059 : i1 to vector<16xi1>
    %reduce_sum3A_2061 = tpu.scan <sum>, %select_n3A_2058 masked %reduce_sum3A_2060 : vector<16xi32>, vector<16xi1> -> vector<16xi32>
    %reduce_sum3A_2062 = vector.extract %reduce_sum3A_2061[15] : i32 from vector<16xi32>
    %jit3A_2063 = arith.constant 128 : i32
    %eq3A_2064 = arith.constant 0 : i32
    %eq3A_2065 = arith.cmpi eq, %jit3A_2063, %eq3A_2064 : i32
    %jit3A_2066 = arith.constant 1 : i32
    %select_n3A_2067 = arith.select %eq3A_2065, %jit3A_2066, %jit3A_2063 : i32
    %rem3A_2068 = arith.remsi %reduce_sum3A_2062, %select_n3A_2067 : i32
    %ne3A_2069 = arith.constant 0 : i32
    %ne3A_2070 = arith.cmpi ne, %rem3A_2068, %ne3A_2069 : i32
    %lt3A_2071 = arith.constant 0 : i32
    %lt3A_2072 = arith.cmpi slt, %rem3A_2068, %lt3A_2071 : i32
    %lt3A_2073 = arith.constant 0 : i32
    %lt3A_2074 = arith.cmpi slt, %select_n3A_2067, %lt3A_2073 : i32
    %ne3A_2075 = arith.xori %lt3A_2072, %lt3A_2074 : i1
    %and3A_2076 = arith.andi %ne3A_2075, %ne3A_2070 : i1
    %add3A_2077 = arith.addi %rem3A_2068, %select_n3A_2067 : i32
    %select_n3A_2078 = arith.select %and3A_2076, %add3A_2077, %rem3A_2068 : i32
    %broadcast_in_dim3A_2079 = vector.broadcast %select_n3A_2078 : i32 to vector<16xi32>
    %gather3A_2080 = arith.constant 6 : i32
    %gather3A_2081 = arith.constant 0 : i32
    %gather3A_2082 = arith.constant 0 : i32
    %gather3A_2083 = tpu.memref_slice %arg6[%gather3A_2080, %gather3A_2081, %gather3A_2082] : memref<8x32x128xf32, #tpu.memory_space<vmem>> -> memref<1x32x128xf32, #tpu.memory_space<vmem>>
    %gather3A_2084 = tpu.memref_squeeze %gather3A_2083 : memref<1x32x128xf32, #tpu.memory_space<vmem>> -> memref<32x128xf32, #tpu.memory_space<vmem>>
    %gather3A_2085 = tpu.vector_load_idx %gather3A_2084[%iota3A, %broadcast_in_dim3A_2079] : memref<32x128xf32, #tpu.memory_space<vmem>>[vector<16xi32>, vector<16xi32>], vector<16xf32>,
    %swap3A_2086 = arith.constant 14 : i32
    %swap3A_2087 = arith.index_cast %swap3A_2086 : i32 to index
    %swap3A_2088 = arith.constant 0 : index
    %swap3A_2089 = tpu.vector_load %arg7[%swap3A_2087, %swap3A_2088] {strides = array<i32>} : memref<32x32xf32, #tpu.memory_space<vmem>>, vector<16xf32>,
    tpu.vector_store %arg7[%swap3A_2087, %swap3A_2088], %gather3A_2085 {strides = array<i32>} : memref<32x32xf32, #tpu.memory_space<vmem>>, vector<16xf32>,
    %gather3A_2090 = arith.constant 6 : i32
    %gather3A_2091 = arith.constant 0 : i32
    %gather3A_2092 = arith.constant 0 : i32
    %gather3A_2093 = tpu.memref_slice %arg6[%gather3A_2090, %gather3A_2091, %gather3A_2092] : memref<8x32x128xf32, #tpu.memory_space<vmem>> -> memref<1x32x128xf32, #tpu.memory_space<vmem>>
    %gather3A_2094 = tpu.memref_squeeze %gather3A_2093 : memref<1x32x128xf32, #tpu.memory_space<vmem>> -> memref<32x128xf32, #tpu.memory_space<vmem>>
    %gather3A_2095 = tpu.vector_load_idx %gather3A_2094[%add3A_6, %broadcast_in_dim3A_2079] : memref<32x128xf32, #tpu.memory_space<vmem>>[vector<16xi32>, vector<16xi32>], vector<16xf32>,
    %swap3A_2096 = arith.constant 14 : i32
    %swap3A_2097 = arith.index_cast %swap3A_2096 : i32 to index
    %swap3A_2098 = arith.constant 16 : index
    %swap3A_2099 = tpu.vector_load %arg7[%swap3A_2097, %swap3A_2098] {strides = array<i32>} : memref<32x32xf32, #tpu.memory_space<vmem>>, vector<16xf32>,
    tpu.vector_store %arg7[%swap3A_2097, %swap3A_2098], %gather3A_2095 {strides = array<i32>} : memref<32x32xf32, #tpu.memory_space<vmem>>, vector<16xf32>,
    %get3A_2100 = arith.constant 16 : index
    %get3A_2101 = tpu.vector_load %arg5[%get3A_2100] {strides = array<i32>} : memref<32xi32, #tpu.memory_space<vmem>>, vector<16xi32>,
    %iota3A_2102 = tpu.iota {dimensions = array<i32: 0>} : vector<16xi32>
    %eq3A_2103 = arith.constant 6 : i32
    %eq3A_2104 = vector.broadcast %eq3A_2103 : i32 to vector<16xi32>
    %eq3A_2105 = arith.cmpi eq, %iota3A_2102, %eq3A_2104 : vector<16xi32>
    %jit3A_2106 = arith.constant 0 : i32
    %broadcast_in_dim3A_2107 = vector.broadcast %jit3A_2106 : i32 to vector<16xi32>
    %select_n3A_2108 = arith.select %eq3A_2105, %get3A_2101, %broadcast_in_dim3A_2107 : vector<16xi1>, vector<16xi32>
    %reduce_sum3A_2109 = arith.constant true
    %reduce_sum3A_2110 = vector.broadcast %reduce_sum3A_2109 : i1 to vector<16xi1>
    %reduce_sum3A_2111 = tpu.scan <sum>, %select_n3A_2108 masked %reduce_sum3A_2110 : vector<16xi32>, vector<16xi1> -> vector<16xi32>
    %reduce_sum3A_2112 = vector.extract %reduce_sum3A_2111[15] : i32 from vector<16xi32>
    %jit3A_2113 = arith.constant 128 : i32
    %div3A_2114 = arith.divsi %reduce_sum3A_2112, %jit3A_2113 : i32
    %sign3A_2115 = arith.constant 0 : i32
    %sign3A_2116 = arith.cmpi sgt, %reduce_sum3A_2112, %sign3A_2115 : i32
    %sign3A_2117 = arith.extui %sign3A_2116 : i1 to i32
    %sign3A_2118 = arith.constant 0 : i32
    %sign3A_2119 = arith.cmpi slt, %reduce_sum3A_2112, %sign3A_2118 : i32
    %sign3A_2120 = arith.extui %sign3A_2119 : i1 to i32
    %sign3A_2121 = arith.subi %sign3A_2117, %sign3A_2120 : i32
    %sign3A_2122 = arith.constant 0 : i32
    %sign3A_2123 = arith.cmpi sgt, %jit3A_2113, %sign3A_2122 : i32
    %sign3A_2124 = arith.extui %sign3A_2123 : i1 to i32
    %sign3A_2125 = arith.constant 0 : i32
    %sign3A_2126 = arith.cmpi slt, %jit3A_2113, %sign3A_2125 : i32
    %sign3A_2127 = arith.extui %sign3A_2126 : i1 to i32
    %sign3A_2128 = arith.subi %sign3A_2124, %sign3A_2127 : i32
    %ne3A_2129 = arith.cmpi ne, %sign3A_2121, %sign3A_2128 : i32
    %rem3A_2130 = arith.remsi %reduce_sum3A_2112, %jit3A_2113 : i32
    %ne3A_2131 = arith.constant 0 : i32
    %ne3A_2132 = arith.cmpi ne, %rem3A_2130, %ne3A_2131 : i32
    %and3A_2133 = arith.andi %ne3A_2129, %ne3A_2132 : i1
    %sub3A_2134 = arith.constant 1 : i32
    %sub3A_2135 = arith.subi %div3A_2114, %sub3A_2134 : i32
    %select_n3A_2136 = arith.select %and3A_2133, %sub3A_2135, %div3A_2114 : i32
    %mul3A_2137 = arith.constant 128 : i32
    %mul3A_2138 = arith.muli %select_n3A_2136, %mul3A_2137 : i32
    %multiple_of3A_2139 = tpu.assume_multiple %mul3A_2138, 128 : i32
    %dma_start3A_2140 = arith.constant 6 : i32
    %dma_start3A_2141 = arith.constant 0 : i32
    %dma_start3A_2142 = arith.constant 0 : i32
    %dma_start3A_2143 = tpu.memref_slice %arg6[%dma_start3A_2140, %dma_start3A_2141, %dma_start3A_2142] : memref<8x32x128xf32, #tpu.memory_space<vmem>> -> memref<1x32x128xf32, #tpu.memory_space<vmem>>
    %dma_start3A_2144 = tpu.memref_squeeze %dma_start3A_2143 : memref<1x32x128xf32, #tpu.memory_space<vmem>> -> memref<32x128xf32, #tpu.memory_space<vmem>>
    %dma_start3A_2145 = arith.constant 0 : i32
    %dma_start3A_2146 = tpu.memref_slice %arg3[%dma_start3A_2145, %multiple_of3A_2139] : memref<32x100000xf32, #tpu.memory_space<hbm>> -> memref<32x128xf32, #tpu.memory_space<hbm>>
    %dma_start3A_2147 = arith.constant 0 : i32
    %dma_start3A_2148 = arith.constant 0 : i32
    %dma_start3A_2149 = tpu.memref_slice %arg6[%dma_start3A_2140, %dma_start3A_2147, %dma_start3A_2148] : memref<8x32x128xf32, #tpu.memory_space<vmem>> -> memref<1x32x128xf32, #tpu.memory_space<vmem>>
    %dma_start3A_2150 = tpu.memref_squeeze %dma_start3A_2149 : memref<1x32x128xf32, #tpu.memory_space<vmem>> -> memref<32x128xf32, #tpu.memory_space<vmem>>
    %dma_start3A_2151 = arith.constant 0 : i32
    %dma_start3A_2152 = tpu.memref_slice %arg3[%dma_start3A_2151, %multiple_of3A_2139] : memref<32x100000xf32, #tpu.memory_space<hbm>> -> memref<32x128xf32, #tpu.memory_space<hbm>>
    tpu.enqueue_dma source(%dma_start3A_2152 : memref<32x128xf32, #tpu.memory_space<hbm>>) target(%dma_start3A_2150 : memref<32x128xf32, #tpu.memory_space<vmem>>) target_semaphore(%arg8 : memref<!tpu.dma_semaphore, #tpu.memory_space<semaphore_mem>>)
    %dma_wait3A_2153 = arith.constant 7 : i32
    %dma_wait3A_2154 = arith.constant 0 : i32
    %dma_wait3A_2155 = arith.constant 0 : i32
    %dma_wait3A_2156 = tpu.memref_slice %arg6[%dma_wait3A_2153, %dma_wait3A_2154, %dma_wait3A_2155] : memref<8x32x128xf32, #tpu.memory_space<vmem>> -> memref<1x32x128xf32, #tpu.memory_space<vmem>>
    %dma_wait3A_2157 = tpu.memref_squeeze %dma_wait3A_2156 : memref<1x32x128xf32, #tpu.memory_space<vmem>> -> memref<32x128xf32, #tpu.memory_space<vmem>>
    %dma_wait3A_2158 = arith.constant 0 : i32
    %dma_wait3A_2159 = tpu.memref_slice %arg3[%dma_wait3A_2158, %multiple_of3A_1327] : memref<32x100000xf32, #tpu.memory_space<hbm>> -> memref<32x128xf32, #tpu.memory_space<hbm>>
    %dma_wait3A_2160 = arith.constant 0 : i32
    %dma_wait3A_2161 = arith.constant 0 : i32
    %dma_wait3A_2162 = tpu.memref_slice %arg6[%dma_wait3A_2153, %dma_wait3A_2160, %dma_wait3A_2161] : memref<8x32x128xf32, #tpu.memory_space<vmem>> -> memref<1x32x128xf32, #tpu.memory_space<vmem>>
    %dma_wait3A_2163 = tpu.memref_squeeze %dma_wait3A_2162 : memref<1x32x128xf32, #tpu.memory_space<vmem>> -> memref<32x128xf32, #tpu.memory_space<vmem>>
    %dma_wait3A_2164 = arith.constant 0 : i32
    %dma_wait3A_2165 = tpu.memref_slice %arg3[%dma_wait3A_2164, %multiple_of3A_1327] : memref<32x100000xf32, #tpu.memory_space<hbm>> -> memref<32x128xf32, #tpu.memory_space<hbm>>
    tpu.wait_dma2 semaphore(%arg8 : memref<!tpu.dma_semaphore, #tpu.memory_space<semaphore_mem>>) src(%dma_wait3A_2165 : memref<32x128xf32, #tpu.memory_space<hbm>>) dst(%dma_wait3A_2163 : memref<32x128xf32, #tpu.memory_space<vmem>>)
    %get3A_2166 = arith.constant 0 : index
    %get3A_2167 = tpu.vector_load %arg5[%get3A_2166] {strides = array<i32>} : memref<32xi32, #tpu.memory_space<vmem>>, vector<16xi32>,
    %iota3A_2168 = tpu.iota {dimensions = array<i32: 0>} : vector<16xi32>
    %eq3A_2169 = arith.constant 15 : i32
    %eq3A_2170 = vector.broadcast %eq3A_2169 : i32 to vector<16xi32>
    %eq3A_2171 = arith.cmpi eq, %iota3A_2168, %eq3A_2170 : vector<16xi32>
    %jit3A_2172 = arith.constant 0 : i32
    %broadcast_in_dim3A_2173 = vector.broadcast %jit3A_2172 : i32 to vector<16xi32>
    %select_n3A_2174 = arith.select %eq3A_2171, %get3A_2167, %broadcast_in_dim3A_2173 : vector<16xi1>, vector<16xi32>
    %reduce_sum3A_2175 = arith.constant true
    %reduce_sum3A_2176 = vector.broadcast %reduce_sum3A_2175 : i1 to vector<16xi1>
    %reduce_sum3A_2177 = tpu.scan <sum>, %select_n3A_2174 masked %reduce_sum3A_2176 : vector<16xi32>, vector<16xi1> -> vector<16xi32>
    %reduce_sum3A_2178 = vector.extract %reduce_sum3A_2177[15] : i32 from vector<16xi32>
    %jit3A_2179 = arith.constant 128 : i32
    %eq3A_2180 = arith.constant 0 : i32
    %eq3A_2181 = arith.cmpi eq, %jit3A_2179, %eq3A_2180 : i32
    %jit3A_2182 = arith.constant 1 : i32
    %select_n3A_2183 = arith.select %eq3A_2181, %jit3A_2182, %jit3A_2179 : i32
    %rem3A_2184 = arith.remsi %reduce_sum3A_2178, %select_n3A_2183 : i32
    %ne3A_2185 = arith.constant 0 : i32
    %ne3A_2186 = arith.cmpi ne, %rem3A_2184, %ne3A_2185 : i32
    %lt3A_2187 = arith.constant 0 : i32
    %lt3A_2188 = arith.cmpi slt, %rem3A_2184, %lt3A_2187 : i32
    %lt3A_2189 = arith.constant 0 : i32
    %lt3A_2190 = arith.cmpi slt, %select_n3A_2183, %lt3A_2189 : i32
    %ne3A_2191 = arith.xori %lt3A_2188, %lt3A_2190 : i1
    %and3A_2192 = arith.andi %ne3A_2191, %ne3A_2186 : i1
    %add3A_2193 = arith.addi %rem3A_2184, %select_n3A_2183 : i32
    %select_n3A_2194 = arith.select %and3A_2192, %add3A_2193, %rem3A_2184 : i32
    %broadcast_in_dim3A_2195 = vector.broadcast %select_n3A_2194 : i32 to vector<16xi32>
    %gather3A_2196 = arith.constant 7 : i32
    %gather3A_2197 = arith.constant 0 : i32
    %gather3A_2198 = arith.constant 0 : i32
    %gather3A_2199 = tpu.memref_slice %arg6[%gather3A_2196, %gather3A_2197, %gather3A_2198] : memref<8x32x128xf32, #tpu.memory_space<vmem>> -> memref<1x32x128xf32, #tpu.memory_space<vmem>>
    %gather3A_2200 = tpu.memref_squeeze %gather3A_2199 : memref<1x32x128xf32, #tpu.memory_space<vmem>> -> memref<32x128xf32, #tpu.memory_space<vmem>>
    %gather3A_2201 = tpu.vector_load_idx %gather3A_2200[%iota3A, %broadcast_in_dim3A_2195] : memref<32x128xf32, #tpu.memory_space<vmem>>[vector<16xi32>, vector<16xi32>], vector<16xf32>,
    %swap3A_2202 = arith.constant 15 : i32
    %swap3A_2203 = arith.index_cast %swap3A_2202 : i32 to index
    %swap3A_2204 = arith.constant 0 : index
    %swap3A_2205 = tpu.vector_load %arg7[%swap3A_2203, %swap3A_2204] {strides = array<i32>} : memref<32x32xf32, #tpu.memory_space<vmem>>, vector<16xf32>,
    tpu.vector_store %arg7[%swap3A_2203, %swap3A_2204], %gather3A_2201 {strides = array<i32>} : memref<32x32xf32, #tpu.memory_space<vmem>>, vector<16xf32>,
    %gather3A_2206 = arith.constant 7 : i32
    %gather3A_2207 = arith.constant 0 : i32
    %gather3A_2208 = arith.constant 0 : i32
    %gather3A_2209 = tpu.memref_slice %arg6[%gather3A_2206, %gather3A_2207, %gather3A_2208] : memref<8x32x128xf32, #tpu.memory_space<vmem>> -> memref<1x32x128xf32, #tpu.memory_space<vmem>>
    %gather3A_2210 = tpu.memref_squeeze %gather3A_2209 : memref<1x32x128xf32, #tpu.memory_space<vmem>> -> memref<32x128xf32, #tpu.memory_space<vmem>>
    %gather3A_2211 = tpu.vector_load_idx %gather3A_2210[%add3A_6, %broadcast_in_dim3A_2195] : memref<32x128xf32, #tpu.memory_space<vmem>>[vector<16xi32>, vector<16xi32>], vector<16xf32>,
    %swap3A_2212 = arith.constant 15 : i32
    %swap3A_2213 = arith.index_cast %swap3A_2212 : i32 to index
    %swap3A_2214 = arith.constant 16 : index
    %swap3A_2215 = tpu.vector_load %arg7[%swap3A_2213, %swap3A_2214] {strides = array<i32>} : memref<32x32xf32, #tpu.memory_space<vmem>>, vector<16xf32>,
    tpu.vector_store %arg7[%swap3A_2213, %swap3A_2214], %gather3A_2211 {strides = array<i32>} : memref<32x32xf32, #tpu.memory_space<vmem>>, vector<16xf32>,
    %get3A_2216 = arith.constant 16 : index
    %get3A_2217 = tpu.vector_load %arg5[%get3A_2216] {strides = array<i32>} : memref<32xi32, #tpu.memory_space<vmem>>, vector<16xi32>,
    %iota3A_2218 = tpu.iota {dimensions = array<i32: 0>} : vector<16xi32>
    %eq3A_2219 = arith.constant 7 : i32
    %eq3A_2220 = vector.broadcast %eq3A_2219 : i32 to vector<16xi32>
    %eq3A_2221 = arith.cmpi eq, %iota3A_2218, %eq3A_2220 : vector<16xi32>
    %jit3A_2222 = arith.constant 0 : i32
    %broadcast_in_dim3A_2223 = vector.broadcast %jit3A_2222 : i32 to vector<16xi32>
    %select_n3A_2224 = arith.select %eq3A_2221, %get3A_2217, %broadcast_in_dim3A_2223 : vector<16xi1>, vector<16xi32>
    %reduce_sum3A_2225 = arith.constant true
    %reduce_sum3A_2226 = vector.broadcast %reduce_sum3A_2225 : i1 to vector<16xi1>
    %reduce_sum3A_2227 = tpu.scan <sum>, %select_n3A_2224 masked %reduce_sum3A_2226 : vector<16xi32>, vector<16xi1> -> vector<16xi32>
    %reduce_sum3A_2228 = vector.extract %reduce_sum3A_2227[15] : i32 from vector<16xi32>
    %jit3A_2229 = arith.constant 128 : i32
    %div3A_2230 = arith.divsi %reduce_sum3A_2228, %jit3A_2229 : i32
    %sign3A_2231 = arith.constant 0 : i32
    %sign3A_2232 = arith.cmpi sgt, %reduce_sum3A_2228, %sign3A_2231 : i32
    %sign3A_2233 = arith.extui %sign3A_2232 : i1 to i32
    %sign3A_2234 = arith.constant 0 : i32
    %sign3A_2235 = arith.cmpi slt, %reduce_sum3A_2228, %sign3A_2234 : i32
    %sign3A_2236 = arith.extui %sign3A_2235 : i1 to i32
    %sign3A_2237 = arith.subi %sign3A_2233, %sign3A_2236 : i32
    %sign3A_2238 = arith.constant 0 : i32
    %sign3A_2239 = arith.cmpi sgt, %jit3A_2229, %sign3A_2238 : i32
    %sign3A_2240 = arith.extui %sign3A_2239 : i1 to i32
    %sign3A_2241 = arith.constant 0 : i32
    %sign3A_2242 = arith.cmpi slt, %jit3A_2229, %sign3A_2241 : i32
    %sign3A_2243 = arith.extui %sign3A_2242 : i1 to i32
    %sign3A_2244 = arith.subi %sign3A_2240, %sign3A_2243 : i32
    %ne3A_2245 = arith.cmpi ne, %sign3A_2237, %sign3A_2244 : i32
    %rem3A_2246 = arith.remsi %reduce_sum3A_2228, %jit3A_2229 : i32
    %ne3A_2247 = arith.constant 0 : i32
    %ne3A_2248 = arith.cmpi ne, %rem3A_2246, %ne3A_2247 : i32
    %and3A_2249 = arith.andi %ne3A_2245, %ne3A_2248 : i1
    %sub3A_2250 = arith.constant 1 : i32
    %sub3A_2251 = arith.subi %div3A_2230, %sub3A_2250 : i32
    %select_n3A_2252 = arith.select %and3A_2249, %sub3A_2251, %div3A_2230 : i32
    %mul3A_2253 = arith.constant 128 : i32
    %mul3A_2254 = arith.muli %select_n3A_2252, %mul3A_2253 : i32
    %multiple_of3A_2255 = tpu.assume_multiple %mul3A_2254, 128 : i32
    %dma_start3A_2256 = arith.constant 7 : i32
    %dma_start3A_2257 = arith.constant 0 : i32
    %dma_start3A_2258 = arith.constant 0 : i32
    %dma_start3A_2259 = tpu.memref_slice %arg6[%dma_start3A_2256, %dma_start3A_2257, %dma_start3A_2258] : memref<8x32x128xf32, #tpu.memory_space<vmem>> -> memref<1x32x128xf32, #tpu.memory_space<vmem>>
    %dma_start3A_2260 = tpu.memref_squeeze %dma_start3A_2259 : memref<1x32x128xf32, #tpu.memory_space<vmem>> -> memref<32x128xf32, #tpu.memory_space<vmem>>
    %dma_start3A_2261 = arith.constant 0 : i32
    %dma_start3A_2262 = tpu.memref_slice %arg3[%dma_start3A_2261, %multiple_of3A_2255] : memref<32x100000xf32, #tpu.memory_space<hbm>> -> memref<32x128xf32, #tpu.memory_space<hbm>>
    %dma_start3A_2263 = arith.constant 0 : i32
    %dma_start3A_2264 = arith.constant 0 : i32
    %dma_start3A_2265 = tpu.memref_slice %arg6[%dma_start3A_2256, %dma_start3A_2263, %dma_start3A_2264] : memref<8x32x128xf32, #tpu.memory_space<vmem>> -> memref<1x32x128xf32, #tpu.memory_space<vmem>>
    %dma_start3A_2266 = tpu.memref_squeeze %dma_start3A_2265 : memref<1x32x128xf32, #tpu.memory_space<vmem>> -> memref<32x128xf32, #tpu.memory_space<vmem>>
    %dma_start3A_2267 = arith.constant 0 : i32
    %dma_start3A_2268 = tpu.memref_slice %arg3[%dma_start3A_2267, %multiple_of3A_2255] : memref<32x100000xf32, #tpu.memory_space<hbm>> -> memref<32x128xf32, #tpu.memory_space<hbm>>
    tpu.enqueue_dma source(%dma_start3A_2268 : memref<32x128xf32, #tpu.memory_space<hbm>>) target(%dma_start3A_2266 : memref<32x128xf32, #tpu.memory_space<vmem>>) target_semaphore(%arg8 : memref<!tpu.dma_semaphore, #tpu.memory_space<semaphore_mem>>)
    %dma_wait3A_2269 = arith.constant 0 : i32
    %dma_wait3A_2270 = arith.constant 0 : i32
    %dma_wait3A_2271 = arith.constant 0 : i32
    %dma_wait3A_2272 = tpu.memref_slice %arg6[%dma_wait3A_2269, %dma_wait3A_2270, %dma_wait3A_2271] : memref<8x32x128xf32, #tpu.memory_space<vmem>> -> memref<1x32x128xf32, #tpu.memory_space<vmem>>
    %dma_wait3A_2273 = tpu.memref_squeeze %dma_wait3A_2272 : memref<1x32x128xf32, #tpu.memory_space<vmem>> -> memref<32x128xf32, #tpu.memory_space<vmem>>
    %dma_wait3A_2274 = arith.constant 0 : i32
    %dma_wait3A_2275 = tpu.memref_slice %arg3[%dma_wait3A_2274, %multiple_of3A_1443] : memref<32x100000xf32, #tpu.memory_space<hbm>> -> memref<32x128xf32, #tpu.memory_space<hbm>>
    %dma_wait3A_2276 = arith.constant 0 : i32
    %dma_wait3A_2277 = arith.constant 0 : i32
    %dma_wait3A_2278 = tpu.memref_slice %arg6[%dma_wait3A_2269, %dma_wait3A_2276, %dma_wait3A_2277] : memref<8x32x128xf32, #tpu.memory_space<vmem>> -> memref<1x32x128xf32, #tpu.memory_space<vmem>>
    %dma_wait3A_2279 = tpu.memref_squeeze %dma_wait3A_2278 : memref<1x32x128xf32, #tpu.memory_space<vmem>> -> memref<32x128xf32, #tpu.memory_space<vmem>>
    %dma_wait3A_2280 = arith.constant 0 : i32
    %dma_wait3A_2281 = tpu.memref_slice %arg3[%dma_wait3A_2280, %multiple_of3A_1443] : memref<32x100000xf32, #tpu.memory_space<hbm>> -> memref<32x128xf32, #tpu.memory_space<hbm>>
    tpu.wait_dma2 semaphore(%arg8 : memref<!tpu.dma_semaphore, #tpu.memory_space<semaphore_mem>>) src(%dma_wait3A_2281 : memref<32x128xf32, #tpu.memory_space<hbm>>) dst(%dma_wait3A_2279 : memref<32x128xf32, #tpu.memory_space<vmem>>)
    %get3A_2282 = arith.constant 16 : index
    %get3A_2283 = tpu.vector_load %arg5[%get3A_2282] {strides = array<i32>} : memref<32xi32, #tpu.memory_space<vmem>>, vector<16xi32>,
    %iota3A_2284 = tpu.iota {dimensions = array<i32: 0>} : vector<16xi32>
    %eq3A_2285 = arith.constant 0 : i32
    %eq3A_2286 = vector.broadcast %eq3A_2285 : i32 to vector<16xi32>
    %eq3A_2287 = arith.cmpi eq, %iota3A_2284, %eq3A_2286 : vector<16xi32>
    %jit3A_2288 = arith.constant 0 : i32
    %broadcast_in_dim3A_2289 = vector.broadcast %jit3A_2288 : i32 to vector<16xi32>
    %select_n3A_2290 = arith.select %eq3A_2287, %get3A_2283, %broadcast_in_dim3A_2289 : vector<16xi1>, vector<16xi32>
    %reduce_sum3A_2291 = arith.constant true
    %reduce_sum3A_2292 = vector.broadcast %reduce_sum3A_2291 : i1 to vector<16xi1>
    %reduce_sum3A_2293 = tpu.scan <sum>, %select_n3A_2290 masked %reduce_sum3A_2292 : vector<16xi32>, vector<16xi1> -> vector<16xi32>
    %reduce_sum3A_2294 = vector.extract %reduce_sum3A_2293[15] : i32 from vector<16xi32>
    %jit3A_2295 = arith.constant 128 : i32
    %eq3A_2296 = arith.constant 0 : i32
    %eq3A_2297 = arith.cmpi eq, %jit3A_2295, %eq3A_2296 : i32
    %jit3A_2298 = arith.constant 1 : i32
    %select_n3A_2299 = arith.select %eq3A_2297, %jit3A_2298, %jit3A_2295 : i32
    %rem3A_2300 = arith.remsi %reduce_sum3A_2294, %select_n3A_2299 : i32
    %ne3A_2301 = arith.constant 0 : i32
    %ne3A_2302 = arith.cmpi ne, %rem3A_2300, %ne3A_2301 : i32
    %lt3A_2303 = arith.constant 0 : i32
    %lt3A_2304 = arith.cmpi slt, %rem3A_2300, %lt3A_2303 : i32
    %lt3A_2305 = arith.constant 0 : i32
    %lt3A_2306 = arith.cmpi slt, %select_n3A_2299, %lt3A_2305 : i32
    %ne3A_2307 = arith.xori %lt3A_2304, %lt3A_2306 : i1
    %and3A_2308 = arith.andi %ne3A_2307, %ne3A_2302 : i1
    %add3A_2309 = arith.addi %rem3A_2300, %select_n3A_2299 : i32
    %select_n3A_2310 = arith.select %and3A_2308, %add3A_2309, %rem3A_2300 : i32
    %broadcast_in_dim3A_2311 = vector.broadcast %select_n3A_2310 : i32 to vector<16xi32>
    %gather3A_2312 = arith.constant 0 : i32
    %gather3A_2313 = arith.constant 0 : i32
    %gather3A_2314 = arith.constant 0 : i32
    %gather3A_2315 = tpu.memref_slice %arg6[%gather3A_2312, %gather3A_2313, %gather3A_2314] : memref<8x32x128xf32, #tpu.memory_space<vmem>> -> memref<1x32x128xf32, #tpu.memory_space<vmem>>
    %gather3A_2316 = tpu.memref_squeeze %gather3A_2315 : memref<1x32x128xf32, #tpu.memory_space<vmem>> -> memref<32x128xf32, #tpu.memory_space<vmem>>
    %gather3A_2317 = tpu.vector_load_idx %gather3A_2316[%iota3A, %broadcast_in_dim3A_2311] : memref<32x128xf32, #tpu.memory_space<vmem>>[vector<16xi32>, vector<16xi32>], vector<16xf32>,
    %swap3A_2318 = arith.constant 16 : i32
    %swap3A_2319 = arith.index_cast %swap3A_2318 : i32 to index
    %swap3A_2320 = arith.constant 0 : index
    %swap3A_2321 = tpu.vector_load %arg7[%swap3A_2319, %swap3A_2320] {strides = array<i32>} : memref<32x32xf32, #tpu.memory_space<vmem>>, vector<16xf32>,
    tpu.vector_store %arg7[%swap3A_2319, %swap3A_2320], %gather3A_2317 {strides = array<i32>} : memref<32x32xf32, #tpu.memory_space<vmem>>, vector<16xf32>,
    %gather3A_2322 = arith.constant 0 : i32
    %gather3A_2323 = arith.constant 0 : i32
    %gather3A_2324 = arith.constant 0 : i32
    %gather3A_2325 = tpu.memref_slice %arg6[%gather3A_2322, %gather3A_2323, %gather3A_2324] : memref<8x32x128xf32, #tpu.memory_space<vmem>> -> memref<1x32x128xf32, #tpu.memory_space<vmem>>
    %gather3A_2326 = tpu.memref_squeeze %gather3A_2325 : memref<1x32x128xf32, #tpu.memory_space<vmem>> -> memref<32x128xf32, #tpu.memory_space<vmem>>
    %gather3A_2327 = tpu.vector_load_idx %gather3A_2326[%add3A_6, %broadcast_in_dim3A_2311] : memref<32x128xf32, #tpu.memory_space<vmem>>[vector<16xi32>, vector<16xi32>], vector<16xf32>,
    %swap3A_2328 = arith.constant 16 : i32
    %swap3A_2329 = arith.index_cast %swap3A_2328 : i32 to index
    %swap3A_2330 = arith.constant 16 : index
    %swap3A_2331 = tpu.vector_load %arg7[%swap3A_2329, %swap3A_2330] {strides = array<i32>} : memref<32x32xf32, #tpu.memory_space<vmem>>, vector<16xf32>,
    tpu.vector_store %arg7[%swap3A_2329, %swap3A_2330], %gather3A_2327 {strides = array<i32>} : memref<32x32xf32, #tpu.memory_space<vmem>>, vector<16xf32>,
    %get3A_2332 = arith.constant 16 : index
    %get3A_2333 = tpu.vector_load %arg5[%get3A_2332] {strides = array<i32>} : memref<32xi32, #tpu.memory_space<vmem>>, vector<16xi32>,
    %iota3A_2334 = tpu.iota {dimensions = array<i32: 0>} : vector<16xi32>
    %eq3A_2335 = arith.constant 8 : i32
    %eq3A_2336 = vector.broadcast %eq3A_2335 : i32 to vector<16xi32>
    %eq3A_2337 = arith.cmpi eq, %iota3A_2334, %eq3A_2336 : vector<16xi32>
    %jit3A_2338 = arith.constant 0 : i32
    %broadcast_in_dim3A_2339 = vector.broadcast %jit3A_2338 : i32 to vector<16xi32>
    %select_n3A_2340 = arith.select %eq3A_2337, %get3A_2333, %broadcast_in_dim3A_2339 : vector<16xi1>, vector<16xi32>
    %reduce_sum3A_2341 = arith.constant true
    %reduce_sum3A_2342 = vector.broadcast %reduce_sum3A_2341 : i1 to vector<16xi1>
    %reduce_sum3A_2343 = tpu.scan <sum>, %select_n3A_2340 masked %reduce_sum3A_2342 : vector<16xi32>, vector<16xi1> -> vector<16xi32>
    %reduce_sum3A_2344 = vector.extract %reduce_sum3A_2343[15] : i32 from vector<16xi32>
    %jit3A_2345 = arith.constant 128 : i32
    %div3A_2346 = arith.divsi %reduce_sum3A_2344, %jit3A_2345 : i32
    %sign3A_2347 = arith.constant 0 : i32
    %sign3A_2348 = arith.cmpi sgt, %reduce_sum3A_2344, %sign3A_2347 : i32
    %sign3A_2349 = arith.extui %sign3A_2348 : i1 to i32
    %sign3A_2350 = arith.constant 0 : i32
    %sign3A_2351 = arith.cmpi slt, %reduce_sum3A_2344, %sign3A_2350 : i32
    %sign3A_2352 = arith.extui %sign3A_2351 : i1 to i32
    %sign3A_2353 = arith.subi %sign3A_2349, %sign3A_2352 : i32
    %sign3A_2354 = arith.constant 0 : i32
    %sign3A_2355 = arith.cmpi sgt, %jit3A_2345, %sign3A_2354 : i32
    %sign3A_2356 = arith.extui %sign3A_2355 : i1 to i32
    %sign3A_2357 = arith.constant 0 : i32
    %sign3A_2358 = arith.cmpi slt, %jit3A_2345, %sign3A_2357 : i32
    %sign3A_2359 = arith.extui %sign3A_2358 : i1 to i32
    %sign3A_2360 = arith.subi %sign3A_2356, %sign3A_2359 : i32
    %ne3A_2361 = arith.cmpi ne, %sign3A_2353, %sign3A_2360 : i32
    %rem3A_2362 = arith.remsi %reduce_sum3A_2344, %jit3A_2345 : i32
    %ne3A_2363 = arith.constant 0 : i32
    %ne3A_2364 = arith.cmpi ne, %rem3A_2362, %ne3A_2363 : i32
    %and3A_2365 = arith.andi %ne3A_2361, %ne3A_2364 : i1
    %sub3A_2366 = arith.constant 1 : i32
    %sub3A_2367 = arith.subi %div3A_2346, %sub3A_2366 : i32
    %select_n3A_2368 = arith.select %and3A_2365, %sub3A_2367, %div3A_2346 : i32
    %mul3A_2369 = arith.constant 128 : i32
    %mul3A_2370 = arith.muli %select_n3A_2368, %mul3A_2369 : i32
    %multiple_of3A_2371 = tpu.assume_multiple %mul3A_2370, 128 : i32
    %dma_start3A_2372 = arith.constant 0 : i32
    %dma_start3A_2373 = arith.constant 0 : i32
    %dma_start3A_2374 = arith.constant 0 : i32
    %dma_start3A_2375 = tpu.memref_slice %arg6[%dma_start3A_2372, %dma_start3A_2373, %dma_start3A_2374] : memref<8x32x128xf32, #tpu.memory_space<vmem>> -> memref<1x32x128xf32, #tpu.memory_space<vmem>>
    %dma_start3A_2376 = tpu.memref_squeeze %dma_start3A_2375 : memref<1x32x128xf32, #tpu.memory_space<vmem>> -> memref<32x128xf32, #tpu.memory_space<vmem>>
    %dma_start3A_2377 = arith.constant 0 : i32
    %dma_start3A_2378 = tpu.memref_slice %arg3[%dma_start3A_2377, %multiple_of3A_2371] : memref<32x100000xf32, #tpu.memory_space<hbm>> -> memref<32x128xf32, #tpu.memory_space<hbm>>
    %dma_start3A_2379 = arith.constant 0 : i32
    %dma_start3A_2380 = arith.constant 0 : i32
    %dma_start3A_2381 = tpu.memref_slice %arg6[%dma_start3A_2372, %dma_start3A_2379, %dma_start3A_2380] : memref<8x32x128xf32, #tpu.memory_space<vmem>> -> memref<1x32x128xf32, #tpu.memory_space<vmem>>
    %dma_start3A_2382 = tpu.memref_squeeze %dma_start3A_2381 : memref<1x32x128xf32, #tpu.memory_space<vmem>> -> memref<32x128xf32, #tpu.memory_space<vmem>>
    %dma_start3A_2383 = arith.constant 0 : i32
    %dma_start3A_2384 = tpu.memref_slice %arg3[%dma_start3A_2383, %multiple_of3A_2371] : memref<32x100000xf32, #tpu.memory_space<hbm>> -> memref<32x128xf32, #tpu.memory_space<hbm>>
    tpu.enqueue_dma source(%dma_start3A_2384 : memref<32x128xf32, #tpu.memory_space<hbm>>) target(%dma_start3A_2382 : memref<32x128xf32, #tpu.memory_space<vmem>>) target_semaphore(%arg8 : memref<!tpu.dma_semaphore, #tpu.memory_space<semaphore_mem>>)
    %dma_wait3A_2385 = arith.constant 1 : i32
    %dma_wait3A_2386 = arith.constant 0 : i32
    %dma_wait3A_2387 = arith.constant 0 : i32
    %dma_wait3A_2388 = tpu.memref_slice %arg6[%dma_wait3A_2385, %dma_wait3A_2386, %dma_wait3A_2387] : memref<8x32x128xf32, #tpu.memory_space<vmem>> -> memref<1x32x128xf32, #tpu.memory_space<vmem>>
    %dma_wait3A_2389 = tpu.memref_squeeze %dma_wait3A_2388 : memref<1x32x128xf32, #tpu.memory_space<vmem>> -> memref<32x128xf32, #tpu.memory_space<vmem>>
    %dma_wait3A_2390 = arith.constant 0 : i32
    %dma_wait3A_2391 = tpu.memref_slice %arg3[%dma_wait3A_2390, %multiple_of3A_1559] : memref<32x100000xf32, #tpu.memory_space<hbm>> -> memref<32x128xf32, #tpu.memory_space<hbm>>
    %dma_wait3A_2392 = arith.constant 0 : i32
    %dma_wait3A_2393 = arith.constant 0 : i32
    %dma_wait3A_2394 = tpu.memref_slice %arg6[%dma_wait3A_2385, %dma_wait3A_2392, %dma_wait3A_2393] : memref<8x32x128xf32, #tpu.memory_space<vmem>> -> memref<1x32x128xf32, #tpu.memory_space<vmem>>
    %dma_wait3A_2395 = tpu.memref_squeeze %dma_wait3A_2394 : memref<1x32x128xf32, #tpu.memory_space<vmem>> -> memref<32x128xf32, #tpu.memory_space<vmem>>
    %dma_wait3A_2396 = arith.constant 0 : i32
    %dma_wait3A_2397 = tpu.memref_slice %arg3[%dma_wait3A_2396, %multiple_of3A_1559] : memref<32x100000xf32, #tpu.memory_space<hbm>> -> memref<32x128xf32, #tpu.memory_space<hbm>>
    tpu.wait_dma2 semaphore(%arg8 : memref<!tpu.dma_semaphore, #tpu.memory_space<semaphore_mem>>) src(%dma_wait3A_2397 : memref<32x128xf32, #tpu.memory_space<hbm>>) dst(%dma_wait3A_2395 : memref<32x128xf32, #tpu.memory_space<vmem>>)
    %get3A_2398 = arith.constant 16 : index
    %get3A_2399 = tpu.vector_load %arg5[%get3A_2398] {strides = array<i32>} : memref<32xi32, #tpu.memory_space<vmem>>, vector<16xi32>,
    %iota3A_2400 = tpu.iota {dimensions = array<i32: 0>} : vector<16xi32>
    %eq3A_2401 = arith.constant 1 : i32
    %eq3A_2402 = vector.broadcast %eq3A_2401 : i32 to vector<16xi32>
    %eq3A_2403 = arith.cmpi eq, %iota3A_2400, %eq3A_2402 : vector<16xi32>
    %jit3A_2404 = arith.constant 0 : i32
    %broadcast_in_dim3A_2405 = vector.broadcast %jit3A_2404 : i32 to vector<16xi32>
    %select_n3A_2406 = arith.select %eq3A_2403, %get3A_2399, %broadcast_in_dim3A_2405 : vector<16xi1>, vector<16xi32>
    %reduce_sum3A_2407 = arith.constant true
    %reduce_sum3A_2408 = vector.broadcast %reduce_sum3A_2407 : i1 to vector<16xi1>
    %reduce_sum3A_2409 = tpu.scan <sum>, %select_n3A_2406 masked %reduce_sum3A_2408 : vector<16xi32>, vector<16xi1> -> vector<16xi32>
    %reduce_sum3A_2410 = vector.extract %reduce_sum3A_2409[15] : i32 from vector<16xi32>
    %jit3A_2411 = arith.constant 128 : i32
    %eq3A_2412 = arith.constant 0 : i32
    %eq3A_2413 = arith.cmpi eq, %jit3A_2411, %eq3A_2412 : i32
    %jit3A_2414 = arith.constant 1 : i32
    %select_n3A_2415 = arith.select %eq3A_2413, %jit3A_2414, %jit3A_2411 : i32
    %rem3A_2416 = arith.remsi %reduce_sum3A_2410, %select_n3A_2415 : i32
    %ne3A_2417 = arith.constant 0 : i32
    %ne3A_2418 = arith.cmpi ne, %rem3A_2416, %ne3A_2417 : i32
    %lt3A_2419 = arith.constant 0 : i32
    %lt3A_2420 = arith.cmpi slt, %rem3A_2416, %lt3A_2419 : i32
    %lt3A_2421 = arith.constant 0 : i32
    %lt3A_2422 = arith.cmpi slt, %select_n3A_2415, %lt3A_2421 : i32
    %ne3A_2423 = arith.xori %lt3A_2420, %lt3A_2422 : i1
    %and3A_2424 = arith.andi %ne3A_2423, %ne3A_2418 : i1
    %add3A_2425 = arith.addi %rem3A_2416, %select_n3A_2415 : i32
    %select_n3A_2426 = arith.select %and3A_2424, %add3A_2425, %rem3A_2416 : i32
    %broadcast_in_dim3A_2427 = vector.broadcast %select_n3A_2426 : i32 to vector<16xi32>
    %gather3A_2428 = arith.constant 1 : i32
    %gather3A_2429 = arith.constant 0 : i32
    %gather3A_2430 = arith.constant 0 : i32
    %gather3A_2431 = tpu.memref_slice %arg6[%gather3A_2428, %gather3A_2429, %gather3A_2430] : memref<8x32x128xf32, #tpu.memory_space<vmem>> -> memref<1x32x128xf32, #tpu.memory_space<vmem>>
    %gather3A_2432 = tpu.memref_squeeze %gather3A_2431 : memref<1x32x128xf32, #tpu.memory_space<vmem>> -> memref<32x128xf32, #tpu.memory_space<vmem>>
    %gather3A_2433 = tpu.vector_load_idx %gather3A_2432[%iota3A, %broadcast_in_dim3A_2427] : memref<32x128xf32, #tpu.memory_space<vmem>>[vector<16xi32>, vector<16xi32>], vector<16xf32>,
    %swap3A_2434 = arith.constant 17 : i32
    %swap3A_2435 = arith.index_cast %swap3A_2434 : i32 to index
    %swap3A_2436 = arith.constant 0 : index
    %swap3A_2437 = tpu.vector_load %arg7[%swap3A_2435, %swap3A_2436] {strides = array<i32>} : memref<32x32xf32, #tpu.memory_space<vmem>>, vector<16xf32>,
    tpu.vector_store %arg7[%swap3A_2435, %swap3A_2436], %gather3A_2433 {strides = array<i32>} : memref<32x32xf32, #tpu.memory_space<vmem>>, vector<16xf32>,
    %gather3A_2438 = arith.constant 1 : i32
    %gather3A_2439 = arith.constant 0 : i32
    %gather3A_2440 = arith.constant 0 : i32
    %gather3A_2441 = tpu.memref_slice %arg6[%gather3A_2438, %gather3A_2439, %gather3A_2440] : memref<8x32x128xf32, #tpu.memory_space<vmem>> -> memref<1x32x128xf32, #tpu.memory_space<vmem>>
    %gather3A_2442 = tpu.memref_squeeze %gather3A_2441 : memref<1x32x128xf32, #tpu.memory_space<vmem>> -> memref<32x128xf32, #tpu.memory_space<vmem>>
    %gather3A_2443 = tpu.vector_load_idx %gather3A_2442[%add3A_6, %broadcast_in_dim3A_2427] : memref<32x128xf32, #tpu.memory_space<vmem>>[vector<16xi32>, vector<16xi32>], vector<16xf32>,
    %swap3A_2444 = arith.constant 17 : i32
    %swap3A_2445 = arith.index_cast %swap3A_2444 : i32 to index
    %swap3A_2446 = arith.constant 16 : index
    %swap3A_2447 = tpu.vector_load %arg7[%swap3A_2445, %swap3A_2446] {strides = array<i32>} : memref<32x32xf32, #tpu.memory_space<vmem>>, vector<16xf32>,
    tpu.vector_store %arg7[%swap3A_2445, %swap3A_2446], %gather3A_2443 {strides = array<i32>} : memref<32x32xf32, #tpu.memory_space<vmem>>, vector<16xf32>,
    %get3A_2448 = arith.constant 16 : index
    %get3A_2449 = tpu.vector_load %arg5[%get3A_2448] {strides = array<i32>} : memref<32xi32, #tpu.memory_space<vmem>>, vector<16xi32>,
    %iota3A_2450 = tpu.iota {dimensions = array<i32: 0>} : vector<16xi32>
    %eq3A_2451 = arith.constant 9 : i32
    %eq3A_2452 = vector.broadcast %eq3A_2451 : i32 to vector<16xi32>
    %eq3A_2453 = arith.cmpi eq, %iota3A_2450, %eq3A_2452 : vector<16xi32>
    %jit3A_2454 = arith.constant 0 : i32
    %broadcast_in_dim3A_2455 = vector.broadcast %jit3A_2454 : i32 to vector<16xi32>
    %select_n3A_2456 = arith.select %eq3A_2453, %get3A_2449, %broadcast_in_dim3A_2455 : vector<16xi1>, vector<16xi32>
    %reduce_sum3A_2457 = arith.constant true
    %reduce_sum3A_2458 = vector.broadcast %reduce_sum3A_2457 : i1 to vector<16xi1>
    %reduce_sum3A_2459 = tpu.scan <sum>, %select_n3A_2456 masked %reduce_sum3A_2458 : vector<16xi32>, vector<16xi1> -> vector<16xi32>
    %reduce_sum3A_2460 = vector.extract %reduce_sum3A_2459[15] : i32 from vector<16xi32>
    %jit3A_2461 = arith.constant 128 : i32
    %div3A_2462 = arith.divsi %reduce_sum3A_2460, %jit3A_2461 : i32
    %sign3A_2463 = arith.constant 0 : i32
    %sign3A_2464 = arith.cmpi sgt, %reduce_sum3A_2460, %sign3A_2463 : i32
    %sign3A_2465 = arith.extui %sign3A_2464 : i1 to i32
    %sign3A_2466 = arith.constant 0 : i32
    %sign3A_2467 = arith.cmpi slt, %reduce_sum3A_2460, %sign3A_2466 : i32
    %sign3A_2468 = arith.extui %sign3A_2467 : i1 to i32
    %sign3A_2469 = arith.subi %sign3A_2465, %sign3A_2468 : i32
    %sign3A_2470 = arith.constant 0 : i32
    %sign3A_2471 = arith.cmpi sgt, %jit3A_2461, %sign3A_2470 : i32
    %sign3A_2472 = arith.extui %sign3A_2471 : i1 to i32
    %sign3A_2473 = arith.constant 0 : i32
    %sign3A_2474 = arith.cmpi slt, %jit3A_2461, %sign3A_2473 : i32
    %sign3A_2475 = arith.extui %sign3A_2474 : i1 to i32
    %sign3A_2476 = arith.subi %sign3A_2472, %sign3A_2475 : i32
    %ne3A_2477 = arith.cmpi ne, %sign3A_2469, %sign3A_2476 : i32
    %rem3A_2478 = arith.remsi %reduce_sum3A_2460, %jit3A_2461 : i32
    %ne3A_2479 = arith.constant 0 : i32
    %ne3A_2480 = arith.cmpi ne, %rem3A_2478, %ne3A_2479 : i32
    %and3A_2481 = arith.andi %ne3A_2477, %ne3A_2480 : i1
    %sub3A_2482 = arith.constant 1 : i32
    %sub3A_2483 = arith.subi %div3A_2462, %sub3A_2482 : i32
    %select_n3A_2484 = arith.select %and3A_2481, %sub3A_2483, %div3A_2462 : i32
    %mul3A_2485 = arith.constant 128 : i32
    %mul3A_2486 = arith.muli %select_n3A_2484, %mul3A_2485 : i32
    %multiple_of3A_2487 = tpu.assume_multiple %mul3A_2486, 128 : i32
    %dma_start3A_2488 = arith.constant 1 : i32
    %dma_start3A_2489 = arith.constant 0 : i32
    %dma_start3A_2490 = arith.constant 0 : i32
    %dma_start3A_2491 = tpu.memref_slice %arg6[%dma_start3A_2488, %dma_start3A_2489, %dma_start3A_2490] : memref<8x32x128xf32, #tpu.memory_space<vmem>> -> memref<1x32x128xf32, #tpu.memory_space<vmem>>
    %dma_start3A_2492 = tpu.memref_squeeze %dma_start3A_2491 : memref<1x32x128xf32, #tpu.memory_space<vmem>> -> memref<32x128xf32, #tpu.memory_space<vmem>>
    %dma_start3A_2493 = arith.constant 0 : i32
    %dma_start3A_2494 = tpu.memref_slice %arg3[%dma_start3A_2493, %multiple_of3A_2487] : memref<32x100000xf32, #tpu.memory_space<hbm>> -> memref<32x128xf32, #tpu.memory_space<hbm>>
    %dma_start3A_2495 = arith.constant 0 : i32
    %dma_start3A_2496 = arith.constant 0 : i32
    %dma_start3A_2497 = tpu.memref_slice %arg6[%dma_start3A_2488, %dma_start3A_2495, %dma_start3A_2496] : memref<8x32x128xf32, #tpu.memory_space<vmem>> -> memref<1x32x128xf32, #tpu.memory_space<vmem>>
    %dma_start3A_2498 = tpu.memref_squeeze %dma_start3A_2497 : memref<1x32x128xf32, #tpu.memory_space<vmem>> -> memref<32x128xf32, #tpu.memory_space<vmem>>
    %dma_start3A_2499 = arith.constant 0 : i32
    %dma_start3A_2500 = tpu.memref_slice %arg3[%dma_start3A_2499, %multiple_of3A_2487] : memref<32x100000xf32, #tpu.memory_space<hbm>> -> memref<32x128xf32, #tpu.memory_space<hbm>>
    tpu.enqueue_dma source(%dma_start3A_2500 : memref<32x128xf32, #tpu.memory_space<hbm>>) target(%dma_start3A_2498 : memref<32x128xf32, #tpu.memory_space<vmem>>) target_semaphore(%arg8 : memref<!tpu.dma_semaphore, #tpu.memory_space<semaphore_mem>>)
    %dma_wait3A_2501 = arith.constant 2 : i32
    %dma_wait3A_2502 = arith.constant 0 : i32
    %dma_wait3A_2503 = arith.constant 0 : i32
    %dma_wait3A_2504 = tpu.memref_slice %arg6[%dma_wait3A_2501, %dma_wait3A_2502, %dma_wait3A_2503] : memref<8x32x128xf32, #tpu.memory_space<vmem>> -> memref<1x32x128xf32, #tpu.memory_space<vmem>>
    %dma_wait3A_2505 = tpu.memref_squeeze %dma_wait3A_2504 : memref<1x32x128xf32, #tpu.memory_space<vmem>> -> memref<32x128xf32, #tpu.memory_space<vmem>>
    %dma_wait3A_2506 = arith.constant 0 : i32
    %dma_wait3A_2507 = tpu.memref_slice %arg3[%dma_wait3A_2506, %multiple_of3A_1675] : memref<32x100000xf32, #tpu.memory_space<hbm>> -> memref<32x128xf32, #tpu.memory_space<hbm>>
    %dma_wait3A_2508 = arith.constant 0 : i32
    %dma_wait3A_2509 = arith.constant 0 : i32
    %dma_wait3A_2510 = tpu.memref_slice %arg6[%dma_wait3A_2501, %dma_wait3A_2508, %dma_wait3A_2509] : memref<8x32x128xf32, #tpu.memory_space<vmem>> -> memref<1x32x128xf32, #tpu.memory_space<vmem>>
    %dma_wait3A_2511 = tpu.memref_squeeze %dma_wait3A_2510 : memref<1x32x128xf32, #tpu.memory_space<vmem>> -> memref<32x128xf32, #tpu.memory_space<vmem>>
    %dma_wait3A_2512 = arith.constant 0 : i32
    %dma_wait3A_2513 = tpu.memref_slice %arg3[%dma_wait3A_2512, %multiple_of3A_1675] : memref<32x100000xf32, #tpu.memory_space<hbm>> -> memref<32x128xf32, #tpu.memory_space<hbm>>
    tpu.wait_dma2 semaphore(%arg8 : memref<!tpu.dma_semaphore, #tpu.memory_space<semaphore_mem>>) src(%dma_wait3A_2513 : memref<32x128xf32, #tpu.memory_space<hbm>>) dst(%dma_wait3A_2511 : memref<32x128xf32, #tpu.memory_space<vmem>>)
    %get3A_2514 = arith.constant 16 : index
    %get3A_2515 = tpu.vector_load %arg5[%get3A_2514] {strides = array<i32>} : memref<32xi32, #tpu.memory_space<vmem>>, vector<16xi32>,
    %iota3A_2516 = tpu.iota {dimensions = array<i32: 0>} : vector<16xi32>
    %eq3A_2517 = arith.constant 2 : i32
    %eq3A_2518 = vector.broadcast %eq3A_2517 : i32 to vector<16xi32>
    %eq3A_2519 = arith.cmpi eq, %iota3A_2516, %eq3A_2518 : vector<16xi32>
    %jit3A_2520 = arith.constant 0 : i32
    %broadcast_in_dim3A_2521 = vector.broadcast %jit3A_2520 : i32 to vector<16xi32>
    %select_n3A_2522 = arith.select %eq3A_2519, %get3A_2515, %broadcast_in_dim3A_2521 : vector<16xi1>, vector<16xi32>
    %reduce_sum3A_2523 = arith.constant true
    %reduce_sum3A_2524 = vector.broadcast %reduce_sum3A_2523 : i1 to vector<16xi1>
    %reduce_sum3A_2525 = tpu.scan <sum>, %select_n3A_2522 masked %reduce_sum3A_2524 : vector<16xi32>, vector<16xi1> -> vector<16xi32>
    %reduce_sum3A_2526 = vector.extract %reduce_sum3A_2525[15] : i32 from vector<16xi32>
    %jit3A_2527 = arith.constant 128 : i32
    %eq3A_2528 = arith.constant 0 : i32
    %eq3A_2529 = arith.cmpi eq, %jit3A_2527, %eq3A_2528 : i32
    %jit3A_2530 = arith.constant 1 : i32
    %select_n3A_2531 = arith.select %eq3A_2529, %jit3A_2530, %jit3A_2527 : i32
    %rem3A_2532 = arith.remsi %reduce_sum3A_2526, %select_n3A_2531 : i32
    %ne3A_2533 = arith.constant 0 : i32
    %ne3A_2534 = arith.cmpi ne, %rem3A_2532, %ne3A_2533 : i32
    %lt3A_2535 = arith.constant 0 : i32
    %lt3A_2536 = arith.cmpi slt, %rem3A_2532, %lt3A_2535 : i32
    %lt3A_2537 = arith.constant 0 : i32
    %lt3A_2538 = arith.cmpi slt, %select_n3A_2531, %lt3A_2537 : i32
    %ne3A_2539 = arith.xori %lt3A_2536, %lt3A_2538 : i1
    %and3A_2540 = arith.andi %ne3A_2539, %ne3A_2534 : i1
    %add3A_2541 = arith.addi %rem3A_2532, %select_n3A_2531 : i32
    %select_n3A_2542 = arith.select %and3A_2540, %add3A_2541, %rem3A_2532 : i32
    %broadcast_in_dim3A_2543 = vector.broadcast %select_n3A_2542 : i32 to vector<16xi32>
    %gather3A_2544 = arith.constant 2 : i32
    %gather3A_2545 = arith.constant 0 : i32
    %gather3A_2546 = arith.constant 0 : i32
    %gather3A_2547 = tpu.memref_slice %arg6[%gather3A_2544, %gather3A_2545, %gather3A_2546] : memref<8x32x128xf32, #tpu.memory_space<vmem>> -> memref<1x32x128xf32, #tpu.memory_space<vmem>>
    %gather3A_2548 = tpu.memref_squeeze %gather3A_2547 : memref<1x32x128xf32, #tpu.memory_space<vmem>> -> memref<32x128xf32, #tpu.memory_space<vmem>>
    %gather3A_2549 = tpu.vector_load_idx %gather3A_2548[%iota3A, %broadcast_in_dim3A_2543] : memref<32x128xf32, #tpu.memory_space<vmem>>[vector<16xi32>, vector<16xi32>], vector<16xf32>,
    %swap3A_2550 = arith.constant 18 : i32
    %swap3A_2551 = arith.index_cast %swap3A_2550 : i32 to index
    %swap3A_2552 = arith.constant 0 : index
    %swap3A_2553 = tpu.vector_load %arg7[%swap3A_2551, %swap3A_2552] {strides = array<i32>} : memref<32x32xf32, #tpu.memory_space<vmem>>, vector<16xf32>,
    tpu.vector_store %arg7[%swap3A_2551, %swap3A_2552], %gather3A_2549 {strides = array<i32>} : memref<32x32xf32, #tpu.memory_space<vmem>>, vector<16xf32>,
    %gather3A_2554 = arith.constant 2 : i32
    %gather3A_2555 = arith.constant 0 : i32
    %gather3A_2556 = arith.constant 0 : i32
    %gather3A_2557 = tpu.memref_slice %arg6[%gather3A_2554, %gather3A_2555, %gather3A_2556] : memref<8x32x128xf32, #tpu.memory_space<vmem>> -> memref<1x32x128xf32, #tpu.memory_space<vmem>>
    %gather3A_2558 = tpu.memref_squeeze %gather3A_2557 : memref<1x32x128xf32, #tpu.memory_space<vmem>> -> memref<32x128xf32, #tpu.memory_space<vmem>>
    %gather3A_2559 = tpu.vector_load_idx %gather3A_2558[%add3A_6, %broadcast_in_dim3A_2543] : memref<32x128xf32, #tpu.memory_space<vmem>>[vector<16xi32>, vector<16xi32>], vector<16xf32>,
    %swap3A_2560 = arith.constant 18 : i32
    %swap3A_2561 = arith.index_cast %swap3A_2560 : i32 to index
    %swap3A_2562 = arith.constant 16 : index
    %swap3A_2563 = tpu.vector_load %arg7[%swap3A_2561, %swap3A_2562] {strides = array<i32>} : memref<32x32xf32, #tpu.memory_space<vmem>>, vector<16xf32>,
    tpu.vector_store %arg7[%swap3A_2561, %swap3A_2562], %gather3A_2559 {strides = array<i32>} : memref<32x32xf32, #tpu.memory_space<vmem>>, vector<16xf32>,
    %get3A_2564 = arith.constant 16 : index
    %get3A_2565 = tpu.vector_load %arg5[%get3A_2564] {strides = array<i32>} : memref<32xi32, #tpu.memory_space<vmem>>, vector<16xi32>,
    %iota3A_2566 = tpu.iota {dimensions = array<i32: 0>} : vector<16xi32>
    %eq3A_2567 = arith.constant 10 : i32
    %eq3A_2568 = vector.broadcast %eq3A_2567 : i32 to vector<16xi32>
    %eq3A_2569 = arith.cmpi eq, %iota3A_2566, %eq3A_2568 : vector<16xi32>
    %jit3A_2570 = arith.constant 0 : i32
    %broadcast_in_dim3A_2571 = vector.broadcast %jit3A_2570 : i32 to vector<16xi32>
    %select_n3A_2572 = arith.select %eq3A_2569, %get3A_2565, %broadcast_in_dim3A_2571 : vector<16xi1>, vector<16xi32>
    %reduce_sum3A_2573 = arith.constant true
    %reduce_sum3A_2574 = vector.broadcast %reduce_sum3A_2573 : i1 to vector<16xi1>
    %reduce_sum3A_2575 = tpu.scan <sum>, %select_n3A_2572 masked %reduce_sum3A_2574 : vector<16xi32>, vector<16xi1> -> vector<16xi32>
    %reduce_sum3A_2576 = vector.extract %reduce_sum3A_2575[15] : i32 from vector<16xi32>
    %jit3A_2577 = arith.constant 128 : i32
    %div3A_2578 = arith.divsi %reduce_sum3A_2576, %jit3A_2577 : i32
    %sign3A_2579 = arith.constant 0 : i32
    %sign3A_2580 = arith.cmpi sgt, %reduce_sum3A_2576, %sign3A_2579 : i32
    %sign3A_2581 = arith.extui %sign3A_2580 : i1 to i32
    %sign3A_2582 = arith.constant 0 : i32
    %sign3A_2583 = arith.cmpi slt, %reduce_sum3A_2576, %sign3A_2582 : i32
    %sign3A_2584 = arith.extui %sign3A_2583 : i1 to i32
    %sign3A_2585 = arith.subi %sign3A_2581, %sign3A_2584 : i32
    %sign3A_2586 = arith.constant 0 : i32
    %sign3A_2587 = arith.cmpi sgt, %jit3A_2577, %sign3A_2586 : i32
    %sign3A_2588 = arith.extui %sign3A_2587 : i1 to i32
    %sign3A_2589 = arith.constant 0 : i32
    %sign3A_2590 = arith.cmpi slt, %jit3A_2577, %sign3A_2589 : i32
    %sign3A_2591 = arith.extui %sign3A_2590 : i1 to i32
    %sign3A_2592 = arith.subi %sign3A_2588, %sign3A_2591 : i32
    %ne3A_2593 = arith.cmpi ne, %sign3A_2585, %sign3A_2592 : i32
    %rem3A_2594 = arith.remsi %reduce_sum3A_2576, %jit3A_2577 : i32
    %ne3A_2595 = arith.constant 0 : i32
    %ne3A_2596 = arith.cmpi ne, %rem3A_2594, %ne3A_2595 : i32
    %and3A_2597 = arith.andi %ne3A_2593, %ne3A_2596 : i1
    %sub3A_2598 = arith.constant 1 : i32
    %sub3A_2599 = arith.subi %div3A_2578, %sub3A_2598 : i32
    %select_n3A_2600 = arith.select %and3A_2597, %sub3A_2599, %div3A_2578 : i32
    %mul3A_2601 = arith.constant 128 : i32
    %mul3A_2602 = arith.muli %select_n3A_2600, %mul3A_2601 : i32
    %multiple_of3A_2603 = tpu.assume_multiple %mul3A_2602, 128 : i32
    %dma_start3A_2604 = arith.constant 2 : i32
    %dma_start3A_2605 = arith.constant 0 : i32
    %dma_start3A_2606 = arith.constant 0 : i32
    %dma_start3A_2607 = tpu.memref_slice %arg6[%dma_start3A_2604, %dma_start3A_2605, %dma_start3A_2606] : memref<8x32x128xf32, #tpu.memory_space<vmem>> -> memref<1x32x128xf32, #tpu.memory_space<vmem>>
    %dma_start3A_2608 = tpu.memref_squeeze %dma_start3A_2607 : memref<1x32x128xf32, #tpu.memory_space<vmem>> -> memref<32x128xf32, #tpu.memory_space<vmem>>
    %dma_start3A_2609 = arith.constant 0 : i32
    %dma_start3A_2610 = tpu.memref_slice %arg3[%dma_start3A_2609, %multiple_of3A_2603] : memref<32x100000xf32, #tpu.memory_space<hbm>> -> memref<32x128xf32, #tpu.memory_space<hbm>>
    %dma_start3A_2611 = arith.constant 0 : i32
    %dma_start3A_2612 = arith.constant 0 : i32
    %dma_start3A_2613 = tpu.memref_slice %arg6[%dma_start3A_2604, %dma_start3A_2611, %dma_start3A_2612] : memref<8x32x128xf32, #tpu.memory_space<vmem>> -> memref<1x32x128xf32, #tpu.memory_space<vmem>>
    %dma_start3A_2614 = tpu.memref_squeeze %dma_start3A_2613 : memref<1x32x128xf32, #tpu.memory_space<vmem>> -> memref<32x128xf32, #tpu.memory_space<vmem>>
    %dma_start3A_2615 = arith.constant 0 : i32
    %dma_start3A_2616 = tpu.memref_slice %arg3[%dma_start3A_2615, %multiple_of3A_2603] : memref<32x100000xf32, #tpu.memory_space<hbm>> -> memref<32x128xf32, #tpu.memory_space<hbm>>
    tpu.enqueue_dma source(%dma_start3A_2616 : memref<32x128xf32, #tpu.memory_space<hbm>>) target(%dma_start3A_2614 : memref<32x128xf32, #tpu.memory_space<vmem>>) target_semaphore(%arg8 : memref<!tpu.dma_semaphore, #tpu.memory_space<semaphore_mem>>)
    %dma_wait3A_2617 = arith.constant 3 : i32
    %dma_wait3A_2618 = arith.constant 0 : i32
    %dma_wait3A_2619 = arith.constant 0 : i32
    %dma_wait3A_2620 = tpu.memref_slice %arg6[%dma_wait3A_2617, %dma_wait3A_2618, %dma_wait3A_2619] : memref<8x32x128xf32, #tpu.memory_space<vmem>> -> memref<1x32x128xf32, #tpu.memory_space<vmem>>
    %dma_wait3A_2621 = tpu.memref_squeeze %dma_wait3A_2620 : memref<1x32x128xf32, #tpu.memory_space<vmem>> -> memref<32x128xf32, #tpu.memory_space<vmem>>
    %dma_wait3A_2622 = arith.constant 0 : i32
    %dma_wait3A_2623 = tpu.memref_slice %arg3[%dma_wait3A_2622, %multiple_of3A_1791] : memref<32x100000xf32, #tpu.memory_space<hbm>> -> memref<32x128xf32, #tpu.memory_space<hbm>>
    %dma_wait3A_2624 = arith.constant 0 : i32
    %dma_wait3A_2625 = arith.constant 0 : i32
    %dma_wait3A_2626 = tpu.memref_slice %arg6[%dma_wait3A_2617, %dma_wait3A_2624, %dma_wait3A_2625] : memref<8x32x128xf32, #tpu.memory_space<vmem>> -> memref<1x32x128xf32, #tpu.memory_space<vmem>>
    %dma_wait3A_2627 = tpu.memref_squeeze %dma_wait3A_2626 : memref<1x32x128xf32, #tpu.memory_space<vmem>> -> memref<32x128xf32, #tpu.memory_space<vmem>>
    %dma_wait3A_2628 = arith.constant 0 : i32
    %dma_wait3A_2629 = tpu.memref_slice %arg3[%dma_wait3A_2628, %multiple_of3A_1791] : memref<32x100000xf32, #tpu.memory_space<hbm>> -> memref<32x128xf32, #tpu.memory_space<hbm>>
    tpu.wait_dma2 semaphore(%arg8 : memref<!tpu.dma_semaphore, #tpu.memory_space<semaphore_mem>>) src(%dma_wait3A_2629 : memref<32x128xf32, #tpu.memory_space<hbm>>) dst(%dma_wait3A_2627 : memref<32x128xf32, #tpu.memory_space<vmem>>)
    %get3A_2630 = arith.constant 16 : index
    %get3A_2631 = tpu.vector_load %arg5[%get3A_2630] {strides = array<i32>} : memref<32xi32, #tpu.memory_space<vmem>>, vector<16xi32>,
    %iota3A_2632 = tpu.iota {dimensions = array<i32: 0>} : vector<16xi32>
    %eq3A_2633 = arith.constant 3 : i32
    %eq3A_2634 = vector.broadcast %eq3A_2633 : i32 to vector<16xi32>
    %eq3A_2635 = arith.cmpi eq, %iota3A_2632, %eq3A_2634 : vector<16xi32>
    %jit3A_2636 = arith.constant 0 : i32
    %broadcast_in_dim3A_2637 = vector.broadcast %jit3A_2636 : i32 to vector<16xi32>
    %select_n3A_2638 = arith.select %eq3A_2635, %get3A_2631, %broadcast_in_dim3A_2637 : vector<16xi1>, vector<16xi32>
    %reduce_sum3A_2639 = arith.constant true
    %reduce_sum3A_2640 = vector.broadcast %reduce_sum3A_2639 : i1 to vector<16xi1>
    %reduce_sum3A_2641 = tpu.scan <sum>, %select_n3A_2638 masked %reduce_sum3A_2640 : vector<16xi32>, vector<16xi1> -> vector<16xi32>
    %reduce_sum3A_2642 = vector.extract %reduce_sum3A_2641[15] : i32 from vector<16xi32>
    %jit3A_2643 = arith.constant 128 : i32
    %eq3A_2644 = arith.constant 0 : i32
    %eq3A_2645 = arith.cmpi eq, %jit3A_2643, %eq3A_2644 : i32
    %jit3A_2646 = arith.constant 1 : i32
    %select_n3A_2647 = arith.select %eq3A_2645, %jit3A_2646, %jit3A_2643 : i32
    %rem3A_2648 = arith.remsi %reduce_sum3A_2642, %select_n3A_2647 : i32
    %ne3A_2649 = arith.constant 0 : i32
    %ne3A_2650 = arith.cmpi ne, %rem3A_2648, %ne3A_2649 : i32
    %lt3A_2651 = arith.constant 0 : i32
    %lt3A_2652 = arith.cmpi slt, %rem3A_2648, %lt3A_2651 : i32
    %lt3A_2653 = arith.constant 0 : i32
    %lt3A_2654 = arith.cmpi slt, %select_n3A_2647, %lt3A_2653 : i32
    %ne3A_2655 = arith.xori %lt3A_2652, %lt3A_2654 : i1
    %and3A_2656 = arith.andi %ne3A_2655, %ne3A_2650 : i1
    %add3A_2657 = arith.addi %rem3A_2648, %select_n3A_2647 : i32
    %select_n3A_2658 = arith.select %and3A_2656, %add3A_2657, %rem3A_2648 : i32
    %broadcast_in_dim3A_2659 = vector.broadcast %select_n3A_2658 : i32 to vector<16xi32>
    %gather3A_2660 = arith.constant 3 : i32
    %gather3A_2661 = arith.constant 0 : i32
    %gather3A_2662 = arith.constant 0 : i32
    %gather3A_2663 = tpu.memref_slice %arg6[%gather3A_2660, %gather3A_2661, %gather3A_2662] : memref<8x32x128xf32, #tpu.memory_space<vmem>> -> memref<1x32x128xf32, #tpu.memory_space<vmem>>
    %gather3A_2664 = tpu.memref_squeeze %gather3A_2663 : memref<1x32x128xf32, #tpu.memory_space<vmem>> -> memref<32x128xf32, #tpu.memory_space<vmem>>
    %gather3A_2665 = tpu.vector_load_idx %gather3A_2664[%iota3A, %broadcast_in_dim3A_2659] : memref<32x128xf32, #tpu.memory_space<vmem>>[vector<16xi32>, vector<16xi32>], vector<16xf32>,
    %swap3A_2666 = arith.constant 19 : i32
    %swap3A_2667 = arith.index_cast %swap3A_2666 : i32 to index
    %swap3A_2668 = arith.constant 0 : index
    %swap3A_2669 = tpu.vector_load %arg7[%swap3A_2667, %swap3A_2668] {strides = array<i32>} : memref<32x32xf32, #tpu.memory_space<vmem>>, vector<16xf32>,
    tpu.vector_store %arg7[%swap3A_2667, %swap3A_2668], %gather3A_2665 {strides = array<i32>} : memref<32x32xf32, #tpu.memory_space<vmem>>, vector<16xf32>,
    %gather3A_2670 = arith.constant 3 : i32
    %gather3A_2671 = arith.constant 0 : i32
    %gather3A_2672 = arith.constant 0 : i32
    %gather3A_2673 = tpu.memref_slice %arg6[%gather3A_2670, %gather3A_2671, %gather3A_2672] : memref<8x32x128xf32, #tpu.memory_space<vmem>> -> memref<1x32x128xf32, #tpu.memory_space<vmem>>
    %gather3A_2674 = tpu.memref_squeeze %gather3A_2673 : memref<1x32x128xf32, #tpu.memory_space<vmem>> -> memref<32x128xf32, #tpu.memory_space<vmem>>
    %gather3A_2675 = tpu.vector_load_idx %gather3A_2674[%add3A_6, %broadcast_in_dim3A_2659] : memref<32x128xf32, #tpu.memory_space<vmem>>[vector<16xi32>, vector<16xi32>], vector<16xf32>,
    %swap3A_2676 = arith.constant 19 : i32
    %swap3A_2677 = arith.index_cast %swap3A_2676 : i32 to index
    %swap3A_2678 = arith.constant 16 : index
    %swap3A_2679 = tpu.vector_load %arg7[%swap3A_2677, %swap3A_2678] {strides = array<i32>} : memref<32x32xf32, #tpu.memory_space<vmem>>, vector<16xf32>,
    tpu.vector_store %arg7[%swap3A_2677, %swap3A_2678], %gather3A_2675 {strides = array<i32>} : memref<32x32xf32, #tpu.memory_space<vmem>>, vector<16xf32>,
    %get3A_2680 = arith.constant 16 : index
    %get3A_2681 = tpu.vector_load %arg5[%get3A_2680] {strides = array<i32>} : memref<32xi32, #tpu.memory_space<vmem>>, vector<16xi32>,
    %iota3A_2682 = tpu.iota {dimensions = array<i32: 0>} : vector<16xi32>
    %eq3A_2683 = arith.constant 11 : i32
    %eq3A_2684 = vector.broadcast %eq3A_2683 : i32 to vector<16xi32>
    %eq3A_2685 = arith.cmpi eq, %iota3A_2682, %eq3A_2684 : vector<16xi32>
    %jit3A_2686 = arith.constant 0 : i32
    %broadcast_in_dim3A_2687 = vector.broadcast %jit3A_2686 : i32 to vector<16xi32>
    %select_n3A_2688 = arith.select %eq3A_2685, %get3A_2681, %broadcast_in_dim3A_2687 : vector<16xi1>, vector<16xi32>
    %reduce_sum3A_2689 = arith.constant true
    %reduce_sum3A_2690 = vector.broadcast %reduce_sum3A_2689 : i1 to vector<16xi1>
    %reduce_sum3A_2691 = tpu.scan <sum>, %select_n3A_2688 masked %reduce_sum3A_2690 : vector<16xi32>, vector<16xi1> -> vector<16xi32>
    %reduce_sum3A_2692 = vector.extract %reduce_sum3A_2691[15] : i32 from vector<16xi32>
    %jit3A_2693 = arith.constant 128 : i32
    %div3A_2694 = arith.divsi %reduce_sum3A_2692, %jit3A_2693 : i32
    %sign3A_2695 = arith.constant 0 : i32
    %sign3A_2696 = arith.cmpi sgt, %reduce_sum3A_2692, %sign3A_2695 : i32
    %sign3A_2697 = arith.extui %sign3A_2696 : i1 to i32
    %sign3A_2698 = arith.constant 0 : i32
    %sign3A_2699 = arith.cmpi slt, %reduce_sum3A_2692, %sign3A_2698 : i32
    %sign3A_2700 = arith.extui %sign3A_2699 : i1 to i32
    %sign3A_2701 = arith.subi %sign3A_2697, %sign3A_2700 : i32
    %sign3A_2702 = arith.constant 0 : i32
    %sign3A_2703 = arith.cmpi sgt, %jit3A_2693, %sign3A_2702 : i32
    %sign3A_2704 = arith.extui %sign3A_2703 : i1 to i32
    %sign3A_2705 = arith.constant 0 : i32
    %sign3A_2706 = arith.cmpi slt, %jit3A_2693, %sign3A_2705 : i32
    %sign3A_2707 = arith.extui %sign3A_2706 : i1 to i32
    %sign3A_2708 = arith.subi %sign3A_2704, %sign3A_2707 : i32
    %ne3A_2709 = arith.cmpi ne, %sign3A_2701, %sign3A_2708 : i32
    %rem3A_2710 = arith.remsi %reduce_sum3A_2692, %jit3A_2693 : i32
    %ne3A_2711 = arith.constant 0 : i32
    %ne3A_2712 = arith.cmpi ne, %rem3A_2710, %ne3A_2711 : i32
    %and3A_2713 = arith.andi %ne3A_2709, %ne3A_2712 : i1
    %sub3A_2714 = arith.constant 1 : i32
    %sub3A_2715 = arith.subi %div3A_2694, %sub3A_2714 : i32
    %select_n3A_2716 = arith.select %and3A_2713, %sub3A_2715, %div3A_2694 : i32
    %mul3A_2717 = arith.constant 128 : i32
    %mul3A_2718 = arith.muli %select_n3A_2716, %mul3A_2717 : i32
    %multiple_of3A_2719 = tpu.assume_multiple %mul3A_2718, 128 : i32
    %dma_start3A_2720 = arith.constant 3 : i32
    %dma_start3A_2721 = arith.constant 0 : i32
    %dma_start3A_2722 = arith.constant 0 : i32
    %dma_start3A_2723 = tpu.memref_slice %arg6[%dma_start3A_2720, %dma_start3A_2721, %dma_start3A_2722] : memref<8x32x128xf32, #tpu.memory_space<vmem>> -> memref<1x32x128xf32, #tpu.memory_space<vmem>>
    %dma_start3A_2724 = tpu.memref_squeeze %dma_start3A_2723 : memref<1x32x128xf32, #tpu.memory_space<vmem>> -> memref<32x128xf32, #tpu.memory_space<vmem>>
    %dma_start3A_2725 = arith.constant 0 : i32
    %dma_start3A_2726 = tpu.memref_slice %arg3[%dma_start3A_2725, %multiple_of3A_2719] : memref<32x100000xf32, #tpu.memory_space<hbm>> -> memref<32x128xf32, #tpu.memory_space<hbm>>
    %dma_start3A_2727 = arith.constant 0 : i32
    %dma_start3A_2728 = arith.constant 0 : i32
    %dma_start3A_2729 = tpu.memref_slice %arg6[%dma_start3A_2720, %dma_start3A_2727, %dma_start3A_2728] : memref<8x32x128xf32, #tpu.memory_space<vmem>> -> memref<1x32x128xf32, #tpu.memory_space<vmem>>
    %dma_start3A_2730 = tpu.memref_squeeze %dma_start3A_2729 : memref<1x32x128xf32, #tpu.memory_space<vmem>> -> memref<32x128xf32, #tpu.memory_space<vmem>>
    %dma_start3A_2731 = arith.constant 0 : i32
    %dma_start3A_2732 = tpu.memref_slice %arg3[%dma_start3A_2731, %multiple_of3A_2719] : memref<32x100000xf32, #tpu.memory_space<hbm>> -> memref<32x128xf32, #tpu.memory_space<hbm>>
    tpu.enqueue_dma source(%dma_start3A_2732 : memref<32x128xf32, #tpu.memory_space<hbm>>) target(%dma_start3A_2730 : memref<32x128xf32, #tpu.memory_space<vmem>>) target_semaphore(%arg8 : memref<!tpu.dma_semaphore, #tpu.memory_space<semaphore_mem>>)
    %dma_wait3A_2733 = arith.constant 4 : i32
    %dma_wait3A_2734 = arith.constant 0 : i32
    %dma_wait3A_2735 = arith.constant 0 : i32
    %dma_wait3A_2736 = tpu.memref_slice %arg6[%dma_wait3A_2733, %dma_wait3A_2734, %dma_wait3A_2735] : memref<8x32x128xf32, #tpu.memory_space<vmem>> -> memref<1x32x128xf32, #tpu.memory_space<vmem>>
    %dma_wait3A_2737 = tpu.memref_squeeze %dma_wait3A_2736 : memref<1x32x128xf32, #tpu.memory_space<vmem>> -> memref<32x128xf32, #tpu.memory_space<vmem>>
    %dma_wait3A_2738 = arith.constant 0 : i32
    %dma_wait3A_2739 = tpu.memref_slice %arg3[%dma_wait3A_2738, %multiple_of3A_1907] : memref<32x100000xf32, #tpu.memory_space<hbm>> -> memref<32x128xf32, #tpu.memory_space<hbm>>
    %dma_wait3A_2740 = arith.constant 0 : i32
    %dma_wait3A_2741 = arith.constant 0 : i32
    %dma_wait3A_2742 = tpu.memref_slice %arg6[%dma_wait3A_2733, %dma_wait3A_2740, %dma_wait3A_2741] : memref<8x32x128xf32, #tpu.memory_space<vmem>> -> memref<1x32x128xf32, #tpu.memory_space<vmem>>
    %dma_wait3A_2743 = tpu.memref_squeeze %dma_wait3A_2742 : memref<1x32x128xf32, #tpu.memory_space<vmem>> -> memref<32x128xf32, #tpu.memory_space<vmem>>
    %dma_wait3A_2744 = arith.constant 0 : i32
    %dma_wait3A_2745 = tpu.memref_slice %arg3[%dma_wait3A_2744, %multiple_of3A_1907] : memref<32x100000xf32, #tpu.memory_space<hbm>> -> memref<32x128xf32, #tpu.memory_space<hbm>>
    tpu.wait_dma2 semaphore(%arg8 : memref<!tpu.dma_semaphore, #tpu.memory_space<semaphore_mem>>) src(%dma_wait3A_2745 : memref<32x128xf32, #tpu.memory_space<hbm>>) dst(%dma_wait3A_2743 : memref<32x128xf32, #tpu.memory_space<vmem>>)
    %get3A_2746 = arith.constant 16 : index
    %get3A_2747 = tpu.vector_load %arg5[%get3A_2746] {strides = array<i32>} : memref<32xi32, #tpu.memory_space<vmem>>, vector<16xi32>,
    %iota3A_2748 = tpu.iota {dimensions = array<i32: 0>} : vector<16xi32>
    %eq3A_2749 = arith.constant 4 : i32
    %eq3A_2750 = vector.broadcast %eq3A_2749 : i32 to vector<16xi32>
    %eq3A_2751 = arith.cmpi eq, %iota3A_2748, %eq3A_2750 : vector<16xi32>
    %jit3A_2752 = arith.constant 0 : i32
    %broadcast_in_dim3A_2753 = vector.broadcast %jit3A_2752 : i32 to vector<16xi32>
    %select_n3A_2754 = arith.select %eq3A_2751, %get3A_2747, %broadcast_in_dim3A_2753 : vector<16xi1>, vector<16xi32>
    %reduce_sum3A_2755 = arith.constant true
    %reduce_sum3A_2756 = vector.broadcast %reduce_sum3A_2755 : i1 to vector<16xi1>
    %reduce_sum3A_2757 = tpu.scan <sum>, %select_n3A_2754 masked %reduce_sum3A_2756 : vector<16xi32>, vector<16xi1> -> vector<16xi32>
    %reduce_sum3A_2758 = vector.extract %reduce_sum3A_2757[15] : i32 from vector<16xi32>
    %jit3A_2759 = arith.constant 128 : i32
    %eq3A_2760 = arith.constant 0 : i32
    %eq3A_2761 = arith.cmpi eq, %jit3A_2759, %eq3A_2760 : i32
    %jit3A_2762 = arith.constant 1 : i32
    %select_n3A_2763 = arith.select %eq3A_2761, %jit3A_2762, %jit3A_2759 : i32
    %rem3A_2764 = arith.remsi %reduce_sum3A_2758, %select_n3A_2763 : i32
    %ne3A_2765 = arith.constant 0 : i32
    %ne3A_2766 = arith.cmpi ne, %rem3A_2764, %ne3A_2765 : i32
    %lt3A_2767 = arith.constant 0 : i32
    %lt3A_2768 = arith.cmpi slt, %rem3A_2764, %lt3A_2767 : i32
    %lt3A_2769 = arith.constant 0 : i32
    %lt3A_2770 = arith.cmpi slt, %select_n3A_2763, %lt3A_2769 : i32
    %ne3A_2771 = arith.xori %lt3A_2768, %lt3A_2770 : i1
    %and3A_2772 = arith.andi %ne3A_2771, %ne3A_2766 : i1
    %add3A_2773 = arith.addi %rem3A_2764, %select_n3A_2763 : i32
    %select_n3A_2774 = arith.select %and3A_2772, %add3A_2773, %rem3A_2764 : i32
    %broadcast_in_dim3A_2775 = vector.broadcast %select_n3A_2774 : i32 to vector<16xi32>
    %gather3A_2776 = arith.constant 4 : i32
    %gather3A_2777 = arith.constant 0 : i32
    %gather3A_2778 = arith.constant 0 : i32
    %gather3A_2779 = tpu.memref_slice %arg6[%gather3A_2776, %gather3A_2777, %gather3A_2778] : memref<8x32x128xf32, #tpu.memory_space<vmem>> -> memref<1x32x128xf32, #tpu.memory_space<vmem>>
    %gather3A_2780 = tpu.memref_squeeze %gather3A_2779 : memref<1x32x128xf32, #tpu.memory_space<vmem>> -> memref<32x128xf32, #tpu.memory_space<vmem>>
    %gather3A_2781 = tpu.vector_load_idx %gather3A_2780[%iota3A, %broadcast_in_dim3A_2775] : memref<32x128xf32, #tpu.memory_space<vmem>>[vector<16xi32>, vector<16xi32>], vector<16xf32>,
    %swap3A_2782 = arith.constant 20 : i32
    %swap3A_2783 = arith.index_cast %swap3A_2782 : i32 to index
    %swap3A_2784 = arith.constant 0 : index
    %swap3A_2785 = tpu.vector_load %arg7[%swap3A_2783, %swap3A_2784] {strides = array<i32>} : memref<32x32xf32, #tpu.memory_space<vmem>>, vector<16xf32>,
    tpu.vector_store %arg7[%swap3A_2783, %swap3A_2784], %gather3A_2781 {strides = array<i32>} : memref<32x32xf32, #tpu.memory_space<vmem>>, vector<16xf32>,
    %gather3A_2786 = arith.constant 4 : i32
    %gather3A_2787 = arith.constant 0 : i32
    %gather3A_2788 = arith.constant 0 : i32
    %gather3A_2789 = tpu.memref_slice %arg6[%gather3A_2786, %gather3A_2787, %gather3A_2788] : memref<8x32x128xf32, #tpu.memory_space<vmem>> -> memref<1x32x128xf32, #tpu.memory_space<vmem>>
    %gather3A_2790 = tpu.memref_squeeze %gather3A_2789 : memref<1x32x128xf32, #tpu.memory_space<vmem>> -> memref<32x128xf32, #tpu.memory_space<vmem>>
    %gather3A_2791 = tpu.vector_load_idx %gather3A_2790[%add3A_6, %broadcast_in_dim3A_2775] : memref<32x128xf32, #tpu.memory_space<vmem>>[vector<16xi32>, vector<16xi32>], vector<16xf32>,
    %swap3A_2792 = arith.constant 20 : i32
    %swap3A_2793 = arith.index_cast %swap3A_2792 : i32 to index
    %swap3A_2794 = arith.constant 16 : index
    %swap3A_2795 = tpu.vector_load %arg7[%swap3A_2793, %swap3A_2794] {strides = array<i32>} : memref<32x32xf32, #tpu.memory_space<vmem>>, vector<16xf32>,
    tpu.vector_store %arg7[%swap3A_2793, %swap3A_2794], %gather3A_2791 {strides = array<i32>} : memref<32x32xf32, #tpu.memory_space<vmem>>, vector<16xf32>,
    %get3A_2796 = arith.constant 16 : index
    %get3A_2797 = tpu.vector_load %arg5[%get3A_2796] {strides = array<i32>} : memref<32xi32, #tpu.memory_space<vmem>>, vector<16xi32>,
    %iota3A_2798 = tpu.iota {dimensions = array<i32: 0>} : vector<16xi32>
    %eq3A_2799 = arith.constant 12 : i32
    %eq3A_2800 = vector.broadcast %eq3A_2799 : i32 to vector<16xi32>
    %eq3A_2801 = arith.cmpi eq, %iota3A_2798, %eq3A_2800 : vector<16xi32>
    %jit3A_2802 = arith.constant 0 : i32
    %broadcast_in_dim3A_2803 = vector.broadcast %jit3A_2802 : i32 to vector<16xi32>
    %select_n3A_2804 = arith.select %eq3A_2801, %get3A_2797, %broadcast_in_dim3A_2803 : vector<16xi1>, vector<16xi32>
    %reduce_sum3A_2805 = arith.constant true
    %reduce_sum3A_2806 = vector.broadcast %reduce_sum3A_2805 : i1 to vector<16xi1>
    %reduce_sum3A_2807 = tpu.scan <sum>, %select_n3A_2804 masked %reduce_sum3A_2806 : vector<16xi32>, vector<16xi1> -> vector<16xi32>
    %reduce_sum3A_2808 = vector.extract %reduce_sum3A_2807[15] : i32 from vector<16xi32>
    %jit3A_2809 = arith.constant 128 : i32
    %div3A_2810 = arith.divsi %reduce_sum3A_2808, %jit3A_2809 : i32
    %sign3A_2811 = arith.constant 0 : i32
    %sign3A_2812 = arith.cmpi sgt, %reduce_sum3A_2808, %sign3A_2811 : i32
    %sign3A_2813 = arith.extui %sign3A_2812 : i1 to i32
    %sign3A_2814 = arith.constant 0 : i32
    %sign3A_2815 = arith.cmpi slt, %reduce_sum3A_2808, %sign3A_2814 : i32
    %sign3A_2816 = arith.extui %sign3A_2815 : i1 to i32
    %sign3A_2817 = arith.subi %sign3A_2813, %sign3A_2816 : i32
    %sign3A_2818 = arith.constant 0 : i32
    %sign3A_2819 = arith.cmpi sgt, %jit3A_2809, %sign3A_2818 : i32
    %sign3A_2820 = arith.extui %sign3A_2819 : i1 to i32
    %sign3A_2821 = arith.constant 0 : i32
    %sign3A_2822 = arith.cmpi slt, %jit3A_2809, %sign3A_2821 : i32
    %sign3A_2823 = arith.extui %sign3A_2822 : i1 to i32
    %sign3A_2824 = arith.subi %sign3A_2820, %sign3A_2823 : i32
    %ne3A_2825 = arith.cmpi ne, %sign3A_2817, %sign3A_2824 : i32
    %rem3A_2826 = arith.remsi %reduce_sum3A_2808, %jit3A_2809 : i32
    %ne3A_2827 = arith.constant 0 : i32
    %ne3A_2828 = arith.cmpi ne, %rem3A_2826, %ne3A_2827 : i32
    %and3A_2829 = arith.andi %ne3A_2825, %ne3A_2828 : i1
    %sub3A_2830 = arith.constant 1 : i32
    %sub3A_2831 = arith.subi %div3A_2810, %sub3A_2830 : i32
    %select_n3A_2832 = arith.select %and3A_2829, %sub3A_2831, %div3A_2810 : i32
    %mul3A_2833 = arith.constant 128 : i32
    %mul3A_2834 = arith.muli %select_n3A_2832, %mul3A_2833 : i32
    %multiple_of3A_2835 = tpu.assume_multiple %mul3A_2834, 128 : i32
    %dma_start3A_2836 = arith.constant 4 : i32
    %dma_start3A_2837 = arith.constant 0 : i32
    %dma_start3A_2838 = arith.constant 0 : i32
    %dma_start3A_2839 = tpu.memref_slice %arg6[%dma_start3A_2836, %dma_start3A_2837, %dma_start3A_2838] : memref<8x32x128xf32, #tpu.memory_space<vmem>> -> memref<1x32x128xf32, #tpu.memory_space<vmem>>
    %dma_start3A_2840 = tpu.memref_squeeze %dma_start3A_2839 : memref<1x32x128xf32, #tpu.memory_space<vmem>> -> memref<32x128xf32, #tpu.memory_space<vmem>>
    %dma_start3A_2841 = arith.constant 0 : i32
    %dma_start3A_2842 = tpu.memref_slice %arg3[%dma_start3A_2841, %multiple_of3A_2835] : memref<32x100000xf32, #tpu.memory_space<hbm>> -> memref<32x128xf32, #tpu.memory_space<hbm>>
    %dma_start3A_2843 = arith.constant 0 : i32
    %dma_start3A_2844 = arith.constant 0 : i32
    %dma_start3A_2845 = tpu.memref_slice %arg6[%dma_start3A_2836, %dma_start3A_2843, %dma_start3A_2844] : memref<8x32x128xf32, #tpu.memory_space<vmem>> -> memref<1x32x128xf32, #tpu.memory_space<vmem>>
    %dma_start3A_2846 = tpu.memref_squeeze %dma_start3A_2845 : memref<1x32x128xf32, #tpu.memory_space<vmem>> -> memref<32x128xf32, #tpu.memory_space<vmem>>
    %dma_start3A_2847 = arith.constant 0 : i32
    %dma_start3A_2848 = tpu.memref_slice %arg3[%dma_start3A_2847, %multiple_of3A_2835] : memref<32x100000xf32, #tpu.memory_space<hbm>> -> memref<32x128xf32, #tpu.memory_space<hbm>>
    tpu.enqueue_dma source(%dma_start3A_2848 : memref<32x128xf32, #tpu.memory_space<hbm>>) target(%dma_start3A_2846 : memref<32x128xf32, #tpu.memory_space<vmem>>) target_semaphore(%arg8 : memref<!tpu.dma_semaphore, #tpu.memory_space<semaphore_mem>>)
    %dma_wait3A_2849 = arith.constant 5 : i32
    %dma_wait3A_2850 = arith.constant 0 : i32
    %dma_wait3A_2851 = arith.constant 0 : i32
    %dma_wait3A_2852 = tpu.memref_slice %arg6[%dma_wait3A_2849, %dma_wait3A_2850, %dma_wait3A_2851] : memref<8x32x128xf32, #tpu.memory_space<vmem>> -> memref<1x32x128xf32, #tpu.memory_space<vmem>>
    %dma_wait3A_2853 = tpu.memref_squeeze %dma_wait3A_2852 : memref<1x32x128xf32, #tpu.memory_space<vmem>> -> memref<32x128xf32, #tpu.memory_space<vmem>>
    %dma_wait3A_2854 = arith.constant 0 : i32
    %dma_wait3A_2855 = tpu.memref_slice %arg3[%dma_wait3A_2854, %multiple_of3A_2023] : memref<32x100000xf32, #tpu.memory_space<hbm>> -> memref<32x128xf32, #tpu.memory_space<hbm>>
    %dma_wait3A_2856 = arith.constant 0 : i32
    %dma_wait3A_2857 = arith.constant 0 : i32
    %dma_wait3A_2858 = tpu.memref_slice %arg6[%dma_wait3A_2849, %dma_wait3A_2856, %dma_wait3A_2857] : memref<8x32x128xf32, #tpu.memory_space<vmem>> -> memref<1x32x128xf32, #tpu.memory_space<vmem>>
    %dma_wait3A_2859 = tpu.memref_squeeze %dma_wait3A_2858 : memref<1x32x128xf32, #tpu.memory_space<vmem>> -> memref<32x128xf32, #tpu.memory_space<vmem>>
    %dma_wait3A_2860 = arith.constant 0 : i32
    %dma_wait3A_2861 = tpu.memref_slice %arg3[%dma_wait3A_2860, %multiple_of3A_2023] : memref<32x100000xf32, #tpu.memory_space<hbm>> -> memref<32x128xf32, #tpu.memory_space<hbm>>
    tpu.wait_dma2 semaphore(%arg8 : memref<!tpu.dma_semaphore, #tpu.memory_space<semaphore_mem>>) src(%dma_wait3A_2861 : memref<32x128xf32, #tpu.memory_space<hbm>>) dst(%dma_wait3A_2859 : memref<32x128xf32, #tpu.memory_space<vmem>>)
    %get3A_2862 = arith.constant 16 : index
    %get3A_2863 = tpu.vector_load %arg5[%get3A_2862] {strides = array<i32>} : memref<32xi32, #tpu.memory_space<vmem>>, vector<16xi32>,
    %iota3A_2864 = tpu.iota {dimensions = array<i32: 0>} : vector<16xi32>
    %eq3A_2865 = arith.constant 5 : i32
    %eq3A_2866 = vector.broadcast %eq3A_2865 : i32 to vector<16xi32>
    %eq3A_2867 = arith.cmpi eq, %iota3A_2864, %eq3A_2866 : vector<16xi32>
    %jit3A_2868 = arith.constant 0 : i32
    %broadcast_in_dim3A_2869 = vector.broadcast %jit3A_2868 : i32 to vector<16xi32>
    %select_n3A_2870 = arith.select %eq3A_2867, %get3A_2863, %broadcast_in_dim3A_2869 : vector<16xi1>, vector<16xi32>
    %reduce_sum3A_2871 = arith.constant true
    %reduce_sum3A_2872 = vector.broadcast %reduce_sum3A_2871 : i1 to vector<16xi1>
    %reduce_sum3A_2873 = tpu.scan <sum>, %select_n3A_2870 masked %reduce_sum3A_2872 : vector<16xi32>, vector<16xi1> -> vector<16xi32>
    %reduce_sum3A_2874 = vector.extract %reduce_sum3A_2873[15] : i32 from vector<16xi32>
    %jit3A_2875 = arith.constant 128 : i32
    %eq3A_2876 = arith.constant 0 : i32
    %eq3A_2877 = arith.cmpi eq, %jit3A_2875, %eq3A_2876 : i32
    %jit3A_2878 = arith.constant 1 : i32
    %select_n3A_2879 = arith.select %eq3A_2877, %jit3A_2878, %jit3A_2875 : i32
    %rem3A_2880 = arith.remsi %reduce_sum3A_2874, %select_n3A_2879 : i32
    %ne3A_2881 = arith.constant 0 : i32
    %ne3A_2882 = arith.cmpi ne, %rem3A_2880, %ne3A_2881 : i32
    %lt3A_2883 = arith.constant 0 : i32
    %lt3A_2884 = arith.cmpi slt, %rem3A_2880, %lt3A_2883 : i32
    %lt3A_2885 = arith.constant 0 : i32
    %lt3A_2886 = arith.cmpi slt, %select_n3A_2879, %lt3A_2885 : i32
    %ne3A_2887 = arith.xori %lt3A_2884, %lt3A_2886 : i1
    %and3A_2888 = arith.andi %ne3A_2887, %ne3A_2882 : i1
    %add3A_2889 = arith.addi %rem3A_2880, %select_n3A_2879 : i32
    %select_n3A_2890 = arith.select %and3A_2888, %add3A_2889, %rem3A_2880 : i32
    %broadcast_in_dim3A_2891 = vector.broadcast %select_n3A_2890 : i32 to vector<16xi32>
    %gather3A_2892 = arith.constant 5 : i32
    %gather3A_2893 = arith.constant 0 : i32
    %gather3A_2894 = arith.constant 0 : i32
    %gather3A_2895 = tpu.memref_slice %arg6[%gather3A_2892, %gather3A_2893, %gather3A_2894] : memref<8x32x128xf32, #tpu.memory_space<vmem>> -> memref<1x32x128xf32, #tpu.memory_space<vmem>>
    %gather3A_2896 = tpu.memref_squeeze %gather3A_2895 : memref<1x32x128xf32, #tpu.memory_space<vmem>> -> memref<32x128xf32, #tpu.memory_space<vmem>>
    %gather3A_2897 = tpu.vector_load_idx %gather3A_2896[%iota3A, %broadcast_in_dim3A_2891] : memref<32x128xf32, #tpu.memory_space<vmem>>[vector<16xi32>, vector<16xi32>], vector<16xf32>,
    %swap3A_2898 = arith.constant 21 : i32
    %swap3A_2899 = arith.index_cast %swap3A_2898 : i32 to index
    %swap3A_2900 = arith.constant 0 : index
    %swap3A_2901 = tpu.vector_load %arg7[%swap3A_2899, %swap3A_2900] {strides = array<i32>} : memref<32x32xf32, #tpu.memory_space<vmem>>, vector<16xf32>,
    tpu.vector_store %arg7[%swap3A_2899, %swap3A_2900], %gather3A_2897 {strides = array<i32>} : memref<32x32xf32, #tpu.memory_space<vmem>>, vector<16xf32>,
    %gather3A_2902 = arith.constant 5 : i32
    %gather3A_2903 = arith.constant 0 : i32
    %gather3A_2904 = arith.constant 0 : i32
    %gather3A_2905 = tpu.memref_slice %arg6[%gather3A_2902, %gather3A_2903, %gather3A_2904] : memref<8x32x128xf32, #tpu.memory_space<vmem>> -> memref<1x32x128xf32, #tpu.memory_space<vmem>>
    %gather3A_2906 = tpu.memref_squeeze %gather3A_2905 : memref<1x32x128xf32, #tpu.memory_space<vmem>> -> memref<32x128xf32, #tpu.memory_space<vmem>>
    %gather3A_2907 = tpu.vector_load_idx %gather3A_2906[%add3A_6, %broadcast_in_dim3A_2891] : memref<32x128xf32, #tpu.memory_space<vmem>>[vector<16xi32>, vector<16xi32>], vector<16xf32>,
    %swap3A_2908 = arith.constant 21 : i32
    %swap3A_2909 = arith.index_cast %swap3A_2908 : i32 to index
    %swap3A_2910 = arith.constant 16 : index
    %swap3A_2911 = tpu.vector_load %arg7[%swap3A_2909, %swap3A_2910] {strides = array<i32>} : memref<32x32xf32, #tpu.memory_space<vmem>>, vector<16xf32>,
    tpu.vector_store %arg7[%swap3A_2909, %swap3A_2910], %gather3A_2907 {strides = array<i32>} : memref<32x32xf32, #tpu.memory_space<vmem>>, vector<16xf32>,
    %get3A_2912 = arith.constant 16 : index
    %get3A_2913 = tpu.vector_load %arg5[%get3A_2912] {strides = array<i32>} : memref<32xi32, #tpu.memory_space<vmem>>, vector<16xi32>,
    %iota3A_2914 = tpu.iota {dimensions = array<i32: 0>} : vector<16xi32>
    %eq3A_2915 = arith.constant 13 : i32
    %eq3A_2916 = vector.broadcast %eq3A_2915 : i32 to vector<16xi32>
    %eq3A_2917 = arith.cmpi eq, %iota3A_2914, %eq3A_2916 : vector<16xi32>
    %jit3A_2918 = arith.constant 0 : i32
    %broadcast_in_dim3A_2919 = vector.broadcast %jit3A_2918 : i32 to vector<16xi32>
    %select_n3A_2920 = arith.select %eq3A_2917, %get3A_2913, %broadcast_in_dim3A_2919 : vector<16xi1>, vector<16xi32>
    %reduce_sum3A_2921 = arith.constant true
    %reduce_sum3A_2922 = vector.broadcast %reduce_sum3A_2921 : i1 to vector<16xi1>
    %reduce_sum3A_2923 = tpu.scan <sum>, %select_n3A_2920 masked %reduce_sum3A_2922 : vector<16xi32>, vector<16xi1> -> vector<16xi32>
    %reduce_sum3A_2924 = vector.extract %reduce_sum3A_2923[15] : i32 from vector<16xi32>
    %jit3A_2925 = arith.constant 128 : i32
    %div3A_2926 = arith.divsi %reduce_sum3A_2924, %jit3A_2925 : i32
    %sign3A_2927 = arith.constant 0 : i32
    %sign3A_2928 = arith.cmpi sgt, %reduce_sum3A_2924, %sign3A_2927 : i32
    %sign3A_2929 = arith.extui %sign3A_2928 : i1 to i32
    %sign3A_2930 = arith.constant 0 : i32
    %sign3A_2931 = arith.cmpi slt, %reduce_sum3A_2924, %sign3A_2930 : i32
    %sign3A_2932 = arith.extui %sign3A_2931 : i1 to i32
    %sign3A_2933 = arith.subi %sign3A_2929, %sign3A_2932 : i32
    %sign3A_2934 = arith.constant 0 : i32
    %sign3A_2935 = arith.cmpi sgt, %jit3A_2925, %sign3A_2934 : i32
    %sign3A_2936 = arith.extui %sign3A_2935 : i1 to i32
    %sign3A_2937 = arith.constant 0 : i32
    %sign3A_2938 = arith.cmpi slt, %jit3A_2925, %sign3A_2937 : i32
    %sign3A_2939 = arith.extui %sign3A_2938 : i1 to i32
    %sign3A_2940 = arith.subi %sign3A_2936, %sign3A_2939 : i32
    %ne3A_2941 = arith.cmpi ne, %sign3A_2933, %sign3A_2940 : i32
    %rem3A_2942 = arith.remsi %reduce_sum3A_2924, %jit3A_2925 : i32
    %ne3A_2943 = arith.constant 0 : i32
    %ne3A_2944 = arith.cmpi ne, %rem3A_2942, %ne3A_2943 : i32
    %and3A_2945 = arith.andi %ne3A_2941, %ne3A_2944 : i1
    %sub3A_2946 = arith.constant 1 : i32
    %sub3A_2947 = arith.subi %div3A_2926, %sub3A_2946 : i32
    %select_n3A_2948 = arith.select %and3A_2945, %sub3A_2947, %div3A_2926 : i32
    %mul3A_2949 = arith.constant 128 : i32
    %mul3A_2950 = arith.muli %select_n3A_2948, %mul3A_2949 : i32
    %multiple_of3A_2951 = tpu.assume_multiple %mul3A_2950, 128 : i32
    %dma_start3A_2952 = arith.constant 5 : i32
    %dma_start3A_2953 = arith.constant 0 : i32
    %dma_start3A_2954 = arith.constant 0 : i32
    %dma_start3A_2955 = tpu.memref_slice %arg6[%dma_start3A_2952, %dma_start3A_2953, %dma_start3A_2954] : memref<8x32x128xf32, #tpu.memory_space<vmem>> -> memref<1x32x128xf32, #tpu.memory_space<vmem>>
    %dma_start3A_2956 = tpu.memref_squeeze %dma_start3A_2955 : memref<1x32x128xf32, #tpu.memory_space<vmem>> -> memref<32x128xf32, #tpu.memory_space<vmem>>
    %dma_start3A_2957 = arith.constant 0 : i32
    %dma_start3A_2958 = tpu.memref_slice %arg3[%dma_start3A_2957, %multiple_of3A_2951] : memref<32x100000xf32, #tpu.memory_space<hbm>> -> memref<32x128xf32, #tpu.memory_space<hbm>>
    %dma_start3A_2959 = arith.constant 0 : i32
    %dma_start3A_2960 = arith.constant 0 : i32
    %dma_start3A_2961 = tpu.memref_slice %arg6[%dma_start3A_2952, %dma_start3A_2959, %dma_start3A_2960] : memref<8x32x128xf32, #tpu.memory_space<vmem>> -> memref<1x32x128xf32, #tpu.memory_space<vmem>>
    %dma_start3A_2962 = tpu.memref_squeeze %dma_start3A_2961 : memref<1x32x128xf32, #tpu.memory_space<vmem>> -> memref<32x128xf32, #tpu.memory_space<vmem>>
    %dma_start3A_2963 = arith.constant 0 : i32
    %dma_start3A_2964 = tpu.memref_slice %arg3[%dma_start3A_2963, %multiple_of3A_2951] : memref<32x100000xf32, #tpu.memory_space<hbm>> -> memref<32x128xf32, #tpu.memory_space<hbm>>
    tpu.enqueue_dma source(%dma_start3A_2964 : memref<32x128xf32, #tpu.memory_space<hbm>>) target(%dma_start3A_2962 : memref<32x128xf32, #tpu.memory_space<vmem>>) target_semaphore(%arg8 : memref<!tpu.dma_semaphore, #tpu.memory_space<semaphore_mem>>)
    %dma_wait3A_2965 = arith.constant 6 : i32
    %dma_wait3A_2966 = arith.constant 0 : i32
    %dma_wait3A_2967 = arith.constant 0 : i32
    %dma_wait3A_2968 = tpu.memref_slice %arg6[%dma_wait3A_2965, %dma_wait3A_2966, %dma_wait3A_2967] : memref<8x32x128xf32, #tpu.memory_space<vmem>> -> memref<1x32x128xf32, #tpu.memory_space<vmem>>
    %dma_wait3A_2969 = tpu.memref_squeeze %dma_wait3A_2968 : memref<1x32x128xf32, #tpu.memory_space<vmem>> -> memref<32x128xf32, #tpu.memory_space<vmem>>
    %dma_wait3A_2970 = arith.constant 0 : i32
    %dma_wait3A_2971 = tpu.memref_slice %arg3[%dma_wait3A_2970, %multiple_of3A_2139] : memref<32x100000xf32, #tpu.memory_space<hbm>> -> memref<32x128xf32, #tpu.memory_space<hbm>>
    %dma_wait3A_2972 = arith.constant 0 : i32
    %dma_wait3A_2973 = arith.constant 0 : i32
    %dma_wait3A_2974 = tpu.memref_slice %arg6[%dma_wait3A_2965, %dma_wait3A_2972, %dma_wait3A_2973] : memref<8x32x128xf32, #tpu.memory_space<vmem>> -> memref<1x32x128xf32, #tpu.memory_space<vmem>>
    %dma_wait3A_2975 = tpu.memref_squeeze %dma_wait3A_2974 : memref<1x32x128xf32, #tpu.memory_space<vmem>> -> memref<32x128xf32, #tpu.memory_space<vmem>>
    %dma_wait3A_2976 = arith.constant 0 : i32
    %dma_wait3A_2977 = tpu.memref_slice %arg3[%dma_wait3A_2976, %multiple_of3A_2139] : memref<32x100000xf32, #tpu.memory_space<hbm>> -> memref<32x128xf32, #tpu.memory_space<hbm>>
    tpu.wait_dma2 semaphore(%arg8 : memref<!tpu.dma_semaphore, #tpu.memory_space<semaphore_mem>>) src(%dma_wait3A_2977 : memref<32x128xf32, #tpu.memory_space<hbm>>) dst(%dma_wait3A_2975 : memref<32x128xf32, #tpu.memory_space<vmem>>)
    %get3A_2978 = arith.constant 16 : index
    %get3A_2979 = tpu.vector_load %arg5[%get3A_2978] {strides = array<i32>} : memref<32xi32, #tpu.memory_space<vmem>>, vector<16xi32>,
    %iota3A_2980 = tpu.iota {dimensions = array<i32: 0>} : vector<16xi32>
    %eq3A_2981 = arith.constant 6 : i32
    %eq3A_2982 = vector.broadcast %eq3A_2981 : i32 to vector<16xi32>
    %eq3A_2983 = arith.cmpi eq, %iota3A_2980, %eq3A_2982 : vector<16xi32>
    %jit3A_2984 = arith.constant 0 : i32
    %broadcast_in_dim3A_2985 = vector.broadcast %jit3A_2984 : i32 to vector<16xi32>
    %select_n3A_2986 = arith.select %eq3A_2983, %get3A_2979, %broadcast_in_dim3A_2985 : vector<16xi1>, vector<16xi32>
    %reduce_sum3A_2987 = arith.constant true
    %reduce_sum3A_2988 = vector.broadcast %reduce_sum3A_2987 : i1 to vector<16xi1>
    %reduce_sum3A_2989 = tpu.scan <sum>, %select_n3A_2986 masked %reduce_sum3A_2988 : vector<16xi32>, vector<16xi1> -> vector<16xi32>
    %reduce_sum3A_2990 = vector.extract %reduce_sum3A_2989[15] : i32 from vector<16xi32>
    %jit3A_2991 = arith.constant 128 : i32
    %eq3A_2992 = arith.constant 0 : i32
    %eq3A_2993 = arith.cmpi eq, %jit3A_2991, %eq3A_2992 : i32
    %jit3A_2994 = arith.constant 1 : i32
    %select_n3A_2995 = arith.select %eq3A_2993, %jit3A_2994, %jit3A_2991 : i32
    %rem3A_2996 = arith.remsi %reduce_sum3A_2990, %select_n3A_2995 : i32
    %ne3A_2997 = arith.constant 0 : i32
    %ne3A_2998 = arith.cmpi ne, %rem3A_2996, %ne3A_2997 : i32
    %lt3A_2999 = arith.constant 0 : i32
    %lt3A_3000 = arith.cmpi slt, %rem3A_2996, %lt3A_2999 : i32
    %lt3A_3001 = arith.constant 0 : i32
    %lt3A_3002 = arith.cmpi slt, %select_n3A_2995, %lt3A_3001 : i32
    %ne3A_3003 = arith.xori %lt3A_3000, %lt3A_3002 : i1
    %and3A_3004 = arith.andi %ne3A_3003, %ne3A_2998 : i1
    %add3A_3005 = arith.addi %rem3A_2996, %select_n3A_2995 : i32
    %select_n3A_3006 = arith.select %and3A_3004, %add3A_3005, %rem3A_2996 : i32
    %broadcast_in_dim3A_3007 = vector.broadcast %select_n3A_3006 : i32 to vector<16xi32>
    %gather3A_3008 = arith.constant 6 : i32
    %gather3A_3009 = arith.constant 0 : i32
    %gather3A_3010 = arith.constant 0 : i32
    %gather3A_3011 = tpu.memref_slice %arg6[%gather3A_3008, %gather3A_3009, %gather3A_3010] : memref<8x32x128xf32, #tpu.memory_space<vmem>> -> memref<1x32x128xf32, #tpu.memory_space<vmem>>
    %gather3A_3012 = tpu.memref_squeeze %gather3A_3011 : memref<1x32x128xf32, #tpu.memory_space<vmem>> -> memref<32x128xf32, #tpu.memory_space<vmem>>
    %gather3A_3013 = tpu.vector_load_idx %gather3A_3012[%iota3A, %broadcast_in_dim3A_3007] : memref<32x128xf32, #tpu.memory_space<vmem>>[vector<16xi32>, vector<16xi32>], vector<16xf32>,
    %swap3A_3014 = arith.constant 22 : i32
    %swap3A_3015 = arith.index_cast %swap3A_3014 : i32 to index
    %swap3A_3016 = arith.constant 0 : index
    %swap3A_3017 = tpu.vector_load %arg7[%swap3A_3015, %swap3A_3016] {strides = array<i32>} : memref<32x32xf32, #tpu.memory_space<vmem>>, vector<16xf32>,
    tpu.vector_store %arg7[%swap3A_3015, %swap3A_3016], %gather3A_3013 {strides = array<i32>} : memref<32x32xf32, #tpu.memory_space<vmem>>, vector<16xf32>,
    %gather3A_3018 = arith.constant 6 : i32
    %gather3A_3019 = arith.constant 0 : i32
    %gather3A_3020 = arith.constant 0 : i32
    %gather3A_3021 = tpu.memref_slice %arg6[%gather3A_3018, %gather3A_3019, %gather3A_3020] : memref<8x32x128xf32, #tpu.memory_space<vmem>> -> memref<1x32x128xf32, #tpu.memory_space<vmem>>
    %gather3A_3022 = tpu.memref_squeeze %gather3A_3021 : memref<1x32x128xf32, #tpu.memory_space<vmem>> -> memref<32x128xf32, #tpu.memory_space<vmem>>
    %gather3A_3023 = tpu.vector_load_idx %gather3A_3022[%add3A_6, %broadcast_in_dim3A_3007] : memref<32x128xf32, #tpu.memory_space<vmem>>[vector<16xi32>, vector<16xi32>], vector<16xf32>,
    %swap3A_3024 = arith.constant 22 : i32
    %swap3A_3025 = arith.index_cast %swap3A_3024 : i32 to index
    %swap3A_3026 = arith.constant 16 : index
    %swap3A_3027 = tpu.vector_load %arg7[%swap3A_3025, %swap3A_3026] {strides = array<i32>} : memref<32x32xf32, #tpu.memory_space<vmem>>, vector<16xf32>,
    tpu.vector_store %arg7[%swap3A_3025, %swap3A_3026], %gather3A_3023 {strides = array<i32>} : memref<32x32xf32, #tpu.memory_space<vmem>>, vector<16xf32>,
    %get3A_3028 = arith.constant 16 : index
    %get3A_3029 = tpu.vector_load %arg5[%get3A_3028] {strides = array<i32>} : memref<32xi32, #tpu.memory_space<vmem>>, vector<16xi32>,
    %iota3A_3030 = tpu.iota {dimensions = array<i32: 0>} : vector<16xi32>
    %eq3A_3031 = arith.constant 14 : i32
    %eq3A_3032 = vector.broadcast %eq3A_3031 : i32 to vector<16xi32>
    %eq3A_3033 = arith.cmpi eq, %iota3A_3030, %eq3A_3032 : vector<16xi32>
    %jit3A_3034 = arith.constant 0 : i32
    %broadcast_in_dim3A_3035 = vector.broadcast %jit3A_3034 : i32 to vector<16xi32>
    %select_n3A_3036 = arith.select %eq3A_3033, %get3A_3029, %broadcast_in_dim3A_3035 : vector<16xi1>, vector<16xi32>
    %reduce_sum3A_3037 = arith.constant true
    %reduce_sum3A_3038 = vector.broadcast %reduce_sum3A_3037 : i1 to vector<16xi1>
    %reduce_sum3A_3039 = tpu.scan <sum>, %select_n3A_3036 masked %reduce_sum3A_3038 : vector<16xi32>, vector<16xi1> -> vector<16xi32>
    %reduce_sum3A_3040 = vector.extract %reduce_sum3A_3039[15] : i32 from vector<16xi32>
    %jit3A_3041 = arith.constant 128 : i32
    %div3A_3042 = arith.divsi %reduce_sum3A_3040, %jit3A_3041 : i32
    %sign3A_3043 = arith.constant 0 : i32
    %sign3A_3044 = arith.cmpi sgt, %reduce_sum3A_3040, %sign3A_3043 : i32
    %sign3A_3045 = arith.extui %sign3A_3044 : i1 to i32
    %sign3A_3046 = arith.constant 0 : i32
    %sign3A_3047 = arith.cmpi slt, %reduce_sum3A_3040, %sign3A_3046 : i32
    %sign3A_3048 = arith.extui %sign3A_3047 : i1 to i32
    %sign3A_3049 = arith.subi %sign3A_3045, %sign3A_3048 : i32
    %sign3A_3050 = arith.constant 0 : i32
    %sign3A_3051 = arith.cmpi sgt, %jit3A_3041, %sign3A_3050 : i32
    %sign3A_3052 = arith.extui %sign3A_3051 : i1 to i32
    %sign3A_3053 = arith.constant 0 : i32
    %sign3A_3054 = arith.cmpi slt, %jit3A_3041, %sign3A_3053 : i32
    %sign3A_3055 = arith.extui %sign3A_3054 : i1 to i32
    %sign3A_3056 = arith.subi %sign3A_3052, %sign3A_3055 : i32
    %ne3A_3057 = arith.cmpi ne, %sign3A_3049, %sign3A_3056 : i32
    %rem3A_3058 = arith.remsi %reduce_sum3A_3040, %jit3A_3041 : i32
    %ne3A_3059 = arith.constant 0 : i32
    %ne3A_3060 = arith.cmpi ne, %rem3A_3058, %ne3A_3059 : i32
    %and3A_3061 = arith.andi %ne3A_3057, %ne3A_3060 : i1
    %sub3A_3062 = arith.constant 1 : i32
    %sub3A_3063 = arith.subi %div3A_3042, %sub3A_3062 : i32
    %select_n3A_3064 = arith.select %and3A_3061, %sub3A_3063, %div3A_3042 : i32
    %mul3A_3065 = arith.constant 128 : i32
    %mul3A_3066 = arith.muli %select_n3A_3064, %mul3A_3065 : i32
    %multiple_of3A_3067 = tpu.assume_multiple %mul3A_3066, 128 : i32
    %dma_start3A_3068 = arith.constant 6 : i32
    %dma_start3A_3069 = arith.constant 0 : i32
    %dma_start3A_3070 = arith.constant 0 : i32
    %dma_start3A_3071 = tpu.memref_slice %arg6[%dma_start3A_3068, %dma_start3A_3069, %dma_start3A_3070] : memref<8x32x128xf32, #tpu.memory_space<vmem>> -> memref<1x32x128xf32, #tpu.memory_space<vmem>>
    %dma_start3A_3072 = tpu.memref_squeeze %dma_start3A_3071 : memref<1x32x128xf32, #tpu.memory_space<vmem>> -> memref<32x128xf32, #tpu.memory_space<vmem>>
    %dma_start3A_3073 = arith.constant 0 : i32
    %dma_start3A_3074 = tpu.memref_slice %arg3[%dma_start3A_3073, %multiple_of3A_3067] : memref<32x100000xf32, #tpu.memory_space<hbm>> -> memref<32x128xf32, #tpu.memory_space<hbm>>
    %dma_start3A_3075 = arith.constant 0 : i32
    %dma_start3A_3076 = arith.constant 0 : i32
    %dma_start3A_3077 = tpu.memref_slice %arg6[%dma_start3A_3068, %dma_start3A_3075, %dma_start3A_3076] : memref<8x32x128xf32, #tpu.memory_space<vmem>> -> memref<1x32x128xf32, #tpu.memory_space<vmem>>
    %dma_start3A_3078 = tpu.memref_squeeze %dma_start3A_3077 : memref<1x32x128xf32, #tpu.memory_space<vmem>> -> memref<32x128xf32, #tpu.memory_space<vmem>>
    %dma_start3A_3079 = arith.constant 0 : i32
    %dma_start3A_3080 = tpu.memref_slice %arg3[%dma_start3A_3079, %multiple_of3A_3067] : memref<32x100000xf32, #tpu.memory_space<hbm>> -> memref<32x128xf32, #tpu.memory_space<hbm>>
    tpu.enqueue_dma source(%dma_start3A_3080 : memref<32x128xf32, #tpu.memory_space<hbm>>) target(%dma_start3A_3078 : memref<32x128xf32, #tpu.memory_space<vmem>>) target_semaphore(%arg8 : memref<!tpu.dma_semaphore, #tpu.memory_space<semaphore_mem>>)
    %dma_wait3A_3081 = arith.constant 7 : i32
    %dma_wait3A_3082 = arith.constant 0 : i32
    %dma_wait3A_3083 = arith.constant 0 : i32
    %dma_wait3A_3084 = tpu.memref_slice %arg6[%dma_wait3A_3081, %dma_wait3A_3082, %dma_wait3A_3083] : memref<8x32x128xf32, #tpu.memory_space<vmem>> -> memref<1x32x128xf32, #tpu.memory_space<vmem>>
    %dma_wait3A_3085 = tpu.memref_squeeze %dma_wait3A_3084 : memref<1x32x128xf32, #tpu.memory_space<vmem>> -> memref<32x128xf32, #tpu.memory_space<vmem>>
    %dma_wait3A_3086 = arith.constant 0 : i32
    %dma_wait3A_3087 = tpu.memref_slice %arg3[%dma_wait3A_3086, %multiple_of3A_2255] : memref<32x100000xf32, #tpu.memory_space<hbm>> -> memref<32x128xf32, #tpu.memory_space<hbm>>
    %dma_wait3A_3088 = arith.constant 0 : i32
    %dma_wait3A_3089 = arith.constant 0 : i32
    %dma_wait3A_3090 = tpu.memref_slice %arg6[%dma_wait3A_3081, %dma_wait3A_3088, %dma_wait3A_3089] : memref<8x32x128xf32, #tpu.memory_space<vmem>> -> memref<1x32x128xf32, #tpu.memory_space<vmem>>
    %dma_wait3A_3091 = tpu.memref_squeeze %dma_wait3A_3090 : memref<1x32x128xf32, #tpu.memory_space<vmem>> -> memref<32x128xf32, #tpu.memory_space<vmem>>
    %dma_wait3A_3092 = arith.constant 0 : i32
    %dma_wait3A_3093 = tpu.memref_slice %arg3[%dma_wait3A_3092, %multiple_of3A_2255] : memref<32x100000xf32, #tpu.memory_space<hbm>> -> memref<32x128xf32, #tpu.memory_space<hbm>>
    tpu.wait_dma2 semaphore(%arg8 : memref<!tpu.dma_semaphore, #tpu.memory_space<semaphore_mem>>) src(%dma_wait3A_3093 : memref<32x128xf32, #tpu.memory_space<hbm>>) dst(%dma_wait3A_3091 : memref<32x128xf32, #tpu.memory_space<vmem>>)
    %get3A_3094 = arith.constant 16 : index
    %get3A_3095 = tpu.vector_load %arg5[%get3A_3094] {strides = array<i32>} : memref<32xi32, #tpu.memory_space<vmem>>, vector<16xi32>,
    %iota3A_3096 = tpu.iota {dimensions = array<i32: 0>} : vector<16xi32>
    %eq3A_3097 = arith.constant 7 : i32
    %eq3A_3098 = vector.broadcast %eq3A_3097 : i32 to vector<16xi32>
    %eq3A_3099 = arith.cmpi eq, %iota3A_3096, %eq3A_3098 : vector<16xi32>
    %jit3A_3100 = arith.constant 0 : i32
    %broadcast_in_dim3A_3101 = vector.broadcast %jit3A_3100 : i32 to vector<16xi32>
    %select_n3A_3102 = arith.select %eq3A_3099, %get3A_3095, %broadcast_in_dim3A_3101 : vector<16xi1>, vector<16xi32>
    %reduce_sum3A_3103 = arith.constant true
    %reduce_sum3A_3104 = vector.broadcast %reduce_sum3A_3103 : i1 to vector<16xi1>
    %reduce_sum3A_3105 = tpu.scan <sum>, %select_n3A_3102 masked %reduce_sum3A_3104 : vector<16xi32>, vector<16xi1> -> vector<16xi32>
    %reduce_sum3A_3106 = vector.extract %reduce_sum3A_3105[15] : i32 from vector<16xi32>
    %jit3A_3107 = arith.constant 128 : i32
    %eq3A_3108 = arith.constant 0 : i32
    %eq3A_3109 = arith.cmpi eq, %jit3A_3107, %eq3A_3108 : i32
    %jit3A_3110 = arith.constant 1 : i32
    %select_n3A_3111 = arith.select %eq3A_3109, %jit3A_3110, %jit3A_3107 : i32
    %rem3A_3112 = arith.remsi %reduce_sum3A_3106, %select_n3A_3111 : i32
    %ne3A_3113 = arith.constant 0 : i32
    %ne3A_3114 = arith.cmpi ne, %rem3A_3112, %ne3A_3113 : i32
    %lt3A_3115 = arith.constant 0 : i32
    %lt3A_3116 = arith.cmpi slt, %rem3A_3112, %lt3A_3115 : i32
    %lt3A_3117 = arith.constant 0 : i32
    %lt3A_3118 = arith.cmpi slt, %select_n3A_3111, %lt3A_3117 : i32
    %ne3A_3119 = arith.xori %lt3A_3116, %lt3A_3118 : i1
    %and3A_3120 = arith.andi %ne3A_3119, %ne3A_3114 : i1
    %add3A_3121 = arith.addi %rem3A_3112, %select_n3A_3111 : i32
    %select_n3A_3122 = arith.select %and3A_3120, %add3A_3121, %rem3A_3112 : i32
    %broadcast_in_dim3A_3123 = vector.broadcast %select_n3A_3122 : i32 to vector<16xi32>
    %gather3A_3124 = arith.constant 7 : i32
    %gather3A_3125 = arith.constant 0 : i32
    %gather3A_3126 = arith.constant 0 : i32
    %gather3A_3127 = tpu.memref_slice %arg6[%gather3A_3124, %gather3A_3125, %gather3A_3126] : memref<8x32x128xf32, #tpu.memory_space<vmem>> -> memref<1x32x128xf32, #tpu.memory_space<vmem>>
    %gather3A_3128 = tpu.memref_squeeze %gather3A_3127 : memref<1x32x128xf32, #tpu.memory_space<vmem>> -> memref<32x128xf32, #tpu.memory_space<vmem>>
    %gather3A_3129 = tpu.vector_load_idx %gather3A_3128[%iota3A, %broadcast_in_dim3A_3123] : memref<32x128xf32, #tpu.memory_space<vmem>>[vector<16xi32>, vector<16xi32>], vector<16xf32>,
    %swap3A_3130 = arith.constant 23 : i32
    %swap3A_3131 = arith.index_cast %swap3A_3130 : i32 to index
    %swap3A_3132 = arith.constant 0 : index
    %swap3A_3133 = tpu.vector_load %arg7[%swap3A_3131, %swap3A_3132] {strides = array<i32>} : memref<32x32xf32, #tpu.memory_space<vmem>>, vector<16xf32>,
    tpu.vector_store %arg7[%swap3A_3131, %swap3A_3132], %gather3A_3129 {strides = array<i32>} : memref<32x32xf32, #tpu.memory_space<vmem>>, vector<16xf32>,
    %gather3A_3134 = arith.constant 7 : i32
    %gather3A_3135 = arith.constant 0 : i32
    %gather3A_3136 = arith.constant 0 : i32
    %gather3A_3137 = tpu.memref_slice %arg6[%gather3A_3134, %gather3A_3135, %gather3A_3136] : memref<8x32x128xf32, #tpu.memory_space<vmem>> -> memref<1x32x128xf32, #tpu.memory_space<vmem>>
    %gather3A_3138 = tpu.memref_squeeze %gather3A_3137 : memref<1x32x128xf32, #tpu.memory_space<vmem>> -> memref<32x128xf32, #tpu.memory_space<vmem>>
    %gather3A_3139 = tpu.vector_load_idx %gather3A_3138[%add3A_6, %broadcast_in_dim3A_3123] : memref<32x128xf32, #tpu.memory_space<vmem>>[vector<16xi32>, vector<16xi32>], vector<16xf32>,
    %swap3A_3140 = arith.constant 23 : i32
    %swap3A_3141 = arith.index_cast %swap3A_3140 : i32 to index
    %swap3A_3142 = arith.constant 16 : index
    %swap3A_3143 = tpu.vector_load %arg7[%swap3A_3141, %swap3A_3142] {strides = array<i32>} : memref<32x32xf32, #tpu.memory_space<vmem>>, vector<16xf32>,
    tpu.vector_store %arg7[%swap3A_3141, %swap3A_3142], %gather3A_3139 {strides = array<i32>} : memref<32x32xf32, #tpu.memory_space<vmem>>, vector<16xf32>,
    %get3A_3144 = arith.constant 16 : index
    %get3A_3145 = tpu.vector_load %arg5[%get3A_3144] {strides = array<i32>} : memref<32xi32, #tpu.memory_space<vmem>>, vector<16xi32>,
    %iota3A_3146 = tpu.iota {dimensions = array<i32: 0>} : vector<16xi32>
    %eq3A_3147 = arith.constant 15 : i32
    %eq3A_3148 = vector.broadcast %eq3A_3147 : i32 to vector<16xi32>
    %eq3A_3149 = arith.cmpi eq, %iota3A_3146, %eq3A_3148 : vector<16xi32>
    %jit3A_3150 = arith.constant 0 : i32
    %broadcast_in_dim3A_3151 = vector.broadcast %jit3A_3150 : i32 to vector<16xi32>
    %select_n3A_3152 = arith.select %eq3A_3149, %get3A_3145, %broadcast_in_dim3A_3151 : vector<16xi1>, vector<16xi32>
    %reduce_sum3A_3153 = arith.constant true
    %reduce_sum3A_3154 = vector.broadcast %reduce_sum3A_3153 : i1 to vector<16xi1>
    %reduce_sum3A_3155 = tpu.scan <sum>, %select_n3A_3152 masked %reduce_sum3A_3154 : vector<16xi32>, vector<16xi1> -> vector<16xi32>
    %reduce_sum3A_3156 = vector.extract %reduce_sum3A_3155[15] : i32 from vector<16xi32>
    %jit3A_3157 = arith.constant 128 : i32
    %div3A_3158 = arith.divsi %reduce_sum3A_3156, %jit3A_3157 : i32
    %sign3A_3159 = arith.constant 0 : i32
    %sign3A_3160 = arith.cmpi sgt, %reduce_sum3A_3156, %sign3A_3159 : i32
    %sign3A_3161 = arith.extui %sign3A_3160 : i1 to i32
    %sign3A_3162 = arith.constant 0 : i32
    %sign3A_3163 = arith.cmpi slt, %reduce_sum3A_3156, %sign3A_3162 : i32
    %sign3A_3164 = arith.extui %sign3A_3163 : i1 to i32
    %sign3A_3165 = arith.subi %sign3A_3161, %sign3A_3164 : i32
    %sign3A_3166 = arith.constant 0 : i32
    %sign3A_3167 = arith.cmpi sgt, %jit3A_3157, %sign3A_3166 : i32
    %sign3A_3168 = arith.extui %sign3A_3167 : i1 to i32
    %sign3A_3169 = arith.constant 0 : i32
    %sign3A_3170 = arith.cmpi slt, %jit3A_3157, %sign3A_3169 : i32
    %sign3A_3171 = arith.extui %sign3A_3170 : i1 to i32
    %sign3A_3172 = arith.subi %sign3A_3168, %sign3A_3171 : i32
    %ne3A_3173 = arith.cmpi ne, %sign3A_3165, %sign3A_3172 : i32
    %rem3A_3174 = arith.remsi %reduce_sum3A_3156, %jit3A_3157 : i32
    %ne3A_3175 = arith.constant 0 : i32
    %ne3A_3176 = arith.cmpi ne, %rem3A_3174, %ne3A_3175 : i32
    %and3A_3177 = arith.andi %ne3A_3173, %ne3A_3176 : i1
    %sub3A_3178 = arith.constant 1 : i32
    %sub3A_3179 = arith.subi %div3A_3158, %sub3A_3178 : i32
    %select_n3A_3180 = arith.select %and3A_3177, %sub3A_3179, %div3A_3158 : i32
    %mul3A_3181 = arith.constant 128 : i32
    %mul3A_3182 = arith.muli %select_n3A_3180, %mul3A_3181 : i32
    %multiple_of3A_3183 = tpu.assume_multiple %mul3A_3182, 128 : i32
    %dma_start3A_3184 = arith.constant 7 : i32
    %dma_start3A_3185 = arith.constant 0 : i32
    %dma_start3A_3186 = arith.constant 0 : i32
    %dma_start3A_3187 = tpu.memref_slice %arg6[%dma_start3A_3184, %dma_start3A_3185, %dma_start3A_3186] : memref<8x32x128xf32, #tpu.memory_space<vmem>> -> memref<1x32x128xf32, #tpu.memory_space<vmem>>
    %dma_start3A_3188 = tpu.memref_squeeze %dma_start3A_3187 : memref<1x32x128xf32, #tpu.memory_space<vmem>> -> memref<32x128xf32, #tpu.memory_space<vmem>>
    %dma_start3A_3189 = arith.constant 0 : i32
    %dma_start3A_3190 = tpu.memref_slice %arg3[%dma_start3A_3189, %multiple_of3A_3183] : memref<32x100000xf32, #tpu.memory_space<hbm>> -> memref<32x128xf32, #tpu.memory_space<hbm>>
    %dma_start3A_3191 = arith.constant 0 : i32
    %dma_start3A_3192 = arith.constant 0 : i32
    %dma_start3A_3193 = tpu.memref_slice %arg6[%dma_start3A_3184, %dma_start3A_3191, %dma_start3A_3192] : memref<8x32x128xf32, #tpu.memory_space<vmem>> -> memref<1x32x128xf32, #tpu.memory_space<vmem>>
    %dma_start3A_3194 = tpu.memref_squeeze %dma_start3A_3193 : memref<1x32x128xf32, #tpu.memory_space<vmem>> -> memref<32x128xf32, #tpu.memory_space<vmem>>
    %dma_start3A_3195 = arith.constant 0 : i32
    %dma_start3A_3196 = tpu.memref_slice %arg3[%dma_start3A_3195, %multiple_of3A_3183] : memref<32x100000xf32, #tpu.memory_space<hbm>> -> memref<32x128xf32, #tpu.memory_space<hbm>>
    tpu.enqueue_dma source(%dma_start3A_3196 : memref<32x128xf32, #tpu.memory_space<hbm>>) target(%dma_start3A_3194 : memref<32x128xf32, #tpu.memory_space<vmem>>) target_semaphore(%arg8 : memref<!tpu.dma_semaphore, #tpu.memory_space<semaphore_mem>>)
    %dma_wait3A_3197 = arith.constant 0 : i32
    %dma_wait3A_3198 = arith.constant 0 : i32
    %dma_wait3A_3199 = arith.constant 0 : i32
    %dma_wait3A_3200 = tpu.memref_slice %arg6[%dma_wait3A_3197, %dma_wait3A_3198, %dma_wait3A_3199] : memref<8x32x128xf32, #tpu.memory_space<vmem>> -> memref<1x32x128xf32, #tpu.memory_space<vmem>>
    %dma_wait3A_3201 = tpu.memref_squeeze %dma_wait3A_3200 : memref<1x32x128xf32, #tpu.memory_space<vmem>> -> memref<32x128xf32, #tpu.memory_space<vmem>>
    %dma_wait3A_3202 = arith.constant 0 : i32
    %dma_wait3A_3203 = tpu.memref_slice %arg3[%dma_wait3A_3202, %multiple_of3A_2371] : memref<32x100000xf32, #tpu.memory_space<hbm>> -> memref<32x128xf32, #tpu.memory_space<hbm>>
    %dma_wait3A_3204 = arith.constant 0 : i32
    %dma_wait3A_3205 = arith.constant 0 : i32
    %dma_wait3A_3206 = tpu.memref_slice %arg6[%dma_wait3A_3197, %dma_wait3A_3204, %dma_wait3A_3205] : memref<8x32x128xf32, #tpu.memory_space<vmem>> -> memref<1x32x128xf32, #tpu.memory_space<vmem>>
    %dma_wait3A_3207 = tpu.memref_squeeze %dma_wait3A_3206 : memref<1x32x128xf32, #tpu.memory_space<vmem>> -> memref<32x128xf32, #tpu.memory_space<vmem>>
    %dma_wait3A_3208 = arith.constant 0 : i32
    %dma_wait3A_3209 = tpu.memref_slice %arg3[%dma_wait3A_3208, %multiple_of3A_2371] : memref<32x100000xf32, #tpu.memory_space<hbm>> -> memref<32x128xf32, #tpu.memory_space<hbm>>
    tpu.wait_dma2 semaphore(%arg8 : memref<!tpu.dma_semaphore, #tpu.memory_space<semaphore_mem>>) src(%dma_wait3A_3209 : memref<32x128xf32, #tpu.memory_space<hbm>>) dst(%dma_wait3A_3207 : memref<32x128xf32, #tpu.memory_space<vmem>>)
    %get3A_3210 = arith.constant 16 : index
    %get3A_3211 = tpu.vector_load %arg5[%get3A_3210] {strides = array<i32>} : memref<32xi32, #tpu.memory_space<vmem>>, vector<16xi32>,
    %iota3A_3212 = tpu.iota {dimensions = array<i32: 0>} : vector<16xi32>
    %eq3A_3213 = arith.constant 8 : i32
    %eq3A_3214 = vector.broadcast %eq3A_3213 : i32 to vector<16xi32>
    %eq3A_3215 = arith.cmpi eq, %iota3A_3212, %eq3A_3214 : vector<16xi32>
    %jit3A_3216 = arith.constant 0 : i32
    %broadcast_in_dim3A_3217 = vector.broadcast %jit3A_3216 : i32 to vector<16xi32>
    %select_n3A_3218 = arith.select %eq3A_3215, %get3A_3211, %broadcast_in_dim3A_3217 : vector<16xi1>, vector<16xi32>
    %reduce_sum3A_3219 = arith.constant true
    %reduce_sum3A_3220 = vector.broadcast %reduce_sum3A_3219 : i1 to vector<16xi1>
    %reduce_sum3A_3221 = tpu.scan <sum>, %select_n3A_3218 masked %reduce_sum3A_3220 : vector<16xi32>, vector<16xi1> -> vector<16xi32>
    %reduce_sum3A_3222 = vector.extract %reduce_sum3A_3221[15] : i32 from vector<16xi32>
    %jit3A_3223 = arith.constant 128 : i32
    %eq3A_3224 = arith.constant 0 : i32
    %eq3A_3225 = arith.cmpi eq, %jit3A_3223, %eq3A_3224 : i32
    %jit3A_3226 = arith.constant 1 : i32
    %select_n3A_3227 = arith.select %eq3A_3225, %jit3A_3226, %jit3A_3223 : i32
    %rem3A_3228 = arith.remsi %reduce_sum3A_3222, %select_n3A_3227 : i32
    %ne3A_3229 = arith.constant 0 : i32
    %ne3A_3230 = arith.cmpi ne, %rem3A_3228, %ne3A_3229 : i32
    %lt3A_3231 = arith.constant 0 : i32
    %lt3A_3232 = arith.cmpi slt, %rem3A_3228, %lt3A_3231 : i32
    %lt3A_3233 = arith.constant 0 : i32
    %lt3A_3234 = arith.cmpi slt, %select_n3A_3227, %lt3A_3233 : i32
    %ne3A_3235 = arith.xori %lt3A_3232, %lt3A_3234 : i1
    %and3A_3236 = arith.andi %ne3A_3235, %ne3A_3230 : i1
    %add3A_3237 = arith.addi %rem3A_3228, %select_n3A_3227 : i32
    %select_n3A_3238 = arith.select %and3A_3236, %add3A_3237, %rem3A_3228 : i32
    %broadcast_in_dim3A_3239 = vector.broadcast %select_n3A_3238 : i32 to vector<16xi32>
    %gather3A_3240 = arith.constant 0 : i32
    %gather3A_3241 = arith.constant 0 : i32
    %gather3A_3242 = arith.constant 0 : i32
    %gather3A_3243 = tpu.memref_slice %arg6[%gather3A_3240, %gather3A_3241, %gather3A_3242] : memref<8x32x128xf32, #tpu.memory_space<vmem>> -> memref<1x32x128xf32, #tpu.memory_space<vmem>>
    %gather3A_3244 = tpu.memref_squeeze %gather3A_3243 : memref<1x32x128xf32, #tpu.memory_space<vmem>> -> memref<32x128xf32, #tpu.memory_space<vmem>>
    %gather3A_3245 = tpu.vector_load_idx %gather3A_3244[%iota3A, %broadcast_in_dim3A_3239] : memref<32x128xf32, #tpu.memory_space<vmem>>[vector<16xi32>, vector<16xi32>], vector<16xf32>,
    %swap3A_3246 = arith.constant 24 : i32
    %swap3A_3247 = arith.index_cast %swap3A_3246 : i32 to index
    %swap3A_3248 = arith.constant 0 : index
    %swap3A_3249 = tpu.vector_load %arg7[%swap3A_3247, %swap3A_3248] {strides = array<i32>} : memref<32x32xf32, #tpu.memory_space<vmem>>, vector<16xf32>,
    tpu.vector_store %arg7[%swap3A_3247, %swap3A_3248], %gather3A_3245 {strides = array<i32>} : memref<32x32xf32, #tpu.memory_space<vmem>>, vector<16xf32>,
    %gather3A_3250 = arith.constant 0 : i32
    %gather3A_3251 = arith.constant 0 : i32
    %gather3A_3252 = arith.constant 0 : i32
    %gather3A_3253 = tpu.memref_slice %arg6[%gather3A_3250, %gather3A_3251, %gather3A_3252] : memref<8x32x128xf32, #tpu.memory_space<vmem>> -> memref<1x32x128xf32, #tpu.memory_space<vmem>>
    %gather3A_3254 = tpu.memref_squeeze %gather3A_3253 : memref<1x32x128xf32, #tpu.memory_space<vmem>> -> memref<32x128xf32, #tpu.memory_space<vmem>>
    %gather3A_3255 = tpu.vector_load_idx %gather3A_3254[%add3A_6, %broadcast_in_dim3A_3239] : memref<32x128xf32, #tpu.memory_space<vmem>>[vector<16xi32>, vector<16xi32>], vector<16xf32>,
    %swap3A_3256 = arith.constant 24 : i32
    %swap3A_3257 = arith.index_cast %swap3A_3256 : i32 to index
    %swap3A_3258 = arith.constant 16 : index
    %swap3A_3259 = tpu.vector_load %arg7[%swap3A_3257, %swap3A_3258] {strides = array<i32>} : memref<32x32xf32, #tpu.memory_space<vmem>>, vector<16xf32>,
    tpu.vector_store %arg7[%swap3A_3257, %swap3A_3258], %gather3A_3255 {strides = array<i32>} : memref<32x32xf32, #tpu.memory_space<vmem>>, vector<16xf32>,
    %dma_wait3A_3260 = arith.constant 1 : i32
    %dma_wait3A_3261 = arith.constant 0 : i32
    %dma_wait3A_3262 = arith.constant 0 : i32
    %dma_wait3A_3263 = tpu.memref_slice %arg6[%dma_wait3A_3260, %dma_wait3A_3261, %dma_wait3A_3262] : memref<8x32x128xf32, #tpu.memory_space<vmem>> -> memref<1x32x128xf32, #tpu.memory_space<vmem>>
    %dma_wait3A_3264 = tpu.memref_squeeze %dma_wait3A_3263 : memref<1x32x128xf32, #tpu.memory_space<vmem>> -> memref<32x128xf32, #tpu.memory_space<vmem>>
    %dma_wait3A_3265 = arith.constant 0 : i32
    %dma_wait3A_3266 = tpu.memref_slice %arg3[%dma_wait3A_3265, %multiple_of3A_2487] : memref<32x100000xf32, #tpu.memory_space<hbm>> -> memref<32x128xf32, #tpu.memory_space<hbm>>
    %dma_wait3A_3267 = arith.constant 0 : i32
    %dma_wait3A_3268 = arith.constant 0 : i32
    %dma_wait3A_3269 = tpu.memref_slice %arg6[%dma_wait3A_3260, %dma_wait3A_3267, %dma_wait3A_3268] : memref<8x32x128xf32, #tpu.memory_space<vmem>> -> memref<1x32x128xf32, #tpu.memory_space<vmem>>
    %dma_wait3A_3270 = tpu.memref_squeeze %dma_wait3A_3269 : memref<1x32x128xf32, #tpu.memory_space<vmem>> -> memref<32x128xf32, #tpu.memory_space<vmem>>
    %dma_wait3A_3271 = arith.constant 0 : i32
    %dma_wait3A_3272 = tpu.memref_slice %arg3[%dma_wait3A_3271, %multiple_of3A_2487] : memref<32x100000xf32, #tpu.memory_space<hbm>> -> memref<32x128xf32, #tpu.memory_space<hbm>>
    tpu.wait_dma2 semaphore(%arg8 : memref<!tpu.dma_semaphore, #tpu.memory_space<semaphore_mem>>) src(%dma_wait3A_3272 : memref<32x128xf32, #tpu.memory_space<hbm>>) dst(%dma_wait3A_3270 : memref<32x128xf32, #tpu.memory_space<vmem>>)
    %get3A_3273 = arith.constant 16 : index
    %get3A_3274 = tpu.vector_load %arg5[%get3A_3273] {strides = array<i32>} : memref<32xi32, #tpu.memory_space<vmem>>, vector<16xi32>,
    %iota3A_3275 = tpu.iota {dimensions = array<i32: 0>} : vector<16xi32>
    %eq3A_3276 = arith.constant 9 : i32
    %eq3A_3277 = vector.broadcast %eq3A_3276 : i32 to vector<16xi32>
    %eq3A_3278 = arith.cmpi eq, %iota3A_3275, %eq3A_3277 : vector<16xi32>
    %jit3A_3279 = arith.constant 0 : i32
    %broadcast_in_dim3A_3280 = vector.broadcast %jit3A_3279 : i32 to vector<16xi32>
    %select_n3A_3281 = arith.select %eq3A_3278, %get3A_3274, %broadcast_in_dim3A_3280 : vector<16xi1>, vector<16xi32>
    %reduce_sum3A_3282 = arith.constant true
    %reduce_sum3A_3283 = vector.broadcast %reduce_sum3A_3282 : i1 to vector<16xi1>
    %reduce_sum3A_3284 = tpu.scan <sum>, %select_n3A_3281 masked %reduce_sum3A_3283 : vector<16xi32>, vector<16xi1> -> vector<16xi32>
    %reduce_sum3A_3285 = vector.extract %reduce_sum3A_3284[15] : i32 from vector<16xi32>
    %jit3A_3286 = arith.constant 128 : i32
    %eq3A_3287 = arith.constant 0 : i32
    %eq3A_3288 = arith.cmpi eq, %jit3A_3286, %eq3A_3287 : i32
    %jit3A_3289 = arith.constant 1 : i32
    %select_n3A_3290 = arith.select %eq3A_3288, %jit3A_3289, %jit3A_3286 : i32
    %rem3A_3291 = arith.remsi %reduce_sum3A_3285, %select_n3A_3290 : i32
    %ne3A_3292 = arith.constant 0 : i32
    %ne3A_3293 = arith.cmpi ne, %rem3A_3291, %ne3A_3292 : i32
    %lt3A_3294 = arith.constant 0 : i32
    %lt3A_3295 = arith.cmpi slt, %rem3A_3291, %lt3A_3294 : i32
    %lt3A_3296 = arith.constant 0 : i32
    %lt3A_3297 = arith.cmpi slt, %select_n3A_3290, %lt3A_3296 : i32
    %ne3A_3298 = arith.xori %lt3A_3295, %lt3A_3297 : i1
    %and3A_3299 = arith.andi %ne3A_3298, %ne3A_3293 : i1
    %add3A_3300 = arith.addi %rem3A_3291, %select_n3A_3290 : i32
    %select_n3A_3301 = arith.select %and3A_3299, %add3A_3300, %rem3A_3291 : i32
    %broadcast_in_dim3A_3302 = vector.broadcast %select_n3A_3301 : i32 to vector<16xi32>
    %gather3A_3303 = arith.constant 1 : i32
    %gather3A_3304 = arith.constant 0 : i32
    %gather3A_3305 = arith.constant 0 : i32
    %gather3A_3306 = tpu.memref_slice %arg6[%gather3A_3303, %gather3A_3304, %gather3A_3305] : memref<8x32x128xf32, #tpu.memory_space<vmem>> -> memref<1x32x128xf32, #tpu.memory_space<vmem>>
    %gather3A_3307 = tpu.memref_squeeze %gather3A_3306 : memref<1x32x128xf32, #tpu.memory_space<vmem>> -> memref<32x128xf32, #tpu.memory_space<vmem>>
    %gather3A_3308 = tpu.vector_load_idx %gather3A_3307[%iota3A, %broadcast_in_dim3A_3302] : memref<32x128xf32, #tpu.memory_space<vmem>>[vector<16xi32>, vector<16xi32>], vector<16xf32>,
    %swap3A_3309 = arith.constant 25 : i32
    %swap3A_3310 = arith.index_cast %swap3A_3309 : i32 to index
    %swap3A_3311 = arith.constant 0 : index
    %swap3A_3312 = tpu.vector_load %arg7[%swap3A_3310, %swap3A_3311] {strides = array<i32>} : memref<32x32xf32, #tpu.memory_space<vmem>>, vector<16xf32>,
    tpu.vector_store %arg7[%swap3A_3310, %swap3A_3311], %gather3A_3308 {strides = array<i32>} : memref<32x32xf32, #tpu.memory_space<vmem>>, vector<16xf32>,
    %gather3A_3313 = arith.constant 1 : i32
    %gather3A_3314 = arith.constant 0 : i32
    %gather3A_3315 = arith.constant 0 : i32
    %gather3A_3316 = tpu.memref_slice %arg6[%gather3A_3313, %gather3A_3314, %gather3A_3315] : memref<8x32x128xf32, #tpu.memory_space<vmem>> -> memref<1x32x128xf32, #tpu.memory_space<vmem>>
    %gather3A_3317 = tpu.memref_squeeze %gather3A_3316 : memref<1x32x128xf32, #tpu.memory_space<vmem>> -> memref<32x128xf32, #tpu.memory_space<vmem>>
    %gather3A_3318 = tpu.vector_load_idx %gather3A_3317[%add3A_6, %broadcast_in_dim3A_3302] : memref<32x128xf32, #tpu.memory_space<vmem>>[vector<16xi32>, vector<16xi32>], vector<16xf32>,
    %swap3A_3319 = arith.constant 25 : i32
    %swap3A_3320 = arith.index_cast %swap3A_3319 : i32 to index
    %swap3A_3321 = arith.constant 16 : index
    %swap3A_3322 = tpu.vector_load %arg7[%swap3A_3320, %swap3A_3321] {strides = array<i32>} : memref<32x32xf32, #tpu.memory_space<vmem>>, vector<16xf32>,
    tpu.vector_store %arg7[%swap3A_3320, %swap3A_3321], %gather3A_3318 {strides = array<i32>} : memref<32x32xf32, #tpu.memory_space<vmem>>, vector<16xf32>,
    %dma_wait3A_3323 = arith.constant 2 : i32
    %dma_wait3A_3324 = arith.constant 0 : i32
    %dma_wait3A_3325 = arith.constant 0 : i32
    %dma_wait3A_3326 = tpu.memref_slice %arg6[%dma_wait3A_3323, %dma_wait3A_3324, %dma_wait3A_3325] : memref<8x32x128xf32, #tpu.memory_space<vmem>> -> memref<1x32x128xf32, #tpu.memory_space<vmem>>
    %dma_wait3A_3327 = tpu.memref_squeeze %dma_wait3A_3326 : memref<1x32x128xf32, #tpu.memory_space<vmem>> -> memref<32x128xf32, #tpu.memory_space<vmem>>
    %dma_wait3A_3328 = arith.constant 0 : i32
    %dma_wait3A_3329 = tpu.memref_slice %arg3[%dma_wait3A_3328, %multiple_of3A_2603] : memref<32x100000xf32, #tpu.memory_space<hbm>> -> memref<32x128xf32, #tpu.memory_space<hbm>>
    %dma_wait3A_3330 = arith.constant 0 : i32
    %dma_wait3A_3331 = arith.constant 0 : i32
    %dma_wait3A_3332 = tpu.memref_slice %arg6[%dma_wait3A_3323, %dma_wait3A_3330, %dma_wait3A_3331] : memref<8x32x128xf32, #tpu.memory_space<vmem>> -> memref<1x32x128xf32, #tpu.memory_space<vmem>>
    %dma_wait3A_3333 = tpu.memref_squeeze %dma_wait3A_3332 : memref<1x32x128xf32, #tpu.memory_space<vmem>> -> memref<32x128xf32, #tpu.memory_space<vmem>>
    %dma_wait3A_3334 = arith.constant 0 : i32
    %dma_wait3A_3335 = tpu.memref_slice %arg3[%dma_wait3A_3334, %multiple_of3A_2603] : memref<32x100000xf32, #tpu.memory_space<hbm>> -> memref<32x128xf32, #tpu.memory_space<hbm>>
    tpu.wait_dma2 semaphore(%arg8 : memref<!tpu.dma_semaphore, #tpu.memory_space<semaphore_mem>>) src(%dma_wait3A_3335 : memref<32x128xf32, #tpu.memory_space<hbm>>) dst(%dma_wait3A_3333 : memref<32x128xf32, #tpu.memory_space<vmem>>)
    %get3A_3336 = arith.constant 16 : index
    %get3A_3337 = tpu.vector_load %arg5[%get3A_3336] {strides = array<i32>} : memref<32xi32, #tpu.memory_space<vmem>>, vector<16xi32>,
    %iota3A_3338 = tpu.iota {dimensions = array<i32: 0>} : vector<16xi32>
    %eq3A_3339 = arith.constant 10 : i32
    %eq3A_3340 = vector.broadcast %eq3A_3339 : i32 to vector<16xi32>
    %eq3A_3341 = arith.cmpi eq, %iota3A_3338, %eq3A_3340 : vector<16xi32>
    %jit3A_3342 = arith.constant 0 : i32
    %broadcast_in_dim3A_3343 = vector.broadcast %jit3A_3342 : i32 to vector<16xi32>
    %select_n3A_3344 = arith.select %eq3A_3341, %get3A_3337, %broadcast_in_dim3A_3343 : vector<16xi1>, vector<16xi32>
    %reduce_sum3A_3345 = arith.constant true
    %reduce_sum3A_3346 = vector.broadcast %reduce_sum3A_3345 : i1 to vector<16xi1>
    %reduce_sum3A_3347 = tpu.scan <sum>, %select_n3A_3344 masked %reduce_sum3A_3346 : vector<16xi32>, vector<16xi1> -> vector<16xi32>
    %reduce_sum3A_3348 = vector.extract %reduce_sum3A_3347[15] : i32 from vector<16xi32>
    %jit3A_3349 = arith.constant 128 : i32
    %eq3A_3350 = arith.constant 0 : i32
    %eq3A_3351 = arith.cmpi eq, %jit3A_3349, %eq3A_3350 : i32
    %jit3A_3352 = arith.constant 1 : i32
    %select_n3A_3353 = arith.select %eq3A_3351, %jit3A_3352, %jit3A_3349 : i32
    %rem3A_3354 = arith.remsi %reduce_sum3A_3348, %select_n3A_3353 : i32
    %ne3A_3355 = arith.constant 0 : i32
    %ne3A_3356 = arith.cmpi ne, %rem3A_3354, %ne3A_3355 : i32
    %lt3A_3357 = arith.constant 0 : i32
    %lt3A_3358 = arith.cmpi slt, %rem3A_3354, %lt3A_3357 : i32
    %lt3A_3359 = arith.constant 0 : i32
    %lt3A_3360 = arith.cmpi slt, %select_n3A_3353, %lt3A_3359 : i32
    %ne3A_3361 = arith.xori %lt3A_3358, %lt3A_3360 : i1
    %and3A_3362 = arith.andi %ne3A_3361, %ne3A_3356 : i1
    %add3A_3363 = arith.addi %rem3A_3354, %select_n3A_3353 : i32
    %select_n3A_3364 = arith.select %and3A_3362, %add3A_3363, %rem3A_3354 : i32
    %broadcast_in_dim3A_3365 = vector.broadcast %select_n3A_3364 : i32 to vector<16xi32>
    %gather3A_3366 = arith.constant 2 : i32
    %gather3A_3367 = arith.constant 0 : i32
    %gather3A_3368 = arith.constant 0 : i32
    %gather3A_3369 = tpu.memref_slice %arg6[%gather3A_3366, %gather3A_3367, %gather3A_3368] : memref<8x32x128xf32, #tpu.memory_space<vmem>> -> memref<1x32x128xf32, #tpu.memory_space<vmem>>
    %gather3A_3370 = tpu.memref_squeeze %gather3A_3369 : memref<1x32x128xf32, #tpu.memory_space<vmem>> -> memref<32x128xf32, #tpu.memory_space<vmem>>
    %gather3A_3371 = tpu.vector_load_idx %gather3A_3370[%iota3A, %broadcast_in_dim3A_3365] : memref<32x128xf32, #tpu.memory_space<vmem>>[vector<16xi32>, vector<16xi32>], vector<16xf32>,
    %swap3A_3372 = arith.constant 26 : i32
    %swap3A_3373 = arith.index_cast %swap3A_3372 : i32 to index
    %swap3A_3374 = arith.constant 0 : index
    %swap3A_3375 = tpu.vector_load %arg7[%swap3A_3373, %swap3A_3374] {strides = array<i32>} : memref<32x32xf32, #tpu.memory_space<vmem>>, vector<16xf32>,
    tpu.vector_store %arg7[%swap3A_3373, %swap3A_3374], %gather3A_3371 {strides = array<i32>} : memref<32x32xf32, #tpu.memory_space<vmem>>, vector<16xf32>,
    %gather3A_3376 = arith.constant 2 : i32
    %gather3A_3377 = arith.constant 0 : i32
    %gather3A_3378 = arith.constant 0 : i32
    %gather3A_3379 = tpu.memref_slice %arg6[%gather3A_3376, %gather3A_3377, %gather3A_3378] : memref<8x32x128xf32, #tpu.memory_space<vmem>> -> memref<1x32x128xf32, #tpu.memory_space<vmem>>
    %gather3A_3380 = tpu.memref_squeeze %gather3A_3379 : memref<1x32x128xf32, #tpu.memory_space<vmem>> -> memref<32x128xf32, #tpu.memory_space<vmem>>
    %gather3A_3381 = tpu.vector_load_idx %gather3A_3380[%add3A_6, %broadcast_in_dim3A_3365] : memref<32x128xf32, #tpu.memory_space<vmem>>[vector<16xi32>, vector<16xi32>], vector<16xf32>,
    %swap3A_3382 = arith.constant 26 : i32
    %swap3A_3383 = arith.index_cast %swap3A_3382 : i32 to index
    %swap3A_3384 = arith.constant 16 : index
    %swap3A_3385 = tpu.vector_load %arg7[%swap3A_3383, %swap3A_3384] {strides = array<i32>} : memref<32x32xf32, #tpu.memory_space<vmem>>, vector<16xf32>,
    tpu.vector_store %arg7[%swap3A_3383, %swap3A_3384], %gather3A_3381 {strides = array<i32>} : memref<32x32xf32, #tpu.memory_space<vmem>>, vector<16xf32>,
    %dma_wait3A_3386 = arith.constant 3 : i32
    %dma_wait3A_3387 = arith.constant 0 : i32
    %dma_wait3A_3388 = arith.constant 0 : i32
    %dma_wait3A_3389 = tpu.memref_slice %arg6[%dma_wait3A_3386, %dma_wait3A_3387, %dma_wait3A_3388] : memref<8x32x128xf32, #tpu.memory_space<vmem>> -> memref<1x32x128xf32, #tpu.memory_space<vmem>>
    %dma_wait3A_3390 = tpu.memref_squeeze %dma_wait3A_3389 : memref<1x32x128xf32, #tpu.memory_space<vmem>> -> memref<32x128xf32, #tpu.memory_space<vmem>>
    %dma_wait3A_3391 = arith.constant 0 : i32
    %dma_wait3A_3392 = tpu.memref_slice %arg3[%dma_wait3A_3391, %multiple_of3A_2719] : memref<32x100000xf32, #tpu.memory_space<hbm>> -> memref<32x128xf32, #tpu.memory_space<hbm>>
    %dma_wait3A_3393 = arith.constant 0 : i32
    %dma_wait3A_3394 = arith.constant 0 : i32
    %dma_wait3A_3395 = tpu.memref_slice %arg6[%dma_wait3A_3386, %dma_wait3A_3393, %dma_wait3A_3394] : memref<8x32x128xf32, #tpu.memory_space<vmem>> -> memref<1x32x128xf32, #tpu.memory_space<vmem>>
    %dma_wait3A_3396 = tpu.memref_squeeze %dma_wait3A_3395 : memref<1x32x128xf32, #tpu.memory_space<vmem>> -> memref<32x128xf32, #tpu.memory_space<vmem>>
    %dma_wait3A_3397 = arith.constant 0 : i32
    %dma_wait3A_3398 = tpu.memref_slice %arg3[%dma_wait3A_3397, %multiple_of3A_2719] : memref<32x100000xf32, #tpu.memory_space<hbm>> -> memref<32x128xf32, #tpu.memory_space<hbm>>
    tpu.wait_dma2 semaphore(%arg8 : memref<!tpu.dma_semaphore, #tpu.memory_space<semaphore_mem>>) src(%dma_wait3A_3398 : memref<32x128xf32, #tpu.memory_space<hbm>>) dst(%dma_wait3A_3396 : memref<32x128xf32, #tpu.memory_space<vmem>>)
    %get3A_3399 = arith.constant 16 : index
    %get3A_3400 = tpu.vector_load %arg5[%get3A_3399] {strides = array<i32>} : memref<32xi32, #tpu.memory_space<vmem>>, vector<16xi32>,
    %iota3A_3401 = tpu.iota {dimensions = array<i32: 0>} : vector<16xi32>
    %eq3A_3402 = arith.constant 11 : i32
    %eq3A_3403 = vector.broadcast %eq3A_3402 : i32 to vector<16xi32>
    %eq3A_3404 = arith.cmpi eq, %iota3A_3401, %eq3A_3403 : vector<16xi32>
    %jit3A_3405 = arith.constant 0 : i32
    %broadcast_in_dim3A_3406 = vector.broadcast %jit3A_3405 : i32 to vector<16xi32>
    %select_n3A_3407 = arith.select %eq3A_3404, %get3A_3400, %broadcast_in_dim3A_3406 : vector<16xi1>, vector<16xi32>
    %reduce_sum3A_3408 = arith.constant true
    %reduce_sum3A_3409 = vector.broadcast %reduce_sum3A_3408 : i1 to vector<16xi1>
    %reduce_sum3A_3410 = tpu.scan <sum>, %select_n3A_3407 masked %reduce_sum3A_3409 : vector<16xi32>, vector<16xi1> -> vector<16xi32>
    %reduce_sum3A_3411 = vector.extract %reduce_sum3A_3410[15] : i32 from vector<16xi32>
    %jit3A_3412 = arith.constant 128 : i32
    %eq3A_3413 = arith.constant 0 : i32
    %eq3A_3414 = arith.cmpi eq, %jit3A_3412, %eq3A_3413 : i32
    %jit3A_3415 = arith.constant 1 : i32
    %select_n3A_3416 = arith.select %eq3A_3414, %jit3A_3415, %jit3A_3412 : i32
    %rem3A_3417 = arith.remsi %reduce_sum3A_3411, %select_n3A_3416 : i32
    %ne3A_3418 = arith.constant 0 : i32
    %ne3A_3419 = arith.cmpi ne, %rem3A_3417, %ne3A_3418 : i32
    %lt3A_3420 = arith.constant 0 : i32
    %lt3A_3421 = arith.cmpi slt, %rem3A_3417, %lt3A_3420 : i32
    %lt3A_3422 = arith.constant 0 : i32
    %lt3A_3423 = arith.cmpi slt, %select_n3A_3416, %lt3A_3422 : i32
    %ne3A_3424 = arith.xori %lt3A_3421, %lt3A_3423 : i1
    %and3A_3425 = arith.andi %ne3A_3424, %ne3A_3419 : i1
    %add3A_3426 = arith.addi %rem3A_3417, %select_n3A_3416 : i32
    %select_n3A_3427 = arith.select %and3A_3425, %add3A_3426, %rem3A_3417 : i32
    %broadcast_in_dim3A_3428 = vector.broadcast %select_n3A_3427 : i32 to vector<16xi32>
    %gather3A_3429 = arith.constant 3 : i32
    %gather3A_3430 = arith.constant 0 : i32
    %gather3A_3431 = arith.constant 0 : i32
    %gather3A_3432 = tpu.memref_slice %arg6[%gather3A_3429, %gather3A_3430, %gather3A_3431] : memref<8x32x128xf32, #tpu.memory_space<vmem>> -> memref<1x32x128xf32, #tpu.memory_space<vmem>>
    %gather3A_3433 = tpu.memref_squeeze %gather3A_3432 : memref<1x32x128xf32, #tpu.memory_space<vmem>> -> memref<32x128xf32, #tpu.memory_space<vmem>>
    %gather3A_3434 = tpu.vector_load_idx %gather3A_3433[%iota3A, %broadcast_in_dim3A_3428] : memref<32x128xf32, #tpu.memory_space<vmem>>[vector<16xi32>, vector<16xi32>], vector<16xf32>,
    %swap3A_3435 = arith.constant 27 : i32
    %swap3A_3436 = arith.index_cast %swap3A_3435 : i32 to index
    %swap3A_3437 = arith.constant 0 : index
    %swap3A_3438 = tpu.vector_load %arg7[%swap3A_3436, %swap3A_3437] {strides = array<i32>} : memref<32x32xf32, #tpu.memory_space<vmem>>, vector<16xf32>,
    tpu.vector_store %arg7[%swap3A_3436, %swap3A_3437], %gather3A_3434 {strides = array<i32>} : memref<32x32xf32, #tpu.memory_space<vmem>>, vector<16xf32>,
    %gather3A_3439 = arith.constant 3 : i32
    %gather3A_3440 = arith.constant 0 : i32
    %gather3A_3441 = arith.constant 0 : i32
    %gather3A_3442 = tpu.memref_slice %arg6[%gather3A_3439, %gather3A_3440, %gather3A_3441] : memref<8x32x128xf32, #tpu.memory_space<vmem>> -> memref<1x32x128xf32, #tpu.memory_space<vmem>>
    %gather3A_3443 = tpu.memref_squeeze %gather3A_3442 : memref<1x32x128xf32, #tpu.memory_space<vmem>> -> memref<32x128xf32, #tpu.memory_space<vmem>>
    %gather3A_3444 = tpu.vector_load_idx %gather3A_3443[%add3A_6, %broadcast_in_dim3A_3428] : memref<32x128xf32, #tpu.memory_space<vmem>>[vector<16xi32>, vector<16xi32>], vector<16xf32>,
    %swap3A_3445 = arith.constant 27 : i32
    %swap3A_3446 = arith.index_cast %swap3A_3445 : i32 to index
    %swap3A_3447 = arith.constant 16 : index
    %swap3A_3448 = tpu.vector_load %arg7[%swap3A_3446, %swap3A_3447] {strides = array<i32>} : memref<32x32xf32, #tpu.memory_space<vmem>>, vector<16xf32>,
    tpu.vector_store %arg7[%swap3A_3446, %swap3A_3447], %gather3A_3444 {strides = array<i32>} : memref<32x32xf32, #tpu.memory_space<vmem>>, vector<16xf32>,
    %dma_wait3A_3449 = arith.constant 4 : i32
    %dma_wait3A_3450 = arith.constant 0 : i32
    %dma_wait3A_3451 = arith.constant 0 : i32
    %dma_wait3A_3452 = tpu.memref_slice %arg6[%dma_wait3A_3449, %dma_wait3A_3450, %dma_wait3A_3451] : memref<8x32x128xf32, #tpu.memory_space<vmem>> -> memref<1x32x128xf32, #tpu.memory_space<vmem>>
    %dma_wait3A_3453 = tpu.memref_squeeze %dma_wait3A_3452 : memref<1x32x128xf32, #tpu.memory_space<vmem>> -> memref<32x128xf32, #tpu.memory_space<vmem>>
    %dma_wait3A_3454 = arith.constant 0 : i32
    %dma_wait3A_3455 = tpu.memref_slice %arg3[%dma_wait3A_3454, %multiple_of3A_2835] : memref<32x100000xf32, #tpu.memory_space<hbm>> -> memref<32x128xf32, #tpu.memory_space<hbm>>
    %dma_wait3A_3456 = arith.constant 0 : i32
    %dma_wait3A_3457 = arith.constant 0 : i32
    %dma_wait3A_3458 = tpu.memref_slice %arg6[%dma_wait3A_3449, %dma_wait3A_3456, %dma_wait3A_3457] : memref<8x32x128xf32, #tpu.memory_space<vmem>> -> memref<1x32x128xf32, #tpu.memory_space<vmem>>
    %dma_wait3A_3459 = tpu.memref_squeeze %dma_wait3A_3458 : memref<1x32x128xf32, #tpu.memory_space<vmem>> -> memref<32x128xf32, #tpu.memory_space<vmem>>
    %dma_wait3A_3460 = arith.constant 0 : i32
    %dma_wait3A_3461 = tpu.memref_slice %arg3[%dma_wait3A_3460, %multiple_of3A_2835] : memref<32x100000xf32, #tpu.memory_space<hbm>> -> memref<32x128xf32, #tpu.memory_space<hbm>>
    tpu.wait_dma2 semaphore(%arg8 : memref<!tpu.dma_semaphore, #tpu.memory_space<semaphore_mem>>) src(%dma_wait3A_3461 : memref<32x128xf32, #tpu.memory_space<hbm>>) dst(%dma_wait3A_3459 : memref<32x128xf32, #tpu.memory_space<vmem>>)
    %get3A_3462 = arith.constant 16 : index
    %get3A_3463 = tpu.vector_load %arg5[%get3A_3462] {strides = array<i32>} : memref<32xi32, #tpu.memory_space<vmem>>, vector<16xi32>,
    %iota3A_3464 = tpu.iota {dimensions = array<i32: 0>} : vector<16xi32>
    %eq3A_3465 = arith.constant 12 : i32
    %eq3A_3466 = vector.broadcast %eq3A_3465 : i32 to vector<16xi32>
    %eq3A_3467 = arith.cmpi eq, %iota3A_3464, %eq3A_3466 : vector<16xi32>
    %jit3A_3468 = arith.constant 0 : i32
    %broadcast_in_dim3A_3469 = vector.broadcast %jit3A_3468 : i32 to vector<16xi32>
    %select_n3A_3470 = arith.select %eq3A_3467, %get3A_3463, %broadcast_in_dim3A_3469 : vector<16xi1>, vector<16xi32>
    %reduce_sum3A_3471 = arith.constant true
    %reduce_sum3A_3472 = vector.broadcast %reduce_sum3A_3471 : i1 to vector<16xi1>
    %reduce_sum3A_3473 = tpu.scan <sum>, %select_n3A_3470 masked %reduce_sum3A_3472 : vector<16xi32>, vector<16xi1> -> vector<16xi32>
    %reduce_sum3A_3474 = vector.extract %reduce_sum3A_3473[15] : i32 from vector<16xi32>
    %jit3A_3475 = arith.constant 128 : i32
    %eq3A_3476 = arith.constant 0 : i32
    %eq3A_3477 = arith.cmpi eq, %jit3A_3475, %eq3A_3476 : i32
    %jit3A_3478 = arith.constant 1 : i32
    %select_n3A_3479 = arith.select %eq3A_3477, %jit3A_3478, %jit3A_3475 : i32
    %rem3A_3480 = arith.remsi %reduce_sum3A_3474, %select_n3A_3479 : i32
    %ne3A_3481 = arith.constant 0 : i32
    %ne3A_3482 = arith.cmpi ne, %rem3A_3480, %ne3A_3481 : i32
    %lt3A_3483 = arith.constant 0 : i32
    %lt3A_3484 = arith.cmpi slt, %rem3A_3480, %lt3A_3483 : i32
    %lt3A_3485 = arith.constant 0 : i32
    %lt3A_3486 = arith.cmpi slt, %select_n3A_3479, %lt3A_3485 : i32
    %ne3A_3487 = arith.xori %lt3A_3484, %lt3A_3486 : i1
    %and3A_3488 = arith.andi %ne3A_3487, %ne3A_3482 : i1
    %add3A_3489 = arith.addi %rem3A_3480, %select_n3A_3479 : i32
    %select_n3A_3490 = arith.select %and3A_3488, %add3A_3489, %rem3A_3480 : i32
    %broadcast_in_dim3A_3491 = vector.broadcast %select_n3A_3490 : i32 to vector<16xi32>
    %gather3A_3492 = arith.constant 4 : i32
    %gather3A_3493 = arith.constant 0 : i32
    %gather3A_3494 = arith.constant 0 : i32
    %gather3A_3495 = tpu.memref_slice %arg6[%gather3A_3492, %gather3A_3493, %gather3A_3494] : memref<8x32x128xf32, #tpu.memory_space<vmem>> -> memref<1x32x128xf32, #tpu.memory_space<vmem>>
    %gather3A_3496 = tpu.memref_squeeze %gather3A_3495 : memref<1x32x128xf32, #tpu.memory_space<vmem>> -> memref<32x128xf32, #tpu.memory_space<vmem>>
    %gather3A_3497 = tpu.vector_load_idx %gather3A_3496[%iota3A, %broadcast_in_dim3A_3491] : memref<32x128xf32, #tpu.memory_space<vmem>>[vector<16xi32>, vector<16xi32>], vector<16xf32>,
    %swap3A_3498 = arith.constant 28 : i32
    %swap3A_3499 = arith.index_cast %swap3A_3498 : i32 to index
    %swap3A_3500 = arith.constant 0 : index
    %swap3A_3501 = tpu.vector_load %arg7[%swap3A_3499, %swap3A_3500] {strides = array<i32>} : memref<32x32xf32, #tpu.memory_space<vmem>>, vector<16xf32>,
    tpu.vector_store %arg7[%swap3A_3499, %swap3A_3500], %gather3A_3497 {strides = array<i32>} : memref<32x32xf32, #tpu.memory_space<vmem>>, vector<16xf32>,
    %gather3A_3502 = arith.constant 4 : i32
    %gather3A_3503 = arith.constant 0 : i32
    %gather3A_3504 = arith.constant 0 : i32
    %gather3A_3505 = tpu.memref_slice %arg6[%gather3A_3502, %gather3A_3503, %gather3A_3504] : memref<8x32x128xf32, #tpu.memory_space<vmem>> -> memref<1x32x128xf32, #tpu.memory_space<vmem>>
    %gather3A_3506 = tpu.memref_squeeze %gather3A_3505 : memref<1x32x128xf32, #tpu.memory_space<vmem>> -> memref<32x128xf32, #tpu.memory_space<vmem>>
    %gather3A_3507 = tpu.vector_load_idx %gather3A_3506[%add3A_6, %broadcast_in_dim3A_3491] : memref<32x128xf32, #tpu.memory_space<vmem>>[vector<16xi32>, vector<16xi32>], vector<16xf32>,
    %swap3A_3508 = arith.constant 28 : i32
    %swap3A_3509 = arith.index_cast %swap3A_3508 : i32 to index
    %swap3A_3510 = arith.constant 16 : index
    %swap3A_3511 = tpu.vector_load %arg7[%swap3A_3509, %swap3A_3510] {strides = array<i32>} : memref<32x32xf32, #tpu.memory_space<vmem>>, vector<16xf32>,
    tpu.vector_store %arg7[%swap3A_3509, %swap3A_3510], %gather3A_3507 {strides = array<i32>} : memref<32x32xf32, #tpu.memory_space<vmem>>, vector<16xf32>,
    %dma_wait3A_3512 = arith.constant 5 : i32
    %dma_wait3A_3513 = arith.constant 0 : i32
    %dma_wait3A_3514 = arith.constant 0 : i32
    %dma_wait3A_3515 = tpu.memref_slice %arg6[%dma_wait3A_3512, %dma_wait3A_3513, %dma_wait3A_3514] : memref<8x32x128xf32, #tpu.memory_space<vmem>> -> memref<1x32x128xf32, #tpu.memory_space<vmem>>
    %dma_wait3A_3516 = tpu.memref_squeeze %dma_wait3A_3515 : memref<1x32x128xf32, #tpu.memory_space<vmem>> -> memref<32x128xf32, #tpu.memory_space<vmem>>
    %dma_wait3A_3517 = arith.constant 0 : i32
    %dma_wait3A_3518 = tpu.memref_slice %arg3[%dma_wait3A_3517, %multiple_of3A_2951] : memref<32x100000xf32, #tpu.memory_space<hbm>> -> memref<32x128xf32, #tpu.memory_space<hbm>>
    %dma_wait3A_3519 = arith.constant 0 : i32
    %dma_wait3A_3520 = arith.constant 0 : i32
    %dma_wait3A_3521 = tpu.memref_slice %arg6[%dma_wait3A_3512, %dma_wait3A_3519, %dma_wait3A_3520] : memref<8x32x128xf32, #tpu.memory_space<vmem>> -> memref<1x32x128xf32, #tpu.memory_space<vmem>>
    %dma_wait3A_3522 = tpu.memref_squeeze %dma_wait3A_3521 : memref<1x32x128xf32, #tpu.memory_space<vmem>> -> memref<32x128xf32, #tpu.memory_space<vmem>>
    %dma_wait3A_3523 = arith.constant 0 : i32
    %dma_wait3A_3524 = tpu.memref_slice %arg3[%dma_wait3A_3523, %multiple_of3A_2951] : memref<32x100000xf32, #tpu.memory_space<hbm>> -> memref<32x128xf32, #tpu.memory_space<hbm>>
    tpu.wait_dma2 semaphore(%arg8 : memref<!tpu.dma_semaphore, #tpu.memory_space<semaphore_mem>>) src(%dma_wait3A_3524 : memref<32x128xf32, #tpu.memory_space<hbm>>) dst(%dma_wait3A_3522 : memref<32x128xf32, #tpu.memory_space<vmem>>)
    %get3A_3525 = arith.constant 16 : index
    %get3A_3526 = tpu.vector_load %arg5[%get3A_3525] {strides = array<i32>} : memref<32xi32, #tpu.memory_space<vmem>>, vector<16xi32>,
    %iota3A_3527 = tpu.iota {dimensions = array<i32: 0>} : vector<16xi32>
    %eq3A_3528 = arith.constant 13 : i32
    %eq3A_3529 = vector.broadcast %eq3A_3528 : i32 to vector<16xi32>
    %eq3A_3530 = arith.cmpi eq, %iota3A_3527, %eq3A_3529 : vector<16xi32>
    %jit3A_3531 = arith.constant 0 : i32
    %broadcast_in_dim3A_3532 = vector.broadcast %jit3A_3531 : i32 to vector<16xi32>
    %select_n3A_3533 = arith.select %eq3A_3530, %get3A_3526, %broadcast_in_dim3A_3532 : vector<16xi1>, vector<16xi32>
    %reduce_sum3A_3534 = arith.constant true
    %reduce_sum3A_3535 = vector.broadcast %reduce_sum3A_3534 : i1 to vector<16xi1>
    %reduce_sum3A_3536 = tpu.scan <sum>, %select_n3A_3533 masked %reduce_sum3A_3535 : vector<16xi32>, vector<16xi1> -> vector<16xi32>
    %reduce_sum3A_3537 = vector.extract %reduce_sum3A_3536[15] : i32 from vector<16xi32>
    %jit3A_3538 = arith.constant 128 : i32
    %eq3A_3539 = arith.constant 0 : i32
    %eq3A_3540 = arith.cmpi eq, %jit3A_3538, %eq3A_3539 : i32
    %jit3A_3541 = arith.constant 1 : i32
    %select_n3A_3542 = arith.select %eq3A_3540, %jit3A_3541, %jit3A_3538 : i32
    %rem3A_3543 = arith.remsi %reduce_sum3A_3537, %select_n3A_3542 : i32
    %ne3A_3544 = arith.constant 0 : i32
    %ne3A_3545 = arith.cmpi ne, %rem3A_3543, %ne3A_3544 : i32
    %lt3A_3546 = arith.constant 0 : i32
    %lt3A_3547 = arith.cmpi slt, %rem3A_3543, %lt3A_3546 : i32
    %lt3A_3548 = arith.constant 0 : i32
    %lt3A_3549 = arith.cmpi slt, %select_n3A_3542, %lt3A_3548 : i32
    %ne3A_3550 = arith.xori %lt3A_3547, %lt3A_3549 : i1
    %and3A_3551 = arith.andi %ne3A_3550, %ne3A_3545 : i1
    %add3A_3552 = arith.addi %rem3A_3543, %select_n3A_3542 : i32
    %select_n3A_3553 = arith.select %and3A_3551, %add3A_3552, %rem3A_3543 : i32
    %broadcast_in_dim3A_3554 = vector.broadcast %select_n3A_3553 : i32 to vector<16xi32>
    %gather3A_3555 = arith.constant 5 : i32
    %gather3A_3556 = arith.constant 0 : i32
    %gather3A_3557 = arith.constant 0 : i32
    %gather3A_3558 = tpu.memref_slice %arg6[%gather3A_3555, %gather3A_3556, %gather3A_3557] : memref<8x32x128xf32, #tpu.memory_space<vmem>> -> memref<1x32x128xf32, #tpu.memory_space<vmem>>
    %gather3A_3559 = tpu.memref_squeeze %gather3A_3558 : memref<1x32x128xf32, #tpu.memory_space<vmem>> -> memref<32x128xf32, #tpu.memory_space<vmem>>
    %gather3A_3560 = tpu.vector_load_idx %gather3A_3559[%iota3A, %broadcast_in_dim3A_3554] : memref<32x128xf32, #tpu.memory_space<vmem>>[vector<16xi32>, vector<16xi32>], vector<16xf32>,
    %swap3A_3561 = arith.constant 29 : i32
    %swap3A_3562 = arith.index_cast %swap3A_3561 : i32 to index
    %swap3A_3563 = arith.constant 0 : index
    %swap3A_3564 = tpu.vector_load %arg7[%swap3A_3562, %swap3A_3563] {strides = array<i32>} : memref<32x32xf32, #tpu.memory_space<vmem>>, vector<16xf32>,
    tpu.vector_store %arg7[%swap3A_3562, %swap3A_3563], %gather3A_3560 {strides = array<i32>} : memref<32x32xf32, #tpu.memory_space<vmem>>, vector<16xf32>,
    %gather3A_3565 = arith.constant 5 : i32
    %gather3A_3566 = arith.constant 0 : i32
    %gather3A_3567 = arith.constant 0 : i32
    %gather3A_3568 = tpu.memref_slice %arg6[%gather3A_3565, %gather3A_3566, %gather3A_3567] : memref<8x32x128xf32, #tpu.memory_space<vmem>> -> memref<1x32x128xf32, #tpu.memory_space<vmem>>
    %gather3A_3569 = tpu.memref_squeeze %gather3A_3568 : memref<1x32x128xf32, #tpu.memory_space<vmem>> -> memref<32x128xf32, #tpu.memory_space<vmem>>
    %gather3A_3570 = tpu.vector_load_idx %gather3A_3569[%add3A_6, %broadcast_in_dim3A_3554] : memref<32x128xf32, #tpu.memory_space<vmem>>[vector<16xi32>, vector<16xi32>], vector<16xf32>,
    %swap3A_3571 = arith.constant 29 : i32
    %swap3A_3572 = arith.index_cast %swap3A_3571 : i32 to index
    %swap3A_3573 = arith.constant 16 : index
    %swap3A_3574 = tpu.vector_load %arg7[%swap3A_3572, %swap3A_3573] {strides = array<i32>} : memref<32x32xf32, #tpu.memory_space<vmem>>, vector<16xf32>,
    tpu.vector_store %arg7[%swap3A_3572, %swap3A_3573], %gather3A_3570 {strides = array<i32>} : memref<32x32xf32, #tpu.memory_space<vmem>>, vector<16xf32>,
    %dma_wait3A_3575 = arith.constant 6 : i32
    %dma_wait3A_3576 = arith.constant 0 : i32
    %dma_wait3A_3577 = arith.constant 0 : i32
    %dma_wait3A_3578 = tpu.memref_slice %arg6[%dma_wait3A_3575, %dma_wait3A_3576, %dma_wait3A_3577] : memref<8x32x128xf32, #tpu.memory_space<vmem>> -> memref<1x32x128xf32, #tpu.memory_space<vmem>>
    %dma_wait3A_3579 = tpu.memref_squeeze %dma_wait3A_3578 : memref<1x32x128xf32, #tpu.memory_space<vmem>> -> memref<32x128xf32, #tpu.memory_space<vmem>>
    %dma_wait3A_3580 = arith.constant 0 : i32
    %dma_wait3A_3581 = tpu.memref_slice %arg3[%dma_wait3A_3580, %multiple_of3A_3067] : memref<32x100000xf32, #tpu.memory_space<hbm>> -> memref<32x128xf32, #tpu.memory_space<hbm>>
    %dma_wait3A_3582 = arith.constant 0 : i32
    %dma_wait3A_3583 = arith.constant 0 : i32
    %dma_wait3A_3584 = tpu.memref_slice %arg6[%dma_wait3A_3575, %dma_wait3A_3582, %dma_wait3A_3583] : memref<8x32x128xf32, #tpu.memory_space<vmem>> -> memref<1x32x128xf32, #tpu.memory_space<vmem>>
    %dma_wait3A_3585 = tpu.memref_squeeze %dma_wait3A_3584 : memref<1x32x128xf32, #tpu.memory_space<vmem>> -> memref<32x128xf32, #tpu.memory_space<vmem>>
    %dma_wait3A_3586 = arith.constant 0 : i32
    %dma_wait3A_3587 = tpu.memref_slice %arg3[%dma_wait3A_3586, %multiple_of3A_3067] : memref<32x100000xf32, #tpu.memory_space<hbm>> -> memref<32x128xf32, #tpu.memory_space<hbm>>
    tpu.wait_dma2 semaphore(%arg8 : memref<!tpu.dma_semaphore, #tpu.memory_space<semaphore_mem>>) src(%dma_wait3A_3587 : memref<32x128xf32, #tpu.memory_space<hbm>>) dst(%dma_wait3A_3585 : memref<32x128xf32, #tpu.memory_space<vmem>>)
    %get3A_3588 = arith.constant 16 : index
    %get3A_3589 = tpu.vector_load %arg5[%get3A_3588] {strides = array<i32>} : memref<32xi32, #tpu.memory_space<vmem>>, vector<16xi32>,
    %iota3A_3590 = tpu.iota {dimensions = array<i32: 0>} : vector<16xi32>
    %eq3A_3591 = arith.constant 14 : i32
    %eq3A_3592 = vector.broadcast %eq3A_3591 : i32 to vector<16xi32>
    %eq3A_3593 = arith.cmpi eq, %iota3A_3590, %eq3A_3592 : vector<16xi32>
    %jit3A_3594 = arith.constant 0 : i32
    %broadcast_in_dim3A_3595 = vector.broadcast %jit3A_3594 : i32 to vector<16xi32>
    %select_n3A_3596 = arith.select %eq3A_3593, %get3A_3589, %broadcast_in_dim3A_3595 : vector<16xi1>, vector<16xi32>
    %reduce_sum3A_3597 = arith.constant true
    %reduce_sum3A_3598 = vector.broadcast %reduce_sum3A_3597 : i1 to vector<16xi1>
    %reduce_sum3A_3599 = tpu.scan <sum>, %select_n3A_3596 masked %reduce_sum3A_3598 : vector<16xi32>, vector<16xi1> -> vector<16xi32>
    %reduce_sum3A_3600 = vector.extract %reduce_sum3A_3599[15] : i32 from vector<16xi32>
    %jit3A_3601 = arith.constant 128 : i32
    %eq3A_3602 = arith.constant 0 : i32
    %eq3A_3603 = arith.cmpi eq, %jit3A_3601, %eq3A_3602 : i32
    %jit3A_3604 = arith.constant 1 : i32
    %select_n3A_3605 = arith.select %eq3A_3603, %jit3A_3604, %jit3A_3601 : i32
    %rem3A_3606 = arith.remsi %reduce_sum3A_3600, %select_n3A_3605 : i32
    %ne3A_3607 = arith.constant 0 : i32
    %ne3A_3608 = arith.cmpi ne, %rem3A_3606, %ne3A_3607 : i32
    %lt3A_3609 = arith.constant 0 : i32
    %lt3A_3610 = arith.cmpi slt, %rem3A_3606, %lt3A_3609 : i32
    %lt3A_3611 = arith.constant 0 : i32
    %lt3A_3612 = arith.cmpi slt, %select_n3A_3605, %lt3A_3611 : i32
    %ne3A_3613 = arith.xori %lt3A_3610, %lt3A_3612 : i1
    %and3A_3614 = arith.andi %ne3A_3613, %ne3A_3608 : i1
    %add3A_3615 = arith.addi %rem3A_3606, %select_n3A_3605 : i32
    %select_n3A_3616 = arith.select %and3A_3614, %add3A_3615, %rem3A_3606 : i32
    %broadcast_in_dim3A_3617 = vector.broadcast %select_n3A_3616 : i32 to vector<16xi32>
    %gather3A_3618 = arith.constant 6 : i32
    %gather3A_3619 = arith.constant 0 : i32
    %gather3A_3620 = arith.constant 0 : i32
    %gather3A_3621 = tpu.memref_slice %arg6[%gather3A_3618, %gather3A_3619, %gather3A_3620] : memref<8x32x128xf32, #tpu.memory_space<vmem>> -> memref<1x32x128xf32, #tpu.memory_space<vmem>>
    %gather3A_3622 = tpu.memref_squeeze %gather3A_3621 : memref<1x32x128xf32, #tpu.memory_space<vmem>> -> memref<32x128xf32, #tpu.memory_space<vmem>>
    %gather3A_3623 = tpu.vector_load_idx %gather3A_3622[%iota3A, %broadcast_in_dim3A_3617] : memref<32x128xf32, #tpu.memory_space<vmem>>[vector<16xi32>, vector<16xi32>], vector<16xf32>,
    %swap3A_3624 = arith.constant 30 : i32
    %swap3A_3625 = arith.index_cast %swap3A_3624 : i32 to index
    %swap3A_3626 = arith.constant 0 : index
    %swap3A_3627 = tpu.vector_load %arg7[%swap3A_3625, %swap3A_3626] {strides = array<i32>} : memref<32x32xf32, #tpu.memory_space<vmem>>, vector<16xf32>,
    tpu.vector_store %arg7[%swap3A_3625, %swap3A_3626], %gather3A_3623 {strides = array<i32>} : memref<32x32xf32, #tpu.memory_space<vmem>>, vector<16xf32>,
    %gather3A_3628 = arith.constant 6 : i32
    %gather3A_3629 = arith.constant 0 : i32
    %gather3A_3630 = arith.constant 0 : i32
    %gather3A_3631 = tpu.memref_slice %arg6[%gather3A_3628, %gather3A_3629, %gather3A_3630] : memref<8x32x128xf32, #tpu.memory_space<vmem>> -> memref<1x32x128xf32, #tpu.memory_space<vmem>>
    %gather3A_3632 = tpu.memref_squeeze %gather3A_3631 : memref<1x32x128xf32, #tpu.memory_space<vmem>> -> memref<32x128xf32, #tpu.memory_space<vmem>>
    %gather3A_3633 = tpu.vector_load_idx %gather3A_3632[%add3A_6, %broadcast_in_dim3A_3617] : memref<32x128xf32, #tpu.memory_space<vmem>>[vector<16xi32>, vector<16xi32>], vector<16xf32>,
    %swap3A_3634 = arith.constant 30 : i32
    %swap3A_3635 = arith.index_cast %swap3A_3634 : i32 to index
    %swap3A_3636 = arith.constant 16 : index
    %swap3A_3637 = tpu.vector_load %arg7[%swap3A_3635, %swap3A_3636] {strides = array<i32>} : memref<32x32xf32, #tpu.memory_space<vmem>>, vector<16xf32>,
    tpu.vector_store %arg7[%swap3A_3635, %swap3A_3636], %gather3A_3633 {strides = array<i32>} : memref<32x32xf32, #tpu.memory_space<vmem>>, vector<16xf32>,
    %dma_wait3A_3638 = arith.constant 7 : i32
    %dma_wait3A_3639 = arith.constant 0 : i32
    %dma_wait3A_3640 = arith.constant 0 : i32
    %dma_wait3A_3641 = tpu.memref_slice %arg6[%dma_wait3A_3638, %dma_wait3A_3639, %dma_wait3A_3640] : memref<8x32x128xf32, #tpu.memory_space<vmem>> -> memref<1x32x128xf32, #tpu.memory_space<vmem>>
    %dma_wait3A_3642 = tpu.memref_squeeze %dma_wait3A_3641 : memref<1x32x128xf32, #tpu.memory_space<vmem>> -> memref<32x128xf32, #tpu.memory_space<vmem>>
    %dma_wait3A_3643 = arith.constant 0 : i32
    %dma_wait3A_3644 = tpu.memref_slice %arg3[%dma_wait3A_3643, %multiple_of3A_3183] : memref<32x100000xf32, #tpu.memory_space<hbm>> -> memref<32x128xf32, #tpu.memory_space<hbm>>
    %dma_wait3A_3645 = arith.constant 0 : i32
    %dma_wait3A_3646 = arith.constant 0 : i32
    %dma_wait3A_3647 = tpu.memref_slice %arg6[%dma_wait3A_3638, %dma_wait3A_3645, %dma_wait3A_3646] : memref<8x32x128xf32, #tpu.memory_space<vmem>> -> memref<1x32x128xf32, #tpu.memory_space<vmem>>
    %dma_wait3A_3648 = tpu.memref_squeeze %dma_wait3A_3647 : memref<1x32x128xf32, #tpu.memory_space<vmem>> -> memref<32x128xf32, #tpu.memory_space<vmem>>
    %dma_wait3A_3649 = arith.constant 0 : i32
    %dma_wait3A_3650 = tpu.memref_slice %arg3[%dma_wait3A_3649, %multiple_of3A_3183] : memref<32x100000xf32, #tpu.memory_space<hbm>> -> memref<32x128xf32, #tpu.memory_space<hbm>>
    tpu.wait_dma2 semaphore(%arg8 : memref<!tpu.dma_semaphore, #tpu.memory_space<semaphore_mem>>) src(%dma_wait3A_3650 : memref<32x128xf32, #tpu.memory_space<hbm>>) dst(%dma_wait3A_3648 : memref<32x128xf32, #tpu.memory_space<vmem>>)
    %get3A_3651 = arith.constant 16 : index
    %get3A_3652 = tpu.vector_load %arg5[%get3A_3651] {strides = array<i32>} : memref<32xi32, #tpu.memory_space<vmem>>, vector<16xi32>,
    %iota3A_3653 = tpu.iota {dimensions = array<i32: 0>} : vector<16xi32>
    %eq3A_3654 = arith.constant 15 : i32
    %eq3A_3655 = vector.broadcast %eq3A_3654 : i32 to vector<16xi32>
    %eq3A_3656 = arith.cmpi eq, %iota3A_3653, %eq3A_3655 : vector<16xi32>
    %jit3A_3657 = arith.constant 0 : i32
    %broadcast_in_dim3A_3658 = vector.broadcast %jit3A_3657 : i32 to vector<16xi32>
    %select_n3A_3659 = arith.select %eq3A_3656, %get3A_3652, %broadcast_in_dim3A_3658 : vector<16xi1>, vector<16xi32>
    %reduce_sum3A_3660 = arith.constant true
    %reduce_sum3A_3661 = vector.broadcast %reduce_sum3A_3660 : i1 to vector<16xi1>
    %reduce_sum3A_3662 = tpu.scan <sum>, %select_n3A_3659 masked %reduce_sum3A_3661 : vector<16xi32>, vector<16xi1> -> vector<16xi32>
    %reduce_sum3A_3663 = vector.extract %reduce_sum3A_3662[15] : i32 from vector<16xi32>
    %jit3A_3664 = arith.constant 128 : i32
    %eq3A_3665 = arith.constant 0 : i32
    %eq3A_3666 = arith.cmpi eq, %jit3A_3664, %eq3A_3665 : i32
    %jit3A_3667 = arith.constant 1 : i32
    %select_n3A_3668 = arith.select %eq3A_3666, %jit3A_3667, %jit3A_3664 : i32
    %rem3A_3669 = arith.remsi %reduce_sum3A_3663, %select_n3A_3668 : i32
    %ne3A_3670 = arith.constant 0 : i32
    %ne3A_3671 = arith.cmpi ne, %rem3A_3669, %ne3A_3670 : i32
    %lt3A_3672 = arith.constant 0 : i32
    %lt3A_3673 = arith.cmpi slt, %rem3A_3669, %lt3A_3672 : i32
    %lt3A_3674 = arith.constant 0 : i32
    %lt3A_3675 = arith.cmpi slt, %select_n3A_3668, %lt3A_3674 : i32
    %ne3A_3676 = arith.xori %lt3A_3673, %lt3A_3675 : i1
    %and3A_3677 = arith.andi %ne3A_3676, %ne3A_3671 : i1
    %add3A_3678 = arith.addi %rem3A_3669, %select_n3A_3668 : i32
    %select_n3A_3679 = arith.select %and3A_3677, %add3A_3678, %rem3A_3669 : i32
    %broadcast_in_dim3A_3680 = vector.broadcast %select_n3A_3679 : i32 to vector<16xi32>
    %gather3A_3681 = arith.constant 7 : i32
    %gather3A_3682 = arith.constant 0 : i32
    %gather3A_3683 = arith.constant 0 : i32
    %gather3A_3684 = tpu.memref_slice %arg6[%gather3A_3681, %gather3A_3682, %gather3A_3683] : memref<8x32x128xf32, #tpu.memory_space<vmem>> -> memref<1x32x128xf32, #tpu.memory_space<vmem>>
    %gather3A_3685 = tpu.memref_squeeze %gather3A_3684 : memref<1x32x128xf32, #tpu.memory_space<vmem>> -> memref<32x128xf32, #tpu.memory_space<vmem>>
    %gather3A_3686 = tpu.vector_load_idx %gather3A_3685[%iota3A, %broadcast_in_dim3A_3680] : memref<32x128xf32, #tpu.memory_space<vmem>>[vector<16xi32>, vector<16xi32>], vector<16xf32>,
    %swap3A_3687 = arith.constant 31 : i32
    %swap3A_3688 = arith.index_cast %swap3A_3687 : i32 to index
    %swap3A_3689 = arith.constant 0 : index
    %swap3A_3690 = tpu.vector_load %arg7[%swap3A_3688, %swap3A_3689] {strides = array<i32>} : memref<32x32xf32, #tpu.memory_space<vmem>>, vector<16xf32>,
    tpu.vector_store %arg7[%swap3A_3688, %swap3A_3689], %gather3A_3686 {strides = array<i32>} : memref<32x32xf32, #tpu.memory_space<vmem>>, vector<16xf32>,
    %gather3A_3691 = arith.constant 7 : i32
    %gather3A_3692 = arith.constant 0 : i32
    %gather3A_3693 = arith.constant 0 : i32
    %gather3A_3694 = tpu.memref_slice %arg6[%gather3A_3691, %gather3A_3692, %gather3A_3693] : memref<8x32x128xf32, #tpu.memory_space<vmem>> -> memref<1x32x128xf32, #tpu.memory_space<vmem>>
    %gather3A_3695 = tpu.memref_squeeze %gather3A_3694 : memref<1x32x128xf32, #tpu.memory_space<vmem>> -> memref<32x128xf32, #tpu.memory_space<vmem>>
    %gather3A_3696 = tpu.vector_load_idx %gather3A_3695[%add3A_6, %broadcast_in_dim3A_3680] : memref<32x128xf32, #tpu.memory_space<vmem>>[vector<16xi32>, vector<16xi32>], vector<16xf32>,
    %swap3A_3697 = arith.constant 31 : i32
    %swap3A_3698 = arith.index_cast %swap3A_3697 : i32 to index
    %swap3A_3699 = arith.constant 16 : index
    %swap3A_3700 = tpu.vector_load %arg7[%swap3A_3698, %swap3A_3699] {strides = array<i32>} : memref<32x32xf32, #tpu.memory_space<vmem>>, vector<16xf32>,
    tpu.vector_store %arg7[%swap3A_3698, %swap3A_3699], %gather3A_3696 {strides = array<i32>} : memref<32x32xf32, #tpu.memory_space<vmem>>, vector<16xf32>,
    "tpu.region"() ({
      %run_scoped3A = tpu.sem_alloc : memref<!tpu.dma_semaphore, #tpu.memory_space<semaphore_mem>>
      %dma_start3A_3701 = arith.constant 0 : i32
      %dma_start3A_3702 = tpu.memref_slice %arg4[%mul3A_2, %dma_start3A_3701] : memref<1024x32xf32, #tpu.memory_space<hbm>> -> memref<32x32xf32, #tpu.memory_space<hbm>>
      %dma_start3A_3703 = arith.constant 0 : i32
      %dma_start3A_3704 = tpu.memref_slice %arg4[%mul3A_2, %dma_start3A_3703] : memref<1024x32xf32, #tpu.memory_space<hbm>> -> memref<32x32xf32, #tpu.memory_space<hbm>>
      tpu.enqueue_dma source(%arg7 : memref<32x32xf32, #tpu.memory_space<vmem>>) target(%dma_start3A_3704 : memref<32x32xf32, #tpu.memory_space<hbm>>) target_semaphore(%run_scoped3A : memref<!tpu.dma_semaphore, #tpu.memory_space<semaphore_mem>>)
      %dma_wait3A_3705 = arith.constant 0 : i32
      %dma_wait3A_3706 = tpu.memref_slice %arg4[%mul3A_2, %dma_wait3A_3705] : memref<1024x32xf32, #tpu.memory_space<hbm>> -> memref<32x32xf32, #tpu.memory_space<hbm>>
      %dma_wait3A_3707 = arith.constant 0 : i32
      %dma_wait3A_3708 = tpu.memref_slice %arg4[%mul3A_2, %dma_wait3A_3707] : memref<1024x32xf32, #tpu.memory_space<hbm>> -> memref<32x32xf32, #tpu.memory_space<hbm>>
      tpu.wait_dma2 semaphore(%run_scoped3A : memref<!tpu.dma_semaphore, #tpu.memory_space<semaphore_mem>>) src(%arg7 : memref<32x32xf32, #tpu.memory_space<vmem>>) dst(%dma_wait3A_3708 : memref<32x32xf32, #tpu.memory_space<hbm>>)
      tpu.yield
    }) : () -> ()
    return
  }
}

module attributes {stable_mosaic.version = 14 : i64} {
  func.func @_tc_body(%arg0: i32, %arg1: memref<32x1024xf32, #tpu.memory_space<vmem>>, %arg2: memref<128x32xf32, #tpu.memory_space<vmem>>, %arg3: memref<128x1xf32, #tpu.memory_space<vmem>>, %arg4: memref<32x128xf32, #tpu.memory_space<vmem>>, %arg5: memref<32x1xf32, #tpu.memory_space<vmem>>, %arg6: memref<1x1024xi32, #tpu.memory_space<vmem>>, %arg7: memref<32x8192xf32, #tpu.memory_space<vmem>>, %arg8: memref<1x1xf32, #tpu.memory_space<smem>>, %arg9: memref<40x1024xf32, #tpu.memory_space<vmem>>, %arg10: memref<40x8192xf32, #tpu.memory_space<vmem>>, %arg11: memref<1x8192xf32, #tpu.memory_space<vmem>>, %arg12: memref<1x1024xf32, #tpu.memory_space<vmem>>, %arg13: memref<1x1024xi32, #tpu.memory_space<vmem>>) attributes {dimension_semantics = [#tpu.dimension_semantics<arbitrary>], iteration_bounds = array<i64: 13>, scalar_prefetch = 0 : i64, scratch_operands = 5 : i64, tpu.core_type = #tpu.core_type<tc>, window_params = [{pipeline_mode = #tpu.pipeline_mode<synchronous>, transform_indices = @transform_0, window_bounds = array<i64: 32, 1024>}, {pipeline_mode = #tpu.pipeline_mode<synchronous>, transform_indices = @transform_1, window_bounds = array<i64: 128, 32>}, {pipeline_mode = #tpu.pipeline_mode<synchronous>, transform_indices = @transform_2, window_bounds = array<i64: 128, 1>}, {pipeline_mode = #tpu.pipeline_mode<synchronous>, transform_indices = @transform_3, window_bounds = array<i64: 32, 128>}, {pipeline_mode = #tpu.pipeline_mode<synchronous>, transform_indices = @transform_4, window_bounds = array<i64: 32, 1>}, {pipeline_mode = #tpu.pipeline_mode<synchronous>, transform_indices = @transform_5, window_bounds = array<i64: 1, 1024>}, {transform_indices = @transform_6, window_bounds = array<i64: 32, 8192>}, {transform_indices = @transform_7, window_bounds = array<i64: 1, 1>}]} {
    %eq3A = arith.constant 0 : i32
    %eq3A_0 = arith.cmpi eq, %arg0, %eq3A : i32
    %convert_element_type3A = arith.extui %eq3A_0 : i1 to i32
    %cond3A = arith.constant 0 : i32
    %cond3A_1 = arith.cmpi ne, %convert_element_type3A, %cond3A : i32
    scf.if %cond3A_1 {
      %get3A_36 = arith.constant 0 : index
      %get3A_37 = arith.constant 0 : index
      %get3A_38 = vector.load %arg2[%get3A_36, %get3A_37] : memref<128x32xf32, #tpu.memory_space<vmem>>, vector<128x32xf32>
      %get3A_39 = arith.constant 0 : index
      %get3A_40 = arith.constant 0 : index
      %get3A_41 = vector.load %arg1[%get3A_39, %get3A_40] : memref<32x1024xf32, #tpu.memory_space<vmem>>, vector<32x1024xf32>
      %dot_general3A_42 = arith.constant dense<0.000000e+00> : vector<128x1024xf32>
      %dot_general3A_43 = tpu.matmul %get3A_38, %get3A_41, %dot_general3A_42 {dimension_numbers = #tpu.dot_dimension_numbers<[1], [0], [0], [1], [0, 0, 1, 1], [], []>, transpose_lhs_hint = false} : vector<128x32xf32>, vector<32x1024xf32>, vector<128x1024xf32> -> vector<128x1024xf32>
      %get3A_44 = arith.constant 0 : index
      %get3A_45 = arith.constant 0 : index
      %get3A_46 = vector.load %arg3[%get3A_44, %get3A_45] : memref<128x1xf32, #tpu.memory_space<vmem>>, vector<128x1xf32>
      %add3A = vector.broadcast %get3A_46 : vector<128x1xf32> to vector<128x1024xf32>
      %add3A_47 = arith.addf %dot_general3A_43, %add3A : vector<128x1024xf32>
      %max3A = arith.constant 0.000000e+00 : f32
      %max3A_48 = vector.broadcast %max3A : f32 to vector<128x1024xf32>
      %max3A_49 = arith.maximumf %add3A_47, %max3A_48 : vector<128x1024xf32>
      %get3A_50 = arith.constant 0 : index
      %get3A_51 = arith.constant 0 : index
      %get3A_52 = vector.load %arg4[%get3A_50, %get3A_51] : memref<32x128xf32, #tpu.memory_space<vmem>>, vector<32x128xf32>
      %dot_general3A_53 = arith.constant dense<0.000000e+00> : vector<32x1024xf32>
      %dot_general3A_54 = tpu.matmul %get3A_52, %max3A_49, %dot_general3A_53 {dimension_numbers = #tpu.dot_dimension_numbers<[1], [0], [0], [1], [0, 0, 1, 1], [], []>, transpose_lhs_hint = false} : vector<32x128xf32>, vector<128x1024xf32>, vector<32x1024xf32> -> vector<32x1024xf32>
      %get3A_55 = arith.constant 0 : index
      %get3A_56 = arith.constant 0 : index
      %get3A_57 = vector.load %arg5[%get3A_55, %get3A_56] : memref<32x1xf32, #tpu.memory_space<vmem>>, vector<32x1xf32>
      %add3A_58 = vector.broadcast %get3A_57 : vector<32x1xf32> to vector<32x1024xf32>
      %add3A_59 = arith.addf %dot_general3A_54, %add3A_58 : vector<32x1024xf32>
      %swap3A_60 = arith.constant 0 : index
      %swap3A_61 = arith.constant 0 : index
      %swap3A_62 = vector.load %arg9[%swap3A_60, %swap3A_61] : memref<40x1024xf32, #tpu.memory_space<vmem>>, vector<32x1024xf32>
      tpu.vector_store %arg9[%swap3A_60, %swap3A_61], %add3A_59 {strides = array<i32>} : memref<40x1024xf32, #tpu.memory_space<vmem>>, vector<32x1024xf32>,
      %iota3A = tpu.iota {dimensions = array<i32: 0>} : vector<8x1024xi32>
      %eq3A_63 = arith.constant 0 : i32
      %eq3A_64 = vector.broadcast %eq3A_63 : i32 to vector<8x1024xi32>
      %eq3A_65 = arith.cmpi eq, %iota3A, %eq3A_64 : vector<8x1024xi32>
      %jit3A = arith.constant 1.000000e+00 : f32
      %jit3A_66 = arith.constant 0.000000e+00 : f32
      %broadcast_in_dim3A_67 = vector.broadcast %jit3A : f32 to vector<8x1024xf32>
      %broadcast_in_dim3A_68 = vector.broadcast %jit3A_66 : f32 to vector<8x1024xf32>
      %select_n3A = arith.select %eq3A_65, %broadcast_in_dim3A_67, %broadcast_in_dim3A_68 : vector<8x1024xi1>, vector<8x1024xf32>
      %swap3A_69 = arith.constant 32 : index
      %swap3A_70 = arith.constant 0 : index
      %swap3A_71 = vector.load %arg9[%swap3A_69, %swap3A_70] : memref<40x1024xf32, #tpu.memory_space<vmem>>, vector<8x1024xf32>
      tpu.vector_store %arg9[%swap3A_69, %swap3A_70], %select_n3A {strides = array<i32>} : memref<40x1024xf32, #tpu.memory_space<vmem>>, vector<8x1024xf32>,
      %iota3A_72 = tpu.iota {dimensions = array<i32: 1>} : vector<1x8192xi32>
      %convert_element_type3A_73 = arith.sitofp %iota3A_72 : vector<1x8192xi32> to vector<1x8192xf32>
      %swap3A_74 = arith.constant 0 : index
      %swap3A_75 = arith.constant 0 : index
      %swap3A_76 = vector.load %arg11[%swap3A_74, %swap3A_75] : memref<1x8192xf32, #tpu.memory_space<vmem>>, vector<1x8192xf32>
      tpu.vector_store %arg11[%swap3A_74, %swap3A_75], %convert_element_type3A_73 {strides = array<i32>} : memref<1x8192xf32, #tpu.memory_space<vmem>>, vector<1x8192xf32>,
      %broadcast_in_dim3A_77 = arith.constant 0x7F800000 : f32
      %broadcast_in_dim3A_78 = vector.broadcast %broadcast_in_dim3A_77 : f32 to vector<1x1024xf32>
      %swap3A_79 = arith.constant 0 : index
      %swap3A_80 = arith.constant 0 : index
      %swap3A_81 = vector.load %arg12[%swap3A_79, %swap3A_80] : memref<1x1024xf32, #tpu.memory_space<vmem>>, vector<1x1024xf32>
      tpu.vector_store %arg12[%swap3A_79, %swap3A_80], %broadcast_in_dim3A_78 {strides = array<i32>} : memref<1x1024xf32, #tpu.memory_space<vmem>>, vector<1x1024xf32>,
      %broadcast_in_dim3A_82 = arith.constant 0 : i32
      %broadcast_in_dim3A_83 = vector.broadcast %broadcast_in_dim3A_82 : i32 to vector<1x1024xi32>
      %swap3A_84 = arith.constant 0 : index
      %swap3A_85 = arith.constant 0 : index
      %swap3A_86 = vector.load %arg13[%swap3A_84, %swap3A_85] : memref<1x1024xi32, #tpu.memory_space<vmem>>, vector<1x1024xi32>
      tpu.vector_store %arg13[%swap3A_84, %swap3A_85], %broadcast_in_dim3A_83 {strides = array<i32>} : memref<1x1024xi32, #tpu.memory_space<vmem>>, vector<1x1024xi32>,
    } else {
    }
    %get3A = arith.constant 0 : index
    %get3A_2 = arith.constant 0 : index
    %get3A_3 = vector.load %arg7[%get3A, %get3A_2] : memref<32x8192xf32, #tpu.memory_space<vmem>>, vector<32x8192xf32>
    %mul3A = arith.constant -2.000000e+00 : f32
    %mul3A_4 = vector.broadcast %mul3A : f32 to vector<32x8192xf32>
    %mul3A_5 = arith.mulf %get3A_3, %mul3A_4 : vector<32x8192xf32>
    %swap3A = arith.constant 0 : index
    %swap3A_6 = arith.constant 0 : index
    %swap3A_7 = vector.load %arg10[%swap3A, %swap3A_6] : memref<40x8192xf32, #tpu.memory_space<vmem>>, vector<32x8192xf32>
    tpu.vector_store %arg10[%swap3A, %swap3A_6], %mul3A_5 {strides = array<i32>} : memref<40x8192xf32, #tpu.memory_space<vmem>>, vector<32x8192xf32>,
    %mul3A_8 = arith.mulf %get3A_3, %get3A_3 : vector<32x8192xf32>
    %reduce_sum3A = arith.constant dense<0.000000e+00> : vector<8192xf32>
    %reduce_sum3A_9 = vector.multi_reduction <add>, %mul3A_8, %reduce_sum3A [0] : vector<32x8192xf32> to vector<8192xf32>
    %broadcast_in_dim3A = vector.shape_cast %reduce_sum3A_9 : vector<8192xf32> to vector<1x8192xf32>
    %broadcast_in_dim3A_10 = vector.shape_cast %broadcast_in_dim3A : vector<1x8192xf32> to vector<1x8192xf32>
    %broadcast_in_dim3A_11 = vector.broadcast %broadcast_in_dim3A_10 : vector<1x8192xf32> to vector<8x8192xf32>
    %swap3A_12 = arith.constant 32 : index
    %swap3A_13 = arith.constant 0 : index
    %swap3A_14 = vector.load %arg10[%swap3A_12, %swap3A_13] : memref<40x8192xf32, #tpu.memory_space<vmem>>, vector<8x8192xf32>
    tpu.vector_store %arg10[%swap3A_12, %swap3A_13], %broadcast_in_dim3A_11 {strides = array<i32>} : memref<40x8192xf32, #tpu.memory_space<vmem>>, vector<8x8192xf32>,
    %get3A_15 = arith.constant 0 : index
    %get3A_16 = arith.constant 0 : index
    %get3A_17 = vector.load %arg10[%get3A_15, %get3A_16] : memref<40x8192xf32, #tpu.memory_space<vmem>>, vector<40x8192xf32>
    %get3A_18 = arith.constant 0 : index
    %get3A_19 = arith.constant 0 : index
    %get3A_20 = vector.load %arg9[%get3A_18, %get3A_19] : memref<40x1024xf32, #tpu.memory_space<vmem>>, vector<40x1024xf32>
    %dot_general3A = arith.constant dense<0.000000e+00> : vector<8192x1024xf32>
    %dot_general3A_21 = tpu.matmul %get3A_17, %get3A_20, %dot_general3A {dimension_numbers = #tpu.dot_dimension_numbers<[0], [0], [1], [1], [0, 1, 1, 1], [], []>, transpose_lhs_hint = false} : vector<40x8192xf32>, vector<40x1024xf32>, vector<8192x1024xf32> -> vector<8192x1024xf32>
    %lt3A = arith.constant 12 : i32
    %lt3A_22 = arith.cmpi slt, %arg0, %lt3A : i32
    %convert_element_type3A_23 = arith.extui %lt3A_22 : i1 to i32
    %cond3A_24 = arith.constant 0 : i32
    %cond3A_25 = arith.cmpi ne, %convert_element_type3A_23, %cond3A_24 : i32
    scf.if %cond3A_25 {
      %reduce_min3A = arith.constant dense<0x7F800000> : vector<1024xf32>
      %reduce_min3A_36 = vector.multi_reduction <minimumf>, %dot_general3A_21, %reduce_min3A [0] : vector<8192x1024xf32> to vector<1024xf32>
      %broadcast_in_dim3A_37 = vector.shape_cast %reduce_min3A_36 : vector<1024xf32> to vector<1x1024xf32>
      %eq3A_38 = vector.broadcast %broadcast_in_dim3A_37 : vector<1x1024xf32> to vector<8192x1024xf32>
      %eq3A_39 = arith.cmpf oeq, %dot_general3A_21, %eq3A_38 : vector<8192x1024xf32>
      %jit3A = arith.constant 1.000000e+00 : f32
      %jit3A_40 = arith.constant 0.000000e+00 : f32
      %broadcast_in_dim3A_41 = vector.broadcast %jit3A : f32 to vector<8192x1024xf32>
      %broadcast_in_dim3A_42 = vector.broadcast %jit3A_40 : f32 to vector<8192x1024xf32>
      %select_n3A = arith.select %eq3A_39, %broadcast_in_dim3A_41, %broadcast_in_dim3A_42 : vector<8192x1024xi1>, vector<8192x1024xf32>
      %get3A_43 = arith.constant 0 : index
      %get3A_44 = arith.constant 0 : index
      %get3A_45 = vector.load %arg11[%get3A_43, %get3A_44] : memref<1x8192xf32, #tpu.memory_space<vmem>>, vector<1x8192xf32>
      %dot_general3A_46 = arith.constant dense<0.000000e+00> : vector<1x1024xf32>
      %dot_general3A_47 = tpu.matmul %get3A_45, %select_n3A, %dot_general3A_46 {dimension_numbers = #tpu.dot_dimension_numbers<[1], [0], [0], [1], [0, 0, 1, 1], [], []>, transpose_lhs_hint = false} : vector<1x8192xf32>, vector<8192x1024xf32>, vector<1x1024xf32> -> vector<1x1024xf32>
      %get3A_48 = arith.constant 0 : index
      %get3A_49 = arith.constant 0 : index
      %get3A_50 = vector.load %arg12[%get3A_48, %get3A_49] : memref<1x1024xf32, #tpu.memory_space<vmem>>, vector<1x1024xf32>
      %lt3A_51 = arith.cmpf olt, %broadcast_in_dim3A_37, %get3A_50 : vector<1x1024xf32>
      %get3A_52 = arith.constant 0 : index
      %get3A_53 = arith.constant 0 : index
      %get3A_54 = vector.load %arg12[%get3A_52, %get3A_53] : memref<1x1024xf32, #tpu.memory_space<vmem>>, vector<1x1024xf32>
      %select_n3A_55 = arith.select %lt3A_51, %broadcast_in_dim3A_37, %get3A_54 : vector<1x1024xi1>, vector<1x1024xf32>
      %swap3A_56 = arith.constant 0 : index
      %swap3A_57 = arith.constant 0 : index
      %swap3A_58 = vector.load %arg12[%swap3A_56, %swap3A_57] : memref<1x1024xf32, #tpu.memory_space<vmem>>, vector<1x1024xf32>
      tpu.vector_store %arg12[%swap3A_56, %swap3A_57], %select_n3A_55 {strides = array<i32>} : memref<1x1024xf32, #tpu.memory_space<vmem>>, vector<1x1024xf32>,
      %convert_element_type3A_59 = arith.fptosi %dot_general3A_47 : vector<1x1024xf32> to vector<1x1024xi32>
      %mul3A_60 = arith.constant 8192 : i32
      %mul3A_61 = arith.muli %arg0, %mul3A_60 : i32
      %add3A = vector.broadcast %mul3A_61 : i32 to vector<1x1024xi32>
      %add3A_62 = arith.addi %convert_element_type3A_59, %add3A : vector<1x1024xi32>
      %get3A_63 = arith.constant 0 : index
      %get3A_64 = arith.constant 0 : index
      %get3A_65 = vector.load %arg13[%get3A_63, %get3A_64] : memref<1x1024xi32, #tpu.memory_space<vmem>>, vector<1x1024xi32>
      %select_n3A_66 = arith.select %lt3A_51, %add3A_62, %get3A_65 : vector<1x1024xi1>, vector<1x1024xi32>
      %swap3A_67 = arith.constant 0 : index
      %swap3A_68 = arith.constant 0 : index
      %swap3A_69 = vector.load %arg13[%swap3A_67, %swap3A_68] : memref<1x1024xi32, #tpu.memory_space<vmem>>, vector<1x1024xi32>
      tpu.vector_store %arg13[%swap3A_67, %swap3A_68], %select_n3A_66 {strides = array<i32>} : memref<1x1024xi32, #tpu.memory_space<vmem>>, vector<1x1024xi32>,
    } else {
    }
    %eq3A_26 = arith.constant 12 : i32
    %eq3A_27 = arith.cmpi eq, %arg0, %eq3A_26 : i32
    %convert_element_type3A_28 = arith.extui %eq3A_27 : i1 to i32
    %cond3A_29 = arith.constant 0 : i32
    %cond3A_30 = arith.cmpi ne, %convert_element_type3A_28, %cond3A_29 : i32
    scf.if %cond3A_30 {
      %slice3A = vector.extract_strided_slice %dot_general3A_21 {offsets = [0, 0], sizes = [1696, 1024], strides = [1, 1]} : vector<8192x1024xf32> to vector<1696x1024xf32>
      %reduce_min3A = arith.constant dense<0x7F800000> : vector<1024xf32>
      %reduce_min3A_36 = vector.multi_reduction <minimumf>, %slice3A, %reduce_min3A [0] : vector<1696x1024xf32> to vector<1024xf32>
      %broadcast_in_dim3A_37 = vector.shape_cast %reduce_min3A_36 : vector<1024xf32> to vector<1x1024xf32>
      %eq3A_38 = vector.broadcast %broadcast_in_dim3A_37 : vector<1x1024xf32> to vector<8192x1024xf32>
      %eq3A_39 = arith.cmpf oeq, %dot_general3A_21, %eq3A_38 : vector<8192x1024xf32>
      %jit3A = arith.constant 1.000000e+00 : f32
      %jit3A_40 = arith.constant 0.000000e+00 : f32
      %broadcast_in_dim3A_41 = vector.broadcast %jit3A : f32 to vector<8192x1024xf32>
      %broadcast_in_dim3A_42 = vector.broadcast %jit3A_40 : f32 to vector<8192x1024xf32>
      %select_n3A = arith.select %eq3A_39, %broadcast_in_dim3A_41, %broadcast_in_dim3A_42 : vector<8192x1024xi1>, vector<8192x1024xf32>
      %get3A_43 = arith.constant 0 : index
      %get3A_44 = arith.constant 0 : index
      %get3A_45 = vector.load %arg11[%get3A_43, %get3A_44] : memref<1x8192xf32, #tpu.memory_space<vmem>>, vector<1x8192xf32>
      %dot_general3A_46 = arith.constant dense<0.000000e+00> : vector<1x1024xf32>
      %dot_general3A_47 = tpu.matmul %get3A_45, %select_n3A, %dot_general3A_46 {dimension_numbers = #tpu.dot_dimension_numbers<[1], [0], [0], [1], [0, 0, 1, 1], [], []>, transpose_lhs_hint = false} : vector<1x8192xf32>, vector<8192x1024xf32>, vector<1x1024xf32> -> vector<1x1024xf32>
      %get3A_48 = arith.constant 0 : index
      %get3A_49 = arith.constant 0 : index
      %get3A_50 = vector.load %arg12[%get3A_48, %get3A_49] : memref<1x1024xf32, #tpu.memory_space<vmem>>, vector<1x1024xf32>
      %lt3A_51 = arith.cmpf olt, %broadcast_in_dim3A_37, %get3A_50 : vector<1x1024xf32>
      %get3A_52 = arith.constant 0 : index
      %get3A_53 = arith.constant 0 : index
      %get3A_54 = vector.load %arg12[%get3A_52, %get3A_53] : memref<1x1024xf32, #tpu.memory_space<vmem>>, vector<1x1024xf32>
      %select_n3A_55 = arith.select %lt3A_51, %broadcast_in_dim3A_37, %get3A_54 : vector<1x1024xi1>, vector<1x1024xf32>
      %swap3A_56 = arith.constant 0 : index
      %swap3A_57 = arith.constant 0 : index
      %swap3A_58 = vector.load %arg12[%swap3A_56, %swap3A_57] : memref<1x1024xf32, #tpu.memory_space<vmem>>, vector<1x1024xf32>
      tpu.vector_store %arg12[%swap3A_56, %swap3A_57], %select_n3A_55 {strides = array<i32>} : memref<1x1024xf32, #tpu.memory_space<vmem>>, vector<1x1024xf32>,
      %convert_element_type3A_59 = arith.fptosi %dot_general3A_47 : vector<1x1024xf32> to vector<1x1024xi32>
      %mul3A_60 = arith.constant 8192 : i32
      %mul3A_61 = arith.muli %arg0, %mul3A_60 : i32
      %add3A = vector.broadcast %mul3A_61 : i32 to vector<1x1024xi32>
      %add3A_62 = arith.addi %convert_element_type3A_59, %add3A : vector<1x1024xi32>
      %get3A_63 = arith.constant 0 : index
      %get3A_64 = arith.constant 0 : index
      %get3A_65 = vector.load %arg13[%get3A_63, %get3A_64] : memref<1x1024xi32, #tpu.memory_space<vmem>>, vector<1x1024xi32>
      %select_n3A_66 = arith.select %lt3A_51, %add3A_62, %get3A_65 : vector<1x1024xi1>, vector<1x1024xi32>
      %swap3A_67 = arith.constant 0 : index
      %swap3A_68 = arith.constant 0 : index
      %swap3A_69 = vector.load %arg13[%swap3A_67, %swap3A_68] : memref<1x1024xi32, #tpu.memory_space<vmem>>, vector<1x1024xi32>
      tpu.vector_store %arg13[%swap3A_67, %swap3A_68], %select_n3A_66 {strides = array<i32>} : memref<1x1024xi32, #tpu.memory_space<vmem>>, vector<1x1024xi32>,
    } else {
    }
    %eq3A_31 = arith.constant 12 : i32
    %eq3A_32 = arith.cmpi eq, %arg0, %eq3A_31 : i32
    %convert_element_type3A_33 = arith.extui %eq3A_32 : i1 to i32
    %cond3A_34 = arith.constant 0 : i32
    %cond3A_35 = arith.cmpi ne, %convert_element_type3A_33, %cond3A_34 : i32
    scf.if %cond3A_35 {
      %get3A_36 = arith.constant 0 : index
      %get3A_37 = arith.constant 0 : index
      %get3A_38 = vector.load %arg13[%get3A_36, %get3A_37] : memref<1x1024xi32, #tpu.memory_space<vmem>>, vector<1x1024xi32>
      %get3A_39 = arith.constant 0 : index
      %get3A_40 = arith.constant 0 : index
      %get3A_41 = vector.load %arg6[%get3A_39, %get3A_40] : memref<1x1024xi32, #tpu.memory_space<vmem>>, vector<1x1024xi32>
      %ne3A = arith.cmpi ne, %get3A_38, %get3A_41 : vector<1x1024xi32>
      %convert_element_type3A_42 = arith.extui %ne3A : vector<1x1024xi1> to vector<1x1024xi32>
      %convert_element_type3A_43 = arith.sitofp %convert_element_type3A_42 : vector<1x1024xi32> to vector<1x1024xf32>
      %reduce_sum3A_44 = vector.shape_cast %convert_element_type3A_43 : vector<1x1024xf32> to vector<1x1x1024xf32>
      %reduce_sum3A_45 = arith.constant dense<0.000000e+00> : vector<1xf32>
      %reduce_sum3A_46 = vector.multi_reduction <add>, %reduce_sum3A_44, %reduce_sum3A_45 [1, 2] : vector<1x1x1024xf32> to vector<1xf32>
      %reduce_sum3A_47 = vector.shape_cast %reduce_sum3A_46 : vector<1xf32> to vector<1x1x1xf32>
      %reduce_sum3A_48 = vector.extract %reduce_sum3A_47[0, 0, 0] : f32 from vector<1x1x1xf32>
      %div3A = arith.constant 1.024000e+03 : f32
      %div3A_49 = arith.divf %reduce_sum3A_48, %div3A : f32
      %swap3A_50 = arith.constant 0 : index
      %swap3A_51 = arith.constant 0 : index
      %swap3A_52 = memref.load %arg8[%swap3A_50, %swap3A_51] : memref<1x1xf32, #tpu.memory_space<smem>>
      memref.store %div3A_49, %arg8[%swap3A_50, %swap3A_51] : memref<1x1xf32, #tpu.memory_space<smem>>
    } else {
    }
    return
  }
  func.func @transform_0(%arg0: i32) -> (i32, i32) {
    %c0_i32 = arith.constant 0 : i32
    %c0_i32_0 = arith.constant 0 : i32
    %c0_i32_1 = arith.constant 0 : i32
    return %c0_i32, %c0_i32_0 : i32, i32
  }
  func.func @transform_1(%arg0: i32) -> (i32, i32) {
    %c0_i32 = arith.constant 0 : i32
    %c0_i32_0 = arith.constant 0 : i32
    %c0_i32_1 = arith.constant 0 : i32
    return %c0_i32, %c0_i32_0 : i32, i32
  }
  func.func @transform_2(%arg0: i32) -> (i32, i32) {
    %c0_i32 = arith.constant 0 : i32
    %c0_i32_0 = arith.constant 0 : i32
    %c0_i32_1 = arith.constant 0 : i32
    return %c0_i32, %c0_i32_0 : i32, i32
  }
  func.func @transform_3(%arg0: i32) -> (i32, i32) {
    %c0_i32 = arith.constant 0 : i32
    %c0_i32_0 = arith.constant 0 : i32
    %c0_i32_1 = arith.constant 0 : i32
    return %c0_i32, %c0_i32_0 : i32, i32
  }
  func.func @transform_4(%arg0: i32) -> (i32, i32) {
    %c0_i32 = arith.constant 0 : i32
    %c0_i32_0 = arith.constant 0 : i32
    %c0_i32_1 = arith.constant 0 : i32
    return %c0_i32, %c0_i32_0 : i32, i32
  }
  func.func @transform_5(%arg0: i32) -> (i32, i32) {
    %c0_i32 = arith.constant 0 : i32
    %c0_i32_0 = arith.constant 0 : i32
    %c0_i32_1 = arith.constant 0 : i32
    return %c0_i32, %c0_i32_0 : i32, i32
  }
  func.func @transform_6(%arg0: i32) -> (i32, i32) {
    %c0_i32 = arith.constant 0 : i32
    %c0_i32_0 = arith.constant 0 : i32
    return %c0_i32, %arg0 : i32, i32
  }
  func.func @transform_7(%arg0: i32) -> (i32, i32) {
    %c0_i32 = arith.constant 0 : i32
    %c0_i32_0 = arith.constant 0 : i32
    %c0_i32_1 = arith.constant 0 : i32
    return %c0_i32, %c0_i32_0 : i32, i32
  }
}

</mosaic_0001>

<sc_bundles>
// kernel: kernel.4.cloned.1.call-start
scs
__scs_entry_jumppad:
0x0: {  	(pc) =	sbr.rel $0x88, $3  }
0x1: {  	(tag) =	ssettag $0x0;
	lr =	simm.s32 $0x1  }
0x2: {  	[smem:$0x3F9A] =	sst lr;
	_ =	strace $0xD0000000  }
0x3: {  	_ = 	snop  }
0x4: {  	_ = 	snop  }
0x5: {  	_ = 	snop  }
0x6: {  	_ = 	snop  }
0x7: {  	_ = 	snop  }
__scs_overlays_trampoline_lowered:
0x8: {  	[smem:$0x3FA9] =	sst s0  }
0x9: {  	[smem:$0x3FAA] =	sst s1  }
0xa: {  	[smem:$0x3FAB] =	sst s2  }
0xb: {  	[smem:$0x3FAC] =	sst s3  }
0xc: {  	[smem:$0x3FAD] =	sst s4  }
0xd: {  	[smem:$0x3FAE] =	sst s5  }
0xe: {  	[smem:$0x3FAF] =	sst s6  }
0xf: {  	[smem:$0x3FB0] =	sst s7  }
0x10: {  	[smem:$0x3FB1] =	sst s8  }
0x11: {  	[smem:$0x3FB2] =	sst s9;
	s0 =	simm.s32 @!p0 $0x0  }
0x12: {  	s1 =	sld [smem:$0x3F98];
	s0 =	simm.s32 @p0 $0x1  }
0x13: {  	[smem:$0x3FB3] =	sst s0;
	s0 =	simm.s32 @!p1 $0x0  }
0x14: {  	s2 =	sld [smem:$0x3F97];
	s0 =	simm.s32 @p1 $0x1  }
0x15: {  	[smem:$0x3FB4] =	sst s0;
	s0 =	simm.s32 @!p2 $0x0  }
0x16: {  	s3 =	sld [smem:$0x3FDB];
	s0 =	simm.s32 @p2 $0x1  }
0x17: {  	s4 =	simm.s32 $0x1BF5;
	[smem:$0x3FB6] =	sst s0  }
0x18: {  	s0 =	sld [smem:$0x3F99];
	_ =	swait.ge [sflag:s4], $0x0  }
0x19: {  	s7 =	sld [smem:$0x3F9A]  }
0x1a: {  	s8 =	sadd.s32 $0xFFFFE003, lr  }
0x1b: {  	s9 =	sadd.s32 $0xFFFFFEF7, lr;
	s5 =	simm.s32 $0xFFFFFFFF;
	p2 =	slt.u32 s8, $0xFFFFF086  }
0x1c: {  	p1 =	slt.u32 s9, $0xF7A;
	s5 =	simm.s32 @!p2 $0x0  }
0x1d: {  	s5 =	simm.s32 @p1 $0x1;
	p0 =	seq.s32 s7, s2  }
0x1e: {  	s7 =	smul.u32 @!p0 $0xF7A, s2;
	p2 =	seq.s32 @!p0 s5, $0x0  }
0x1f: {  	s9 =	smul.u32 $0xF7A, s1;
	s8 =	simm.s32 @!p0 $0x1BF5;
	p2 =	por !p2, p0  }
0x20: {  	[sflag:s8] =	ssyncset.s32 @!p0 $0xFFFFF086;
	s6 =	sadd.s32 @!p0 s3, s7;
	s7 =	simm.s32 @!p0 $0x108  }
0x21: {  	s3 =	sadd.s32 s3, s9;
	s6 =	sadd.s32 @!p0 $0x88, s6;
	s7 =	simm.s32 @p2 $0x1082  }
0x22: {  	[simem:s7], [sflag:s8] =	dma.local @!p0 [hbm:s6], $0xF7A  }
0x23: {  	s9 =	sor.u32 $0xD0000000, s2;
	s6 =	simm.s32 $0x108;
	_ =	swait.ge @!p0 [sflag:s8], $0x0  }
0x24: {  	s3 =	sadd.s32 $0x88, s3;
	s6 =	simm.s32 @!p1 $0x1082;
	[sflag:s4] =	ssyncset.s32 $0xFFFFF086  }
0x25: {  	[simem:s6], [sflag:s4] =	dma.local [hbm:s3], $0xF7A  }
0x26: {  	[smem:$0x3F9A] =	sst s1;
	(tag) =	ssettag s2;
	_ =	strace s9  }
0x27: {  	s1 =	sld [smem:$0x3FAA]  }
0x28: {  	s2 =	sld [smem:$0x3FAB]  }
0x29: {  	s4 =	sld [smem:$0x3FAD]  }
0x2a: {  	p0 =	seq.s32 s5, $0x0;
	s5 =	sld [smem:$0x3FAE]  }
0x2b: {  	s6 =	sld [smem:$0x3FAF]  }
0x2c: {  	s7 =	sld [smem:$0x3FB0]  }
0x2d: {  	s3 =	simm.s32 $0x108;
	s8 =	sld [smem:$0x3FB1]  }
0x2e: {  	s3 =	simm.s32 @!p0 $0x1082;
	s9 =	sld [smem:$0x3FB2]  }
0x2f: {  	lr =	sadd.s32 s0, s3;
	s0 =	sld [smem:$0x3FA9]  }
0x30: {  	s3 =	sld [smem:$0x3FAC]  }
0x31: {  	[smem:$0x3FB5] =	sst s10  }
0x32: {  	s10 =	sld [smem:$0x3FB3];
	_ =	sdelay $0x3  }
0x33: {  	p0 =	seq.s32 s10, $0x1;
	s10 =	sld [smem:$0x3FB5];
	_ =	sdelay $0x3  }
0x34: {  	[smem:$0x3FB5] =	sst s10  }
0x35: {  	s10 =	sld [smem:$0x3FB4];
	_ =	sdelay $0x3  }
0x36: {  	p1 =	seq.s32 s10, $0x1;
	s10 =	sld [smem:$0x3FB5];
	_ =	sdelay $0x3  }
0x37: {  	[smem:$0x3FB5] =	sst s10  }
0x38: {  	s10 =	sld [smem:$0x3FB6]  }
0x39: {  	_ = 	snop;
	(pc) =	sbr.ind lr, $3  }
0x3a: {  	_ = 	snop  }
0x3b: {  	_ = 	snop  }
0x3c: {  	p2 =	seq.s32 s10, $0x1;
	s10 =	sld [smem:$0x3FB5]  }
0x3d: {  	_ =	shalt  }
0x3e: {  	_ =	shalt  }
0x3f: {  	_ =	shalt  }
0x40: {  	_ =	shalt  }
0x41: {  	_ =	shalt  }
0x42: {  	_ =	shalt  }
0x43: {  	_ =	shalt  }
0x44: {  	_ =	shalt  }
0x45: {  	_ =	shalt  }
0x46: {  	_ =	shalt  }
0x47: {  	_ =	shalt  }
0x48: {  	_ =	shalt  }
0x49: {  	_ =	shalt  }
0x4a: {  	_ =	shalt  }
0x4b: {  	_ =	shalt  }
0x4c: {  	_ =	shalt  }
0x4d: {  	_ =	shalt  }
0x4e: {  	_ =	shalt  }
0x4f: {  	_ =	shalt  }
0x50: {  	_ =	shalt  }
0x51: {  	_ =	shalt  }
0x52: {  	_ =	shalt  }
0x53: {  	_ =	shalt  }
0x54: {  	_ =	shalt  }
0x55: {  	_ =	shalt  }
0x56: {  	_ =	shalt  }
0x57: {  	_ =	shalt  }
0x58: {  	_ =	shalt  }
0x59: {  	_ =	shalt  }
0x5a: {  	_ =	shalt  }
0x5b: {  	_ =	shalt  }
0x5c: {  	_ =	shalt  }
0x5d: {  	_ =	shalt  }
0x5e: {  	_ =	shalt  }
0x5f: {  	_ =	shalt  }
0x60: {  	_ =	shalt  }
0x61: {  	_ =	shalt  }
0x62: {  	_ =	shalt  }
0x63: {  	_ =	shalt  }
0x64: {  	_ =	shalt  }
0x65: {  	_ =	shalt  }
0x66: {  	_ =	shalt  }
0x67: {  	_ =	shalt  }
0x68: {  	_ =	shalt  }
0x69: {  	_ =	shalt  }
0x6a: {  	_ =	shalt  }
0x6b: {  	_ =	shalt  }
0x6c: {  	_ =	shalt  }
0x6d: {  	_ =	shalt  }
0x6e: {  	_ =	shalt  }
0x6f: {  	_ =	shalt  }
0x70: {  	_ =	shalt  }
0x71: {  	_ =	shalt  }
0x72: {  	_ =	shalt  }
0x73: {  	_ =	shalt  }
0x74: {  	_ =	shalt  }
0x75: {  	_ =	shalt  }
0x76: {  	_ =	shalt  }
0x77: {  	_ =	shalt  }
0x78: {  	_ =	shalt  }
0x79: {  	_ =	shalt  }
0x7a: {  	_ =	shalt  }
0x7b: {  	_ =	shalt  }
0x7c: {  	_ =	shalt  }
0x7d: {  	_ =	shalt  }
0x7e: {  	_ =	shalt  }
0x7f: {  	_ =	shalt  }
0x80: {  	_ =	shalt  }
0x81: {  	_ =	shalt  }
0x82: {  	_ =	shalt  }
0x83: {  	_ =	shalt  }
0x84: {  	_ =	shalt  }
0x85: {  	_ =	shalt  }
0x86: {  	_ =	shalt  }
0x87: {  	_ =	shalt  }
.Lfunc_end0:
.L_simem_size_0:
called_computation_lowered:
.L_overlay_start_0:
0x88: {  	s2 =	sld [smem:$0x3FD9]  }
0x89: {  	s3 =	sld [smem:$0x3FFE];
	_ =	sdelay $0x1  }
0x8a: {  	s1 =	srdreg.scid  }
0x8b: {  	s0 =	sand.u32 $0x1, s1  }
0x8c: {  	s17 =	sshll.u32 s0, $0xA;
	s2 =	sadd.s32 s3, s2  }
0x8d: {  	s2 =	sadd.s32 s2, s17  }
0x8e: {  	[smem:$0x3FC1] =	sst s2  }
0x8f: {  	_ = 	snop  }
0x90: {  	s2 =	sld [smem:$0x3FC9]  }
0x91: {  	s18 =	sld [smem:$0x3FC3];
	(tm) =	ssettm $0x1  }
0x92: {  	s4 =	sld [smem:$0x3FFB];
	_ =	sdelay $0x3  }
0x93: {  	_ =	strace s4  }
0x94: {  	s4 =	sld [smem:$0x3FFC];
	_ =	sdelay $0x3  }
0x95: {  	_ =	strace s4  }
0x96: {  	s4 =	sld [smem:$0x3FFD];
	_ =	sdelay $0x3  }
0x97: {  	_ =	strace s4  }
0x98: {  	_ =	strace $0x8FFFFFFF  }
0x99: {  	s19 =	sld [smem:$0x3FDB];
	_ =	sdelay $0x1  }
0x9a: {  	s5 =	simm.s32 $_scs_section_size  }
0x9b: {  	s6 =	simm.s32 $_size__tile_overlayer_lowered;
	s7 =	simm.s32 $_tile_overlayer_lowered  }
0x9c: {  	s22 =	simm.s32 $0x1BFF;
	s21 =	sshll.u32 s7, $0x1;
	s4 =	sadd.s32 s5, s19  }
0x9d: {  	s8 =	simm.s32 $0x0;
	s20 =	sshll.u32 s6, $0x1;
	s6 =	sadd.s32 s21, s4  }
0x9e: {  	[timem:s8], [sflag:s22] =	dma.local [hbm:s6], s20  }
0x9f: {  	_ =	swait.ge [sflag:s22], s20  }
0xa0: {  	s5 =	ssub.s32 $0x0, s20;
	[sflag:s22] =	ssyncset.done $0x0  }
0xa1: {  	[sflag:s22] =	ssyncadd.s32 s5;
	_ =	sdelay $0x1  }
0xa2: {  	s23 =	simm.s32 $0x1B8B  }
0xa3: {  	_ =	swait.ge [sflag:s23], $0x1  }
0xa4: {  	[sflag:s23] =	ssyncset.done $0x0  }
0xa5: {  	s25 =	simm.s32 $0x1B8E;
	s24 =	sld [smem:$0x3FFE];
	[sflag:s23] =	ssyncadd.s32 $0xFFFFFFFF  }
0xa6: {  	s26 =	simm.s32 $execute0_lowered;
	[smem:$0x3FD2] =	sst s25  }
0xa7: {  	s6 =	sshll.u32 s26, $0x1;
	_ =	strace $0x80000046;
	[dreg:$0x1] =	wrdreg $0xFFFFFFFF  }
0xa8: {  	s28 =	simm.s32 $_size_execute0_lowered;
	s4 =	sadd.s32 s4, s6;
	[dreg:$0x0] =	wrdreg $0x0  }
0xa9: {  	s6 =	sshll.u32 s28, $0x1;
	[dreg:$0x2] =	wrdreg s4  }
0xaa: {  	[dreg:$0x3] =	wrdreg s6  }
0xab: {  	[dreg:$0x4] =	wrdreg $0xC0  }
0xac: {  	_ =	task [dreg:s8], $0x5FFFF  }
0xad: {  	[dreg:$0x1] =	wrdreg $0xFFFFFFFF  }
0xae: {  	[dreg:$0x0] =	wrdreg $0x60  }
0xaf: {  	[dreg:$0x2] =	wrdreg s18  }
0xb0: {  	[dreg:$0x3] =	wrdreg s2  }
0xb1: {  	[dreg:$0x4] =	wrdreg s24  }
0xb2: {  	[dreg:$0x5] =	wrdreg $0x9  }
0xb3: {  	_ =	task.clear_ibuf [dreg:s8], $0x6FFFF;
	_ =	strace $0x90000046  }
0xb4: {  	s29 =	simm.s32 $0x9;
	_ =	strace $0x80000048  }
0xb5: {  	_ =	swait.ge [sflag:s29], $0x1  }
0xb6: {  	[sflag:s29] =	ssyncadd.s32 $0xFFFFFFFF  }
0xb7: {  	_ =	strace $0x90000048  }
0xb8: {  	_ =	sfence  }
0xb9: {  	s30 =	sld [smem:$0x0];
	_ =	sdelay $0x2  }
0xba: {  	s31 =	sshll.u32 s1, $0xD;
	s1 =	sshrl.u32 s1, $0x2  }
0xbb: {  	s3 =	sand.u32 $0x4000, s31;
	s1 =	sadd.s32 s1, s30  }
0xbc: {  	s0 =	sor.u32 s3, s0;
	s1 =	sshll.u32 s1, $0x11  }
0xbd: {  	s0 =	sor.u32 s1, s0  }
0xbe: {  	s0 =	sadd.s32 $0x8F2B, s0  }
0xbf: {  	[sflag:s0] =	ssyncadd.remote.s32 $0x1  }
0xc0: {  	_ =	sfence.sel $0xFFFF  }
0xc1: {  	[dreg:$0x0] =	wrdreg $0xFFFFFFFF;
	(pc) =	sbr.abs _section_cstart, $3  }
0xc2: {  	[dreg:$0x1] =	wrdreg $0xFFFFFFFF  }
0xc3: {  	_ =	task.clear_ibuf [dreg:s8], $0x2FFFF;
	_ =	strace $0x9FFFFFFF  }
0xc4: {  	(tm) =	ssettm $0x7FFFFFFF  }
0xc5: {  	_ =	shalt  }
tec
execute0_lowered:
.L_overlay_start_1:
0x0: {  	(tag) =	ssettag $0x1  }
0x1: {  	s4 =	rddreg [dreg:$0x0]  }
0x2: {  	s2 =	rddreg [dreg:$0x1]  }
0x3: {  	s5 =	rddreg [dreg:$0x2]  }
0x4: {  	s3 =	srdreg.scid;
	s0 =	rddreg [dreg:$0x3]  }
0x5: {  	s1 =	stileid.u32;
	s9 =	simm.s32 $0x80;
	s10 =	simm.s32 $0x1080  }
0x6: {  	s11 =	simm.s32 $0x2080;
	s12 =	simm.s32 $0x3080;
	s13 =	simm.s32 $0x4080  }
0x7: {  	s14 =	simm.s32 $0x5080;
	s17 =	simm.s32 $0x8080;
	s15 =	simm.s32 $0x6080  }
0x8: {  	s16 =	simm.s32 $0x7080;
	s6 =	sand.u32 $0x1, s3;
	s3 =	simm.s32 $0x0  }
0x9: {  	vm0 =	vmmov $0x1;
	s7 =	sshll.u32 s1, $0x6;
	s8 =	sshll.u32 s6, $0x5;
	[smem:$0x7FF] =	sst s3  }
0xa: {  	vm1 =	vcmask $0x308;
	vm2 =	vcmask $0x70C;
	v0 =	vlaneseq.u32;
	s6 =	ssub.s32 $0x2, s6;
	s7 =	sor.u32 s8, s7;
	_ =	strace $0x80000047  }
0xb: {  	vm3 =	vcmask $0xB10;
	vm4 =	vcmask $0xF14;
	vm5 =	vcmask $0x1318;
	s29 =	sshrl.u32 s6, $0x1;
	[dreg:$0x6] =	wrdreg s17;
	s8 =	sshll.u32 s7, $0x4  }
0xc: {  	vm6 =	vcmask $0x171C;
	vm7 =	vcmask $0x1B20;
	vm8 =	vcmask $0x1F24;
	s7 =	sshrl.u32 s7, $0x3;
	s31 =	ssub.s32 s6, s29;
	s6 =	simm.s32 $0x1  }
0xd: {  	vm9 =	vcmask $0x2328;
	vm10 =	vcmask $0x272C;
	v0 =	vmul.u32 $0x80, v0;
	s5 =	sadd.s32 s8, s5;
	s4 =	sadd.s32 s4, s7;
	s7 =	simm.s32 $0x400  }
0xe: {  	vm11 =	vcmask $0x2B30;
	vm12 =	vcmask $0x2F34;
	vm13 =	vcmask $0x3338;
	s8 =	simm.s32 $0xC3800;
	[dreg:$0x4] =	wrdreg s4;
	s30 =	sadd.s32 $0x800, s5  }
0xf: {  	vm14 =	vcmask $0x373C;
	vm15 =	vmmov $0x7fff;
	v1 =	vor.u32 $0x800, v0;
	s4 =	smax.u32 s31, $0x1;
	s5 =	simm.s32 $0x2;
	[dreg:$0x5] =	wrdreg s30  }
.LBB2_1:
0x10: {  	s17 =	rddreg [dreg:$0x4]  }
0x11: {  	[tilespmem:s3], [sflag:$0x2] =	stream.linear.gather [hbm4b:s17+s3], $0x20, $0x38;
	[tilespmem:$0x9080] =	vst v63  }
0x12: {  	_ =	swait.ge [sflag:s5], $0x20  }
0x13: {  	[sflag:s5] =	ssyncset.done $0x0  }
0x14: {  	[sflag:s5] =	ssyncadd.s32 $0xFFFFFFE0  }
0x15: {  	v2 =	vld [tilespmem:$0x0];
	_ =	sdelay $0x4  }
0x16: {  	v2 =	vnsel vm0, $0x0, v2  }
0x17: {  	(xrf0) =	vadd.scan.msk.s32 $0xffff, v2;
	_ =	sdelay $0x5  }
0x18: {  	v2, _, _ =	vpop (xrf0)  }
0x19: {  	(v2sf) =	vpush v2, $0xF;
	_ =	sdelay $0xe  }
0x1a: {  	s22 =	spop (v2sf)  }
0x1b: {  	s18 =	sand.u32 $0x7F, s22  }
0x1c: {  	s23 =	sshra.s32 s22, $0x1F;
	p1 =	slt.s32 s22, $0x1;
	p0 =	sne.s32 s18, $0x0  }
0x1d: {  	s18 =	sshrl.u32 s23, $0x19;
	p0 =	por !p1, !p0  }
0x1e: {  	s17 =	sadd.s32 s18, s22;
	s18 =	simm.s32 $0x1;
	p0 =	por !p0, !p0  }
0x1f: {  	s17 =	sshrl.u32 s17, $0x7;
	s18 =	simm.s32 @!p0 $0x0  }
0x20: {  	s17 =	ssub.s32 s17, s18  }
0x21: {  	s17 =	sshll.u32 s17, $0x7  }
0x22: {  	s17 =	sand.u32 $0x1FFFFF80, s17  }
0x23: {  	s17 =	sadd.s32 s2, s17  }
0x24: {  	[tilespmem:s9], [sflag:$0x1] =	stream.strided.gather [hbm4b:s17+s7], $0x1000, s8, s7, $0x38;
	[tilespmem:$0x9080] =	vst v63  }
0x25: {  	v2 =	vld [tilespmem:$0x0];
	_ =	sdelay $0x4  }
0x26: {  	v2 =	vsel vm1, $0x0, v2  }
0x27: {  	(xrf0) =	vadd.scan.msk.s32 $0xffff, v2;
	_ =	sdelay $0x5  }
0x28: {  	v2, _, _ =	vpop (xrf0)  }
0x29: {  	(v2sf) =	vpush v2, $0xF;
	_ =	sdelay $0xe  }
0x2a: {  	s24 =	spop (v2sf)  }
0x2b: {  	s25 =	sand.u32 $0x7F, s24  }
0x2c: {  	s26 =	sshra.s32 s24, $0x1F;
	p6 =	slt.s32 s24, $0x1;
	p5 =	sne.s32 s25, $0x0  }
0x2d: {  	s18 =	sshrl.u32 s26, $0x19;
	p0 =	por !p6, !p5  }
0x2e: {  	s17 =	sadd.s32 s18, s24;
	s18 =	simm.s32 $0x1;
	p0 =	por !p0, !p0  }
0x2f: {  	s17 =	sshrl.u32 s17, $0x7;
	s18 =	simm.s32 @!p0 $0x0  }
0x30: {  	s17 =	ssub.s32 s17, s18  }
0x31: {  	s17 =	sshll.u32 s17, $0x7  }
0x32: {  	s17 =	sand.u32 $0x1FFFFF80, s17  }
0x33: {  	s17 =	sadd.s32 s2, s17  }
0x34: {  	[tilespmem:s10], [sflag:$0x1] =	stream.strided.gather [hbm4b:s17+s7], $0x1000, s8, s7, $0x38;
	[tilespmem:$0x9080] =	vst v63  }
0x35: {  	v2 =	vld [tilespmem:$0x0];
	_ =	sdelay $0x4  }
0x36: {  	v2 =	vsel vm2, $0x0, v2  }
0x37: {  	(xrf0) =	vadd.scan.msk.s32 $0xffff, v2;
	_ =	sdelay $0x5  }
0x38: {  	v2, _, _ =	vpop (xrf0)  }
0x39: {  	(v2sf) =	vpush v2, $0xF;
	_ =	sdelay $0xe  }
0x3a: {  	s28 =	spop (v2sf)  }
0x3b: {  	s29 =	sand.u32 $0x7F, s28  }
0x3c: {  	s30 =	sshra.s32 s28, $0x1F;
	p2 =	slt.s32 s28, $0x1;
	p1 =	sne.s32 s29, $0x0  }
0x3d: {  	s18 =	sshrl.u32 s30, $0x19;
	p0 =	por !p2, !p1  }
0x3e: {  	s17 =	sadd.s32 s18, s28;
	s18 =	simm.s32 $0x1;
	p0 =	por !p0, !p0  }
0x3f: {  	s17 =	sshrl.u32 s17, $0x7;
	s18 =	simm.s32 @!p0 $0x0  }
0x40: {  	s17 =	ssub.s32 s17, s18  }
0x41: {  	s17 =	sshll.u32 s17, $0x7  }
0x42: {  	s17 =	sand.u32 $0x1FFFFF80, s17  }
0x43: {  	s17 =	sadd.s32 s2, s17  }
0x44: {  	[tilespmem:s11], [sflag:$0x1] =	stream.strided.gather [hbm4b:s17+s7], $0x1000, s8, s7, $0x38;
	[tilespmem:$0x9080] =	vst v63  }
0x45: {  	v2 =	vld [tilespmem:$0x0];
	_ =	sdelay $0x4  }
0x46: {  	v2 =	vsel vm3, $0x0, v2  }
0x47: {  	(xrf0) =	vadd.scan.msk.s32 $0xffff, v2;
	_ =	sdelay $0x5  }
0x48: {  	v2, _, _ =	vpop (xrf0)  }
0x49: {  	(v2sf) =	vpush v2, $0xF;
	_ =	sdelay $0xe  }
0x4a: {  	s31 =	spop (v2sf)  }
0x4b: {  	s19 =	sand.u32 $0x7F, s31  }
0x4c: {  	s20 =	sshra.s32 s31, $0x1F;
	p4 =	slt.s32 s31, $0x1;
	p3 =	sne.s32 s19, $0x0  }
0x4d: {  	s18 =	sshrl.u32 s20, $0x19;
	p0 =	por !p4, !p3  }
0x4e: {  	s17 =	sadd.s32 s18, s31;
	s18 =	simm.s32 $0x1;
	p0 =	por !p0, !p0  }
0x4f: {  	s17 =	sshrl.u32 s17, $0x7;
	s18 =	simm.s32 @!p0 $0x0  }
0x50: {  	s17 =	ssub.s32 s17, s18  }
0x51: {  	s17 =	sshll.u32 s17, $0x7  }
0x52: {  	s17 =	sand.u32 $0x1FFFFF80, s17  }
0x53: {  	s17 =	sadd.s32 s2, s17  }
0x54: {  	[tilespmem:s12], [sflag:$0x1] =	stream.strided.gather [hbm4b:s17+s7], $0x1000, s8, s7, $0x38;
	[tilespmem:$0x9080] =	vst v63  }
0x55: {  	v2 =	vld [tilespmem:$0x0];
	_ =	sdelay $0x4  }
0x56: {  	v2 =	vsel vm4, $0x0, v2  }
0x57: {  	(xrf0) =	vadd.scan.msk.s32 $0xffff, v2;
	_ =	sdelay $0x5  }
0x58: {  	v2, _, _ =	vpop (xrf0)  }
0x59: {  	(v2sf) =	vpush v2, $0xF;
	_ =	sdelay $0xe  }
0x5a: {  	s21 =	spop (v2sf)  }
0x5b: {  	s22 =	sand.u32 $0x7F, s21  }
0x5c: {  	s23 =	sshra.s32 s21, $0x1F;
	p6 =	slt.s32 s21, $0x1;
	p5 =	sne.s32 s22, $0x0  }
0x5d: {  	s18 =	sshrl.u32 s23, $0x19;
	p0 =	por !p6, !p5  }
0x5e: {  	s17 =	sadd.s32 s18, s21;
	s18 =	simm.s32 $0x1;
	p0 =	por !p0, !p0  }
0x5f: {  	s17 =	sshrl.u32 s17, $0x7;
	s18 =	simm.s32 @!p0 $0x0  }
0x60: {  	s17 =	ssub.s32 s17, s18  }
0x61: {  	s17 =	sshll.u32 s17, $0x7  }
0x62: {  	s17 =	sand.u32 $0x1FFFFF80, s17  }
0x63: {  	s17 =	sadd.s32 s2, s17  }
0x64: {  	[tilespmem:s13], [sflag:$0x1] =	stream.strided.gather [hbm4b:s17+s7], $0x1000, s8, s7, $0x38;
	[tilespmem:$0x9080] =	vst v63  }
0x65: {  	v2 =	vld [tilespmem:$0x0];
	_ =	sdelay $0x4  }
0x66: {  	v2 =	vsel vm5, $0x0, v2  }
0x67: {  	(xrf0) =	vadd.scan.msk.s32 $0xffff, v2;
	_ =	sdelay $0x5  }
0x68: {  	v2, _, _ =	vpop (xrf0)  }
0x69: {  	(v2sf) =	vpush v2, $0xF;
	_ =	sdelay $0xe  }
0x6a: {  	s24 =	spop (v2sf)  }
0x6b: {  	s25 =	sand.u32 $0x7F, s24  }
0x6c: {  	s26 =	sshra.s32 s24, $0x1F;
	p2 =	slt.s32 s24, $0x1;
	p1 =	sne.s32 s25, $0x0  }
0x6d: {  	s18 =	sshrl.u32 s26, $0x19;
	p0 =	por !p2, !p1  }
0x6e: {  	s17 =	sadd.s32 s18, s24;
	s18 =	simm.s32 $0x1;
	p0 =	por !p0, !p0  }
0x6f: {  	s17 =	sshrl.u32 s17, $0x7;
	s18 =	simm.s32 @!p0 $0x0  }
0x70: {  	s17 =	ssub.s32 s17, s18  }
0x71: {  	s17 =	sshll.u32 s17, $0x7  }
0x72: {  	s17 =	sand.u32 $0x1FFFFF80, s17  }
0x73: {  	s17 =	sadd.s32 s2, s17  }
0x74: {  	[tilespmem:s14], [sflag:$0x1] =	stream.strided.gather [hbm4b:s17+s7], $0x1000, s8, s7, $0x38;
	[tilespmem:$0x9080] =	vst v63  }
0x75: {  	v2 =	vld [tilespmem:$0x0];
	_ =	sdelay $0x4  }
0x76: {  	v2 =	vsel vm6, $0x0, v2  }
0x77: {  	(xrf0) =	vadd.scan.msk.s32 $0xffff, v2;
	_ =	sdelay $0x5  }
0x78: {  	v2, _, _ =	vpop (xrf0)  }
0x79: {  	(v2sf) =	vpush v2, $0xF;
	_ =	sdelay $0xe  }
0x7a: {  	s28 =	spop (v2sf)  }
0x7b: {  	s29 =	sand.u32 $0x7F, s28  }
0x7c: {  	s30 =	sshra.s32 s28, $0x1F;
	p4 =	slt.s32 s28, $0x1;
	p3 =	sne.s32 s29, $0x0  }
0x7d: {  	s18 =	sshrl.u32 s30, $0x19;
	p0 =	por !p4, !p3  }
0x7e: {  	s17 =	sadd.s32 s18, s28;
	s18 =	simm.s32 $0x1;
	p0 =	por !p0, !p0  }
0x7f: {  	s17 =	sshrl.u32 s17, $0x7;
	s18 =	simm.s32 @!p0 $0x0  }
0x80: {  	s17 =	ssub.s32 s17, s18  }
0x81: {  	s17 =	sshll.u32 s17, $0x7  }
0x82: {  	s17 =	sand.u32 $0x1FFFFF80, s17  }
0x83: {  	s17 =	sadd.s32 s2, s17  }
0x84: {  	[tilespmem:s15], [sflag:$0x1] =	stream.strided.gather [hbm4b:s17+s7], $0x1000, s8, s7, $0x38;
	[tilespmem:$0x9080] =	vst v63  }
0x85: {  	v2 =	vld [tilespmem:$0x0];
	_ =	sdelay $0x4  }
0x86: {  	v2 =	vsel vm7, $0x0, v2  }
0x87: {  	(xrf0) =	vadd.scan.msk.s32 $0xffff, v2;
	_ =	sdelay $0x5  }
0x88: {  	v2, _, _ =	vpop (xrf0)  }
0x89: {  	(v2sf) =	vpush v2, $0xF;
	_ =	sdelay $0xe  }
0x8a: {  	s31 =	spop (v2sf)  }
0x8b: {  	s19 =	sand.u32 $0x7F, s31  }
0x8c: {  	s20 =	sshra.s32 s31, $0x1F;
	p6 =	slt.s32 s31, $0x1;
	p5 =	sne.s32 s19, $0x0  }
0x8d: {  	s18 =	sshrl.u32 s20, $0x19;
	p0 =	por !p6, !p5  }
0x8e: {  	s17 =	sadd.s32 s18, s31;
	s18 =	simm.s32 $0x1;
	p0 =	por !p0, !p0  }
0x8f: {  	s17 =	sshrl.u32 s17, $0x7;
	s18 =	simm.s32 @!p0 $0x0  }
0x90: {  	s17 =	ssub.s32 s17, s18  }
0x91: {  	s17 =	sshll.u32 s17, $0x7  }
0x92: {  	s17 =	sand.u32 $0x1FFFFF80, s17  }
0x93: {  	s17 =	sadd.s32 s2, s17  }
0x94: {  	[tilespmem:s16], [sflag:$0x1] =	stream.strided.gather [hbm4b:s17+s7], $0x1000, s8, s7, $0x38;
	[tilespmem:$0x9080] =	vst v63  }
0x95: {  	_ =	swait.ge [sflag:s6], $0x1000  }
0x96: {  	[sflag:s6] =	ssyncset.done $0x0  }
0x97: {  	[sflag:s6] =	ssyncadd.s32 $0xFFFFF000  }
0x98: {  	v2 =	vld [tilespmem:$0x0];
	_ =	sdelay $0x4  }
0x99: {  	v2 =	vnsel vm0, $0x0, v2  }
0x9a: {  	(xrf0) =	vadd.scan.msk.s32 $0xffff, v2;
	_ =	sdelay $0x2  }
0x9b: {  	v2 =	vld [tilespmem:$0x0];
	_ =	sdelay $0x2  }
0x9c: {  	v3, _, _ =	vpop (xrf0)  }
0x9d: {  	(v2sf) =	vpush v3, $0xF  }
0x9e: {  	v2 =	vsel vm8, $0x0, v2  }
0x9f: {  	(xrf0) =	vadd.scan.msk.s32 $0xffff, v2;
	_ =	sdelay $0x5  }
0xa0: {  	v2, _, _ =	vpop (xrf0)  }
0xa1: {  	(v2sf) =	vpush v2, $0xF;
	_ =	sdelay $0x5  }
0xa2: {  	s21 =	spop (v2sf)  }
0xa3: {  	s17 =	sand.u32 $0x7F, s21  }
0xa4: {  	v2 =	vor.u32 s17, v0;
	_ =	sdelay $0x4  }
0xa5: {  	v2 =	vld.idx.msk [tilespmem:v2+s9+$0x0], $0xffff  }
0xa6: {  	v3 =	vor.u32 s17, v1  }
0xa7: {  	s22 =	spop (v2sf)  }
0xa8: {  	s23 =	sand.u32 $0x7F, s22  }
0xa9: {  	s24 =	sshra.s32 s22, $0x1F;
	p2 =	slt.s32 s22, $0x1;
	p1 =	sne.s32 s23, $0x0  }
0xaa: {  	s18 =	sshrl.u32 s24, $0x19;
	p0 =	por !p2, !p1;
	[tilespmem:$0x8080] =	vst v2  }
0xab: {  	s17 =	sadd.s32 s18, s22;
	s18 =	simm.s32 $0x1;
	p0 =	por !p0, !p0;
	v2 =	vld.idx.msk [tilespmem:v3+s9+$0x0], $0xffff  }
0xac: {  	s17 =	sshrl.u32 s17, $0x7;
	s18 =	simm.s32 @!p0 $0x0  }
0xad: {  	s17 =	ssub.s32 s17, s18  }
0xae: {  	s17 =	sshll.u32 s17, $0x7  }
0xaf: {  	s17 =	sand.u32 $0x1FFFFF80, s17  }
0xb0: {  	s17 =	sadd.s32 s2, s17;
	[tilespmem:$0x8090] =	vst v2  }
0xb1: {  	[tilespmem:s9], [sflag:$0x1] =	stream.strided.gather [hbm4b:s17+s7], $0x1000, s8, s7, $0x38;
	[tilespmem:$0x9080] =	vst v63  }
0xb2: {  	_ =	swait.ge [sflag:s6], $0x1000  }
0xb3: {  	[sflag:s6] =	ssyncset.done $0x0  }
0xb4: {  	[sflag:s6] =	ssyncadd.s32 $0xFFFFF000  }
0xb5: {  	v2 =	vld [tilespmem:$0x0];
	_ =	sdelay $0x4  }
0xb6: {  	v2 =	vsel vm1, $0x0, v2  }
0xb7: {  	(xrf0) =	vadd.scan.msk.s32 $0xffff, v2;
	_ =	sdelay $0x2  }
0xb8: {  	v2 =	vld [tilespmem:$0x0];
	_ =	sdelay $0x2  }
0xb9: {  	v3, _, _ =	vpop (xrf0)  }
0xba: {  	(v2sf) =	vpush v3, $0xF  }
0xbb: {  	v2 =	vsel vm9, $0x0, v2  }
0xbc: {  	(xrf0) =	vadd.scan.msk.s32 $0xffff, v2;
	_ =	sdelay $0x5  }
0xbd: {  	v2, _, _ =	vpop (xrf0)  }
0xbe: {  	(v2sf) =	vpush v2, $0xF;
	_ =	sdelay $0x5  }
0xbf: {  	s25 =	spop (v2sf)  }
0xc0: {  	s17 =	sand.u32 $0x7F, s25  }
0xc1: {  	v2 =	vor.u32 s17, v0;
	_ =	sdelay $0x4  }
0xc2: {  	v2 =	vld.idx.msk [tilespmem:v2+s10+$0x0], $0xffff  }
0xc3: {  	v3 =	vor.u32 s17, v1  }
0xc4: {  	s26 =	spop (v2sf)  }
0xc5: {  	s28 =	sand.u32 $0x7F, s26  }
0xc6: {  	s29 =	sshra.s32 s26, $0x1F;
	p4 =	slt.s32 s26, $0x1;
	p3 =	sne.s32 s28, $0x0  }
0xc7: {  	s18 =	sshrl.u32 s29, $0x19;
	p0 =	por !p4, !p3;
	[tilespmem:$0x8100] =	vst v2  }
0xc8: {  	s17 =	sadd.s32 s18, s26;
	s18 =	simm.s32 $0x1;
	p0 =	por !p0, !p0;
	v2 =	vld.idx.msk [tilespmem:v3+s10+$0x0], $0xffff  }
0xc9: {  	s17 =	sshrl.u32 s17, $0x7;
	s18 =	simm.s32 @!p0 $0x0  }
0xca: {  	s17 =	ssub.s32 s17, s18  }
0xcb: {  	s17 =	sshll.u32 s17, $0x7  }
0xcc: {  	s17 =	sand.u32 $0x1FFFFF80, s17  }
0xcd: {  	s17 =	sadd.s32 s2, s17;
	[tilespmem:$0x8110] =	vst v2  }
0xce: {  	[tilespmem:s10], [sflag:$0x1] =	stream.strided.gather [hbm4b:s17+s7], $0x1000, s8, s7, $0x38;
	[tilespmem:$0x9080] =	vst v63  }
0xcf: {  	_ =	swait.ge [sflag:s6], $0x1000  }
0xd0: {  	[sflag:s6] =	ssyncset.done $0x0  }
0xd1: {  	[sflag:s6] =	ssyncadd.s32 $0xFFFFF000  }
0xd2: {  	v2 =	vld [tilespmem:$0x0];
	_ =	sdelay $0x4  }
0xd3: {  	v2 =	vsel vm2, $0x0, v2  }
0xd4: {  	(xrf0) =	vadd.scan.msk.s32 $0xffff, v2;
	_ =	sdelay $0x2  }
0xd5: {  	v2 =	vld [tilespmem:$0x0];
	_ =	sdelay $0x2  }
0xd6: {  	v3, _, _ =	vpop (xrf0)  }
0xd7: {  	(v2sf) =	vpush v3, $0xF  }
0xd8: {  	v2 =	vsel vm10, $0x0, v2  }
0xd9: {  	(xrf0) =	vadd.scan.msk.s32 $0xffff, v2;
	_ =	sdelay $0x5  }
0xda: {  	v2, _, _ =	vpop (xrf0)  }
0xdb: {  	(v2sf) =	vpush v2, $0xF;
	_ =	sdelay $0x5  }
0xdc: {  	s30 =	spop (v2sf)  }
0xdd: {  	s17 =	sand.u32 $0x7F, s30  }
0xde: {  	v2 =	vor.u32 s17, v0;
	_ =	sdelay $0x4  }
0xdf: {  	v2 =	vld.idx.msk [tilespmem:v2+s11+$0x0], $0xffff  }
0xe0: {  	v3 =	vor.u32 s17, v1  }
0xe1: {  	s31 =	spop (v2sf)  }
0xe2: {  	s19 =	sand.u32 $0x7F, s31  }
0xe3: {  	s20 =	sshra.s32 s31, $0x1F;
	p6 =	slt.s32 s31, $0x1;
	p5 =	sne.s32 s19, $0x0  }
0xe4: {  	s18 =	sshrl.u32 s20, $0x19;
	p0 =	por !p6, !p5;
	[tilespmem:$0x8180] =	vst v2  }
0xe5: {  	s17 =	sadd.s32 s18, s31;
	s18 =	simm.s32 $0x1;
	p0 =	por !p0, !p0;
	v2 =	vld.idx.msk [tilespmem:v3+s11+$0x0], $0xffff  }
0xe6: {  	s17 =	sshrl.u32 s17, $0x7;
	s18 =	simm.s32 @!p0 $0x0  }
0xe7: {  	s17 =	ssub.s32 s17, s18  }
0xe8: {  	s17 =	sshll.u32 s17, $0x7  }
0xe9: {  	s17 =	sand.u32 $0x1FFFFF80, s17  }
0xea: {  	s17 =	sadd.s32 s2, s17;
	[tilespmem:$0x8190] =	vst v2  }
0xeb: {  	[tilespmem:s11], [sflag:$0x1] =	stream.strided.gather [hbm4b:s17+s7], $0x1000, s8, s7, $0x38;
	[tilespmem:$0x9080] =	vst v63  }
0xec: {  	_ =	swait.ge [sflag:s6], $0x1000  }
0xed: {  	[sflag:s6] =	ssyncset.done $0x0  }
0xee: {  	[sflag:s6] =	ssyncadd.s32 $0xFFFFF000  }
0xef: {  	v2 =	vld [tilespmem:$0x0];
	_ =	sdelay $0x4  }
0xf0: {  	v2 =	vsel vm3, $0x0, v2  }
0xf1: {  	(xrf0) =	vadd.scan.msk.s32 $0xffff, v2;
	_ =	sdelay $0x2  }
0xf2: {  	v2 =	vld [tilespmem:$0x0];
	_ =	sdelay $0x2  }
0xf3: {  	v3, _, _ =	vpop (xrf0)  }
0xf4: {  	(v2sf) =	vpush v3, $0xF  }
0xf5: {  	v2 =	vsel vm11, $0x0, v2  }
0xf6: {  	(xrf0) =	vadd.scan.msk.s32 $0xffff, v2;
	_ =	sdelay $0x5  }
0xf7: {  	v2, _, _ =	vpop (xrf0)  }
0xf8: {  	(v2sf) =	vpush v2, $0xF;
	_ =	sdelay $0x5  }
0xf9: {  	s21 =	spop (v2sf)  }
0xfa: {  	s17 =	sand.u32 $0x7F, s21  }
0xfb: {  	v2 =	vor.u32 s17, v0;
	_ =	sdelay $0x4  }
0xfc: {  	v2 =	vld.idx.msk [tilespmem:v2+s12+$0x0], $0xffff  }
0xfd: {  	v3 =	vor.u32 s17, v1  }
0xfe: {  	s22 =	spop (v2sf)  }
0xff: {  	s23 =	sand.u32 $0x7F, s22  }
0x100: {  	s24 =	sshra.s32 s22, $0x1F;
	p2 =	slt.s32 s22, $0x1;
	p1 =	sne.s32 s23, $0x0  }
0x101: {  	s18 =	sshrl.u32 s24, $0x19;
	p0 =	por !p2, !p1;
	[tilespmem:$0x8200] =	vst v2  }
0x102: {  	s17 =	sadd.s32 s18, s22;
	s18 =	simm.s32 $0x1;
	p0 =	por !p0, !p0;
	v2 =	vld.idx.msk [tilespmem:v3+s12+$0x0], $0xffff  }
0x103: {  	s17 =	sshrl.u32 s17, $0x7;
	s18 =	simm.s32 @!p0 $0x0  }
0x104: {  	s17 =	ssub.s32 s17, s18  }
0x105: {  	s17 =	sshll.u32 s17, $0x7  }
0x106: {  	s17 =	sand.u32 $0x1FFFFF80, s17  }
0x107: {  	s17 =	sadd.s32 s2, s17;
	[tilespmem:$0x8210] =	vst v2  }
0x108: {  	[tilespmem:s12], [sflag:$0x1] =	stream.strided.gather [hbm4b:s17+s7], $0x1000, s8, s7, $0x38;
	[tilespmem:$0x9080] =	vst v63  }
0x109: {  	_ =	swait.ge [sflag:s6], $0x1000  }
0x10a: {  	[sflag:s6] =	ssyncset.done $0x0  }
0x10b: {  	[sflag:s6] =	ssyncadd.s32 $0xFFFFF000  }
0x10c: {  	v2 =	vld [tilespmem:$0x0];
	_ =	sdelay $0x4  }
0x10d: {  	v2 =	vsel vm4, $0x0, v2  }
0x10e: {  	(xrf0) =	vadd.scan.msk.s32 $0xffff, v2;
	_ =	sdelay $0x2  }
0x10f: {  	v2 =	vld [tilespmem:$0x0];
	_ =	sdelay $0x2  }
0x110: {  	v3, _, _ =	vpop (xrf0)  }
0x111: {  	(v2sf) =	vpush v3, $0xF  }
0x112: {  	v2 =	vsel vm12, $0x0, v2  }
0x113: {  	(xrf0) =	vadd.scan.msk.s32 $0xffff, v2;
	_ =	sdelay $0x5  }
0x114: {  	v2, _, _ =	vpop (xrf0)  }
0x115: {  	(v2sf) =	vpush v2, $0xF;
	_ =	sdelay $0x5  }
0x116: {  	s25 =	spop (v2sf)  }
0x117: {  	s17 =	sand.u32 $0x7F, s25  }
0x118: {  	v2 =	vor.u32 s17, v0;
	_ =	sdelay $0x4  }
0x119: {  	v2 =	vld.idx.msk [tilespmem:v2+s13+$0x0], $0xffff  }
0x11a: {  	v3 =	vor.u32 s17, v1  }
0x11b: {  	s26 =	spop (v2sf)  }
0x11c: {  	s28 =	sand.u32 $0x7F, s26  }
0x11d: {  	s29 =	sshra.s32 s26, $0x1F;
	p4 =	slt.s32 s26, $0x1;
	p3 =	sne.s32 s28, $0x0  }
0x11e: {  	s18 =	sshrl.u32 s29, $0x19;
	p0 =	por !p4, !p3;
	[tilespmem:$0x8280] =	vst v2  }
0x11f: {  	s17 =	sadd.s32 s18, s26;
	s18 =	simm.s32 $0x1;
	p0 =	por !p0, !p0;
	v2 =	vld.idx.msk [tilespmem:v3+s13+$0x0], $0xffff  }
0x120: {  	s17 =	sshrl.u32 s17, $0x7;
	s18 =	simm.s32 @!p0 $0x0  }
0x121: {  	s17 =	ssub.s32 s17, s18  }
0x122: {  	s17 =	sshll.u32 s17, $0x7  }
0x123: {  	s17 =	sand.u32 $0x1FFFFF80, s17  }
0x124: {  	s17 =	sadd.s32 s2, s17;
	[tilespmem:$0x8290] =	vst v2  }
0x125: {  	[tilespmem:s13], [sflag:$0x1] =	stream.strided.gather [hbm4b:s17+s7], $0x1000, s8, s7, $0x38;
	[tilespmem:$0x9080] =	vst v63  }
0x126: {  	_ =	swait.ge [sflag:s6], $0x1000  }
0x127: {  	[sflag:s6] =	ssyncset.done $0x0  }
0x128: {  	[sflag:s6] =	ssyncadd.s32 $0xFFFFF000  }
0x129: {  	v2 =	vld [tilespmem:$0x0];
	_ =	sdelay $0x4  }
0x12a: {  	v2 =	vsel vm5, $0x0, v2  }
0x12b: {  	(xrf0) =	vadd.scan.msk.s32 $0xffff, v2;
	_ =	sdelay $0x2  }
0x12c: {  	v2 =	vld [tilespmem:$0x0];
	_ =	sdelay $0x2  }
0x12d: {  	v3, _, _ =	vpop (xrf0)  }
0x12e: {  	(v2sf) =	vpush v3, $0xF  }
0x12f: {  	v2 =	vsel vm13, $0x0, v2  }
0x130: {  	(xrf0) =	vadd.scan.msk.s32 $0xffff, v2;
	_ =	sdelay $0x5  }
0x131: {  	v2, _, _ =	vpop (xrf0)  }
0x132: {  	(v2sf) =	vpush v2, $0xF;
	_ =	sdelay $0x5  }
0x133: {  	s30 =	spop (v2sf)  }
0x134: {  	s17 =	sand.u32 $0x7F, s30  }
0x135: {  	v2 =	vor.u32 s17, v0;
	_ =	sdelay $0x4  }
0x136: {  	v2 =	vld.idx.msk [tilespmem:v2+s14+$0x0], $0xffff  }
0x137: {  	v3 =	vor.u32 s17, v1  }
0x138: {  	s31 =	spop (v2sf)  }
0x139: {  	s19 =	sand.u32 $0x7F, s31  }
0x13a: {  	s20 =	sshra.s32 s31, $0x1F;
	p6 =	slt.s32 s31, $0x1;
	p5 =	sne.s32 s19, $0x0  }
0x13b: {  	s18 =	sshrl.u32 s20, $0x19;
	p0 =	por !p6, !p5;
	[tilespmem:$0x8300] =	vst v2  }
0x13c: {  	s17 =	sadd.s32 s18, s31;
	s18 =	simm.s32 $0x1;
	p0 =	por !p0, !p0;
	v2 =	vld.idx.msk [tilespmem:v3+s14+$0x0], $0xffff  }
0x13d: {  	s17 =	sshrl.u32 s17, $0x7;
	s18 =	simm.s32 @!p0 $0x0  }
0x13e: {  	s17 =	ssub.s32 s17, s18  }
0x13f: {  	s17 =	sshll.u32 s17, $0x7  }
0x140: {  	s17 =	sand.u32 $0x1FFFFF80, s17  }
0x141: {  	s17 =	sadd.s32 s2, s17;
	[tilespmem:$0x8310] =	vst v2  }
0x142: {  	[tilespmem:s14], [sflag:$0x1] =	stream.strided.gather [hbm4b:s17+s7], $0x1000, s8, s7, $0x38;
	[tilespmem:$0x9080] =	vst v63  }
0x143: {  	_ =	swait.ge [sflag:s6], $0x1000  }
0x144: {  	[sflag:s6] =	ssyncset.done $0x0  }
0x145: {  	[sflag:s6] =	ssyncadd.s32 $0xFFFFF000  }
0x146: {  	v2 =	vld [tilespmem:$0x0];
	_ =	sdelay $0x4  }
0x147: {  	v2 =	vsel vm6, $0x0, v2  }
0x148: {  	(xrf0) =	vadd.scan.msk.s32 $0xffff, v2;
	_ =	sdelay $0x2  }
0x149: {  	v2 =	vld [tilespmem:$0x0];
	_ =	sdelay $0x2  }
0x14a: {  	v3, _, _ =	vpop (xrf0)  }
0x14b: {  	(v2sf) =	vpush v3, $0xF  }
0x14c: {  	v2 =	vsel vm14, $0x0, v2  }
0x14d: {  	(xrf0) =	vadd.scan.msk.s32 $0xffff, v2;
	_ =	sdelay $0x5  }
0x14e: {  	v2, _, _ =	vpop (xrf0)  }
0x14f: {  	(v2sf) =	vpush v2, $0xF;
	_ =	sdelay $0x5  }
0x150: {  	s21 =	spop (v2sf)  }
0x151: {  	s17 =	sand.u32 $0x7F, s21  }
0x152: {  	v2 =	vor.u32 s17, v0;
	_ =	sdelay $0x4  }
0x153: {  	v2 =	vld.idx.msk [tilespmem:v2+s15+$0x0], $0xffff  }
0x154: {  	v3 =	vor.u32 s17, v1  }
0x155: {  	s22 =	spop (v2sf)  }
0x156: {  	s23 =	sand.u32 $0x7F, s22  }
0x157: {  	s24 =	sshra.s32 s22, $0x1F;
	p2 =	slt.s32 s22, $0x1;
	p1 =	sne.s32 s23, $0x0  }
0x158: {  	s18 =	sshrl.u32 s24, $0x19;
	p0 =	por !p2, !p1;
	[tilespmem:$0x8380] =	vst v2  }
0x159: {  	s17 =	sadd.s32 s18, s22;
	s18 =	simm.s32 $0x1;
	p0 =	por !p0, !p0;
	v2 =	vld.idx.msk [tilespmem:v3+s15+$0x0], $0xffff  }
0x15a: {  	s17 =	sshrl.u32 s17, $0x7;
	s18 =	simm.s32 @!p0 $0x0  }
0x15b: {  	s17 =	ssub.s32 s17, s18  }
0x15c: {  	s17 =	sshll.u32 s17, $0x7  }
0x15d: {  	s17 =	sand.u32 $0x1FFFFF80, s17  }
0x15e: {  	s17 =	sadd.s32 s2, s17;
	[tilespmem:$0x8390] =	vst v2  }
0x15f: {  	[tilespmem:s15], [sflag:$0x1] =	stream.strided.gather [hbm4b:s17+s7], $0x1000, s8, s7, $0x38;
	[tilespmem:$0x9080] =	vst v63  }
0x160: {  	_ =	swait.ge [sflag:s6], $0x1000  }
0x161: {  	[sflag:s6] =	ssyncset.done $0x0  }
0x162: {  	[sflag:s6] =	ssyncadd.s32 $0xFFFFF000  }
0x163: {  	v2 =	vld [tilespmem:$0x0];
	_ =	sdelay $0x4  }
0x164: {  	v2 =	vsel vm7, $0x0, v2  }
0x165: {  	(xrf0) =	vadd.scan.msk.s32 $0xffff, v2;
	_ =	sdelay $0x2  }
0x166: {  	v2 =	vld [tilespmem:$0x0];
	_ =	sdelay $0x2  }
0x167: {  	v3, _, _ =	vpop (xrf0)  }
0x168: {  	(v2sf) =	vpush v3, $0xF  }
0x169: {  	v2 =	vsel vm15, $0x0, v2  }
0x16a: {  	(xrf0) =	vadd.scan.msk.s32 $0xffff, v2;
	_ =	sdelay $0x5  }
0x16b: {  	v2, _, _ =	vpop (xrf0)  }
0x16c: {  	(v2sf) =	vpush v2, $0xF;
	_ =	sdelay $0x5  }
0x16d: {  	s25 =	spop (v2sf)  }
0x16e: {  	s17 =	sand.u32 $0x7F, s25  }
0x16f: {  	v2 =	vor.u32 s17, v0;
	_ =	sdelay $0x4  }
0x170: {  	v2 =	vld.idx.msk [tilespmem:v2+s16+$0x0], $0xffff  }
0x171: {  	v3 =	vor.u32 s17, v1  }
0x172: {  	s26 =	spop (v2sf)  }
0x173: {  	s28 =	sand.u32 $0x7F, s26  }
0x174: {  	s29 =	sshra.s32 s26, $0x1F;
	p4 =	slt.s32 s26, $0x1;
	p3 =	sne.s32 s28, $0x0  }
0x175: {  	s18 =	sshrl.u32 s29, $0x19;
	p0 =	por !p4, !p3;
	[tilespmem:$0x8400] =	vst v2  }
0x176: {  	s17 =	sadd.s32 s18, s26;
	s18 =	simm.s32 $0x1;
	p0 =	por !p0, !p0;
	v2 =	vld.idx.msk [tilespmem:v3+s16+$0x0], $0xffff  }
0x177: {  	s17 =	sshrl.u32 s17, $0x7;
	s18 =	simm.s32 @!p0 $0x0  }
0x178: {  	s17 =	ssub.s32 s17, s18  }
0x179: {  	s17 =	sshll.u32 s17, $0x7  }
0x17a: {  	s17 =	sand.u32 $0x1FFFFF80, s17  }
0x17b: {  	s17 =	sadd.s32 s2, s17;
	[tilespmem:$0x8410] =	vst v2  }
0x17c: {  	[tilespmem:s16], [sflag:$0x1] =	stream.strided.gather [hbm4b:s17+s7], $0x1000, s8, s7, $0x38;
	[tilespmem:$0x9080] =	vst v63  }
0x17d: {  	_ =	swait.ge [sflag:s6], $0x1000  }
0x17e: {  	[sflag:s6] =	ssyncset.done $0x0  }
0x17f: {  	[sflag:s6] =	ssyncadd.s32 $0xFFFFF000  }
0x180: {  	v2 =	vld [tilespmem:$0x0];
	_ =	sdelay $0x4  }
0x181: {  	v2 =	vsel vm8, $0x0, v2  }
0x182: {  	(xrf0) =	vadd.scan.msk.s32 $0xffff, v2;
	_ =	sdelay $0x2  }
0x183: {  	v2 =	vld [tilespmem:$0x10];
	_ =	sdelay $0x2  }
0x184: {  	v3, _, _ =	vpop (xrf0)  }
0x185: {  	(v2sf) =	vpush v3, $0xF  }
0x186: {  	v2 =	vnsel vm0, $0x0, v2  }
0x187: {  	(xrf0) =	vadd.scan.msk.s32 $0xffff, v2;
	_ =	sdelay $0x5  }
0x188: {  	v2, _, _ =	vpop (xrf0)  }
0x189: {  	(v2sf) =	vpush v2, $0xF;
	_ =	sdelay $0x5  }
0x18a: {  	s30 =	spop (v2sf)  }
0x18b: {  	s17 =	sand.u32 $0x7F, s30  }
0x18c: {  	v2 =	vor.u32 s17, v0;
	_ =	sdelay $0x4  }
0x18d: {  	v2 =	vld.idx.msk [tilespmem:v2+s9+$0x0], $0xffff  }
0x18e: {  	v3 =	vor.u32 s17, v1  }
0x18f: {  	s31 =	spop (v2sf)  }
0x190: {  	s19 =	sand.u32 $0x7F, s31  }
0x191: {  	s20 =	sshra.s32 s31, $0x1F;
	p6 =	slt.s32 s31, $0x1;
	p5 =	sne.s32 s19, $0x0  }
0x192: {  	s18 =	sshrl.u32 s20, $0x19;
	p0 =	por !p6, !p5;
	[tilespmem:$0x8480] =	vst v2  }
0x193: {  	s17 =	sadd.s32 s18, s31;
	s18 =	simm.s32 $0x1;
	p0 =	por !p0, !p0;
	v2 =	vld.idx.msk [tilespmem:v3+s9+$0x0], $0xffff  }
0x194: {  	s17 =	sshrl.u32 s17, $0x7;
	s18 =	simm.s32 @!p0 $0x0  }
0x195: {  	s17 =	ssub.s32 s17, s18  }
0x196: {  	s17 =	sshll.u32 s17, $0x7  }
0x197: {  	s17 =	sand.u32 $0x1FFFFF80, s17  }
0x198: {  	s17 =	sadd.s32 s2, s17;
	[tilespmem:$0x8490] =	vst v2  }
0x199: {  	[tilespmem:s9], [sflag:$0x1] =	stream.strided.gather [hbm4b:s17+s7], $0x1000, s8, s7, $0x38;
	[tilespmem:$0x9080] =	vst v63  }
0x19a: {  	_ =	swait.ge [sflag:s6], $0x1000  }
0x19b: {  	[sflag:s6] =	ssyncset.done $0x0  }
0x19c: {  	[sflag:s6] =	ssyncadd.s32 $0xFFFFF000  }
0x19d: {  	v2 =	vld [tilespmem:$0x0];
	_ =	sdelay $0x4  }
0x19e: {  	v2 =	vsel vm9, $0x0, v2  }
0x19f: {  	(xrf0) =	vadd.scan.msk.s32 $0xffff, v2;
	_ =	sdelay $0x2  }
0x1a0: {  	v2 =	vld [tilespmem:$0x10];
	_ =	sdelay $0x2  }
0x1a1: {  	v3, _, _ =	vpop (xrf0)  }
0x1a2: {  	(v2sf) =	vpush v3, $0xF  }
0x1a3: {  	v2 =	vsel vm1, $0x0, v2  }
0x1a4: {  	(xrf0) =	vadd.scan.msk.s32 $0xffff, v2;
	_ =	sdelay $0x5  }
0x1a5: {  	v2, _, _ =	vpop (xrf0)  }
0x1a6: {  	(v2sf) =	vpush v2, $0xF;
	_ =	sdelay $0x5  }
0x1a7: {  	s21 =	spop (v2sf)  }
0x1a8: {  	s17 =	sand.u32 $0x7F, s21  }
0x1a9: {  	v2 =	vor.u32 s17, v0;
	_ =	sdelay $0x4  }
0x1aa: {  	v2 =	vld.idx.msk [tilespmem:v2+s10+$0x0], $0xffff  }
0x1ab: {  	v3 =	vor.u32 s17, v1  }
0x1ac: {  	s22 =	spop (v2sf)  }
0x1ad: {  	s23 =	sand.u32 $0x7F, s22  }
0x1ae: {  	s24 =	sshra.s32 s22, $0x1F;
	p2 =	slt.s32 s22, $0x1;
	p1 =	sne.s32 s23, $0x0  }
0x1af: {  	s18 =	sshrl.u32 s24, $0x19;
	p0 =	por !p2, !p1;
	[tilespmem:$0x8500] =	vst v2  }
0x1b0: {  	s17 =	sadd.s32 s18, s22;
	s18 =	simm.s32 $0x1;
	p0 =	por !p0, !p0;
	v2 =	vld.idx.msk [tilespmem:v3+s10+$0x0], $0xffff  }
0x1b1: {  	s17 =	sshrl.u32 s17, $0x7;
	s18 =	simm.s32 @!p0 $0x0  }
0x1b2: {  	s17 =	ssub.s32 s17, s18  }
0x1b3: {  	s17 =	sshll.u32 s17, $0x7  }
0x1b4: {  	s17 =	sand.u32 $0x1FFFFF80, s17  }
0x1b5: {  	s17 =	sadd.s32 s2, s17;
	[tilespmem:$0x8510] =	vst v2  }
0x1b6: {  	[tilespmem:s10], [sflag:$0x1] =	stream.strided.gather [hbm4b:s17+s7], $0x1000, s8, s7, $0x38;
	[tilespmem:$0x9080] =	vst v63  }
0x1b7: {  	_ =	swait.ge [sflag:s6], $0x1000  }
0x1b8: {  	[sflag:s6] =	ssyncset.done $0x0  }
0x1b9: {  	[sflag:s6] =	ssyncadd.s32 $0xFFFFF000  }
0x1ba: {  	v2 =	vld [tilespmem:$0x0];
	_ =	sdelay $0x4  }
0x1bb: {  	v2 =	vsel vm10, $0x0, v2  }
0x1bc: {  	(xrf0) =	vadd.scan.msk.s32 $0xffff, v2;
	_ =	sdelay $0x2  }
0x1bd: {  	v2 =	vld [tilespmem:$0x10];
	_ =	sdelay $0x2  }
0x1be: {  	v3, _, _ =	vpop (xrf0)  }
0x1bf: {  	(v2sf) =	vpush v3, $0xF  }
0x1c0: {  	v2 =	vsel vm2, $0x0, v2  }
0x1c1: {  	(xrf0) =	vadd.scan.msk.s32 $0xffff, v2;
	_ =	sdelay $0x5  }
0x1c2: {  	v2, _, _ =	vpop (xrf0)  }
0x1c3: {  	(v2sf) =	vpush v2, $0xF;
	_ =	sdelay $0x5  }
0x1c4: {  	s25 =	spop (v2sf)  }
0x1c5: {  	s17 =	sand.u32 $0x7F, s25  }
0x1c6: {  	v2 =	vor.u32 s17, v0;
	_ =	sdelay $0x4  }
0x1c7: {  	v2 =	vld.idx.msk [tilespmem:v2+s11+$0x0], $0xffff  }
0x1c8: {  	v3 =	vor.u32 s17, v1  }
0x1c9: {  	s26 =	spop (v2sf)  }
0x1ca: {  	s28 =	sand.u32 $0x7F, s26  }
0x1cb: {  	s29 =	sshra.s32 s26, $0x1F;
	p4 =	slt.s32 s26, $0x1;
	p3 =	sne.s32 s28, $0x0  }
0x1cc: {  	s18 =	sshrl.u32 s29, $0x19;
	p0 =	por !p4, !p3;
	[tilespmem:$0x8580] =	vst v2  }
0x1cd: {  	s17 =	sadd.s32 s18, s26;
	s18 =	simm.s32 $0x1;
	p0 =	por !p0, !p0;
	v2 =	vld.idx.msk [tilespmem:v3+s11+$0x0], $0xffff  }
0x1ce: {  	s17 =	sshrl.u32 s17, $0x7;
	s18 =	simm.s32 @!p0 $0x0  }
0x1cf: {  	s17 =	ssub.s32 s17, s18  }
0x1d0: {  	s17 =	sshll.u32 s17, $0x7  }
0x1d1: {  	s17 =	sand.u32 $0x1FFFFF80, s17  }
0x1d2: {  	s17 =	sadd.s32 s2, s17;
	[tilespmem:$0x8590] =	vst v2  }
0x1d3: {  	[tilespmem:s11], [sflag:$0x1] =	stream.strided.gather [hbm4b:s17+s7], $0x1000, s8, s7, $0x38;
	[tilespmem:$0x9080] =	vst v63  }
0x1d4: {  	_ =	swait.ge [sflag:s6], $0x1000  }
0x1d5: {  	[sflag:s6] =	ssyncset.done $0x0  }
0x1d6: {  	[sflag:s6] =	ssyncadd.s32 $0xFFFFF000  }
0x1d7: {  	v2 =	vld [tilespmem:$0x0];
	_ =	sdelay $0x4  }
0x1d8: {  	v2 =	vsel vm11, $0x0, v2  }
0x1d9: {  	(xrf0) =	vadd.scan.msk.s32 $0xffff, v2;
	_ =	sdelay $0x2  }
0x1da: {  	v2 =	vld [tilespmem:$0x10];
	_ =	sdelay $0x2  }
0x1db: {  	v3, _, _ =	vpop (xrf0)  }
0x1dc: {  	(v2sf) =	vpush v3, $0xF  }
0x1dd: {  	v2 =	vsel vm3, $0x0, v2  }
0x1de: {  	(xrf0) =	vadd.scan.msk.s32 $0xffff, v2;
	_ =	sdelay $0x5  }
0x1df: {  	v2, _, _ =	vpop (xrf0)  }
0x1e0: {  	(v2sf) =	vpush v2, $0xF;
	_ =	sdelay $0x5  }
0x1e1: {  	s30 =	spop (v2sf)  }
0x1e2: {  	s17 =	sand.u32 $0x7F, s30  }
0x1e3: {  	v2 =	vor.u32 s17, v0;
	_ =	sdelay $0x4  }
0x1e4: {  	v2 =	vld.idx.msk [tilespmem:v2+s12+$0x0], $0xffff  }
0x1e5: {  	v3 =	vor.u32 s17, v1  }
0x1e6: {  	s31 =	spop (v2sf)  }
0x1e7: {  	s19 =	sand.u32 $0x7F, s31  }
0x1e8: {  	s20 =	sshra.s32 s31, $0x1F;
	p6 =	slt.s32 s31, $0x1;
	p5 =	sne.s32 s19, $0x0  }
0x1e9: {  	s18 =	sshrl.u32 s20, $0x19;
	p0 =	por !p6, !p5;
	[tilespmem:$0x8600] =	vst v2  }
0x1ea: {  	s17 =	sadd.s32 s18, s31;
	s18 =	simm.s32 $0x1;
	p0 =	por !p0, !p0;
	v2 =	vld.idx.msk [tilespmem:v3+s12+$0x0], $0xffff  }
0x1eb: {  	s17 =	sshrl.u32 s17, $0x7;
	s18 =	simm.s32 @!p0 $0x0  }
0x1ec: {  	s17 =	ssub.s32 s17, s18  }
0x1ed: {  	s17 =	sshll.u32 s17, $0x7  }
0x1ee: {  	s17 =	sand.u32 $0x1FFFFF80, s17  }
0x1ef: {  	s17 =	sadd.s32 s2, s17;
	[tilespmem:$0x8610] =	vst v2  }
0x1f0: {  	[tilespmem:s12], [sflag:$0x1] =	stream.strided.gather [hbm4b:s17+s7], $0x1000, s8, s7, $0x38;
	[tilespmem:$0x9080] =	vst v63  }
0x1f1: {  	_ =	swait.ge [sflag:s6], $0x1000  }
0x1f2: {  	[sflag:s6] =	ssyncset.done $0x0  }
0x1f3: {  	[sflag:s6] =	ssyncadd.s32 $0xFFFFF000  }
0x1f4: {  	v2 =	vld [tilespmem:$0x0];
	_ =	sdelay $0x4  }
0x1f5: {  	v2 =	vsel vm12, $0x0, v2  }
0x1f6: {  	(xrf0) =	vadd.scan.msk.s32 $0xffff, v2;
	_ =	sdelay $0x2  }
0x1f7: {  	v2 =	vld [tilespmem:$0x10];
	_ =	sdelay $0x2  }
0x1f8: {  	v3, _, _ =	vpop (xrf0)  }
0x1f9: {  	(v2sf) =	vpush v3, $0xF  }
0x1fa: {  	v2 =	vsel vm4, $0x0, v2  }
0x1fb: {  	(xrf0) =	vadd.scan.msk.s32 $0xffff, v2;
	_ =	sdelay $0x5  }
0x1fc: {  	v2, _, _ =	vpop (xrf0)  }
0x1fd: {  	(v2sf) =	vpush v2, $0xF;
	_ =	sdelay $0x5  }
0x1fe: {  	s21 =	spop (v2sf)  }
0x1ff: {  	s17 =	sand.u32 $0x7F, s21  }
0x200: {  	v2 =	vor.u32 s17, v0;
	_ =	sdelay $0x4  }
0x201: {  	v2 =	vld.idx.msk [tilespmem:v2+s13+$0x0], $0xffff  }
0x202: {  	v3 =	vor.u32 s17, v1  }
0x203: {  	s22 =	spop (v2sf)  }
0x204: {  	s23 =	sand.u32 $0x7F, s22  }
0x205: {  	s24 =	sshra.s32 s22, $0x1F;
	p2 =	slt.s32 s22, $0x1;
	p1 =	sne.s32 s23, $0x0  }
0x206: {  	s18 =	sshrl.u32 s24, $0x19;
	p0 =	por !p2, !p1;
	[tilespmem:$0x8680] =	vst v2  }
0x207: {  	s17 =	sadd.s32 s18, s22;
	s18 =	simm.s32 $0x1;
	p0 =	por !p0, !p0;
	v2 =	vld.idx.msk [tilespmem:v3+s13+$0x0], $0xffff  }
0x208: {  	s17 =	sshrl.u32 s17, $0x7;
	s18 =	simm.s32 @!p0 $0x0  }
0x209: {  	s17 =	ssub.s32 s17, s18  }
0x20a: {  	s17 =	sshll.u32 s17, $0x7  }
0x20b: {  	s17 =	sand.u32 $0x1FFFFF80, s17  }
0x20c: {  	s17 =	sadd.s32 s2, s17;
	[tilespmem:$0x8690] =	vst v2  }
0x20d: {  	[tilespmem:s13], [sflag:$0x1] =	stream.strided.gather [hbm4b:s17+s7], $0x1000, s8, s7, $0x38;
	[tilespmem:$0x9080] =	vst v63  }
0x20e: {  	_ =	swait.ge [sflag:s6], $0x1000  }
0x20f: {  	[sflag:s6] =	ssyncset.done $0x0  }
0x210: {  	[sflag:s6] =	ssyncadd.s32 $0xFFFFF000  }
0x211: {  	v2 =	vld [tilespmem:$0x0];
	_ =	sdelay $0x4  }
0x212: {  	v2 =	vsel vm13, $0x0, v2  }
0x213: {  	(xrf0) =	vadd.scan.msk.s32 $0xffff, v2;
	_ =	sdelay $0x2  }
0x214: {  	v2 =	vld [tilespmem:$0x10];
	_ =	sdelay $0x2  }
0x215: {  	v3, _, _ =	vpop (xrf0)  }
0x216: {  	(v2sf) =	vpush v3, $0xF  }
0x217: {  	v2 =	vsel vm5, $0x0, v2  }
0x218: {  	(xrf0) =	vadd.scan.msk.s32 $0xffff, v2;
	_ =	sdelay $0x5  }
0x219: {  	v2, _, _ =	vpop (xrf0)  }
0x21a: {  	(v2sf) =	vpush v2, $0xF;
	_ =	sdelay $0x5  }
0x21b: {  	s25 =	spop (v2sf)  }
0x21c: {  	s17 =	sand.u32 $0x7F, s25  }
0x21d: {  	v2 =	vor.u32 s17, v0;
	_ =	sdelay $0x4  }
0x21e: {  	v2 =	vld.idx.msk [tilespmem:v2+s14+$0x0], $0xffff  }
0x21f: {  	v3 =	vor.u32 s17, v1  }
0x220: {  	s26 =	spop (v2sf)  }
0x221: {  	s28 =	sand.u32 $0x7F, s26  }
0x222: {  	s29 =	sshra.s32 s26, $0x1F;
	p4 =	slt.s32 s26, $0x1;
	p3 =	sne.s32 s28, $0x0  }
0x223: {  	s18 =	sshrl.u32 s29, $0x19;
	p0 =	por !p4, !p3;
	[tilespmem:$0x8700] =	vst v2  }
0x224: {  	s17 =	sadd.s32 s18, s26;
	s18 =	simm.s32 $0x1;
	p0 =	por !p0, !p0;
	v2 =	vld.idx.msk [tilespmem:v3+s14+$0x0], $0xffff  }
0x225: {  	s17 =	sshrl.u32 s17, $0x7;
	s18 =	simm.s32 @!p0 $0x0  }
0x226: {  	s17 =	ssub.s32 s17, s18  }
0x227: {  	s17 =	sshll.u32 s17, $0x7  }
0x228: {  	s17 =	sand.u32 $0x1FFFFF80, s17  }
0x229: {  	s17 =	sadd.s32 s2, s17;
	[tilespmem:$0x8710] =	vst v2  }
0x22a: {  	[tilespmem:s14], [sflag:$0x1] =	stream.strided.gather [hbm4b:s17+s7], $0x1000, s8, s7, $0x38;
	[tilespmem:$0x9080] =	vst v63  }
0x22b: {  	_ =	swait.ge [sflag:s6], $0x1000  }
0x22c: {  	[sflag:s6] =	ssyncset.done $0x0  }
0x22d: {  	[sflag:s6] =	ssyncadd.s32 $0xFFFFF000  }
0x22e: {  	v2 =	vld [tilespmem:$0x0];
	_ =	sdelay $0x4  }
0x22f: {  	v2 =	vsel vm14, $0x0, v2  }
0x230: {  	(xrf0) =	vadd.scan.msk.s32 $0xffff, v2;
	_ =	sdelay $0x2  }
0x231: {  	v2 =	vld [tilespmem:$0x10];
	_ =	sdelay $0x2  }
0x232: {  	v3, _, _ =	vpop (xrf0)  }
0x233: {  	(v2sf) =	vpush v3, $0xF  }
0x234: {  	v2 =	vsel vm6, $0x0, v2  }
0x235: {  	(xrf0) =	vadd.scan.msk.s32 $0xffff, v2;
	_ =	sdelay $0x5  }
0x236: {  	v2, _, _ =	vpop (xrf0)  }
0x237: {  	(v2sf) =	vpush v2, $0xF;
	_ =	sdelay $0x5  }
0x238: {  	s30 =	spop (v2sf)  }
0x239: {  	s17 =	sand.u32 $0x7F, s30  }
0x23a: {  	v2 =	vor.u32 s17, v0;
	_ =	sdelay $0x4  }
0x23b: {  	v2 =	vld.idx.msk [tilespmem:v2+s15+$0x0], $0xffff  }
0x23c: {  	v3 =	vor.u32 s17, v1  }
0x23d: {  	s31 =	spop (v2sf)  }
0x23e: {  	s19 =	sand.u32 $0x7F, s31  }
0x23f: {  	s20 =	sshra.s32 s31, $0x1F;
	p6 =	slt.s32 s31, $0x1;
	p5 =	sne.s32 s19, $0x0  }
0x240: {  	s18 =	sshrl.u32 s20, $0x19;
	p0 =	por !p6, !p5;
	[tilespmem:$0x8780] =	vst v2  }
0x241: {  	s17 =	sadd.s32 s18, s31;
	s18 =	simm.s32 $0x1;
	p0 =	por !p0, !p0;
	v2 =	vld.idx.msk [tilespmem:v3+s15+$0x0], $0xffff  }
0x242: {  	s17 =	sshrl.u32 s17, $0x7;
	s18 =	simm.s32 @!p0 $0x0  }
0x243: {  	s17 =	ssub.s32 s17, s18  }
0x244: {  	s17 =	sshll.u32 s17, $0x7  }
0x245: {  	s17 =	sand.u32 $0x1FFFFF80, s17  }
0x246: {  	s17 =	sadd.s32 s2, s17;
	[tilespmem:$0x8790] =	vst v2  }
0x247: {  	[tilespmem:s15], [sflag:$0x1] =	stream.strided.gather [hbm4b:s17+s7], $0x1000, s8, s7, $0x38;
	[tilespmem:$0x9080] =	vst v63  }
0x248: {  	_ =	swait.ge [sflag:s6], $0x1000  }
0x249: {  	[sflag:s6] =	ssyncset.done $0x0  }
0x24a: {  	[sflag:s6] =	ssyncadd.s32 $0xFFFFF000  }
0x24b: {  	v2 =	vld [tilespmem:$0x0];
	_ =	sdelay $0x4  }
0x24c: {  	v2 =	vsel vm15, $0x0, v2  }
0x24d: {  	(xrf0) =	vadd.scan.msk.s32 $0xffff, v2;
	_ =	sdelay $0x2  }
0x24e: {  	v2 =	vld [tilespmem:$0x10];
	_ =	sdelay $0x2  }
0x24f: {  	v3, _, _ =	vpop (xrf0)  }
0x250: {  	(v2sf) =	vpush v3, $0xF  }
0x251: {  	v2 =	vsel vm7, $0x0, v2  }
0x252: {  	(xrf0) =	vadd.scan.msk.s32 $0xffff, v2;
	_ =	sdelay $0x5  }
0x253: {  	v2, _, _ =	vpop (xrf0)  }
0x254: {  	(v2sf) =	vpush v2, $0xF;
	_ =	sdelay $0x5  }
0x255: {  	s21 =	spop (v2sf)  }
0x256: {  	s17 =	sand.u32 $0x7F, s21  }
0x257: {  	v2 =	vor.u32 s17, v0;
	_ =	sdelay $0x4  }
0x258: {  	v2 =	vld.idx.msk [tilespmem:v2+s16+$0x0], $0xffff  }
0x259: {  	v3 =	vor.u32 s17, v1  }
0x25a: {  	s22 =	spop (v2sf)  }
0x25b: {  	s23 =	sand.u32 $0x7F, s22  }
0x25c: {  	s24 =	sshra.s32 s22, $0x1F;
	p2 =	slt.s32 s22, $0x1;
	p1 =	sne.s32 s23, $0x0  }
0x25d: {  	s18 =	sshrl.u32 s24, $0x19;
	p0 =	por !p2, !p1;
	[tilespmem:$0x8800] =	vst v2  }
0x25e: {  	s17 =	sadd.s32 s18, s22;
	s18 =	simm.s32 $0x1;
	p0 =	por !p0, !p0;
	v2 =	vld.idx.msk [tilespmem:v3+s16+$0x0], $0xffff  }
0x25f: {  	s17 =	sshrl.u32 s17, $0x7;
	s18 =	simm.s32 @!p0 $0x0  }
0x260: {  	s17 =	ssub.s32 s17, s18  }
0x261: {  	s17 =	sshll.u32 s17, $0x7  }
0x262: {  	s17 =	sand.u32 $0x1FFFFF80, s17  }
0x263: {  	s17 =	sadd.s32 s2, s17;
	[tilespmem:$0x8810] =	vst v2  }
0x264: {  	[tilespmem:s16], [sflag:$0x1] =	stream.strided.gather [hbm4b:s17+s7], $0x1000, s8, s7, $0x38;
	[tilespmem:$0x9080] =	vst v63  }
0x265: {  	_ =	swait.ge [sflag:s6], $0x1000  }
0x266: {  	[sflag:s6] =	ssyncset.done $0x0  }
0x267: {  	[sflag:s6] =	ssyncadd.s32 $0xFFFFF000  }
0x268: {  	v2 =	vld [tilespmem:$0x10];
	_ =	sdelay $0x4  }
0x269: {  	v2 =	vnsel vm0, $0x0, v2  }
0x26a: {  	(xrf0) =	vadd.scan.msk.s32 $0xffff, v2;
	_ =	sdelay $0x2  }
0x26b: {  	v2 =	vld [tilespmem:$0x10];
	_ =	sdelay $0x2  }
0x26c: {  	v3, _, _ =	vpop (xrf0)  }
0x26d: {  	(v2sf) =	vpush v3, $0xF  }
0x26e: {  	v2 =	vsel vm8, $0x0, v2  }
0x26f: {  	(xrf0) =	vadd.scan.msk.s32 $0xffff, v2;
	_ =	sdelay $0x5  }
0x270: {  	v2, _, _ =	vpop (xrf0)  }
0x271: {  	(v2sf) =	vpush v2, $0xF;
	_ =	sdelay $0x5  }
0x272: {  	s25 =	spop (v2sf)  }
0x273: {  	s17 =	sand.u32 $0x7F, s25  }
0x274: {  	v2 =	vor.u32 s17, v0;
	_ =	sdelay $0x4  }
0x275: {  	v2 =	vld.idx.msk [tilespmem:v2+s9+$0x0], $0xffff  }
0x276: {  	v3 =	vor.u32 s17, v1  }
0x277: {  	s26 =	spop (v2sf)  }
0x278: {  	s28 =	sand.u32 $0x7F, s26  }
0x279: {  	s29 =	sshra.s32 s26, $0x1F;
	p4 =	slt.s32 s26, $0x1;
	p3 =	sne.s32 s28, $0x0  }
0x27a: {  	s18 =	sshrl.u32 s29, $0x19;
	p0 =	por !p4, !p3;
	[tilespmem:$0x8880] =	vst v2  }
0x27b: {  	s17 =	sadd.s32 s18, s26;
	s18 =	simm.s32 $0x1;
	p0 =	por !p0, !p0;
	v2 =	vld.idx.msk [tilespmem:v3+s9+$0x0], $0xffff  }
0x27c: {  	s17 =	sshrl.u32 s17, $0x7;
	s18 =	simm.s32 @!p0 $0x0  }
0x27d: {  	s17 =	ssub.s32 s17, s18  }
0x27e: {  	s17 =	sshll.u32 s17, $0x7  }
0x27f: {  	s17 =	sand.u32 $0x1FFFFF80, s17  }
0x280: {  	s17 =	sadd.s32 s2, s17;
	[tilespmem:$0x8890] =	vst v2  }
0x281: {  	[tilespmem:s9], [sflag:$0x1] =	stream.strided.gather [hbm4b:s17+s7], $0x1000, s8, s7, $0x38;
	[tilespmem:$0x9080] =	vst v63  }
0x282: {  	_ =	swait.ge [sflag:s6], $0x1000  }
0x283: {  	[sflag:s6] =	ssyncset.done $0x0  }
0x284: {  	[sflag:s6] =	ssyncadd.s32 $0xFFFFF000  }
0x285: {  	v2 =	vld [tilespmem:$0x10];
	_ =	sdelay $0x4  }
0x286: {  	v2 =	vsel vm1, $0x0, v2  }
0x287: {  	(xrf0) =	vadd.scan.msk.s32 $0xffff, v2;
	_ =	sdelay $0x2  }
0x288: {  	v2 =	vld [tilespmem:$0x10];
	_ =	sdelay $0x2  }
0x289: {  	v3, _, _ =	vpop (xrf0)  }
0x28a: {  	(v2sf) =	vpush v3, $0xF  }
0x28b: {  	v2 =	vsel vm9, $0x0, v2  }
0x28c: {  	(xrf0) =	vadd.scan.msk.s32 $0xffff, v2;
	_ =	sdelay $0x5  }
0x28d: {  	v2, _, _ =	vpop (xrf0)  }
0x28e: {  	(v2sf) =	vpush v2, $0xF;
	_ =	sdelay $0x5  }
0x28f: {  	s30 =	spop (v2sf)  }
0x290: {  	s17 =	sand.u32 $0x7F, s30  }
0x291: {  	v2 =	vor.u32 s17, v0;
	_ =	sdelay $0x4  }
0x292: {  	v2 =	vld.idx.msk [tilespmem:v2+s10+$0x0], $0xffff  }
0x293: {  	v3 =	vor.u32 s17, v1  }
0x294: {  	s31 =	spop (v2sf)  }
0x295: {  	s19 =	sand.u32 $0x7F, s31  }
0x296: {  	s20 =	sshra.s32 s31, $0x1F;
	p6 =	slt.s32 s31, $0x1;
	p5 =	sne.s32 s19, $0x0  }
0x297: {  	s18 =	sshrl.u32 s20, $0x19;
	p0 =	por !p6, !p5;
	[tilespmem:$0x8900] =	vst v2  }
0x298: {  	s17 =	sadd.s32 s18, s31;
	s18 =	simm.s32 $0x1;
	p0 =	por !p0, !p0;
	v2 =	vld.idx.msk [tilespmem:v3+s10+$0x0], $0xffff  }
0x299: {  	s17 =	sshrl.u32 s17, $0x7;
	s18 =	simm.s32 @!p0 $0x0  }
0x29a: {  	s17 =	ssub.s32 s17, s18  }
0x29b: {  	s17 =	sshll.u32 s17, $0x7  }
0x29c: {  	s17 =	sand.u32 $0x1FFFFF80, s17  }
0x29d: {  	s17 =	sadd.s32 s2, s17;
	[tilespmem:$0x8910] =	vst v2  }
0x29e: {  	[tilespmem:s10], [sflag:$0x1] =	stream.strided.gather [hbm4b:s17+s7], $0x1000, s8, s7, $0x38;
	[tilespmem:$0x9080] =	vst v63  }
0x29f: {  	_ =	swait.ge [sflag:s6], $0x1000  }
0x2a0: {  	[sflag:s6] =	ssyncset.done $0x0  }
0x2a1: {  	[sflag:s6] =	ssyncadd.s32 $0xFFFFF000  }
0x2a2: {  	v2 =	vld [tilespmem:$0x10];
	_ =	sdelay $0x4  }
0x2a3: {  	v2 =	vsel vm2, $0x0, v2  }
0x2a4: {  	(xrf0) =	vadd.scan.msk.s32 $0xffff, v2;
	_ =	sdelay $0x2  }
0x2a5: {  	v2 =	vld [tilespmem:$0x10];
	_ =	sdelay $0x2  }
0x2a6: {  	v3, _, _ =	vpop (xrf0)  }
0x2a7: {  	(v2sf) =	vpush v3, $0xF  }
0x2a8: {  	v2 =	vsel vm10, $0x0, v2  }
0x2a9: {  	(xrf0) =	vadd.scan.msk.s32 $0xffff, v2;
	_ =	sdelay $0x5  }
0x2aa: {  	v2, _, _ =	vpop (xrf0)  }
0x2ab: {  	(v2sf) =	vpush v2, $0xF;
	_ =	sdelay $0x5  }
0x2ac: {  	s21 =	spop (v2sf)  }
0x2ad: {  	s17 =	sand.u32 $0x7F, s21  }
0x2ae: {  	v2 =	vor.u32 s17, v0;
	_ =	sdelay $0x4  }
0x2af: {  	v2 =	vld.idx.msk [tilespmem:v2+s11+$0x0], $0xffff  }
0x2b0: {  	v3 =	vor.u32 s17, v1  }
0x2b1: {  	s22 =	spop (v2sf)  }
0x2b2: {  	s23 =	sand.u32 $0x7F, s22  }
0x2b3: {  	s24 =	sshra.s32 s22, $0x1F;
	p2 =	slt.s32 s22, $0x1;
	p1 =	sne.s32 s23, $0x0  }
0x2b4: {  	s18 =	sshrl.u32 s24, $0x19;
	p0 =	por !p2, !p1;
	[tilespmem:$0x8980] =	vst v2  }
0x2b5: {  	s17 =	sadd.s32 s18, s22;
	s18 =	simm.s32 $0x1;
	p0 =	por !p0, !p0;
	v2 =	vld.idx.msk [tilespmem:v3+s11+$0x0], $0xffff  }
0x2b6: {  	s17 =	sshrl.u32 s17, $0x7;
	s18 =	simm.s32 @!p0 $0x0  }
0x2b7: {  	s17 =	ssub.s32 s17, s18  }
0x2b8: {  	s17 =	sshll.u32 s17, $0x7  }
0x2b9: {  	s17 =	sand.u32 $0x1FFFFF80, s17  }
0x2ba: {  	s17 =	sadd.s32 s2, s17;
	[tilespmem:$0x8990] =	vst v2  }
0x2bb: {  	[tilespmem:s11], [sflag:$0x1] =	stream.strided.gather [hbm4b:s17+s7], $0x1000, s8, s7, $0x38;
	[tilespmem:$0x9080] =	vst v63  }
0x2bc: {  	_ =	swait.ge [sflag:s6], $0x1000  }
0x2bd: {  	[sflag:s6] =	ssyncset.done $0x0  }
0x2be: {  	[sflag:s6] =	ssyncadd.s32 $0xFFFFF000  }
0x2bf: {  	v2 =	vld [tilespmem:$0x10];
	_ =	sdelay $0x4  }
0x2c0: {  	v2 =	vsel vm3, $0x0, v2  }
0x2c1: {  	(xrf0) =	vadd.scan.msk.s32 $0xffff, v2;
	_ =	sdelay $0x2  }
0x2c2: {  	v2 =	vld [tilespmem:$0x10];
	_ =	sdelay $0x2  }
0x2c3: {  	v3, _, _ =	vpop (xrf0)  }
0x2c4: {  	(v2sf) =	vpush v3, $0xF  }
0x2c5: {  	v2 =	vsel vm11, $0x0, v2  }
0x2c6: {  	(xrf0) =	vadd.scan.msk.s32 $0xffff, v2;
	_ =	sdelay $0x5  }
0x2c7: {  	v2, _, _ =	vpop (xrf0)  }
0x2c8: {  	(v2sf) =	vpush v2, $0xF;
	_ =	sdelay $0x5  }
0x2c9: {  	s25 =	spop (v2sf)  }
0x2ca: {  	s17 =	sand.u32 $0x7F, s25  }
0x2cb: {  	v2 =	vor.u32 s17, v0;
	_ =	sdelay $0x4  }
0x2cc: {  	v2 =	vld.idx.msk [tilespmem:v2+s12+$0x0], $0xffff  }
0x2cd: {  	v3 =	vor.u32 s17, v1  }
0x2ce: {  	s26 =	spop (v2sf)  }
0x2cf: {  	s28 =	sand.u32 $0x7F, s26  }
0x2d0: {  	s29 =	sshra.s32 s26, $0x1F;
	p4 =	slt.s32 s26, $0x1;
	p3 =	sne.s32 s28, $0x0  }
0x2d1: {  	s18 =	sshrl.u32 s29, $0x19;
	p0 =	por !p4, !p3;
	[tilespmem:$0x8A00] =	vst v2  }
0x2d2: {  	s17 =	sadd.s32 s18, s26;
	s18 =	simm.s32 $0x1;
	p0 =	por !p0, !p0;
	v2 =	vld.idx.msk [tilespmem:v3+s12+$0x0], $0xffff  }
0x2d3: {  	s17 =	sshrl.u32 s17, $0x7;
	s18 =	simm.s32 @!p0 $0x0  }
0x2d4: {  	s17 =	ssub.s32 s17, s18  }
0x2d5: {  	s17 =	sshll.u32 s17, $0x7  }
0x2d6: {  	s17 =	sand.u32 $0x1FFFFF80, s17  }
0x2d7: {  	s17 =	sadd.s32 s2, s17;
	[tilespmem:$0x8A10] =	vst v2  }
0x2d8: {  	[tilespmem:s12], [sflag:$0x1] =	stream.strided.gather [hbm4b:s17+s7], $0x1000, s8, s7, $0x38;
	[tilespmem:$0x9080] =	vst v63  }
0x2d9: {  	_ =	swait.ge [sflag:s6], $0x1000  }
0x2da: {  	[sflag:s6] =	ssyncset.done $0x0  }
0x2db: {  	[sflag:s6] =	ssyncadd.s32 $0xFFFFF000  }
0x2dc: {  	v2 =	vld [tilespmem:$0x10];
	_ =	sdelay $0x4  }
0x2dd: {  	v2 =	vsel vm4, $0x0, v2  }
0x2de: {  	(xrf0) =	vadd.scan.msk.s32 $0xffff, v2;
	_ =	sdelay $0x2  }
0x2df: {  	v2 =	vld [tilespmem:$0x10];
	_ =	sdelay $0x2  }
0x2e0: {  	v3, _, _ =	vpop (xrf0)  }
0x2e1: {  	(v2sf) =	vpush v3, $0xF  }
0x2e2: {  	v2 =	vsel vm12, $0x0, v2  }
0x2e3: {  	(xrf0) =	vadd.scan.msk.s32 $0xffff, v2;
	_ =	sdelay $0x5  }
0x2e4: {  	v2, _, _ =	vpop (xrf0)  }
0x2e5: {  	(v2sf) =	vpush v2, $0xF;
	_ =	sdelay $0x5  }
0x2e6: {  	s30 =	spop (v2sf)  }
0x2e7: {  	s17 =	sand.u32 $0x7F, s30  }
0x2e8: {  	v2 =	vor.u32 s17, v0;
	_ =	sdelay $0x4  }
0x2e9: {  	v2 =	vld.idx.msk [tilespmem:v2+s13+$0x0], $0xffff  }
0x2ea: {  	v3 =	vor.u32 s17, v1  }
0x2eb: {  	s31 =	spop (v2sf)  }
0x2ec: {  	s19 =	sand.u32 $0x7F, s31  }
0x2ed: {  	s20 =	sshra.s32 s31, $0x1F;
	p6 =	slt.s32 s31, $0x1;
	p5 =	sne.s32 s19, $0x0  }
0x2ee: {  	s18 =	sshrl.u32 s20, $0x19;
	p0 =	por !p6, !p5;
	[tilespmem:$0x8A80] =	vst v2  }
0x2ef: {  	s17 =	sadd.s32 s18, s31;
	s18 =	simm.s32 $0x1;
	p0 =	por !p0, !p0;
	v2 =	vld.idx.msk [tilespmem:v3+s13+$0x0], $0xffff  }
0x2f0: {  	s17 =	sshrl.u32 s17, $0x7;
	s18 =	simm.s32 @!p0 $0x0  }
0x2f1: {  	s17 =	ssub.s32 s17, s18  }
0x2f2: {  	s17 =	sshll.u32 s17, $0x7  }
0x2f3: {  	s17 =	sand.u32 $0x1FFFFF80, s17  }
0x2f4: {  	s17 =	sadd.s32 s2, s17;
	[tilespmem:$0x8A90] =	vst v2  }
0x2f5: {  	[tilespmem:s13], [sflag:$0x1] =	stream.strided.gather [hbm4b:s17+s7], $0x1000, s8, s7, $0x38;
	[tilespmem:$0x9080] =	vst v63  }
0x2f6: {  	_ =	swait.ge [sflag:s6], $0x1000  }
0x2f7: {  	[sflag:s6] =	ssyncset.done $0x0  }
0x2f8: {  	[sflag:s6] =	ssyncadd.s32 $0xFFFFF000  }
0x2f9: {  	v2 =	vld [tilespmem:$0x10];
	_ =	sdelay $0x4  }
0x2fa: {  	v2 =	vsel vm5, $0x0, v2  }
0x2fb: {  	(xrf0) =	vadd.scan.msk.s32 $0xffff, v2;
	_ =	sdelay $0x2  }
0x2fc: {  	v2 =	vld [tilespmem:$0x10];
	_ =	sdelay $0x2  }
0x2fd: {  	v3, _, _ =	vpop (xrf0)  }
0x2fe: {  	(v2sf) =	vpush v3, $0xF  }
0x2ff: {  	v2 =	vsel vm13, $0x0, v2  }
0x300: {  	(xrf0) =	vadd.scan.msk.s32 $0xffff, v2;
	_ =	sdelay $0x5  }
0x301: {  	v2, _, _ =	vpop (xrf0)  }
0x302: {  	(v2sf) =	vpush v2, $0xF;
	_ =	sdelay $0x5  }
0x303: {  	s21 =	spop (v2sf)  }
0x304: {  	s17 =	sand.u32 $0x7F, s21  }
0x305: {  	v2 =	vor.u32 s17, v0;
	_ =	sdelay $0x4  }
0x306: {  	v2 =	vld.idx.msk [tilespmem:v2+s14+$0x0], $0xffff  }
0x307: {  	v3 =	vor.u32 s17, v1  }
0x308: {  	s22 =	spop (v2sf)  }
0x309: {  	s23 =	sand.u32 $0x7F, s22  }
0x30a: {  	s24 =	sshra.s32 s22, $0x1F;
	p2 =	slt.s32 s22, $0x1;
	p1 =	sne.s32 s23, $0x0  }
0x30b: {  	s18 =	sshrl.u32 s24, $0x19;
	p0 =	por !p2, !p1;
	[tilespmem:$0x8B00] =	vst v2  }
0x30c: {  	s17 =	sadd.s32 s18, s22;
	s18 =	simm.s32 $0x1;
	p0 =	por !p0, !p0;
	v2 =	vld.idx.msk [tilespmem:v3+s14+$0x0], $0xffff  }
0x30d: {  	s17 =	sshrl.u32 s17, $0x7;
	s18 =	simm.s32 @!p0 $0x0  }
0x30e: {  	s17 =	ssub.s32 s17, s18  }
0x30f: {  	s17 =	sshll.u32 s17, $0x7  }
0x310: {  	s17 =	sand.u32 $0x1FFFFF80, s17  }
0x311: {  	s17 =	sadd.s32 s2, s17;
	[tilespmem:$0x8B10] =	vst v2  }
0x312: {  	[tilespmem:s14], [sflag:$0x1] =	stream.strided.gather [hbm4b:s17+s7], $0x1000, s8, s7, $0x38;
	[tilespmem:$0x9080] =	vst v63  }
0x313: {  	_ =	swait.ge [sflag:s6], $0x1000  }
0x314: {  	[sflag:s6] =	ssyncset.done $0x0  }
0x315: {  	[sflag:s6] =	ssyncadd.s32 $0xFFFFF000  }
0x316: {  	v2 =	vld [tilespmem:$0x10];
	_ =	sdelay $0x4  }
0x317: {  	v2 =	vsel vm6, $0x0, v2  }
0x318: {  	(xrf0) =	vadd.scan.msk.s32 $0xffff, v2;
	_ =	sdelay $0x2  }
0x319: {  	v2 =	vld [tilespmem:$0x10];
	_ =	sdelay $0x2  }
0x31a: {  	v3, _, _ =	vpop (xrf0)  }
0x31b: {  	(v2sf) =	vpush v3, $0xF  }
0x31c: {  	v2 =	vsel vm14, $0x0, v2  }
0x31d: {  	(xrf0) =	vadd.scan.msk.s32 $0xffff, v2;
	_ =	sdelay $0x5  }
0x31e: {  	v2, _, _ =	vpop (xrf0)  }
0x31f: {  	(v2sf) =	vpush v2, $0xF;
	_ =	sdelay $0x5  }
0x320: {  	s25 =	spop (v2sf)  }
0x321: {  	s17 =	sand.u32 $0x7F, s25  }
0x322: {  	v2 =	vor.u32 s17, v0;
	_ =	sdelay $0x4  }
0x323: {  	v2 =	vld.idx.msk [tilespmem:v2+s15+$0x0], $0xffff  }
0x324: {  	v3 =	vor.u32 s17, v1  }
0x325: {  	s26 =	spop (v2sf)  }
0x326: {  	s28 =	sand.u32 $0x7F, s26  }
0x327: {  	s29 =	sshra.s32 s26, $0x1F;
	p4 =	slt.s32 s26, $0x1;
	p3 =	sne.s32 s28, $0x0  }
0x328: {  	s18 =	sshrl.u32 s29, $0x19;
	p0 =	por !p4, !p3;
	[tilespmem:$0x8B80] =	vst v2  }
0x329: {  	s17 =	sadd.s32 s18, s26;
	s18 =	simm.s32 $0x1;
	p0 =	por !p0, !p0;
	v2 =	vld.idx.msk [tilespmem:v3+s15+$0x0], $0xffff  }
0x32a: {  	s17 =	sshrl.u32 s17, $0x7;
	s18 =	simm.s32 @!p0 $0x0  }
0x32b: {  	s17 =	ssub.s32 s17, s18  }
0x32c: {  	s17 =	sshll.u32 s17, $0x7  }
0x32d: {  	s17 =	sand.u32 $0x1FFFFF80, s17  }
0x32e: {  	s17 =	sadd.s32 s2, s17;
	[tilespmem:$0x8B90] =	vst v2  }
0x32f: {  	[tilespmem:s15], [sflag:$0x1] =	stream.strided.gather [hbm4b:s17+s7], $0x1000, s8, s7, $0x38;
	[tilespmem:$0x9080] =	vst v63  }
0x330: {  	_ =	swait.ge [sflag:s6], $0x1000  }
0x331: {  	[sflag:s6] =	ssyncset.done $0x0  }
0x332: {  	[sflag:s6] =	ssyncadd.s32 $0xFFFFF000  }
0x333: {  	v2 =	vld [tilespmem:$0x10];
	_ =	sdelay $0x4  }
0x334: {  	v2 =	vsel vm7, $0x0, v2  }
0x335: {  	(xrf0) =	vadd.scan.msk.s32 $0xffff, v2;
	_ =	sdelay $0x2  }
0x336: {  	v2 =	vld [tilespmem:$0x10];
	_ =	sdelay $0x2  }
0x337: {  	v3, _, _ =	vpop (xrf0)  }
0x338: {  	(v2sf) =	vpush v3, $0xF  }
0x339: {  	v2 =	vsel vm15, $0x0, v2  }
0x33a: {  	(xrf0) =	vadd.scan.msk.s32 $0xffff, v2;
	_ =	sdelay $0x5  }
0x33b: {  	v2, _, _ =	vpop (xrf0)  }
0x33c: {  	(v2sf) =	vpush v2, $0xF;
	_ =	sdelay $0x5  }
0x33d: {  	s30 =	spop (v2sf)  }
0x33e: {  	s17 =	sand.u32 $0x7F, s30  }
0x33f: {  	v2 =	vor.u32 s17, v0;
	_ =	sdelay $0x4  }
0x340: {  	v2 =	vld.idx.msk [tilespmem:v2+s16+$0x0], $0xffff  }
0x341: {  	v3 =	vor.u32 s17, v1  }
0x342: {  	s31 =	spop (v2sf)  }
0x343: {  	s19 =	sand.u32 $0x7F, s31  }
0x344: {  	s20 =	sshra.s32 s31, $0x1F;
	p6 =	slt.s32 s31, $0x1;
	p5 =	sne.s32 s19, $0x0  }
0x345: {  	s18 =	sshrl.u32 s20, $0x19;
	p0 =	por !p6, !p5;
	[tilespmem:$0x8C00] =	vst v2  }
0x346: {  	s17 =	sadd.s32 s18, s31;
	s18 =	simm.s32 $0x1;
	p0 =	por !p0, !p0;
	v2 =	vld.idx.msk [tilespmem:v3+s16+$0x0], $0xffff  }
0x347: {  	s17 =	sshrl.u32 s17, $0x7;
	s18 =	simm.s32 @!p0 $0x0  }
0x348: {  	s17 =	ssub.s32 s17, s18  }
0x349: {  	s17 =	sshll.u32 s17, $0x7  }
0x34a: {  	s17 =	sand.u32 $0x1FFFFF80, s17  }
0x34b: {  	s17 =	sadd.s32 s2, s17;
	[tilespmem:$0x8C10] =	vst v2  }
0x34c: {  	[tilespmem:s16], [sflag:$0x1] =	stream.strided.gather [hbm4b:s17+s7], $0x1000, s8, s7, $0x38;
	[tilespmem:$0x9080] =	vst v63  }
0x34d: {  	_ =	swait.ge [sflag:s6], $0x1000  }
0x34e: {  	[sflag:s6] =	ssyncset.done $0x0  }
0x34f: {  	[sflag:s6] =	ssyncadd.s32 $0xFFFFF000  }
0x350: {  	v2 =	vld [tilespmem:$0x10];
	_ =	sdelay $0x4  }
0x351: {  	v2 =	vsel vm8, $0x0, v2  }
0x352: {  	(xrf0) =	vadd.scan.msk.s32 $0xffff, v2;
	_ =	sdelay $0x5  }
0x353: {  	v2, _, _ =	vpop (xrf0)  }
0x354: {  	(v2sf) =	vpush v2, $0xF;
	_ =	sdelay $0xe  }
0x355: {  	s21 =	spop (v2sf)  }
0x356: {  	s17 =	sand.u32 $0x7F, s21  }
0x357: {  	v2 =	vor.u32 s17, v0;
	_ =	sdelay $0x4  }
0x358: {  	v2 =	vld.idx.msk [tilespmem:v2+s9+$0x0], $0xffff  }
0x359: {  	v3 =	vor.u32 s17, v1;
	_ =	sdelay $0x3  }
0x35a: {  	[tilespmem:$0x8C80] =	vst v2  }
0x35b: {  	v2 =	vld.idx.msk [tilespmem:v3+s9+$0x0], $0xffff;
	_ =	sdelay $0x4  }
0x35c: {  	[tilespmem:$0x8C90] =	vst v2  }
0x35d: {  	_ =	swait.ge [sflag:s6], $0x1000  }
0x35e: {  	[sflag:s6] =	ssyncset.done $0x0  }
0x35f: {  	[sflag:s6] =	ssyncadd.s32 $0xFFFFF000  }
0x360: {  	v2 =	vld [tilespmem:$0x10];
	_ =	sdelay $0x4  }
0x361: {  	v2 =	vsel vm9, $0x0, v2  }
0x362: {  	(xrf0) =	vadd.scan.msk.s32 $0xffff, v2;
	_ =	sdelay $0x5  }
0x363: {  	v2, _, _ =	vpop (xrf0)  }
0x364: {  	(v2sf) =	vpush v2, $0xF;
	_ =	sdelay $0xe  }
0x365: {  	s22 =	spop (v2sf)  }
0x366: {  	s17 =	sand.u32 $0x7F, s22  }
0x367: {  	v2 =	vor.u32 s17, v0;
	_ =	sdelay $0x4  }
0x368: {  	v2 =	vld.idx.msk [tilespmem:v2+s10+$0x0], $0xffff  }
0x369: {  	v3 =	vor.u32 s17, v1;
	_ =	sdelay $0x3  }
0x36a: {  	[tilespmem:$0x8D00] =	vst v2  }
0x36b: {  	v2 =	vld.idx.msk [tilespmem:v3+s10+$0x0], $0xffff;
	_ =	sdelay $0x4  }
0x36c: {  	[tilespmem:$0x8D10] =	vst v2  }
0x36d: {  	_ =	swait.ge [sflag:s6], $0x1000  }
0x36e: {  	[sflag:s6] =	ssyncset.done $0x0  }
0x36f: {  	[sflag:s6] =	ssyncadd.s32 $0xFFFFF000  }
0x370: {  	v2 =	vld [tilespmem:$0x10];
	_ =	sdelay $0x4  }
0x371: {  	v2 =	vsel vm10, $0x0, v2  }
0x372: {  	(xrf0) =	vadd.scan.msk.s32 $0xffff, v2;
	_ =	sdelay $0x5  }
0x373: {  	v2, _, _ =	vpop (xrf0)  }
0x374: {  	(v2sf) =	vpush v2, $0xF;
	_ =	sdelay $0xe  }
0x375: {  	s23 =	spop (v2sf)  }
0x376: {  	s17 =	sand.u32 $0x7F, s23  }
0x377: {  	v2 =	vor.u32 s17, v0;
	_ =	sdelay $0x4  }
0x378: {  	v2 =	vld.idx.msk [tilespmem:v2+s11+$0x0], $0xffff  }
0x379: {  	v3 =	vor.u32 s17, v1;
	_ =	sdelay $0x3  }
0x37a: {  	[tilespmem:$0x8D80] =	vst v2  }
0x37b: {  	v2 =	vld.idx.msk [tilespmem:v3+s11+$0x0], $0xffff;
	_ =	sdelay $0x4  }
0x37c: {  	[tilespmem:$0x8D90] =	vst v2  }
0x37d: {  	_ =	swait.ge [sflag:s6], $0x1000  }
0x37e: {  	[sflag:s6] =	ssyncset.done $0x0  }
0x37f: {  	[sflag:s6] =	ssyncadd.s32 $0xFFFFF000  }
0x380: {  	v2 =	vld [tilespmem:$0x10];
	_ =	sdelay $0x4  }
0x381: {  	v2 =	vsel vm11, $0x0, v2  }
0x382: {  	(xrf0) =	vadd.scan.msk.s32 $0xffff, v2;
	_ =	sdelay $0x5  }
0x383: {  	v2, _, _ =	vpop (xrf0)  }
0x384: {  	(v2sf) =	vpush v2, $0xF;
	_ =	sdelay $0xe  }
0x385: {  	s24 =	spop (v2sf)  }
0x386: {  	s17 =	sand.u32 $0x7F, s24  }
0x387: {  	v2 =	vor.u32 s17, v0;
	_ =	sdelay $0x4  }
0x388: {  	v2 =	vld.idx.msk [tilespmem:v2+s12+$0x0], $0xffff  }
0x389: {  	v3 =	vor.u32 s17, v1;
	_ =	sdelay $0x3  }
0x38a: {  	[tilespmem:$0x8E00] =	vst v2  }
0x38b: {  	v2 =	vld.idx.msk [tilespmem:v3+s12+$0x0], $0xffff;
	_ =	sdelay $0x4  }
0x38c: {  	[tilespmem:$0x8E10] =	vst v2  }
0x38d: {  	_ =	swait.ge [sflag:s6], $0x1000  }
0x38e: {  	[sflag:s6] =	ssyncset.done $0x0  }
0x38f: {  	[sflag:s6] =	ssyncadd.s32 $0xFFFFF000  }
0x390: {  	v2 =	vld [tilespmem:$0x10];
	_ =	sdelay $0x4  }
0x391: {  	v2 =	vsel vm12, $0x0, v2  }
0x392: {  	(xrf0) =	vadd.scan.msk.s32 $0xffff, v2;
	_ =	sdelay $0x5  }
0x393: {  	v2, _, _ =	vpop (xrf0)  }
0x394: {  	(v2sf) =	vpush v2, $0xF;
	_ =	sdelay $0xe  }
0x395: {  	s25 =	spop (v2sf)  }
0x396: {  	s17 =	sand.u32 $0x7F, s25  }
0x397: {  	v2 =	vor.u32 s17, v0;
	_ =	sdelay $0x4  }
0x398: {  	v2 =	vld.idx.msk [tilespmem:v2+s13+$0x0], $0xffff  }
0x399: {  	v3 =	vor.u32 s17, v1;
	_ =	sdelay $0x3  }
0x39a: {  	[tilespmem:$0x8E80] =	vst v2  }
0x39b: {  	v2 =	vld.idx.msk [tilespmem:v3+s13+$0x0], $0xffff;
	_ =	sdelay $0x4  }
0x39c: {  	[tilespmem:$0x8E90] =	vst v2  }
0x39d: {  	_ =	swait.ge [sflag:s6], $0x1000  }
0x39e: {  	[sflag:s6] =	ssyncset.done $0x0  }
0x39f: {  	[sflag:s6] =	ssyncadd.s32 $0xFFFFF000  }
0x3a0: {  	v2 =	vld [tilespmem:$0x10];
	_ =	sdelay $0x4  }
0x3a1: {  	v2 =	vsel vm13, $0x0, v2  }
0x3a2: {  	(xrf0) =	vadd.scan.msk.s32 $0xffff, v2;
	_ =	sdelay $0x5  }
0x3a3: {  	v2, _, _ =	vpop (xrf0)  }
0x3a4: {  	(v2sf) =	vpush v2, $0xF;
	_ =	sdelay $0xe  }
0x3a5: {  	s26 =	spop (v2sf)  }
0x3a6: {  	s17 =	sand.u32 $0x7F, s26  }
0x3a7: {  	v2 =	vor.u32 s17, v0;
	_ =	sdelay $0x4  }
0x3a8: {  	v2 =	vld.idx.msk [tilespmem:v2+s14+$0x0], $0xffff  }
0x3a9: {  	v3 =	vor.u32 s17, v1;
	_ =	sdelay $0x3  }
0x3aa: {  	[tilespmem:$0x8F00] =	vst v2  }
0x3ab: {  	v2 =	vld.idx.msk [tilespmem:v3+s14+$0x0], $0xffff;
	_ =	sdelay $0x4  }
0x3ac: {  	[tilespmem:$0x8F10] =	vst v2  }
0x3ad: {  	_ =	swait.ge [sflag:s6], $0x1000  }
0x3ae: {  	[sflag:s6] =	ssyncset.done $0x0  }
0x3af: {  	[sflag:s6] =	ssyncadd.s32 $0xFFFFF000  }
0x3b0: {  	v2 =	vld [tilespmem:$0x10];
	_ =	sdelay $0x4  }
0x3b1: {  	v2 =	vsel vm14, $0x0, v2  }
0x3b2: {  	(xrf0) =	vadd.scan.msk.s32 $0xffff, v2;
	_ =	sdelay $0x5  }
0x3b3: {  	v2, _, _ =	vpop (xrf0)  }
0x3b4: {  	(v2sf) =	vpush v2, $0xF;
	_ =	sdelay $0xe  }
0x3b5: {  	s28 =	spop (v2sf)  }
0x3b6: {  	s17 =	sand.u32 $0x7F, s28  }
0x3b7: {  	v2 =	vor.u32 s17, v0;
	_ =	sdelay $0x4  }
0x3b8: {  	v2 =	vld.idx.msk [tilespmem:v2+s15+$0x0], $0xffff  }
0x3b9: {  	v3 =	vor.u32 s17, v1;
	_ =	sdelay $0x3  }
0x3ba: {  	[tilespmem:$0x8F80] =	vst v2  }
0x3bb: {  	v2 =	vld.idx.msk [tilespmem:v3+s15+$0x0], $0xffff;
	_ =	sdelay $0x4  }
0x3bc: {  	[tilespmem:$0x8F90] =	vst v2  }
0x3bd: {  	_ =	swait.ge [sflag:s6], $0x1000  }
0x3be: {  	[sflag:s6] =	ssyncset.done $0x0  }
0x3bf: {  	[sflag:s6] =	ssyncadd.s32 $0xFFFFF000  }
0x3c0: {  	v2 =	vld [tilespmem:$0x10];
	_ =	sdelay $0x4  }
0x3c1: {  	v2 =	vsel vm15, $0x0, v2  }
0x3c2: {  	(xrf0) =	vadd.scan.msk.s32 $0xffff, v2;
	_ =	sdelay $0x5  }
0x3c3: {  	v2, _, _ =	vpop (xrf0)  }
0x3c4: {  	(v2sf) =	vpush v2, $0xF;
	_ =	sdelay $0xe  }
0x3c5: {  	s29 =	spop (v2sf)  }
0x3c6: {  	s17 =	sand.u32 $0x7F, s29  }
0x3c7: {  	v2 =	vor.u32 s17, v0;
	_ =	sdelay $0x4  }
0x3c8: {  	v2 =	vld.idx.msk [tilespmem:v2+s16+$0x0], $0xffff  }
0x3c9: {  	v3 =	vor.u32 s17, v1;
	_ =	sdelay $0x3  }
0x3ca: {  	[tilespmem:$0x9000] =	vst v2  }
0x3cb: {  	v2 =	vld.idx.msk [tilespmem:v3+s16+$0x0], $0xffff;
	_ =	sdelay $0x3  }
0x3cc: {  	p0 =	sne.s32 s4, $0x1;
	s30 =	rddreg [dreg:$0x5]  }
.Ltmp0:
0x3cd: {  	s31 =	rddreg [dreg:$0x6];
	[tilespmem:$0x9010] =	vst v2;
	(pc) =	sbr.rel @p0 .LBB2_1-.Ltmp0, $4  }
0x3ce: {  	[hbm4b:s30+s3] =	stream.linear.scatter [tilespmem:s31], [sflag:$0x2], $0x1000, $0x38;
	[tilespmem:$0x9080] =	vst v63  }
0x3cf: {  	_ =	swait.ge [sflag:s5], $0x1000  }
0x3d0: {  	[sflag:s5] =	ssyncset.done $0x0  }
0x3d1: {  	s4 =	sadd.s32 $0xFFFFFFFF, s4;
	[sflag:s5] =	ssyncadd.s32 $0xFFFFF000  }
0x3d2: {  	_ =	sfence.sel $0x180000  }
0x3d3: {  	[bflag:$0x0] =	sbarrier.arrive $0xFFFF  }
0x3d4: {  	p0 =	sne.s32 s1, $0x0;
	_ =	strace $0x90000047  }
0x3d5: {  	s0 =	sadd.s32 @!p0 $0x100000, s0;
	[bflag:$0x2] =	sbarrier.arrive $0xFFFF  }
0x3d6: {  	[sflag:s0] =	ssyncadd.tile.s32 @!p0 $0x1;
	_ =	shalt  }
.Lfunc_end2:
_tile_overlayer_lowered:
.L_overlay_start_2:
0x3d7: {  	(tag) =	ssettag $0x2  }
0x3d8: {  	s0 =	rddreg [dreg:$0x0];
	s2 =	stileid.u32  }
0x3d9: {  	s1 =	rddreg [dreg:$0x1];
	p0 =	sne.s32 s2, $0x0  }
0x3da: {  	s3 =	rddreg [dreg:$0x2];
	[bflag:$0x3] =	sbarrier.arrive $0xFFFF;
	s2 =	simm.s32 @!p0 $0x1C02  }
0x3db: {  	[timem:s3], [sflag:s2] =	dma.local @!p0 [hbm:s0], s1  }
0x3dc: {  	s0 =	simm.s32 @!p0 $0x2  }
0x3dd: {  	_ =	swait.ge @!p0 [sflag:s0], s1  }
0x3de: {  	s1 =	ssub.s32 @!p0 $0x0, s1;
	[sflag:s0] =	ssyncset.done @!p0 $0x0  }
0x3df: {  	[sflag:s0] =	ssyncadd.s32 @!p0 s1  }
0x3e0: {  	[bflag:$0x3] =	sbarrier.arrive $0xFFFF  }
0x3e1: {  	_ =	shalt  }

</sc_bundles>
